<compile_context>
chip_gen: v7x
topology: tpu7x:2x2x1
jax: 0.10.2.dev20260603
libtpu: 0.0.44.dev20260713+nightly
codegen_flags: <defaults>
</compile_context>

<pallas_src>
import numpy as np
import jax
import jax.numpy as jnp
from jax import lax
from jax.experimental import pallas as pl
from jax.experimental.pallas import tpu as pltpu
from jax.experimental.pallas import tpu_sc as plsc

_F = 26
_VOCAB = 26000
_D = 64
_B = 4096
_NC, _NS, _L = 2, 16, 16
_NW = _NC * _NS
_BPW = _B // _NW
_NPAIR = _F * (_F - 1) // 2
_BOFF = 328
_NSLOT = 2 * _BOFF
_CHUNKS = ((0, 128), (128, 128), (256, 72), (328, 128), (456, 128), (584, 72))


def _build_consts():
    base = np.zeros(_NSLOT, np.int32)
    kmod = np.zeros(_NSLOT, np.int32)
    p = 0
    for i in range(_F - 1):
        for j in range(i + 1, _F):
            base[p] = j * _VOCAB + i * 1000
            kmod[p] = i
            base[_BOFF + p] = i * _VOCAB + j * 1000
            kmod[_BOFF + p] = j
            p += 1
    return base, kmod


_BASE_NP, _KMOD_NP = _build_consts()


def _ffm_body(x_hbm, w_hbm, base_hbm, kmod_hbm, out_hbm,
              xs_v, base_v, kmod_v, idx0_v, idx1_v, rows0_v, rows1_v,
              part_v, out_v, sem0, sem1):
    wid = lax.axis_index("s") * _NC + lax.axis_index("c")
    sbase = wid * _BPW

    pltpu.sync_copy(x_hbm.at[pl.ds(sbase * _F, _BPW * _F)], xs_v)
    pltpu.sync_copy(base_hbm, base_v)
    pltpu.sync_copy(kmod_hbm, kmod_v)

    def build_idx(s, idx_v):
        for c in range(_NSLOT // _L):
            sl = pl.ds(c * _L, _L)
            km = kmod_v[sl]
            xv = plsc.load_gather(xs_v, [s * _F + km])
            idx_v[sl] = base_v[sl] + xv

    def fire(idx_v, rows_v, sem):
        for s0, n in _CHUNKS:
            pltpu.async_copy(
                w_hbm.at[idx_v.at[pl.ds(s0, n)]],
                rows_v.at[pl.ds(s0, n), :],
                sem,
            )

    def drain(idx_v, rows_v, sem):
        for s0, n in _CHUNKS:
            pltpu.make_async_copy(
                w_hbm.at[idx_v.at[pl.ds(s0, n)]],
                rows_v.at[pl.ds(s0, n), :],
                sem,
            ).wait()

    def compute(rows_v, s):
        def pair_body(p, accs):
            return tuple(
                accs[q]
                + rows_v[p, pl.ds(q * _L, _L)]
                * rows_v[_BOFF + p, pl.ds(q * _L, _L)]
                for q in range(_D // _L)
            )

        zero = jnp.zeros((_L,), jnp.float32)
        accs = lax.fori_loop(0, _NPAIR, pair_body, (zero,) * 4, unroll=8)
        part_v[pl.ds(s * _L, _L)] = accs[0] + accs[1] + accs[2] + accs[3]

    build_idx(0, idx0_v)
    fire(idx0_v, rows0_v, sem0)

    @pl.loop(0, _BPW // 2)
    def _(t):
        s = t * 2
        build_idx(s + 1, idx1_v)
        fire(idx1_v, rows1_v, sem1)
        drain(idx0_v, rows0_v, sem0)
        compute(rows0_v, s)
        s2 = jnp.minimum(s + 2, _BPW - 1)
        build_idx(s2, idx0_v)
        fire(idx0_v, rows0_v, sem0)
        drain(idx1_v, rows1_v, sem1)
        compute(rows1_v, s + 1)

    drain(idx0_v, rows0_v, sem0)

    lanes = lax.iota(jnp.int32, _L)
    for g in range(_BPW // _L):
        acc = jnp.zeros((_L,), jnp.float32)
        for c in range(_L):
            gidx = g * _L * _L + lanes * _L + c
            acc = acc + plsc.load_gather(part_v, [gidx])
        out_v[pl.ds(g * _L, _L)] = acc

    pltpu.sync_copy(out_v, out_hbm.at[pl.ds(sbase, _BPW)])


@jax.jit
def kernel(x, W):
    xi = x.astype(jnp.int32).reshape(_B * _F)
    wf = W.reshape(_F * _VOCAB, _D)
    mesh = plsc.VectorSubcoreMesh(
        core_axis_name="c", subcore_axis_name="s",
        num_cores=_NC, num_subcores=_NS,
    )
    run = pl.kernel(
        _ffm_body,
        out_type=jax.ShapeDtypeStruct((_B,), jnp.float32),
        mesh=mesh,
        compiler_params=pltpu.CompilerParams(
            needs_layout_passes=False, use_tc_tiling_on_sc=False,
        ),
        scratch_types=[
            pltpu.VMEM((_BPW * _F,), jnp.int32),
            pltpu.VMEM((_NSLOT,), jnp.int32),
            pltpu.VMEM((_NSLOT,), jnp.int32),
            pltpu.VMEM((_NSLOT,), jnp.int32),
            pltpu.VMEM((_NSLOT,), jnp.int32),
            pltpu.VMEM((_NSLOT, _D), jnp.float32),
            pltpu.VMEM((_NSLOT, _D), jnp.float32),
            pltpu.VMEM((_BPW * _L,), jnp.float32),
            pltpu.VMEM((_BPW,), jnp.float32),
            pltpu.SemaphoreType.DMA,
            pltpu.SemaphoreType.DMA,
        ],
    )
    out = run(xi, wf, jnp.asarray(_BASE_NP), jnp.asarray(_KMOD_NP))
    return out[:, None]

# --- scband reference (transcript-rebuilt; emitter-appended) ---
"""Pipeline reference for scband-field-aware-cross-61607010894217 (READ-ONLY COPY).

The authoritative reference and input builder live on the scoring server;
editing this copy changes nothing except your own understanding.
"""

import jax, jax.numpy as jnp
import numpy as np

FIELD_DIMS = [1000] * 26
NUM_FIELDS = len(FIELD_DIMS)
EMBED_DIM = 64
BATCH = 4096
TOTAL_VOCAB = sum(FIELD_DIMS)
OFFSETS = np.concatenate(([0], np.cumsum(FIELD_DIMS)[:-1])).astype(np.int32)


def setup_inputs(seed: int = 0) -> dict:
    key = jax.random.key(seed)
    k1, k2 = jax.random.split(key)
    x = jax.random.randint(k1, (BATCH, NUM_FIELDS), 0, 1000)
    # FieldAwareCross has NUM_FIELDS independent FeaturesEmbedding tables,
    # each of shape [sum(field_dims), embed_dim]. Stack them into one array.
    W = jax.random.normal(k2, (NUM_FIELDS, TOTAL_VOCAB, EMBED_DIM), dtype=jnp.float32) * 0.01
    return {"x": x, "W": W}


def reference(x, W):
    # FeaturesEmbedding applies per-field offsets so each field indexes its own
    # slice of the shared table, then looks up: embeddings[i] = W[i][x + offsets]
    offs = jnp.asarray(OFFSETS)
    idx = x + offs[None, :]  # [B, F]
    B = x.shape[0]
    total = jnp.zeros((B,), dtype=W.dtype)
    # output = sum_{i<j} sum_d ( <embeddings[j][:, i], embeddings[i][:, j]> elementwise )
    # embeddings[i][:, j] == W[i][idx[:, j]]
    for i in range(NUM_FIELDS - 1):
        for j in range(i + 1, NUM_FIELDS):
            term = jnp.take(W[j], idx[:, i], axis=0) * jnp.take(W[i], idx[:, j], axis=0)  # [B, d]
            total = total + jnp.sum(term, axis=1)
    return total[:, None]  # [B, 1]

if __name__ == "__main__":
    import jax
    _d = setup_inputs()
    print(jax.jit(kernel)(*tuple(_d.values())))

</pallas_src>

<mosaic_0001>
#map = affine_map<(d0, d1) -> (0)>
#map1 = affine_map<(d0, d1) -> (0, 0)>
module attributes {stable_mosaic.version = 14 : i64} {
  func.func @_ffm_body(%arg0: i32, %arg1: i32, %arg2: memref<106496xi32, #tpu.memory_space<hbm>>, %arg3: memref<676000x64xf32, #tpu.memory_space<hbm>>, %arg4: memref<656xi32, #tpu.memory_space<hbm>>, %arg5: memref<656xi32, #tpu.memory_space<hbm>>, %arg6: memref<4096xf32, #tpu.memory_space<hbm>>, %arg7: memref<3328xi32, #tpu.memory_space<vmem>>, %arg8: memref<656xi32, #tpu.memory_space<vmem>>, %arg9: memref<656xi32, #tpu.memory_space<vmem>>, %arg10: memref<656xi32, #tpu.memory_space<vmem>>, %arg11: memref<656xi32, #tpu.memory_space<vmem>>, %arg12: memref<656x64xf32, #tpu.memory_space<vmem>>, %arg13: memref<656x64xf32, #tpu.memory_space<vmem>>, %arg14: memref<2048xf32, #tpu.memory_space<vmem>>, %arg15: memref<128xf32, #tpu.memory_space<vmem>>, %arg16: memref<!tpu.dma_semaphore, #tpu.memory_space<semaphore_mem>>, %arg17: memref<!tpu.dma_semaphore, #tpu.memory_space<semaphore_mem>>) attributes {dimension_semantics = [#tpu.dimension_semantics<core_parallel>, #tpu.dimension_semantics<subcore_parallel>], iteration_bounds = array<i64: 2, 16>, scalar_prefetch = 0 : i64, scratch_operands = 11 : i64, tpu.core_type = #tpu.core_type<sc_vector_subcore>, window_params = [{transform_indices = #map}, {transform_indices = #map1}, {transform_indices = #map}, {transform_indices = #map}, {transform_indices = #map}]} {
    %mul3A = arith.constant 2 : i32
    %mul3A_0 = arith.muli %arg1, %mul3A : i32
    %add3A = arith.addi %mul3A_0, %arg0 : i32
    %mul3A_1 = arith.constant 128 : i32
    %mul3A_2 = arith.muli %add3A, %mul3A_1 : i32
    %mul3A_3 = arith.constant 26 : i32
    %mul3A_4 = arith.muli %mul3A_2, %mul3A_3 : i32
    "tpu.region"() ({
      %run_scoped3A = tpu.sem_alloc : memref<!tpu.dma_semaphore, #tpu.memory_space<semaphore_mem>>
      %dma_start3A_1990 = tpu.memref_slice %arg2[%mul3A_4] : memref<106496xi32, #tpu.memory_space<hbm>> -> memref<3328xi32, #tpu.memory_space<hbm>>
      %dma_start3A_1991 = tpu.memref_slice %arg2[%mul3A_4] : memref<106496xi32, #tpu.memory_space<hbm>> -> memref<3328xi32, #tpu.memory_space<hbm>>
      tpu.enqueue_dma source(%dma_start3A_1991 : memref<3328xi32, #tpu.memory_space<hbm>>) target(%arg7 : memref<3328xi32, #tpu.memory_space<vmem>>) target_semaphore(%run_scoped3A : memref<!tpu.dma_semaphore, #tpu.memory_space<semaphore_mem>>)
      %dma_wait3A_1992 = tpu.memref_slice %arg2[%mul3A_4] : memref<106496xi32, #tpu.memory_space<hbm>> -> memref<3328xi32, #tpu.memory_space<hbm>>
      %dma_wait3A_1993 = tpu.memref_slice %arg2[%mul3A_4] : memref<106496xi32, #tpu.memory_space<hbm>> -> memref<3328xi32, #tpu.memory_space<hbm>>
      tpu.wait_dma2 semaphore(%run_scoped3A : memref<!tpu.dma_semaphore, #tpu.memory_space<semaphore_mem>>) src(%dma_wait3A_1993 : memref<3328xi32, #tpu.memory_space<hbm>>) dst(%arg7 : memref<3328xi32, #tpu.memory_space<vmem>>)
      tpu.yield
    }) : () -> ()
    "tpu.region"() ({
      %run_scoped3A = tpu.sem_alloc : memref<!tpu.dma_semaphore, #tpu.memory_space<semaphore_mem>>
      tpu.enqueue_dma source(%arg4 : memref<656xi32, #tpu.memory_space<hbm>>) target(%arg8 : memref<656xi32, #tpu.memory_space<vmem>>) target_semaphore(%run_scoped3A : memref<!tpu.dma_semaphore, #tpu.memory_space<semaphore_mem>>)
      tpu.wait_dma2 semaphore(%run_scoped3A : memref<!tpu.dma_semaphore, #tpu.memory_space<semaphore_mem>>) src(%arg4 : memref<656xi32, #tpu.memory_space<hbm>>) dst(%arg8 : memref<656xi32, #tpu.memory_space<vmem>>)
      tpu.yield
    }) : () -> ()
    "tpu.region"() ({
      %run_scoped3A = tpu.sem_alloc : memref<!tpu.dma_semaphore, #tpu.memory_space<semaphore_mem>>
      tpu.enqueue_dma source(%arg5 : memref<656xi32, #tpu.memory_space<hbm>>) target(%arg9 : memref<656xi32, #tpu.memory_space<vmem>>) target_semaphore(%run_scoped3A : memref<!tpu.dma_semaphore, #tpu.memory_space<semaphore_mem>>)
      tpu.wait_dma2 semaphore(%run_scoped3A : memref<!tpu.dma_semaphore, #tpu.memory_space<semaphore_mem>>) src(%arg5 : memref<656xi32, #tpu.memory_space<hbm>>) dst(%arg9 : memref<656xi32, #tpu.memory_space<vmem>>)
      tpu.yield
    }) : () -> ()
    %get3A = arith.constant 0 : index
    %get3A_5 = tpu.vector_load %arg9[%get3A] {strides = array<i32>} : memref<656xi32, #tpu.memory_space<vmem>>, vector<16xi32>,
    %add3A_6 = arith.constant 0 : i32
    %add3A_7 = vector.broadcast %add3A_6 : i32 to vector<16xi32>
    %add3A_8 = arith.addi %add3A_7, %get3A_5 : vector<16xi32>
    %gather3A = tpu.vector_load_idx %arg7[%add3A_8] : memref<3328xi32, #tpu.memory_space<vmem>>[vector<16xi32>], vector<16xi32>,
    %get3A_9 = arith.constant 0 : index
    %get3A_10 = tpu.vector_load %arg8[%get3A_9] {strides = array<i32>} : memref<656xi32, #tpu.memory_space<vmem>>, vector<16xi32>,
    %add3A_11 = arith.addi %get3A_10, %gather3A : vector<16xi32>
    %swap3A = arith.constant 0 : index
    %swap3A_12 = tpu.vector_load %arg10[%swap3A] {strides = array<i32>} : memref<656xi32, #tpu.memory_space<vmem>>, vector<16xi32>,
    tpu.vector_store %arg10[%swap3A], %add3A_11 {strides = array<i32>} : memref<656xi32, #tpu.memory_space<vmem>>, vector<16xi32>,
    %get3A_13 = arith.constant 16 : index
    %get3A_14 = tpu.vector_load %arg9[%get3A_13] {strides = array<i32>} : memref<656xi32, #tpu.memory_space<vmem>>, vector<16xi32>,
    %add3A_15 = arith.constant 0 : i32
    %add3A_16 = vector.broadcast %add3A_15 : i32 to vector<16xi32>
    %add3A_17 = arith.addi %add3A_16, %get3A_14 : vector<16xi32>
    %gather3A_18 = tpu.vector_load_idx %arg7[%add3A_17] : memref<3328xi32, #tpu.memory_space<vmem>>[vector<16xi32>], vector<16xi32>,
    %get3A_19 = arith.constant 16 : index
    %get3A_20 = tpu.vector_load %arg8[%get3A_19] {strides = array<i32>} : memref<656xi32, #tpu.memory_space<vmem>>, vector<16xi32>,
    %add3A_21 = arith.addi %get3A_20, %gather3A_18 : vector<16xi32>
    %swap3A_22 = arith.constant 16 : index
    %swap3A_23 = tpu.vector_load %arg10[%swap3A_22] {strides = array<i32>} : memref<656xi32, #tpu.memory_space<vmem>>, vector<16xi32>,
    tpu.vector_store %arg10[%swap3A_22], %add3A_21 {strides = array<i32>} : memref<656xi32, #tpu.memory_space<vmem>>, vector<16xi32>,
    %get3A_24 = arith.constant 32 : index
    %get3A_25 = tpu.vector_load %arg9[%get3A_24] {strides = array<i32>} : memref<656xi32, #tpu.memory_space<vmem>>, vector<16xi32>,
    %add3A_26 = arith.constant 0 : i32
    %add3A_27 = vector.broadcast %add3A_26 : i32 to vector<16xi32>
    %add3A_28 = arith.addi %add3A_27, %get3A_25 : vector<16xi32>
    %gather3A_29 = tpu.vector_load_idx %arg7[%add3A_28] : memref<3328xi32, #tpu.memory_space<vmem>>[vector<16xi32>], vector<16xi32>,
    %get3A_30 = arith.constant 32 : index
    %get3A_31 = tpu.vector_load %arg8[%get3A_30] {strides = array<i32>} : memref<656xi32, #tpu.memory_space<vmem>>, vector<16xi32>,
    %add3A_32 = arith.addi %get3A_31, %gather3A_29 : vector<16xi32>
    %swap3A_33 = arith.constant 32 : index
    %swap3A_34 = tpu.vector_load %arg10[%swap3A_33] {strides = array<i32>} : memref<656xi32, #tpu.memory_space<vmem>>, vector<16xi32>,
    tpu.vector_store %arg10[%swap3A_33], %add3A_32 {strides = array<i32>} : memref<656xi32, #tpu.memory_space<vmem>>, vector<16xi32>,
    %get3A_35 = arith.constant 48 : index
    %get3A_36 = tpu.vector_load %arg9[%get3A_35] {strides = array<i32>} : memref<656xi32, #tpu.memory_space<vmem>>, vector<16xi32>,
    %add3A_37 = arith.constant 0 : i32
    %add3A_38 = vector.broadcast %add3A_37 : i32 to vector<16xi32>
    %add3A_39 = arith.addi %add3A_38, %get3A_36 : vector<16xi32>
    %gather3A_40 = tpu.vector_load_idx %arg7[%add3A_39] : memref<3328xi32, #tpu.memory_space<vmem>>[vector<16xi32>], vector<16xi32>,
    %get3A_41 = arith.constant 48 : index
    %get3A_42 = tpu.vector_load %arg8[%get3A_41] {strides = array<i32>} : memref<656xi32, #tpu.memory_space<vmem>>, vector<16xi32>,
    %add3A_43 = arith.addi %get3A_42, %gather3A_40 : vector<16xi32>
    %swap3A_44 = arith.constant 48 : index
    %swap3A_45 = tpu.vector_load %arg10[%swap3A_44] {strides = array<i32>} : memref<656xi32, #tpu.memory_space<vmem>>, vector<16xi32>,
    tpu.vector_store %arg10[%swap3A_44], %add3A_43 {strides = array<i32>} : memref<656xi32, #tpu.memory_space<vmem>>, vector<16xi32>,
    %get3A_46 = arith.constant 64 : index
    %get3A_47 = tpu.vector_load %arg9[%get3A_46] {strides = array<i32>} : memref<656xi32, #tpu.memory_space<vmem>>, vector<16xi32>,
    %add3A_48 = arith.constant 0 : i32
    %add3A_49 = vector.broadcast %add3A_48 : i32 to vector<16xi32>
    %add3A_50 = arith.addi %add3A_49, %get3A_47 : vector<16xi32>
    %gather3A_51 = tpu.vector_load_idx %arg7[%add3A_50] : memref<3328xi32, #tpu.memory_space<vmem>>[vector<16xi32>], vector<16xi32>,
    %get3A_52 = arith.constant 64 : index
    %get3A_53 = tpu.vector_load %arg8[%get3A_52] {strides = array<i32>} : memref<656xi32, #tpu.memory_space<vmem>>, vector<16xi32>,
    %add3A_54 = arith.addi %get3A_53, %gather3A_51 : vector<16xi32>
    %swap3A_55 = arith.constant 64 : index
    %swap3A_56 = tpu.vector_load %arg10[%swap3A_55] {strides = array<i32>} : memref<656xi32, #tpu.memory_space<vmem>>, vector<16xi32>,
    tpu.vector_store %arg10[%swap3A_55], %add3A_54 {strides = array<i32>} : memref<656xi32, #tpu.memory_space<vmem>>, vector<16xi32>,
    %get3A_57 = arith.constant 80 : index
    %get3A_58 = tpu.vector_load %arg9[%get3A_57] {strides = array<i32>} : memref<656xi32, #tpu.memory_space<vmem>>, vector<16xi32>,
    %add3A_59 = arith.constant 0 : i32
    %add3A_60 = vector.broadcast %add3A_59 : i32 to vector<16xi32>
    %add3A_61 = arith.addi %add3A_60, %get3A_58 : vector<16xi32>
    %gather3A_62 = tpu.vector_load_idx %arg7[%add3A_61] : memref<3328xi32, #tpu.memory_space<vmem>>[vector<16xi32>], vector<16xi32>,
    %get3A_63 = arith.constant 80 : index
    %get3A_64 = tpu.vector_load %arg8[%get3A_63] {strides = array<i32>} : memref<656xi32, #tpu.memory_space<vmem>>, vector<16xi32>,
    %add3A_65 = arith.addi %get3A_64, %gather3A_62 : vector<16xi32>
    %swap3A_66 = arith.constant 80 : index
    %swap3A_67 = tpu.vector_load %arg10[%swap3A_66] {strides = array<i32>} : memref<656xi32, #tpu.memory_space<vmem>>, vector<16xi32>,
    tpu.vector_store %arg10[%swap3A_66], %add3A_65 {strides = array<i32>} : memref<656xi32, #tpu.memory_space<vmem>>, vector<16xi32>,
    %get3A_68 = arith.constant 96 : index
    %get3A_69 = tpu.vector_load %arg9[%get3A_68] {strides = array<i32>} : memref<656xi32, #tpu.memory_space<vmem>>, vector<16xi32>,
    %add3A_70 = arith.constant 0 : i32
    %add3A_71 = vector.broadcast %add3A_70 : i32 to vector<16xi32>
    %add3A_72 = arith.addi %add3A_71, %get3A_69 : vector<16xi32>
    %gather3A_73 = tpu.vector_load_idx %arg7[%add3A_72] : memref<3328xi32, #tpu.memory_space<vmem>>[vector<16xi32>], vector<16xi32>,
    %get3A_74 = arith.constant 96 : index
    %get3A_75 = tpu.vector_load %arg8[%get3A_74] {strides = array<i32>} : memref<656xi32, #tpu.memory_space<vmem>>, vector<16xi32>,
    %add3A_76 = arith.addi %get3A_75, %gather3A_73 : vector<16xi32>
    %swap3A_77 = arith.constant 96 : index
    %swap3A_78 = tpu.vector_load %arg10[%swap3A_77] {strides = array<i32>} : memref<656xi32, #tpu.memory_space<vmem>>, vector<16xi32>,
    tpu.vector_store %arg10[%swap3A_77], %add3A_76 {strides = array<i32>} : memref<656xi32, #tpu.memory_space<vmem>>, vector<16xi32>,
    %get3A_79 = arith.constant 112 : index
    %get3A_80 = tpu.vector_load %arg9[%get3A_79] {strides = array<i32>} : memref<656xi32, #tpu.memory_space<vmem>>, vector<16xi32>,
    %add3A_81 = arith.constant 0 : i32
    %add3A_82 = vector.broadcast %add3A_81 : i32 to vector<16xi32>
    %add3A_83 = arith.addi %add3A_82, %get3A_80 : vector<16xi32>
    %gather3A_84 = tpu.vector_load_idx %arg7[%add3A_83] : memref<3328xi32, #tpu.memory_space<vmem>>[vector<16xi32>], vector<16xi32>,
    %get3A_85 = arith.constant 112 : index
    %get3A_86 = tpu.vector_load %arg8[%get3A_85] {strides = array<i32>} : memref<656xi32, #tpu.memory_space<vmem>>, vector<16xi32>,
    %add3A_87 = arith.addi %get3A_86, %gather3A_84 : vector<16xi32>
    %swap3A_88 = arith.constant 112 : index
    %swap3A_89 = tpu.vector_load %arg10[%swap3A_88] {strides = array<i32>} : memref<656xi32, #tpu.memory_space<vmem>>, vector<16xi32>,
    tpu.vector_store %arg10[%swap3A_88], %add3A_87 {strides = array<i32>} : memref<656xi32, #tpu.memory_space<vmem>>, vector<16xi32>,
    %get3A_90 = arith.constant 128 : index
    %get3A_91 = tpu.vector_load %arg9[%get3A_90] {strides = array<i32>} : memref<656xi32, #tpu.memory_space<vmem>>, vector<16xi32>,
    %add3A_92 = arith.constant 0 : i32
    %add3A_93 = vector.broadcast %add3A_92 : i32 to vector<16xi32>
    %add3A_94 = arith.addi %add3A_93, %get3A_91 : vector<16xi32>
    %gather3A_95 = tpu.vector_load_idx %arg7[%add3A_94] : memref<3328xi32, #tpu.memory_space<vmem>>[vector<16xi32>], vector<16xi32>,
    %get3A_96 = arith.constant 128 : index
    %get3A_97 = tpu.vector_load %arg8[%get3A_96] {strides = array<i32>} : memref<656xi32, #tpu.memory_space<vmem>>, vector<16xi32>,
    %add3A_98 = arith.addi %get3A_97, %gather3A_95 : vector<16xi32>
    %swap3A_99 = arith.constant 128 : index
    %swap3A_100 = tpu.vector_load %arg10[%swap3A_99] {strides = array<i32>} : memref<656xi32, #tpu.memory_space<vmem>>, vector<16xi32>,
    tpu.vector_store %arg10[%swap3A_99], %add3A_98 {strides = array<i32>} : memref<656xi32, #tpu.memory_space<vmem>>, vector<16xi32>,
    %get3A_101 = arith.constant 144 : index
    %get3A_102 = tpu.vector_load %arg9[%get3A_101] {strides = array<i32>} : memref<656xi32, #tpu.memory_space<vmem>>, vector<16xi32>,
    %add3A_103 = arith.constant 0 : i32
    %add3A_104 = vector.broadcast %add3A_103 : i32 to vector<16xi32>
    %add3A_105 = arith.addi %add3A_104, %get3A_102 : vector<16xi32>
    %gather3A_106 = tpu.vector_load_idx %arg7[%add3A_105] : memref<3328xi32, #tpu.memory_space<vmem>>[vector<16xi32>], vector<16xi32>,
    %get3A_107 = arith.constant 144 : index
    %get3A_108 = tpu.vector_load %arg8[%get3A_107] {strides = array<i32>} : memref<656xi32, #tpu.memory_space<vmem>>, vector<16xi32>,
    %add3A_109 = arith.addi %get3A_108, %gather3A_106 : vector<16xi32>
    %swap3A_110 = arith.constant 144 : index
    %swap3A_111 = tpu.vector_load %arg10[%swap3A_110] {strides = array<i32>} : memref<656xi32, #tpu.memory_space<vmem>>, vector<16xi32>,
    tpu.vector_store %arg10[%swap3A_110], %add3A_109 {strides = array<i32>} : memref<656xi32, #tpu.memory_space<vmem>>, vector<16xi32>,
    %get3A_112 = arith.constant 160 : index
    %get3A_113 = tpu.vector_load %arg9[%get3A_112] {strides = array<i32>} : memref<656xi32, #tpu.memory_space<vmem>>, vector<16xi32>,
    %add3A_114 = arith.constant 0 : i32
    %add3A_115 = vector.broadcast %add3A_114 : i32 to vector<16xi32>
    %add3A_116 = arith.addi %add3A_115, %get3A_113 : vector<16xi32>
    %gather3A_117 = tpu.vector_load_idx %arg7[%add3A_116] : memref<3328xi32, #tpu.memory_space<vmem>>[vector<16xi32>], vector<16xi32>,
    %get3A_118 = arith.constant 160 : index
    %get3A_119 = tpu.vector_load %arg8[%get3A_118] {strides = array<i32>} : memref<656xi32, #tpu.memory_space<vmem>>, vector<16xi32>,
    %add3A_120 = arith.addi %get3A_119, %gather3A_117 : vector<16xi32>
    %swap3A_121 = arith.constant 160 : index
    %swap3A_122 = tpu.vector_load %arg10[%swap3A_121] {strides = array<i32>} : memref<656xi32, #tpu.memory_space<vmem>>, vector<16xi32>,
    tpu.vector_store %arg10[%swap3A_121], %add3A_120 {strides = array<i32>} : memref<656xi32, #tpu.memory_space<vmem>>, vector<16xi32>,
    %get3A_123 = arith.constant 176 : index
    %get3A_124 = tpu.vector_load %arg9[%get3A_123] {strides = array<i32>} : memref<656xi32, #tpu.memory_space<vmem>>, vector<16xi32>,
    %add3A_125 = arith.constant 0 : i32
    %add3A_126 = vector.broadcast %add3A_125 : i32 to vector<16xi32>
    %add3A_127 = arith.addi %add3A_126, %get3A_124 : vector<16xi32>
    %gather3A_128 = tpu.vector_load_idx %arg7[%add3A_127] : memref<3328xi32, #tpu.memory_space<vmem>>[vector<16xi32>], vector<16xi32>,
    %get3A_129 = arith.constant 176 : index
    %get3A_130 = tpu.vector_load %arg8[%get3A_129] {strides = array<i32>} : memref<656xi32, #tpu.memory_space<vmem>>, vector<16xi32>,
    %add3A_131 = arith.addi %get3A_130, %gather3A_128 : vector<16xi32>
    %swap3A_132 = arith.constant 176 : index
    %swap3A_133 = tpu.vector_load %arg10[%swap3A_132] {strides = array<i32>} : memref<656xi32, #tpu.memory_space<vmem>>, vector<16xi32>,
    tpu.vector_store %arg10[%swap3A_132], %add3A_131 {strides = array<i32>} : memref<656xi32, #tpu.memory_space<vmem>>, vector<16xi32>,
    %get3A_134 = arith.constant 192 : index
    %get3A_135 = tpu.vector_load %arg9[%get3A_134] {strides = array<i32>} : memref<656xi32, #tpu.memory_space<vmem>>, vector<16xi32>,
    %add3A_136 = arith.constant 0 : i32
    %add3A_137 = vector.broadcast %add3A_136 : i32 to vector<16xi32>
    %add3A_138 = arith.addi %add3A_137, %get3A_135 : vector<16xi32>
    %gather3A_139 = tpu.vector_load_idx %arg7[%add3A_138] : memref<3328xi32, #tpu.memory_space<vmem>>[vector<16xi32>], vector<16xi32>,
    %get3A_140 = arith.constant 192 : index
    %get3A_141 = tpu.vector_load %arg8[%get3A_140] {strides = array<i32>} : memref<656xi32, #tpu.memory_space<vmem>>, vector<16xi32>,
    %add3A_142 = arith.addi %get3A_141, %gather3A_139 : vector<16xi32>
    %swap3A_143 = arith.constant 192 : index
    %swap3A_144 = tpu.vector_load %arg10[%swap3A_143] {strides = array<i32>} : memref<656xi32, #tpu.memory_space<vmem>>, vector<16xi32>,
    tpu.vector_store %arg10[%swap3A_143], %add3A_142 {strides = array<i32>} : memref<656xi32, #tpu.memory_space<vmem>>, vector<16xi32>,
    %get3A_145 = arith.constant 208 : index
    %get3A_146 = tpu.vector_load %arg9[%get3A_145] {strides = array<i32>} : memref<656xi32, #tpu.memory_space<vmem>>, vector<16xi32>,
    %add3A_147 = arith.constant 0 : i32
    %add3A_148 = vector.broadcast %add3A_147 : i32 to vector<16xi32>
    %add3A_149 = arith.addi %add3A_148, %get3A_146 : vector<16xi32>
    %gather3A_150 = tpu.vector_load_idx %arg7[%add3A_149] : memref<3328xi32, #tpu.memory_space<vmem>>[vector<16xi32>], vector<16xi32>,
    %get3A_151 = arith.constant 208 : index
    %get3A_152 = tpu.vector_load %arg8[%get3A_151] {strides = array<i32>} : memref<656xi32, #tpu.memory_space<vmem>>, vector<16xi32>,
    %add3A_153 = arith.addi %get3A_152, %gather3A_150 : vector<16xi32>
    %swap3A_154 = arith.constant 208 : index
    %swap3A_155 = tpu.vector_load %arg10[%swap3A_154] {strides = array<i32>} : memref<656xi32, #tpu.memory_space<vmem>>, vector<16xi32>,
    tpu.vector_store %arg10[%swap3A_154], %add3A_153 {strides = array<i32>} : memref<656xi32, #tpu.memory_space<vmem>>, vector<16xi32>,
    %get3A_156 = arith.constant 224 : index
    %get3A_157 = tpu.vector_load %arg9[%get3A_156] {strides = array<i32>} : memref<656xi32, #tpu.memory_space<vmem>>, vector<16xi32>,
    %add3A_158 = arith.constant 0 : i32
    %add3A_159 = vector.broadcast %add3A_158 : i32 to vector<16xi32>
    %add3A_160 = arith.addi %add3A_159, %get3A_157 : vector<16xi32>
    %gather3A_161 = tpu.vector_load_idx %arg7[%add3A_160] : memref<3328xi32, #tpu.memory_space<vmem>>[vector<16xi32>], vector<16xi32>,
    %get3A_162 = arith.constant 224 : index
    %get3A_163 = tpu.vector_load %arg8[%get3A_162] {strides = array<i32>} : memref<656xi32, #tpu.memory_space<vmem>>, vector<16xi32>,
    %add3A_164 = arith.addi %get3A_163, %gather3A_161 : vector<16xi32>
    %swap3A_165 = arith.constant 224 : index
    %swap3A_166 = tpu.vector_load %arg10[%swap3A_165] {strides = array<i32>} : memref<656xi32, #tpu.memory_space<vmem>>, vector<16xi32>,
    tpu.vector_store %arg10[%swap3A_165], %add3A_164 {strides = array<i32>} : memref<656xi32, #tpu.memory_space<vmem>>, vector<16xi32>,
    %get3A_167 = arith.constant 240 : index
    %get3A_168 = tpu.vector_load %arg9[%get3A_167] {strides = array<i32>} : memref<656xi32, #tpu.memory_space<vmem>>, vector<16xi32>,
    %add3A_169 = arith.constant 0 : i32
    %add3A_170 = vector.broadcast %add3A_169 : i32 to vector<16xi32>
    %add3A_171 = arith.addi %add3A_170, %get3A_168 : vector<16xi32>
    %gather3A_172 = tpu.vector_load_idx %arg7[%add3A_171] : memref<3328xi32, #tpu.memory_space<vmem>>[vector<16xi32>], vector<16xi32>,
    %get3A_173 = arith.constant 240 : index
    %get3A_174 = tpu.vector_load %arg8[%get3A_173] {strides = array<i32>} : memref<656xi32, #tpu.memory_space<vmem>>, vector<16xi32>,
    %add3A_175 = arith.addi %get3A_174, %gather3A_172 : vector<16xi32>
    %swap3A_176 = arith.constant 240 : index
    %swap3A_177 = tpu.vector_load %arg10[%swap3A_176] {strides = array<i32>} : memref<656xi32, #tpu.memory_space<vmem>>, vector<16xi32>,
    tpu.vector_store %arg10[%swap3A_176], %add3A_175 {strides = array<i32>} : memref<656xi32, #tpu.memory_space<vmem>>, vector<16xi32>,
    %get3A_178 = arith.constant 256 : index
    %get3A_179 = tpu.vector_load %arg9[%get3A_178] {strides = array<i32>} : memref<656xi32, #tpu.memory_space<vmem>>, vector<16xi32>,
    %add3A_180 = arith.constant 0 : i32
    %add3A_181 = vector.broadcast %add3A_180 : i32 to vector<16xi32>
    %add3A_182 = arith.addi %add3A_181, %get3A_179 : vector<16xi32>
    %gather3A_183 = tpu.vector_load_idx %arg7[%add3A_182] : memref<3328xi32, #tpu.memory_space<vmem>>[vector<16xi32>], vector<16xi32>,
    %get3A_184 = arith.constant 256 : index
    %get3A_185 = tpu.vector_load %arg8[%get3A_184] {strides = array<i32>} : memref<656xi32, #tpu.memory_space<vmem>>, vector<16xi32>,
    %add3A_186 = arith.addi %get3A_185, %gather3A_183 : vector<16xi32>
    %swap3A_187 = arith.constant 256 : index
    %swap3A_188 = tpu.vector_load %arg10[%swap3A_187] {strides = array<i32>} : memref<656xi32, #tpu.memory_space<vmem>>, vector<16xi32>,
    tpu.vector_store %arg10[%swap3A_187], %add3A_186 {strides = array<i32>} : memref<656xi32, #tpu.memory_space<vmem>>, vector<16xi32>,
    %get3A_189 = arith.constant 272 : index
    %get3A_190 = tpu.vector_load %arg9[%get3A_189] {strides = array<i32>} : memref<656xi32, #tpu.memory_space<vmem>>, vector<16xi32>,
    %add3A_191 = arith.constant 0 : i32
    %add3A_192 = vector.broadcast %add3A_191 : i32 to vector<16xi32>
    %add3A_193 = arith.addi %add3A_192, %get3A_190 : vector<16xi32>
    %gather3A_194 = tpu.vector_load_idx %arg7[%add3A_193] : memref<3328xi32, #tpu.memory_space<vmem>>[vector<16xi32>], vector<16xi32>,
    %get3A_195 = arith.constant 272 : index
    %get3A_196 = tpu.vector_load %arg8[%get3A_195] {strides = array<i32>} : memref<656xi32, #tpu.memory_space<vmem>>, vector<16xi32>,
    %add3A_197 = arith.addi %get3A_196, %gather3A_194 : vector<16xi32>
    %swap3A_198 = arith.constant 272 : index
    %swap3A_199 = tpu.vector_load %arg10[%swap3A_198] {strides = array<i32>} : memref<656xi32, #tpu.memory_space<vmem>>, vector<16xi32>,
    tpu.vector_store %arg10[%swap3A_198], %add3A_197 {strides = array<i32>} : memref<656xi32, #tpu.memory_space<vmem>>, vector<16xi32>,
    %get3A_200 = arith.constant 288 : index
    %get3A_201 = tpu.vector_load %arg9[%get3A_200] {strides = array<i32>} : memref<656xi32, #tpu.memory_space<vmem>>, vector<16xi32>,
    %add3A_202 = arith.constant 0 : i32
    %add3A_203 = vector.broadcast %add3A_202 : i32 to vector<16xi32>
    %add3A_204 = arith.addi %add3A_203, %get3A_201 : vector<16xi32>
    %gather3A_205 = tpu.vector_load_idx %arg7[%add3A_204] : memref<3328xi32, #tpu.memory_space<vmem>>[vector<16xi32>], vector<16xi32>,
    %get3A_206 = arith.constant 288 : index
    %get3A_207 = tpu.vector_load %arg8[%get3A_206] {strides = array<i32>} : memref<656xi32, #tpu.memory_space<vmem>>, vector<16xi32>,
    %add3A_208 = arith.addi %get3A_207, %gather3A_205 : vector<16xi32>
    %swap3A_209 = arith.constant 288 : index
    %swap3A_210 = tpu.vector_load %arg10[%swap3A_209] {strides = array<i32>} : memref<656xi32, #tpu.memory_space<vmem>>, vector<16xi32>,
    tpu.vector_store %arg10[%swap3A_209], %add3A_208 {strides = array<i32>} : memref<656xi32, #tpu.memory_space<vmem>>, vector<16xi32>,
    %get3A_211 = arith.constant 304 : index
    %get3A_212 = tpu.vector_load %arg9[%get3A_211] {strides = array<i32>} : memref<656xi32, #tpu.memory_space<vmem>>, vector<16xi32>,
    %add3A_213 = arith.constant 0 : i32
    %add3A_214 = vector.broadcast %add3A_213 : i32 to vector<16xi32>
    %add3A_215 = arith.addi %add3A_214, %get3A_212 : vector<16xi32>
    %gather3A_216 = tpu.vector_load_idx %arg7[%add3A_215] : memref<3328xi32, #tpu.memory_space<vmem>>[vector<16xi32>], vector<16xi32>,
    %get3A_217 = arith.constant 304 : index
    %get3A_218 = tpu.vector_load %arg8[%get3A_217] {strides = array<i32>} : memref<656xi32, #tpu.memory_space<vmem>>, vector<16xi32>,
    %add3A_219 = arith.addi %get3A_218, %gather3A_216 : vector<16xi32>
    %swap3A_220 = arith.constant 304 : index
    %swap3A_221 = tpu.vector_load %arg10[%swap3A_220] {strides = array<i32>} : memref<656xi32, #tpu.memory_space<vmem>>, vector<16xi32>,
    tpu.vector_store %arg10[%swap3A_220], %add3A_219 {strides = array<i32>} : memref<656xi32, #tpu.memory_space<vmem>>, vector<16xi32>,
    %get3A_222 = arith.constant 320 : index
    %get3A_223 = tpu.vector_load %arg9[%get3A_222] {strides = array<i32>} : memref<656xi32, #tpu.memory_space<vmem>>, vector<16xi32>,
    %add3A_224 = arith.constant 0 : i32
    %add3A_225 = vector.broadcast %add3A_224 : i32 to vector<16xi32>
    %add3A_226 = arith.addi %add3A_225, %get3A_223 : vector<16xi32>
    %gather3A_227 = tpu.vector_load_idx %arg7[%add3A_226] : memref<3328xi32, #tpu.memory_space<vmem>>[vector<16xi32>], vector<16xi32>,
    %get3A_228 = arith.constant 320 : index
    %get3A_229 = tpu.vector_load %arg8[%get3A_228] {strides = array<i32>} : memref<656xi32, #tpu.memory_space<vmem>>, vector<16xi32>,
    %add3A_230 = arith.addi %get3A_229, %gather3A_227 : vector<16xi32>
    %swap3A_231 = arith.constant 320 : index
    %swap3A_232 = tpu.vector_load %arg10[%swap3A_231] {strides = array<i32>} : memref<656xi32, #tpu.memory_space<vmem>>, vector<16xi32>,
    tpu.vector_store %arg10[%swap3A_231], %add3A_230 {strides = array<i32>} : memref<656xi32, #tpu.memory_space<vmem>>, vector<16xi32>,
    %get3A_233 = arith.constant 336 : index
    %get3A_234 = tpu.vector_load %arg9[%get3A_233] {strides = array<i32>} : memref<656xi32, #tpu.memory_space<vmem>>, vector<16xi32>,
    %add3A_235 = arith.constant 0 : i32
    %add3A_236 = vector.broadcast %add3A_235 : i32 to vector<16xi32>
    %add3A_237 = arith.addi %add3A_236, %get3A_234 : vector<16xi32>
    %gather3A_238 = tpu.vector_load_idx %arg7[%add3A_237] : memref<3328xi32, #tpu.memory_space<vmem>>[vector<16xi32>], vector<16xi32>,
    %get3A_239 = arith.constant 336 : index
    %get3A_240 = tpu.vector_load %arg8[%get3A_239] {strides = array<i32>} : memref<656xi32, #tpu.memory_space<vmem>>, vector<16xi32>,
    %add3A_241 = arith.addi %get3A_240, %gather3A_238 : vector<16xi32>
    %swap3A_242 = arith.constant 336 : index
    %swap3A_243 = tpu.vector_load %arg10[%swap3A_242] {strides = array<i32>} : memref<656xi32, #tpu.memory_space<vmem>>, vector<16xi32>,
    tpu.vector_store %arg10[%swap3A_242], %add3A_241 {strides = array<i32>} : memref<656xi32, #tpu.memory_space<vmem>>, vector<16xi32>,
    %get3A_244 = arith.constant 352 : index
    %get3A_245 = tpu.vector_load %arg9[%get3A_244] {strides = array<i32>} : memref<656xi32, #tpu.memory_space<vmem>>, vector<16xi32>,
    %add3A_246 = arith.constant 0 : i32
    %add3A_247 = vector.broadcast %add3A_246 : i32 to vector<16xi32>
    %add3A_248 = arith.addi %add3A_247, %get3A_245 : vector<16xi32>
    %gather3A_249 = tpu.vector_load_idx %arg7[%add3A_248] : memref<3328xi32, #tpu.memory_space<vmem>>[vector<16xi32>], vector<16xi32>,
    %get3A_250 = arith.constant 352 : index
    %get3A_251 = tpu.vector_load %arg8[%get3A_250] {strides = array<i32>} : memref<656xi32, #tpu.memory_space<vmem>>, vector<16xi32>,
    %add3A_252 = arith.addi %get3A_251, %gather3A_249 : vector<16xi32>
    %swap3A_253 = arith.constant 352 : index
    %swap3A_254 = tpu.vector_load %arg10[%swap3A_253] {strides = array<i32>} : memref<656xi32, #tpu.memory_space<vmem>>, vector<16xi32>,
    tpu.vector_store %arg10[%swap3A_253], %add3A_252 {strides = array<i32>} : memref<656xi32, #tpu.memory_space<vmem>>, vector<16xi32>,
    %get3A_255 = arith.constant 368 : index
    %get3A_256 = tpu.vector_load %arg9[%get3A_255] {strides = array<i32>} : memref<656xi32, #tpu.memory_space<vmem>>, vector<16xi32>,
    %add3A_257 = arith.constant 0 : i32
    %add3A_258 = vector.broadcast %add3A_257 : i32 to vector<16xi32>
    %add3A_259 = arith.addi %add3A_258, %get3A_256 : vector<16xi32>
    %gather3A_260 = tpu.vector_load_idx %arg7[%add3A_259] : memref<3328xi32, #tpu.memory_space<vmem>>[vector<16xi32>], vector<16xi32>,
    %get3A_261 = arith.constant 368 : index
    %get3A_262 = tpu.vector_load %arg8[%get3A_261] {strides = array<i32>} : memref<656xi32, #tpu.memory_space<vmem>>, vector<16xi32>,
    %add3A_263 = arith.addi %get3A_262, %gather3A_260 : vector<16xi32>
    %swap3A_264 = arith.constant 368 : index
    %swap3A_265 = tpu.vector_load %arg10[%swap3A_264] {strides = array<i32>} : memref<656xi32, #tpu.memory_space<vmem>>, vector<16xi32>,
    tpu.vector_store %arg10[%swap3A_264], %add3A_263 {strides = array<i32>} : memref<656xi32, #tpu.memory_space<vmem>>, vector<16xi32>,
    %get3A_266 = arith.constant 384 : index
    %get3A_267 = tpu.vector_load %arg9[%get3A_266] {strides = array<i32>} : memref<656xi32, #tpu.memory_space<vmem>>, vector<16xi32>,
    %add3A_268 = arith.constant 0 : i32
    %add3A_269 = vector.broadcast %add3A_268 : i32 to vector<16xi32>
    %add3A_270 = arith.addi %add3A_269, %get3A_267 : vector<16xi32>
    %gather3A_271 = tpu.vector_load_idx %arg7[%add3A_270] : memref<3328xi32, #tpu.memory_space<vmem>>[vector<16xi32>], vector<16xi32>,
    %get3A_272 = arith.constant 384 : index
    %get3A_273 = tpu.vector_load %arg8[%get3A_272] {strides = array<i32>} : memref<656xi32, #tpu.memory_space<vmem>>, vector<16xi32>,
    %add3A_274 = arith.addi %get3A_273, %gather3A_271 : vector<16xi32>
    %swap3A_275 = arith.constant 384 : index
    %swap3A_276 = tpu.vector_load %arg10[%swap3A_275] {strides = array<i32>} : memref<656xi32, #tpu.memory_space<vmem>>, vector<16xi32>,
    tpu.vector_store %arg10[%swap3A_275], %add3A_274 {strides = array<i32>} : memref<656xi32, #tpu.memory_space<vmem>>, vector<16xi32>,
    %get3A_277 = arith.constant 400 : index
    %get3A_278 = tpu.vector_load %arg9[%get3A_277] {strides = array<i32>} : memref<656xi32, #tpu.memory_space<vmem>>, vector<16xi32>,
    %add3A_279 = arith.constant 0 : i32
    %add3A_280 = vector.broadcast %add3A_279 : i32 to vector<16xi32>
    %add3A_281 = arith.addi %add3A_280, %get3A_278 : vector<16xi32>
    %gather3A_282 = tpu.vector_load_idx %arg7[%add3A_281] : memref<3328xi32, #tpu.memory_space<vmem>>[vector<16xi32>], vector<16xi32>,
    %get3A_283 = arith.constant 400 : index
    %get3A_284 = tpu.vector_load %arg8[%get3A_283] {strides = array<i32>} : memref<656xi32, #tpu.memory_space<vmem>>, vector<16xi32>,
    %add3A_285 = arith.addi %get3A_284, %gather3A_282 : vector<16xi32>
    %swap3A_286 = arith.constant 400 : index
    %swap3A_287 = tpu.vector_load %arg10[%swap3A_286] {strides = array<i32>} : memref<656xi32, #tpu.memory_space<vmem>>, vector<16xi32>,
    tpu.vector_store %arg10[%swap3A_286], %add3A_285 {strides = array<i32>} : memref<656xi32, #tpu.memory_space<vmem>>, vector<16xi32>,
    %get3A_288 = arith.constant 416 : index
    %get3A_289 = tpu.vector_load %arg9[%get3A_288] {strides = array<i32>} : memref<656xi32, #tpu.memory_space<vmem>>, vector<16xi32>,
    %add3A_290 = arith.constant 0 : i32
    %add3A_291 = vector.broadcast %add3A_290 : i32 to vector<16xi32>
    %add3A_292 = arith.addi %add3A_291, %get3A_289 : vector<16xi32>
    %gather3A_293 = tpu.vector_load_idx %arg7[%add3A_292] : memref<3328xi32, #tpu.memory_space<vmem>>[vector<16xi32>], vector<16xi32>,
    %get3A_294 = arith.constant 416 : index
    %get3A_295 = tpu.vector_load %arg8[%get3A_294] {strides = array<i32>} : memref<656xi32, #tpu.memory_space<vmem>>, vector<16xi32>,
    %add3A_296 = arith.addi %get3A_295, %gather3A_293 : vector<16xi32>
    %swap3A_297 = arith.constant 416 : index
    %swap3A_298 = tpu.vector_load %arg10[%swap3A_297] {strides = array<i32>} : memref<656xi32, #tpu.memory_space<vmem>>, vector<16xi32>,
    tpu.vector_store %arg10[%swap3A_297], %add3A_296 {strides = array<i32>} : memref<656xi32, #tpu.memory_space<vmem>>, vector<16xi32>,
    %get3A_299 = arith.constant 432 : index
    %get3A_300 = tpu.vector_load %arg9[%get3A_299] {strides = array<i32>} : memref<656xi32, #tpu.memory_space<vmem>>, vector<16xi32>,
    %add3A_301 = arith.constant 0 : i32
    %add3A_302 = vector.broadcast %add3A_301 : i32 to vector<16xi32>
    %add3A_303 = arith.addi %add3A_302, %get3A_300 : vector<16xi32>
    %gather3A_304 = tpu.vector_load_idx %arg7[%add3A_303] : memref<3328xi32, #tpu.memory_space<vmem>>[vector<16xi32>], vector<16xi32>,
    %get3A_305 = arith.constant 432 : index
    %get3A_306 = tpu.vector_load %arg8[%get3A_305] {strides = array<i32>} : memref<656xi32, #tpu.memory_space<vmem>>, vector<16xi32>,
    %add3A_307 = arith.addi %get3A_306, %gather3A_304 : vector<16xi32>
    %swap3A_308 = arith.constant 432 : index
    %swap3A_309 = tpu.vector_load %arg10[%swap3A_308] {strides = array<i32>} : memref<656xi32, #tpu.memory_space<vmem>>, vector<16xi32>,
    tpu.vector_store %arg10[%swap3A_308], %add3A_307 {strides = array<i32>} : memref<656xi32, #tpu.memory_space<vmem>>, vector<16xi32>,
    %get3A_310 = arith.constant 448 : index
    %get3A_311 = tpu.vector_load %arg9[%get3A_310] {strides = array<i32>} : memref<656xi32, #tpu.memory_space<vmem>>, vector<16xi32>,
    %add3A_312 = arith.constant 0 : i32
    %add3A_313 = vector.broadcast %add3A_312 : i32 to vector<16xi32>
    %add3A_314 = arith.addi %add3A_313, %get3A_311 : vector<16xi32>
    %gather3A_315 = tpu.vector_load_idx %arg7[%add3A_314] : memref<3328xi32, #tpu.memory_space<vmem>>[vector<16xi32>], vector<16xi32>,
    %get3A_316 = arith.constant 448 : index
    %get3A_317 = tpu.vector_load %arg8[%get3A_316] {strides = array<i32>} : memref<656xi32, #tpu.memory_space<vmem>>, vector<16xi32>,
    %add3A_318 = arith.addi %get3A_317, %gather3A_315 : vector<16xi32>
    %swap3A_319 = arith.constant 448 : index
    %swap3A_320 = tpu.vector_load %arg10[%swap3A_319] {strides = array<i32>} : memref<656xi32, #tpu.memory_space<vmem>>, vector<16xi32>,
    tpu.vector_store %arg10[%swap3A_319], %add3A_318 {strides = array<i32>} : memref<656xi32, #tpu.memory_space<vmem>>, vector<16xi32>,
    %get3A_321 = arith.constant 464 : index
    %get3A_322 = tpu.vector_load %arg9[%get3A_321] {strides = array<i32>} : memref<656xi32, #tpu.memory_space<vmem>>, vector<16xi32>,
    %add3A_323 = arith.constant 0 : i32
    %add3A_324 = vector.broadcast %add3A_323 : i32 to vector<16xi32>
    %add3A_325 = arith.addi %add3A_324, %get3A_322 : vector<16xi32>
    %gather3A_326 = tpu.vector_load_idx %arg7[%add3A_325] : memref<3328xi32, #tpu.memory_space<vmem>>[vector<16xi32>], vector<16xi32>,
    %get3A_327 = arith.constant 464 : index
    %get3A_328 = tpu.vector_load %arg8[%get3A_327] {strides = array<i32>} : memref<656xi32, #tpu.memory_space<vmem>>, vector<16xi32>,
    %add3A_329 = arith.addi %get3A_328, %gather3A_326 : vector<16xi32>
    %swap3A_330 = arith.constant 464 : index
    %swap3A_331 = tpu.vector_load %arg10[%swap3A_330] {strides = array<i32>} : memref<656xi32, #tpu.memory_space<vmem>>, vector<16xi32>,
    tpu.vector_store %arg10[%swap3A_330], %add3A_329 {strides = array<i32>} : memref<656xi32, #tpu.memory_space<vmem>>, vector<16xi32>,
    %get3A_332 = arith.constant 480 : index
    %get3A_333 = tpu.vector_load %arg9[%get3A_332] {strides = array<i32>} : memref<656xi32, #tpu.memory_space<vmem>>, vector<16xi32>,
    %add3A_334 = arith.constant 0 : i32
    %add3A_335 = vector.broadcast %add3A_334 : i32 to vector<16xi32>
    %add3A_336 = arith.addi %add3A_335, %get3A_333 : vector<16xi32>
    %gather3A_337 = tpu.vector_load_idx %arg7[%add3A_336] : memref<3328xi32, #tpu.memory_space<vmem>>[vector<16xi32>], vector<16xi32>,
    %get3A_338 = arith.constant 480 : index
    %get3A_339 = tpu.vector_load %arg8[%get3A_338] {strides = array<i32>} : memref<656xi32, #tpu.memory_space<vmem>>, vector<16xi32>,
    %add3A_340 = arith.addi %get3A_339, %gather3A_337 : vector<16xi32>
    %swap3A_341 = arith.constant 480 : index
    %swap3A_342 = tpu.vector_load %arg10[%swap3A_341] {strides = array<i32>} : memref<656xi32, #tpu.memory_space<vmem>>, vector<16xi32>,
    tpu.vector_store %arg10[%swap3A_341], %add3A_340 {strides = array<i32>} : memref<656xi32, #tpu.memory_space<vmem>>, vector<16xi32>,
    %get3A_343 = arith.constant 496 : index
    %get3A_344 = tpu.vector_load %arg9[%get3A_343] {strides = array<i32>} : memref<656xi32, #tpu.memory_space<vmem>>, vector<16xi32>,
    %add3A_345 = arith.constant 0 : i32
    %add3A_346 = vector.broadcast %add3A_345 : i32 to vector<16xi32>
    %add3A_347 = arith.addi %add3A_346, %get3A_344 : vector<16xi32>
    %gather3A_348 = tpu.vector_load_idx %arg7[%add3A_347] : memref<3328xi32, #tpu.memory_space<vmem>>[vector<16xi32>], vector<16xi32>,
    %get3A_349 = arith.constant 496 : index
    %get3A_350 = tpu.vector_load %arg8[%get3A_349] {strides = array<i32>} : memref<656xi32, #tpu.memory_space<vmem>>, vector<16xi32>,
    %add3A_351 = arith.addi %get3A_350, %gather3A_348 : vector<16xi32>
    %swap3A_352 = arith.constant 496 : index
    %swap3A_353 = tpu.vector_load %arg10[%swap3A_352] {strides = array<i32>} : memref<656xi32, #tpu.memory_space<vmem>>, vector<16xi32>,
    tpu.vector_store %arg10[%swap3A_352], %add3A_351 {strides = array<i32>} : memref<656xi32, #tpu.memory_space<vmem>>, vector<16xi32>,
    %get3A_354 = arith.constant 512 : index
    %get3A_355 = tpu.vector_load %arg9[%get3A_354] {strides = array<i32>} : memref<656xi32, #tpu.memory_space<vmem>>, vector<16xi32>,
    %add3A_356 = arith.constant 0 : i32
    %add3A_357 = vector.broadcast %add3A_356 : i32 to vector<16xi32>
    %add3A_358 = arith.addi %add3A_357, %get3A_355 : vector<16xi32>
    %gather3A_359 = tpu.vector_load_idx %arg7[%add3A_358] : memref<3328xi32, #tpu.memory_space<vmem>>[vector<16xi32>], vector<16xi32>,
    %get3A_360 = arith.constant 512 : index
    %get3A_361 = tpu.vector_load %arg8[%get3A_360] {strides = array<i32>} : memref<656xi32, #tpu.memory_space<vmem>>, vector<16xi32>,
    %add3A_362 = arith.addi %get3A_361, %gather3A_359 : vector<16xi32>
    %swap3A_363 = arith.constant 512 : index
    %swap3A_364 = tpu.vector_load %arg10[%swap3A_363] {strides = array<i32>} : memref<656xi32, #tpu.memory_space<vmem>>, vector<16xi32>,
    tpu.vector_store %arg10[%swap3A_363], %add3A_362 {strides = array<i32>} : memref<656xi32, #tpu.memory_space<vmem>>, vector<16xi32>,
    %get3A_365 = arith.constant 528 : index
    %get3A_366 = tpu.vector_load %arg9[%get3A_365] {strides = array<i32>} : memref<656xi32, #tpu.memory_space<vmem>>, vector<16xi32>,
    %add3A_367 = arith.constant 0 : i32
    %add3A_368 = vector.broadcast %add3A_367 : i32 to vector<16xi32>
    %add3A_369 = arith.addi %add3A_368, %get3A_366 : vector<16xi32>
    %gather3A_370 = tpu.vector_load_idx %arg7[%add3A_369] : memref<3328xi32, #tpu.memory_space<vmem>>[vector<16xi32>], vector<16xi32>,
    %get3A_371 = arith.constant 528 : index
    %get3A_372 = tpu.vector_load %arg8[%get3A_371] {strides = array<i32>} : memref<656xi32, #tpu.memory_space<vmem>>, vector<16xi32>,
    %add3A_373 = arith.addi %get3A_372, %gather3A_370 : vector<16xi32>
    %swap3A_374 = arith.constant 528 : index
    %swap3A_375 = tpu.vector_load %arg10[%swap3A_374] {strides = array<i32>} : memref<656xi32, #tpu.memory_space<vmem>>, vector<16xi32>,
    tpu.vector_store %arg10[%swap3A_374], %add3A_373 {strides = array<i32>} : memref<656xi32, #tpu.memory_space<vmem>>, vector<16xi32>,
    %get3A_376 = arith.constant 544 : index
    %get3A_377 = tpu.vector_load %arg9[%get3A_376] {strides = array<i32>} : memref<656xi32, #tpu.memory_space<vmem>>, vector<16xi32>,
    %add3A_378 = arith.constant 0 : i32
    %add3A_379 = vector.broadcast %add3A_378 : i32 to vector<16xi32>
    %add3A_380 = arith.addi %add3A_379, %get3A_377 : vector<16xi32>
    %gather3A_381 = tpu.vector_load_idx %arg7[%add3A_380] : memref<3328xi32, #tpu.memory_space<vmem>>[vector<16xi32>], vector<16xi32>,
    %get3A_382 = arith.constant 544 : index
    %get3A_383 = tpu.vector_load %arg8[%get3A_382] {strides = array<i32>} : memref<656xi32, #tpu.memory_space<vmem>>, vector<16xi32>,
    %add3A_384 = arith.addi %get3A_383, %gather3A_381 : vector<16xi32>
    %swap3A_385 = arith.constant 544 : index
    %swap3A_386 = tpu.vector_load %arg10[%swap3A_385] {strides = array<i32>} : memref<656xi32, #tpu.memory_space<vmem>>, vector<16xi32>,
    tpu.vector_store %arg10[%swap3A_385], %add3A_384 {strides = array<i32>} : memref<656xi32, #tpu.memory_space<vmem>>, vector<16xi32>,
    %get3A_387 = arith.constant 560 : index
    %get3A_388 = tpu.vector_load %arg9[%get3A_387] {strides = array<i32>} : memref<656xi32, #tpu.memory_space<vmem>>, vector<16xi32>,
    %add3A_389 = arith.constant 0 : i32
    %add3A_390 = vector.broadcast %add3A_389 : i32 to vector<16xi32>
    %add3A_391 = arith.addi %add3A_390, %get3A_388 : vector<16xi32>
    %gather3A_392 = tpu.vector_load_idx %arg7[%add3A_391] : memref<3328xi32, #tpu.memory_space<vmem>>[vector<16xi32>], vector<16xi32>,
    %get3A_393 = arith.constant 560 : index
    %get3A_394 = tpu.vector_load %arg8[%get3A_393] {strides = array<i32>} : memref<656xi32, #tpu.memory_space<vmem>>, vector<16xi32>,
    %add3A_395 = arith.addi %get3A_394, %gather3A_392 : vector<16xi32>
    %swap3A_396 = arith.constant 560 : index
    %swap3A_397 = tpu.vector_load %arg10[%swap3A_396] {strides = array<i32>} : memref<656xi32, #tpu.memory_space<vmem>>, vector<16xi32>,
    tpu.vector_store %arg10[%swap3A_396], %add3A_395 {strides = array<i32>} : memref<656xi32, #tpu.memory_space<vmem>>, vector<16xi32>,
    %get3A_398 = arith.constant 576 : index
    %get3A_399 = tpu.vector_load %arg9[%get3A_398] {strides = array<i32>} : memref<656xi32, #tpu.memory_space<vmem>>, vector<16xi32>,
    %add3A_400 = arith.constant 0 : i32
    %add3A_401 = vector.broadcast %add3A_400 : i32 to vector<16xi32>
    %add3A_402 = arith.addi %add3A_401, %get3A_399 : vector<16xi32>
    %gather3A_403 = tpu.vector_load_idx %arg7[%add3A_402] : memref<3328xi32, #tpu.memory_space<vmem>>[vector<16xi32>], vector<16xi32>,
    %get3A_404 = arith.constant 576 : index
    %get3A_405 = tpu.vector_load %arg8[%get3A_404] {strides = array<i32>} : memref<656xi32, #tpu.memory_space<vmem>>, vector<16xi32>,
    %add3A_406 = arith.addi %get3A_405, %gather3A_403 : vector<16xi32>
    %swap3A_407 = arith.constant 576 : index
    %swap3A_408 = tpu.vector_load %arg10[%swap3A_407] {strides = array<i32>} : memref<656xi32, #tpu.memory_space<vmem>>, vector<16xi32>,
    tpu.vector_store %arg10[%swap3A_407], %add3A_406 {strides = array<i32>} : memref<656xi32, #tpu.memory_space<vmem>>, vector<16xi32>,
    %get3A_409 = arith.constant 592 : index
    %get3A_410 = tpu.vector_load %arg9[%get3A_409] {strides = array<i32>} : memref<656xi32, #tpu.memory_space<vmem>>, vector<16xi32>,
    %add3A_411 = arith.constant 0 : i32
    %add3A_412 = vector.broadcast %add3A_411 : i32 to vector<16xi32>
    %add3A_413 = arith.addi %add3A_412, %get3A_410 : vector<16xi32>
    %gather3A_414 = tpu.vector_load_idx %arg7[%add3A_413] : memref<3328xi32, #tpu.memory_space<vmem>>[vector<16xi32>], vector<16xi32>,
    %get3A_415 = arith.constant 592 : index
    %get3A_416 = tpu.vector_load %arg8[%get3A_415] {strides = array<i32>} : memref<656xi32, #tpu.memory_space<vmem>>, vector<16xi32>,
    %add3A_417 = arith.addi %get3A_416, %gather3A_414 : vector<16xi32>
    %swap3A_418 = arith.constant 592 : index
    %swap3A_419 = tpu.vector_load %arg10[%swap3A_418] {strides = array<i32>} : memref<656xi32, #tpu.memory_space<vmem>>, vector<16xi32>,
    tpu.vector_store %arg10[%swap3A_418], %add3A_417 {strides = array<i32>} : memref<656xi32, #tpu.memory_space<vmem>>, vector<16xi32>,
    %get3A_420 = arith.constant 608 : index
    %get3A_421 = tpu.vector_load %arg9[%get3A_420] {strides = array<i32>} : memref<656xi32, #tpu.memory_space<vmem>>, vector<16xi32>,
    %add3A_422 = arith.constant 0 : i32
    %add3A_423 = vector.broadcast %add3A_422 : i32 to vector<16xi32>
    %add3A_424 = arith.addi %add3A_423, %get3A_421 : vector<16xi32>
    %gather3A_425 = tpu.vector_load_idx %arg7[%add3A_424] : memref<3328xi32, #tpu.memory_space<vmem>>[vector<16xi32>], vector<16xi32>,
    %get3A_426 = arith.constant 608 : index
    %get3A_427 = tpu.vector_load %arg8[%get3A_426] {strides = array<i32>} : memref<656xi32, #tpu.memory_space<vmem>>, vector<16xi32>,
    %add3A_428 = arith.addi %get3A_427, %gather3A_425 : vector<16xi32>
    %swap3A_429 = arith.constant 608 : index
    %swap3A_430 = tpu.vector_load %arg10[%swap3A_429] {strides = array<i32>} : memref<656xi32, #tpu.memory_space<vmem>>, vector<16xi32>,
    tpu.vector_store %arg10[%swap3A_429], %add3A_428 {strides = array<i32>} : memref<656xi32, #tpu.memory_space<vmem>>, vector<16xi32>,
    %get3A_431 = arith.constant 624 : index
    %get3A_432 = tpu.vector_load %arg9[%get3A_431] {strides = array<i32>} : memref<656xi32, #tpu.memory_space<vmem>>, vector<16xi32>,
    %add3A_433 = arith.constant 0 : i32
    %add3A_434 = vector.broadcast %add3A_433 : i32 to vector<16xi32>
    %add3A_435 = arith.addi %add3A_434, %get3A_432 : vector<16xi32>
    %gather3A_436 = tpu.vector_load_idx %arg7[%add3A_435] : memref<3328xi32, #tpu.memory_space<vmem>>[vector<16xi32>], vector<16xi32>,
    %get3A_437 = arith.constant 624 : index
    %get3A_438 = tpu.vector_load %arg8[%get3A_437] {strides = array<i32>} : memref<656xi32, #tpu.memory_space<vmem>>, vector<16xi32>,
    %add3A_439 = arith.addi %get3A_438, %gather3A_436 : vector<16xi32>
    %swap3A_440 = arith.constant 624 : index
    %swap3A_441 = tpu.vector_load %arg10[%swap3A_440] {strides = array<i32>} : memref<656xi32, #tpu.memory_space<vmem>>, vector<16xi32>,
    tpu.vector_store %arg10[%swap3A_440], %add3A_439 {strides = array<i32>} : memref<656xi32, #tpu.memory_space<vmem>>, vector<16xi32>,
    %get3A_442 = arith.constant 640 : index
    %get3A_443 = tpu.vector_load %arg9[%get3A_442] {strides = array<i32>} : memref<656xi32, #tpu.memory_space<vmem>>, vector<16xi32>,
    %add3A_444 = arith.constant 0 : i32
    %add3A_445 = vector.broadcast %add3A_444 : i32 to vector<16xi32>
    %add3A_446 = arith.addi %add3A_445, %get3A_443 : vector<16xi32>
    %gather3A_447 = tpu.vector_load_idx %arg7[%add3A_446] : memref<3328xi32, #tpu.memory_space<vmem>>[vector<16xi32>], vector<16xi32>,
    %get3A_448 = arith.constant 640 : index
    %get3A_449 = tpu.vector_load %arg8[%get3A_448] {strides = array<i32>} : memref<656xi32, #tpu.memory_space<vmem>>, vector<16xi32>,
    %add3A_450 = arith.addi %get3A_449, %gather3A_447 : vector<16xi32>
    %swap3A_451 = arith.constant 640 : index
    %swap3A_452 = tpu.vector_load %arg10[%swap3A_451] {strides = array<i32>} : memref<656xi32, #tpu.memory_space<vmem>>, vector<16xi32>,
    tpu.vector_store %arg10[%swap3A_451], %add3A_450 {strides = array<i32>} : memref<656xi32, #tpu.memory_space<vmem>>, vector<16xi32>,
    %dma_start3A = arith.constant 0 : i32
    %dma_start3A_453 = arith.constant 0 : i32
    %dma_start3A_454 = tpu.memref_slice %arg12[%dma_start3A, %dma_start3A_453] : memref<656x64xf32, #tpu.memory_space<vmem>> -> memref<128x64xf32, #tpu.memory_space<vmem>>
    %dma_start3A_455 = arith.constant 0 : i32
    %dma_start3A_456 = tpu.memref_slice %arg10[%dma_start3A_455] : memref<656xi32, #tpu.memory_space<vmem>> -> memref<128xi32, #tpu.memory_space<vmem>>
    %dma_start3A_457 = arith.constant 0 : i32
    %dma_start3A_458 = arith.constant 0 : i32
    %dma_start3A_459 = tpu.memref_slice %arg3[%dma_start3A_457, %dma_start3A_458] : memref<676000x64xf32, #tpu.memory_space<hbm>> -> memref<676000x64xf32, #tpu.memory_space<hbm>>
    tpu.enqueue_indirect_dma source(%dma_start3A_459 : memref<676000x64xf32, #tpu.memory_space<hbm>>) target(%dma_start3A_454 : memref<128x64xf32, #tpu.memory_space<vmem>>) offsets(%dma_start3A_456 : memref<128xi32, #tpu.memory_space<vmem>>) semaphore(%arg16 : memref<!tpu.dma_semaphore, #tpu.memory_space<semaphore_mem>>)
    %dma_start3A_460 = arith.constant 128 : i32
    %dma_start3A_461 = arith.constant 0 : i32
    %dma_start3A_462 = tpu.memref_slice %arg12[%dma_start3A_460, %dma_start3A_461] : memref<656x64xf32, #tpu.memory_space<vmem>> -> memref<128x64xf32, #tpu.memory_space<vmem>>
    %dma_start3A_463 = arith.constant 128 : i32
    %dma_start3A_464 = tpu.memref_slice %arg10[%dma_start3A_463] : memref<656xi32, #tpu.memory_space<vmem>> -> memref<128xi32, #tpu.memory_space<vmem>>
    %dma_start3A_465 = arith.constant 0 : i32
    %dma_start3A_466 = arith.constant 0 : i32
    %dma_start3A_467 = tpu.memref_slice %arg3[%dma_start3A_465, %dma_start3A_466] : memref<676000x64xf32, #tpu.memory_space<hbm>> -> memref<676000x64xf32, #tpu.memory_space<hbm>>
    tpu.enqueue_indirect_dma source(%dma_start3A_467 : memref<676000x64xf32, #tpu.memory_space<hbm>>) target(%dma_start3A_462 : memref<128x64xf32, #tpu.memory_space<vmem>>) offsets(%dma_start3A_464 : memref<128xi32, #tpu.memory_space<vmem>>) semaphore(%arg16 : memref<!tpu.dma_semaphore, #tpu.memory_space<semaphore_mem>>)
    %dma_start3A_468 = arith.constant 256 : i32
    %dma_start3A_469 = arith.constant 0 : i32
    %dma_start3A_470 = tpu.memref_slice %arg12[%dma_start3A_468, %dma_start3A_469] : memref<656x64xf32, #tpu.memory_space<vmem>> -> memref<72x64xf32, #tpu.memory_space<vmem>>
    %dma_start3A_471 = arith.constant 256 : i32
    %dma_start3A_472 = tpu.memref_slice %arg10[%dma_start3A_471] : memref<656xi32, #tpu.memory_space<vmem>> -> memref<72xi32, #tpu.memory_space<vmem>>
    %dma_start3A_473 = arith.constant 0 : i32
    %dma_start3A_474 = arith.constant 0 : i32
    %dma_start3A_475 = tpu.memref_slice %arg3[%dma_start3A_473, %dma_start3A_474] : memref<676000x64xf32, #tpu.memory_space<hbm>> -> memref<676000x64xf32, #tpu.memory_space<hbm>>
    tpu.enqueue_indirect_dma source(%dma_start3A_475 : memref<676000x64xf32, #tpu.memory_space<hbm>>) target(%dma_start3A_470 : memref<72x64xf32, #tpu.memory_space<vmem>>) offsets(%dma_start3A_472 : memref<72xi32, #tpu.memory_space<vmem>>) semaphore(%arg16 : memref<!tpu.dma_semaphore, #tpu.memory_space<semaphore_mem>>)
    %dma_start3A_476 = arith.constant 328 : i32
    %dma_start3A_477 = arith.constant 0 : i32
    %dma_start3A_478 = tpu.memref_slice %arg12[%dma_start3A_476, %dma_start3A_477] : memref<656x64xf32, #tpu.memory_space<vmem>> -> memref<128x64xf32, #tpu.memory_space<vmem>>
    %dma_start3A_479 = arith.constant 328 : i32
    %dma_start3A_480 = tpu.memref_slice %arg10[%dma_start3A_479] : memref<656xi32, #tpu.memory_space<vmem>> -> memref<128xi32, #tpu.memory_space<vmem>>
    %dma_start3A_481 = arith.constant 0 : i32
    %dma_start3A_482 = arith.constant 0 : i32
    %dma_start3A_483 = tpu.memref_slice %arg3[%dma_start3A_481, %dma_start3A_482] : memref<676000x64xf32, #tpu.memory_space<hbm>> -> memref<676000x64xf32, #tpu.memory_space<hbm>>
    tpu.enqueue_indirect_dma source(%dma_start3A_483 : memref<676000x64xf32, #tpu.memory_space<hbm>>) target(%dma_start3A_478 : memref<128x64xf32, #tpu.memory_space<vmem>>) offsets(%dma_start3A_480 : memref<128xi32, #tpu.memory_space<vmem>>) semaphore(%arg16 : memref<!tpu.dma_semaphore, #tpu.memory_space<semaphore_mem>>)
    %dma_start3A_484 = arith.constant 456 : i32
    %dma_start3A_485 = arith.constant 0 : i32
    %dma_start3A_486 = tpu.memref_slice %arg12[%dma_start3A_484, %dma_start3A_485] : memref<656x64xf32, #tpu.memory_space<vmem>> -> memref<128x64xf32, #tpu.memory_space<vmem>>
    %dma_start3A_487 = arith.constant 456 : i32
    %dma_start3A_488 = tpu.memref_slice %arg10[%dma_start3A_487] : memref<656xi32, #tpu.memory_space<vmem>> -> memref<128xi32, #tpu.memory_space<vmem>>
    %dma_start3A_489 = arith.constant 0 : i32
    %dma_start3A_490 = arith.constant 0 : i32
    %dma_start3A_491 = tpu.memref_slice %arg3[%dma_start3A_489, %dma_start3A_490] : memref<676000x64xf32, #tpu.memory_space<hbm>> -> memref<676000x64xf32, #tpu.memory_space<hbm>>
    tpu.enqueue_indirect_dma source(%dma_start3A_491 : memref<676000x64xf32, #tpu.memory_space<hbm>>) target(%dma_start3A_486 : memref<128x64xf32, #tpu.memory_space<vmem>>) offsets(%dma_start3A_488 : memref<128xi32, #tpu.memory_space<vmem>>) semaphore(%arg16 : memref<!tpu.dma_semaphore, #tpu.memory_space<semaphore_mem>>)
    %dma_start3A_492 = arith.constant 584 : i32
    %dma_start3A_493 = arith.constant 0 : i32
    %dma_start3A_494 = tpu.memref_slice %arg12[%dma_start3A_492, %dma_start3A_493] : memref<656x64xf32, #tpu.memory_space<vmem>> -> memref<72x64xf32, #tpu.memory_space<vmem>>
    %dma_start3A_495 = arith.constant 584 : i32
    %dma_start3A_496 = tpu.memref_slice %arg10[%dma_start3A_495] : memref<656xi32, #tpu.memory_space<vmem>> -> memref<72xi32, #tpu.memory_space<vmem>>
    %dma_start3A_497 = arith.constant 0 : i32
    %dma_start3A_498 = arith.constant 0 : i32
    %dma_start3A_499 = tpu.memref_slice %arg3[%dma_start3A_497, %dma_start3A_498] : memref<676000x64xf32, #tpu.memory_space<hbm>> -> memref<676000x64xf32, #tpu.memory_space<hbm>>
    tpu.enqueue_indirect_dma source(%dma_start3A_499 : memref<676000x64xf32, #tpu.memory_space<hbm>>) target(%dma_start3A_494 : memref<72x64xf32, #tpu.memory_space<vmem>>) offsets(%dma_start3A_496 : memref<72xi32, #tpu.memory_space<vmem>>) semaphore(%arg16 : memref<!tpu.dma_semaphore, #tpu.memory_space<semaphore_mem>>)
    %scan3A = arith.constant 0 : i32
    %scan3A_500 = arith.constant 64 : i32
    %scan3A_501 = arith.addi %scan3A, %scan3A_500 : i32
    %scan3A_502 = arith.constant 1 : i32
    scf.for %scan3A_1990 = %scan3A to %scan3A_501 step %scan3A_502  : i32 {
      %mul3A_1991 = arith.constant 1 : i32
      %mul3A_1992 = arith.muli %scan3A_1990, %mul3A_1991 : i32
      %add3A_1993 = arith.constant 0 : i32
      %add3A_1994 = arith.addi %add3A_1993, %mul3A_1992 : i32
      %mul3A_1995 = arith.constant 2 : i32
      %mul3A_1996 = arith.muli %add3A_1994, %mul3A_1995 : i32
      %add3A_1997 = arith.constant 1 : i32
      %add3A_1998 = arith.addi %mul3A_1996, %add3A_1997 : i32
      %get3A_1999 = arith.constant 0 : index
      %get3A_2000 = tpu.vector_load %arg9[%get3A_1999] {strides = array<i32>} : memref<656xi32, #tpu.memory_space<vmem>>, vector<16xi32>,
      %mul3A_2001 = arith.constant 26 : i32
      %mul3A_2002 = arith.muli %add3A_1998, %mul3A_2001 : i32
      %add3A_2003 = vector.broadcast %mul3A_2002 : i32 to vector<16xi32>
      %add3A_2004 = arith.addi %add3A_2003, %get3A_2000 : vector<16xi32>
      %gather3A_2005 = tpu.vector_load_idx %arg7[%add3A_2004] : memref<3328xi32, #tpu.memory_space<vmem>>[vector<16xi32>], vector<16xi32>,
      %get3A_2006 = arith.constant 0 : index
      %get3A_2007 = tpu.vector_load %arg8[%get3A_2006] {strides = array<i32>} : memref<656xi32, #tpu.memory_space<vmem>>, vector<16xi32>,
      %add3A_2008 = arith.addi %get3A_2007, %gather3A_2005 : vector<16xi32>
      %swap3A_2009 = arith.constant 0 : index
      %swap3A_2010 = tpu.vector_load %arg11[%swap3A_2009] {strides = array<i32>} : memref<656xi32, #tpu.memory_space<vmem>>, vector<16xi32>,
      tpu.vector_store %arg11[%swap3A_2009], %add3A_2008 {strides = array<i32>} : memref<656xi32, #tpu.memory_space<vmem>>, vector<16xi32>,
      %get3A_2011 = arith.constant 16 : index
      %get3A_2012 = tpu.vector_load %arg9[%get3A_2011] {strides = array<i32>} : memref<656xi32, #tpu.memory_space<vmem>>, vector<16xi32>,
      %mul3A_2013 = arith.constant 26 : i32
      %mul3A_2014 = arith.muli %add3A_1998, %mul3A_2013 : i32
      %add3A_2015 = vector.broadcast %mul3A_2014 : i32 to vector<16xi32>
      %add3A_2016 = arith.addi %add3A_2015, %get3A_2012 : vector<16xi32>
      %gather3A_2017 = tpu.vector_load_idx %arg7[%add3A_2016] : memref<3328xi32, #tpu.memory_space<vmem>>[vector<16xi32>], vector<16xi32>,
      %get3A_2018 = arith.constant 16 : index
      %get3A_2019 = tpu.vector_load %arg8[%get3A_2018] {strides = array<i32>} : memref<656xi32, #tpu.memory_space<vmem>>, vector<16xi32>,
      %add3A_2020 = arith.addi %get3A_2019, %gather3A_2017 : vector<16xi32>
      %swap3A_2021 = arith.constant 16 : index
      %swap3A_2022 = tpu.vector_load %arg11[%swap3A_2021] {strides = array<i32>} : memref<656xi32, #tpu.memory_space<vmem>>, vector<16xi32>,
      tpu.vector_store %arg11[%swap3A_2021], %add3A_2020 {strides = array<i32>} : memref<656xi32, #tpu.memory_space<vmem>>, vector<16xi32>,
      %get3A_2023 = arith.constant 32 : index
      %get3A_2024 = tpu.vector_load %arg9[%get3A_2023] {strides = array<i32>} : memref<656xi32, #tpu.memory_space<vmem>>, vector<16xi32>,
      %mul3A_2025 = arith.constant 26 : i32
      %mul3A_2026 = arith.muli %add3A_1998, %mul3A_2025 : i32
      %add3A_2027 = vector.broadcast %mul3A_2026 : i32 to vector<16xi32>
      %add3A_2028 = arith.addi %add3A_2027, %get3A_2024 : vector<16xi32>
      %gather3A_2029 = tpu.vector_load_idx %arg7[%add3A_2028] : memref<3328xi32, #tpu.memory_space<vmem>>[vector<16xi32>], vector<16xi32>,
      %get3A_2030 = arith.constant 32 : index
      %get3A_2031 = tpu.vector_load %arg8[%get3A_2030] {strides = array<i32>} : memref<656xi32, #tpu.memory_space<vmem>>, vector<16xi32>,
      %add3A_2032 = arith.addi %get3A_2031, %gather3A_2029 : vector<16xi32>
      %swap3A_2033 = arith.constant 32 : index
      %swap3A_2034 = tpu.vector_load %arg11[%swap3A_2033] {strides = array<i32>} : memref<656xi32, #tpu.memory_space<vmem>>, vector<16xi32>,
      tpu.vector_store %arg11[%swap3A_2033], %add3A_2032 {strides = array<i32>} : memref<656xi32, #tpu.memory_space<vmem>>, vector<16xi32>,
      %get3A_2035 = arith.constant 48 : index
      %get3A_2036 = tpu.vector_load %arg9[%get3A_2035] {strides = array<i32>} : memref<656xi32, #tpu.memory_space<vmem>>, vector<16xi32>,
      %mul3A_2037 = arith.constant 26 : i32
      %mul3A_2038 = arith.muli %add3A_1998, %mul3A_2037 : i32
      %add3A_2039 = vector.broadcast %mul3A_2038 : i32 to vector<16xi32>
      %add3A_2040 = arith.addi %add3A_2039, %get3A_2036 : vector<16xi32>
      %gather3A_2041 = tpu.vector_load_idx %arg7[%add3A_2040] : memref<3328xi32, #tpu.memory_space<vmem>>[vector<16xi32>], vector<16xi32>,
      %get3A_2042 = arith.constant 48 : index
      %get3A_2043 = tpu.vector_load %arg8[%get3A_2042] {strides = array<i32>} : memref<656xi32, #tpu.memory_space<vmem>>, vector<16xi32>,
      %add3A_2044 = arith.addi %get3A_2043, %gather3A_2041 : vector<16xi32>
      %swap3A_2045 = arith.constant 48 : index
      %swap3A_2046 = tpu.vector_load %arg11[%swap3A_2045] {strides = array<i32>} : memref<656xi32, #tpu.memory_space<vmem>>, vector<16xi32>,
      tpu.vector_store %arg11[%swap3A_2045], %add3A_2044 {strides = array<i32>} : memref<656xi32, #tpu.memory_space<vmem>>, vector<16xi32>,
      %get3A_2047 = arith.constant 64 : index
      %get3A_2048 = tpu.vector_load %arg9[%get3A_2047] {strides = array<i32>} : memref<656xi32, #tpu.memory_space<vmem>>, vector<16xi32>,
      %mul3A_2049 = arith.constant 26 : i32
      %mul3A_2050 = arith.muli %add3A_1998, %mul3A_2049 : i32
      %add3A_2051 = vector.broadcast %mul3A_2050 : i32 to vector<16xi32>
      %add3A_2052 = arith.addi %add3A_2051, %get3A_2048 : vector<16xi32>
      %gather3A_2053 = tpu.vector_load_idx %arg7[%add3A_2052] : memref<3328xi32, #tpu.memory_space<vmem>>[vector<16xi32>], vector<16xi32>,
      %get3A_2054 = arith.constant 64 : index
      %get3A_2055 = tpu.vector_load %arg8[%get3A_2054] {strides = array<i32>} : memref<656xi32, #tpu.memory_space<vmem>>, vector<16xi32>,
      %add3A_2056 = arith.addi %get3A_2055, %gather3A_2053 : vector<16xi32>
      %swap3A_2057 = arith.constant 64 : index
      %swap3A_2058 = tpu.vector_load %arg11[%swap3A_2057] {strides = array<i32>} : memref<656xi32, #tpu.memory_space<vmem>>, vector<16xi32>,
      tpu.vector_store %arg11[%swap3A_2057], %add3A_2056 {strides = array<i32>} : memref<656xi32, #tpu.memory_space<vmem>>, vector<16xi32>,
      %get3A_2059 = arith.constant 80 : index
      %get3A_2060 = tpu.vector_load %arg9[%get3A_2059] {strides = array<i32>} : memref<656xi32, #tpu.memory_space<vmem>>, vector<16xi32>,
      %mul3A_2061 = arith.constant 26 : i32
      %mul3A_2062 = arith.muli %add3A_1998, %mul3A_2061 : i32
      %add3A_2063 = vector.broadcast %mul3A_2062 : i32 to vector<16xi32>
      %add3A_2064 = arith.addi %add3A_2063, %get3A_2060 : vector<16xi32>
      %gather3A_2065 = tpu.vector_load_idx %arg7[%add3A_2064] : memref<3328xi32, #tpu.memory_space<vmem>>[vector<16xi32>], vector<16xi32>,
      %get3A_2066 = arith.constant 80 : index
      %get3A_2067 = tpu.vector_load %arg8[%get3A_2066] {strides = array<i32>} : memref<656xi32, #tpu.memory_space<vmem>>, vector<16xi32>,
      %add3A_2068 = arith.addi %get3A_2067, %gather3A_2065 : vector<16xi32>
      %swap3A_2069 = arith.constant 80 : index
      %swap3A_2070 = tpu.vector_load %arg11[%swap3A_2069] {strides = array<i32>} : memref<656xi32, #tpu.memory_space<vmem>>, vector<16xi32>,
      tpu.vector_store %arg11[%swap3A_2069], %add3A_2068 {strides = array<i32>} : memref<656xi32, #tpu.memory_space<vmem>>, vector<16xi32>,
      %get3A_2071 = arith.constant 96 : index
      %get3A_2072 = tpu.vector_load %arg9[%get3A_2071] {strides = array<i32>} : memref<656xi32, #tpu.memory_space<vmem>>, vector<16xi32>,
      %mul3A_2073 = arith.constant 26 : i32
      %mul3A_2074 = arith.muli %add3A_1998, %mul3A_2073 : i32
      %add3A_2075 = vector.broadcast %mul3A_2074 : i32 to vector<16xi32>
      %add3A_2076 = arith.addi %add3A_2075, %get3A_2072 : vector<16xi32>
      %gather3A_2077 = tpu.vector_load_idx %arg7[%add3A_2076] : memref<3328xi32, #tpu.memory_space<vmem>>[vector<16xi32>], vector<16xi32>,
      %get3A_2078 = arith.constant 96 : index
      %get3A_2079 = tpu.vector_load %arg8[%get3A_2078] {strides = array<i32>} : memref<656xi32, #tpu.memory_space<vmem>>, vector<16xi32>,
      %add3A_2080 = arith.addi %get3A_2079, %gather3A_2077 : vector<16xi32>
      %swap3A_2081 = arith.constant 96 : index
      %swap3A_2082 = tpu.vector_load %arg11[%swap3A_2081] {strides = array<i32>} : memref<656xi32, #tpu.memory_space<vmem>>, vector<16xi32>,
      tpu.vector_store %arg11[%swap3A_2081], %add3A_2080 {strides = array<i32>} : memref<656xi32, #tpu.memory_space<vmem>>, vector<16xi32>,
      %get3A_2083 = arith.constant 112 : index
      %get3A_2084 = tpu.vector_load %arg9[%get3A_2083] {strides = array<i32>} : memref<656xi32, #tpu.memory_space<vmem>>, vector<16xi32>,
      %mul3A_2085 = arith.constant 26 : i32
      %mul3A_2086 = arith.muli %add3A_1998, %mul3A_2085 : i32
      %add3A_2087 = vector.broadcast %mul3A_2086 : i32 to vector<16xi32>
      %add3A_2088 = arith.addi %add3A_2087, %get3A_2084 : vector<16xi32>
      %gather3A_2089 = tpu.vector_load_idx %arg7[%add3A_2088] : memref<3328xi32, #tpu.memory_space<vmem>>[vector<16xi32>], vector<16xi32>,
      %get3A_2090 = arith.constant 112 : index
      %get3A_2091 = tpu.vector_load %arg8[%get3A_2090] {strides = array<i32>} : memref<656xi32, #tpu.memory_space<vmem>>, vector<16xi32>,
      %add3A_2092 = arith.addi %get3A_2091, %gather3A_2089 : vector<16xi32>
      %swap3A_2093 = arith.constant 112 : index
      %swap3A_2094 = tpu.vector_load %arg11[%swap3A_2093] {strides = array<i32>} : memref<656xi32, #tpu.memory_space<vmem>>, vector<16xi32>,
      tpu.vector_store %arg11[%swap3A_2093], %add3A_2092 {strides = array<i32>} : memref<656xi32, #tpu.memory_space<vmem>>, vector<16xi32>,
      %get3A_2095 = arith.constant 128 : index
      %get3A_2096 = tpu.vector_load %arg9[%get3A_2095] {strides = array<i32>} : memref<656xi32, #tpu.memory_space<vmem>>, vector<16xi32>,
      %mul3A_2097 = arith.constant 26 : i32
      %mul3A_2098 = arith.muli %add3A_1998, %mul3A_2097 : i32
      %add3A_2099 = vector.broadcast %mul3A_2098 : i32 to vector<16xi32>
      %add3A_2100 = arith.addi %add3A_2099, %get3A_2096 : vector<16xi32>
      %gather3A_2101 = tpu.vector_load_idx %arg7[%add3A_2100] : memref<3328xi32, #tpu.memory_space<vmem>>[vector<16xi32>], vector<16xi32>,
      %get3A_2102 = arith.constant 128 : index
      %get3A_2103 = tpu.vector_load %arg8[%get3A_2102] {strides = array<i32>} : memref<656xi32, #tpu.memory_space<vmem>>, vector<16xi32>,
      %add3A_2104 = arith.addi %get3A_2103, %gather3A_2101 : vector<16xi32>
      %swap3A_2105 = arith.constant 128 : index
      %swap3A_2106 = tpu.vector_load %arg11[%swap3A_2105] {strides = array<i32>} : memref<656xi32, #tpu.memory_space<vmem>>, vector<16xi32>,
      tpu.vector_store %arg11[%swap3A_2105], %add3A_2104 {strides = array<i32>} : memref<656xi32, #tpu.memory_space<vmem>>, vector<16xi32>,
      %get3A_2107 = arith.constant 144 : index
      %get3A_2108 = tpu.vector_load %arg9[%get3A_2107] {strides = array<i32>} : memref<656xi32, #tpu.memory_space<vmem>>, vector<16xi32>,
      %mul3A_2109 = arith.constant 26 : i32
      %mul3A_2110 = arith.muli %add3A_1998, %mul3A_2109 : i32
      %add3A_2111 = vector.broadcast %mul3A_2110 : i32 to vector<16xi32>
      %add3A_2112 = arith.addi %add3A_2111, %get3A_2108 : vector<16xi32>
      %gather3A_2113 = tpu.vector_load_idx %arg7[%add3A_2112] : memref<3328xi32, #tpu.memory_space<vmem>>[vector<16xi32>], vector<16xi32>,
      %get3A_2114 = arith.constant 144 : index
      %get3A_2115 = tpu.vector_load %arg8[%get3A_2114] {strides = array<i32>} : memref<656xi32, #tpu.memory_space<vmem>>, vector<16xi32>,
      %add3A_2116 = arith.addi %get3A_2115, %gather3A_2113 : vector<16xi32>
      %swap3A_2117 = arith.constant 144 : index
      %swap3A_2118 = tpu.vector_load %arg11[%swap3A_2117] {strides = array<i32>} : memref<656xi32, #tpu.memory_space<vmem>>, vector<16xi32>,
      tpu.vector_store %arg11[%swap3A_2117], %add3A_2116 {strides = array<i32>} : memref<656xi32, #tpu.memory_space<vmem>>, vector<16xi32>,
      %get3A_2119 = arith.constant 160 : index
      %get3A_2120 = tpu.vector_load %arg9[%get3A_2119] {strides = array<i32>} : memref<656xi32, #tpu.memory_space<vmem>>, vector<16xi32>,
      %mul3A_2121 = arith.constant 26 : i32
      %mul3A_2122 = arith.muli %add3A_1998, %mul3A_2121 : i32
      %add3A_2123 = vector.broadcast %mul3A_2122 : i32 to vector<16xi32>
      %add3A_2124 = arith.addi %add3A_2123, %get3A_2120 : vector<16xi32>
      %gather3A_2125 = tpu.vector_load_idx %arg7[%add3A_2124] : memref<3328xi32, #tpu.memory_space<vmem>>[vector<16xi32>], vector<16xi32>,
      %get3A_2126 = arith.constant 160 : index
      %get3A_2127 = tpu.vector_load %arg8[%get3A_2126] {strides = array<i32>} : memref<656xi32, #tpu.memory_space<vmem>>, vector<16xi32>,
      %add3A_2128 = arith.addi %get3A_2127, %gather3A_2125 : vector<16xi32>
      %swap3A_2129 = arith.constant 160 : index
      %swap3A_2130 = tpu.vector_load %arg11[%swap3A_2129] {strides = array<i32>} : memref<656xi32, #tpu.memory_space<vmem>>, vector<16xi32>,
      tpu.vector_store %arg11[%swap3A_2129], %add3A_2128 {strides = array<i32>} : memref<656xi32, #tpu.memory_space<vmem>>, vector<16xi32>,
      %get3A_2131 = arith.constant 176 : index
      %get3A_2132 = tpu.vector_load %arg9[%get3A_2131] {strides = array<i32>} : memref<656xi32, #tpu.memory_space<vmem>>, vector<16xi32>,
      %mul3A_2133 = arith.constant 26 : i32
      %mul3A_2134 = arith.muli %add3A_1998, %mul3A_2133 : i32
      %add3A_2135 = vector.broadcast %mul3A_2134 : i32 to vector<16xi32>
      %add3A_2136 = arith.addi %add3A_2135, %get3A_2132 : vector<16xi32>
      %gather3A_2137 = tpu.vector_load_idx %arg7[%add3A_2136] : memref<3328xi32, #tpu.memory_space<vmem>>[vector<16xi32>], vector<16xi32>,
      %get3A_2138 = arith.constant 176 : index
      %get3A_2139 = tpu.vector_load %arg8[%get3A_2138] {strides = array<i32>} : memref<656xi32, #tpu.memory_space<vmem>>, vector<16xi32>,
      %add3A_2140 = arith.addi %get3A_2139, %gather3A_2137 : vector<16xi32>
      %swap3A_2141 = arith.constant 176 : index
      %swap3A_2142 = tpu.vector_load %arg11[%swap3A_2141] {strides = array<i32>} : memref<656xi32, #tpu.memory_space<vmem>>, vector<16xi32>,
      tpu.vector_store %arg11[%swap3A_2141], %add3A_2140 {strides = array<i32>} : memref<656xi32, #tpu.memory_space<vmem>>, vector<16xi32>,
      %get3A_2143 = arith.constant 192 : index
      %get3A_2144 = tpu.vector_load %arg9[%get3A_2143] {strides = array<i32>} : memref<656xi32, #tpu.memory_space<vmem>>, vector<16xi32>,
      %mul3A_2145 = arith.constant 26 : i32
      %mul3A_2146 = arith.muli %add3A_1998, %mul3A_2145 : i32
      %add3A_2147 = vector.broadcast %mul3A_2146 : i32 to vector<16xi32>
      %add3A_2148 = arith.addi %add3A_2147, %get3A_2144 : vector<16xi32>
      %gather3A_2149 = tpu.vector_load_idx %arg7[%add3A_2148] : memref<3328xi32, #tpu.memory_space<vmem>>[vector<16xi32>], vector<16xi32>,
      %get3A_2150 = arith.constant 192 : index
      %get3A_2151 = tpu.vector_load %arg8[%get3A_2150] {strides = array<i32>} : memref<656xi32, #tpu.memory_space<vmem>>, vector<16xi32>,
      %add3A_2152 = arith.addi %get3A_2151, %gather3A_2149 : vector<16xi32>
      %swap3A_2153 = arith.constant 192 : index
      %swap3A_2154 = tpu.vector_load %arg11[%swap3A_2153] {strides = array<i32>} : memref<656xi32, #tpu.memory_space<vmem>>, vector<16xi32>,
      tpu.vector_store %arg11[%swap3A_2153], %add3A_2152 {strides = array<i32>} : memref<656xi32, #tpu.memory_space<vmem>>, vector<16xi32>,
      %get3A_2155 = arith.constant 208 : index
      %get3A_2156 = tpu.vector_load %arg9[%get3A_2155] {strides = array<i32>} : memref<656xi32, #tpu.memory_space<vmem>>, vector<16xi32>,
      %mul3A_2157 = arith.constant 26 : i32
      %mul3A_2158 = arith.muli %add3A_1998, %mul3A_2157 : i32
      %add3A_2159 = vector.broadcast %mul3A_2158 : i32 to vector<16xi32>
      %add3A_2160 = arith.addi %add3A_2159, %get3A_2156 : vector<16xi32>
      %gather3A_2161 = tpu.vector_load_idx %arg7[%add3A_2160] : memref<3328xi32, #tpu.memory_space<vmem>>[vector<16xi32>], vector<16xi32>,
      %get3A_2162 = arith.constant 208 : index
      %get3A_2163 = tpu.vector_load %arg8[%get3A_2162] {strides = array<i32>} : memref<656xi32, #tpu.memory_space<vmem>>, vector<16xi32>,
      %add3A_2164 = arith.addi %get3A_2163, %gather3A_2161 : vector<16xi32>
      %swap3A_2165 = arith.constant 208 : index
      %swap3A_2166 = tpu.vector_load %arg11[%swap3A_2165] {strides = array<i32>} : memref<656xi32, #tpu.memory_space<vmem>>, vector<16xi32>,
      tpu.vector_store %arg11[%swap3A_2165], %add3A_2164 {strides = array<i32>} : memref<656xi32, #tpu.memory_space<vmem>>, vector<16xi32>,
      %get3A_2167 = arith.constant 224 : index
      %get3A_2168 = tpu.vector_load %arg9[%get3A_2167] {strides = array<i32>} : memref<656xi32, #tpu.memory_space<vmem>>, vector<16xi32>,
      %mul3A_2169 = arith.constant 26 : i32
      %mul3A_2170 = arith.muli %add3A_1998, %mul3A_2169 : i32
      %add3A_2171 = vector.broadcast %mul3A_2170 : i32 to vector<16xi32>
      %add3A_2172 = arith.addi %add3A_2171, %get3A_2168 : vector<16xi32>
      %gather3A_2173 = tpu.vector_load_idx %arg7[%add3A_2172] : memref<3328xi32, #tpu.memory_space<vmem>>[vector<16xi32>], vector<16xi32>,
      %get3A_2174 = arith.constant 224 : index
      %get3A_2175 = tpu.vector_load %arg8[%get3A_2174] {strides = array<i32>} : memref<656xi32, #tpu.memory_space<vmem>>, vector<16xi32>,
      %add3A_2176 = arith.addi %get3A_2175, %gather3A_2173 : vector<16xi32>
      %swap3A_2177 = arith.constant 224 : index
      %swap3A_2178 = tpu.vector_load %arg11[%swap3A_2177] {strides = array<i32>} : memref<656xi32, #tpu.memory_space<vmem>>, vector<16xi32>,
      tpu.vector_store %arg11[%swap3A_2177], %add3A_2176 {strides = array<i32>} : memref<656xi32, #tpu.memory_space<vmem>>, vector<16xi32>,
      %get3A_2179 = arith.constant 240 : index
      %get3A_2180 = tpu.vector_load %arg9[%get3A_2179] {strides = array<i32>} : memref<656xi32, #tpu.memory_space<vmem>>, vector<16xi32>,
      %mul3A_2181 = arith.constant 26 : i32
      %mul3A_2182 = arith.muli %add3A_1998, %mul3A_2181 : i32
      %add3A_2183 = vector.broadcast %mul3A_2182 : i32 to vector<16xi32>
      %add3A_2184 = arith.addi %add3A_2183, %get3A_2180 : vector<16xi32>
      %gather3A_2185 = tpu.vector_load_idx %arg7[%add3A_2184] : memref<3328xi32, #tpu.memory_space<vmem>>[vector<16xi32>], vector<16xi32>,
      %get3A_2186 = arith.constant 240 : index
      %get3A_2187 = tpu.vector_load %arg8[%get3A_2186] {strides = array<i32>} : memref<656xi32, #tpu.memory_space<vmem>>, vector<16xi32>,
      %add3A_2188 = arith.addi %get3A_2187, %gather3A_2185 : vector<16xi32>
      %swap3A_2189 = arith.constant 240 : index
      %swap3A_2190 = tpu.vector_load %arg11[%swap3A_2189] {strides = array<i32>} : memref<656xi32, #tpu.memory_space<vmem>>, vector<16xi32>,
      tpu.vector_store %arg11[%swap3A_2189], %add3A_2188 {strides = array<i32>} : memref<656xi32, #tpu.memory_space<vmem>>, vector<16xi32>,
      %get3A_2191 = arith.constant 256 : index
      %get3A_2192 = tpu.vector_load %arg9[%get3A_2191] {strides = array<i32>} : memref<656xi32, #tpu.memory_space<vmem>>, vector<16xi32>,
      %mul3A_2193 = arith.constant 26 : i32
      %mul3A_2194 = arith.muli %add3A_1998, %mul3A_2193 : i32
      %add3A_2195 = vector.broadcast %mul3A_2194 : i32 to vector<16xi32>
      %add3A_2196 = arith.addi %add3A_2195, %get3A_2192 : vector<16xi32>
      %gather3A_2197 = tpu.vector_load_idx %arg7[%add3A_2196] : memref<3328xi32, #tpu.memory_space<vmem>>[vector<16xi32>], vector<16xi32>,
      %get3A_2198 = arith.constant 256 : index
      %get3A_2199 = tpu.vector_load %arg8[%get3A_2198] {strides = array<i32>} : memref<656xi32, #tpu.memory_space<vmem>>, vector<16xi32>,
      %add3A_2200 = arith.addi %get3A_2199, %gather3A_2197 : vector<16xi32>
      %swap3A_2201 = arith.constant 256 : index
      %swap3A_2202 = tpu.vector_load %arg11[%swap3A_2201] {strides = array<i32>} : memref<656xi32, #tpu.memory_space<vmem>>, vector<16xi32>,
      tpu.vector_store %arg11[%swap3A_2201], %add3A_2200 {strides = array<i32>} : memref<656xi32, #tpu.memory_space<vmem>>, vector<16xi32>,
      %get3A_2203 = arith.constant 272 : index
      %get3A_2204 = tpu.vector_load %arg9[%get3A_2203] {strides = array<i32>} : memref<656xi32, #tpu.memory_space<vmem>>, vector<16xi32>,
      %mul3A_2205 = arith.constant 26 : i32
      %mul3A_2206 = arith.muli %add3A_1998, %mul3A_2205 : i32
      %add3A_2207 = vector.broadcast %mul3A_2206 : i32 to vector<16xi32>
      %add3A_2208 = arith.addi %add3A_2207, %get3A_2204 : vector<16xi32>
      %gather3A_2209 = tpu.vector_load_idx %arg7[%add3A_2208] : memref<3328xi32, #tpu.memory_space<vmem>>[vector<16xi32>], vector<16xi32>,
      %get3A_2210 = arith.constant 272 : index
      %get3A_2211 = tpu.vector_load %arg8[%get3A_2210] {strides = array<i32>} : memref<656xi32, #tpu.memory_space<vmem>>, vector<16xi32>,
      %add3A_2212 = arith.addi %get3A_2211, %gather3A_2209 : vector<16xi32>
      %swap3A_2213 = arith.constant 272 : index
      %swap3A_2214 = tpu.vector_load %arg11[%swap3A_2213] {strides = array<i32>} : memref<656xi32, #tpu.memory_space<vmem>>, vector<16xi32>,
      tpu.vector_store %arg11[%swap3A_2213], %add3A_2212 {strides = array<i32>} : memref<656xi32, #tpu.memory_space<vmem>>, vector<16xi32>,
      %get3A_2215 = arith.constant 288 : index
      %get3A_2216 = tpu.vector_load %arg9[%get3A_2215] {strides = array<i32>} : memref<656xi32, #tpu.memory_space<vmem>>, vector<16xi32>,
      %mul3A_2217 = arith.constant 26 : i32
      %mul3A_2218 = arith.muli %add3A_1998, %mul3A_2217 : i32
      %add3A_2219 = vector.broadcast %mul3A_2218 : i32 to vector<16xi32>
      %add3A_2220 = arith.addi %add3A_2219, %get3A_2216 : vector<16xi32>
      %gather3A_2221 = tpu.vector_load_idx %arg7[%add3A_2220] : memref<3328xi32, #tpu.memory_space<vmem>>[vector<16xi32>], vector<16xi32>,
      %get3A_2222 = arith.constant 288 : index
      %get3A_2223 = tpu.vector_load %arg8[%get3A_2222] {strides = array<i32>} : memref<656xi32, #tpu.memory_space<vmem>>, vector<16xi32>,
      %add3A_2224 = arith.addi %get3A_2223, %gather3A_2221 : vector<16xi32>
      %swap3A_2225 = arith.constant 288 : index
      %swap3A_2226 = tpu.vector_load %arg11[%swap3A_2225] {strides = array<i32>} : memref<656xi32, #tpu.memory_space<vmem>>, vector<16xi32>,
      tpu.vector_store %arg11[%swap3A_2225], %add3A_2224 {strides = array<i32>} : memref<656xi32, #tpu.memory_space<vmem>>, vector<16xi32>,
      %get3A_2227 = arith.constant 304 : index
      %get3A_2228 = tpu.vector_load %arg9[%get3A_2227] {strides = array<i32>} : memref<656xi32, #tpu.memory_space<vmem>>, vector<16xi32>,
      %mul3A_2229 = arith.constant 26 : i32
      %mul3A_2230 = arith.muli %add3A_1998, %mul3A_2229 : i32
      %add3A_2231 = vector.broadcast %mul3A_2230 : i32 to vector<16xi32>
      %add3A_2232 = arith.addi %add3A_2231, %get3A_2228 : vector<16xi32>
      %gather3A_2233 = tpu.vector_load_idx %arg7[%add3A_2232] : memref<3328xi32, #tpu.memory_space<vmem>>[vector<16xi32>], vector<16xi32>,
      %get3A_2234 = arith.constant 304 : index
      %get3A_2235 = tpu.vector_load %arg8[%get3A_2234] {strides = array<i32>} : memref<656xi32, #tpu.memory_space<vmem>>, vector<16xi32>,
      %add3A_2236 = arith.addi %get3A_2235, %gather3A_2233 : vector<16xi32>
      %swap3A_2237 = arith.constant 304 : index
      %swap3A_2238 = tpu.vector_load %arg11[%swap3A_2237] {strides = array<i32>} : memref<656xi32, #tpu.memory_space<vmem>>, vector<16xi32>,
      tpu.vector_store %arg11[%swap3A_2237], %add3A_2236 {strides = array<i32>} : memref<656xi32, #tpu.memory_space<vmem>>, vector<16xi32>,
      %get3A_2239 = arith.constant 320 : index
      %get3A_2240 = tpu.vector_load %arg9[%get3A_2239] {strides = array<i32>} : memref<656xi32, #tpu.memory_space<vmem>>, vector<16xi32>,
      %mul3A_2241 = arith.constant 26 : i32
      %mul3A_2242 = arith.muli %add3A_1998, %mul3A_2241 : i32
      %add3A_2243 = vector.broadcast %mul3A_2242 : i32 to vector<16xi32>
      %add3A_2244 = arith.addi %add3A_2243, %get3A_2240 : vector<16xi32>
      %gather3A_2245 = tpu.vector_load_idx %arg7[%add3A_2244] : memref<3328xi32, #tpu.memory_space<vmem>>[vector<16xi32>], vector<16xi32>,
      %get3A_2246 = arith.constant 320 : index
      %get3A_2247 = tpu.vector_load %arg8[%get3A_2246] {strides = array<i32>} : memref<656xi32, #tpu.memory_space<vmem>>, vector<16xi32>,
      %add3A_2248 = arith.addi %get3A_2247, %gather3A_2245 : vector<16xi32>
      %swap3A_2249 = arith.constant 320 : index
      %swap3A_2250 = tpu.vector_load %arg11[%swap3A_2249] {strides = array<i32>} : memref<656xi32, #tpu.memory_space<vmem>>, vector<16xi32>,
      tpu.vector_store %arg11[%swap3A_2249], %add3A_2248 {strides = array<i32>} : memref<656xi32, #tpu.memory_space<vmem>>, vector<16xi32>,
      %get3A_2251 = arith.constant 336 : index
      %get3A_2252 = tpu.vector_load %arg9[%get3A_2251] {strides = array<i32>} : memref<656xi32, #tpu.memory_space<vmem>>, vector<16xi32>,
      %mul3A_2253 = arith.constant 26 : i32
      %mul3A_2254 = arith.muli %add3A_1998, %mul3A_2253 : i32
      %add3A_2255 = vector.broadcast %mul3A_2254 : i32 to vector<16xi32>
      %add3A_2256 = arith.addi %add3A_2255, %get3A_2252 : vector<16xi32>
      %gather3A_2257 = tpu.vector_load_idx %arg7[%add3A_2256] : memref<3328xi32, #tpu.memory_space<vmem>>[vector<16xi32>], vector<16xi32>,
      %get3A_2258 = arith.constant 336 : index
      %get3A_2259 = tpu.vector_load %arg8[%get3A_2258] {strides = array<i32>} : memref<656xi32, #tpu.memory_space<vmem>>, vector<16xi32>,
      %add3A_2260 = arith.addi %get3A_2259, %gather3A_2257 : vector<16xi32>
      %swap3A_2261 = arith.constant 336 : index
      %swap3A_2262 = tpu.vector_load %arg11[%swap3A_2261] {strides = array<i32>} : memref<656xi32, #tpu.memory_space<vmem>>, vector<16xi32>,
      tpu.vector_store %arg11[%swap3A_2261], %add3A_2260 {strides = array<i32>} : memref<656xi32, #tpu.memory_space<vmem>>, vector<16xi32>,
      %get3A_2263 = arith.constant 352 : index
      %get3A_2264 = tpu.vector_load %arg9[%get3A_2263] {strides = array<i32>} : memref<656xi32, #tpu.memory_space<vmem>>, vector<16xi32>,
      %mul3A_2265 = arith.constant 26 : i32
      %mul3A_2266 = arith.muli %add3A_1998, %mul3A_2265 : i32
      %add3A_2267 = vector.broadcast %mul3A_2266 : i32 to vector<16xi32>
      %add3A_2268 = arith.addi %add3A_2267, %get3A_2264 : vector<16xi32>
      %gather3A_2269 = tpu.vector_load_idx %arg7[%add3A_2268] : memref<3328xi32, #tpu.memory_space<vmem>>[vector<16xi32>], vector<16xi32>,
      %get3A_2270 = arith.constant 352 : index
      %get3A_2271 = tpu.vector_load %arg8[%get3A_2270] {strides = array<i32>} : memref<656xi32, #tpu.memory_space<vmem>>, vector<16xi32>,
      %add3A_2272 = arith.addi %get3A_2271, %gather3A_2269 : vector<16xi32>
      %swap3A_2273 = arith.constant 352 : index
      %swap3A_2274 = tpu.vector_load %arg11[%swap3A_2273] {strides = array<i32>} : memref<656xi32, #tpu.memory_space<vmem>>, vector<16xi32>,
      tpu.vector_store %arg11[%swap3A_2273], %add3A_2272 {strides = array<i32>} : memref<656xi32, #tpu.memory_space<vmem>>, vector<16xi32>,
      %get3A_2275 = arith.constant 368 : index
      %get3A_2276 = tpu.vector_load %arg9[%get3A_2275] {strides = array<i32>} : memref<656xi32, #tpu.memory_space<vmem>>, vector<16xi32>,
      %mul3A_2277 = arith.constant 26 : i32
      %mul3A_2278 = arith.muli %add3A_1998, %mul3A_2277 : i32
      %add3A_2279 = vector.broadcast %mul3A_2278 : i32 to vector<16xi32>
      %add3A_2280 = arith.addi %add3A_2279, %get3A_2276 : vector<16xi32>
      %gather3A_2281 = tpu.vector_load_idx %arg7[%add3A_2280] : memref<3328xi32, #tpu.memory_space<vmem>>[vector<16xi32>], vector<16xi32>,
      %get3A_2282 = arith.constant 368 : index
      %get3A_2283 = tpu.vector_load %arg8[%get3A_2282] {strides = array<i32>} : memref<656xi32, #tpu.memory_space<vmem>>, vector<16xi32>,
      %add3A_2284 = arith.addi %get3A_2283, %gather3A_2281 : vector<16xi32>
      %swap3A_2285 = arith.constant 368 : index
      %swap3A_2286 = tpu.vector_load %arg11[%swap3A_2285] {strides = array<i32>} : memref<656xi32, #tpu.memory_space<vmem>>, vector<16xi32>,
      tpu.vector_store %arg11[%swap3A_2285], %add3A_2284 {strides = array<i32>} : memref<656xi32, #tpu.memory_space<vmem>>, vector<16xi32>,
      %get3A_2287 = arith.constant 384 : index
      %get3A_2288 = tpu.vector_load %arg9[%get3A_2287] {strides = array<i32>} : memref<656xi32, #tpu.memory_space<vmem>>, vector<16xi32>,
      %mul3A_2289 = arith.constant 26 : i32
      %mul3A_2290 = arith.muli %add3A_1998, %mul3A_2289 : i32
      %add3A_2291 = vector.broadcast %mul3A_2290 : i32 to vector<16xi32>
      %add3A_2292 = arith.addi %add3A_2291, %get3A_2288 : vector<16xi32>
      %gather3A_2293 = tpu.vector_load_idx %arg7[%add3A_2292] : memref<3328xi32, #tpu.memory_space<vmem>>[vector<16xi32>], vector<16xi32>,
      %get3A_2294 = arith.constant 384 : index
      %get3A_2295 = tpu.vector_load %arg8[%get3A_2294] {strides = array<i32>} : memref<656xi32, #tpu.memory_space<vmem>>, vector<16xi32>,
      %add3A_2296 = arith.addi %get3A_2295, %gather3A_2293 : vector<16xi32>
      %swap3A_2297 = arith.constant 384 : index
      %swap3A_2298 = tpu.vector_load %arg11[%swap3A_2297] {strides = array<i32>} : memref<656xi32, #tpu.memory_space<vmem>>, vector<16xi32>,
      tpu.vector_store %arg11[%swap3A_2297], %add3A_2296 {strides = array<i32>} : memref<656xi32, #tpu.memory_space<vmem>>, vector<16xi32>,
      %get3A_2299 = arith.constant 400 : index
      %get3A_2300 = tpu.vector_load %arg9[%get3A_2299] {strides = array<i32>} : memref<656xi32, #tpu.memory_space<vmem>>, vector<16xi32>,
      %mul3A_2301 = arith.constant 26 : i32
      %mul3A_2302 = arith.muli %add3A_1998, %mul3A_2301 : i32
      %add3A_2303 = vector.broadcast %mul3A_2302 : i32 to vector<16xi32>
      %add3A_2304 = arith.addi %add3A_2303, %get3A_2300 : vector<16xi32>
      %gather3A_2305 = tpu.vector_load_idx %arg7[%add3A_2304] : memref<3328xi32, #tpu.memory_space<vmem>>[vector<16xi32>], vector<16xi32>,
      %get3A_2306 = arith.constant 400 : index
      %get3A_2307 = tpu.vector_load %arg8[%get3A_2306] {strides = array<i32>} : memref<656xi32, #tpu.memory_space<vmem>>, vector<16xi32>,
      %add3A_2308 = arith.addi %get3A_2307, %gather3A_2305 : vector<16xi32>
      %swap3A_2309 = arith.constant 400 : index
      %swap3A_2310 = tpu.vector_load %arg11[%swap3A_2309] {strides = array<i32>} : memref<656xi32, #tpu.memory_space<vmem>>, vector<16xi32>,
      tpu.vector_store %arg11[%swap3A_2309], %add3A_2308 {strides = array<i32>} : memref<656xi32, #tpu.memory_space<vmem>>, vector<16xi32>,
      %get3A_2311 = arith.constant 416 : index
      %get3A_2312 = tpu.vector_load %arg9[%get3A_2311] {strides = array<i32>} : memref<656xi32, #tpu.memory_space<vmem>>, vector<16xi32>,
      %mul3A_2313 = arith.constant 26 : i32
      %mul3A_2314 = arith.muli %add3A_1998, %mul3A_2313 : i32
      %add3A_2315 = vector.broadcast %mul3A_2314 : i32 to vector<16xi32>
      %add3A_2316 = arith.addi %add3A_2315, %get3A_2312 : vector<16xi32>
      %gather3A_2317 = tpu.vector_load_idx %arg7[%add3A_2316] : memref<3328xi32, #tpu.memory_space<vmem>>[vector<16xi32>], vector<16xi32>,
      %get3A_2318 = arith.constant 416 : index
      %get3A_2319 = tpu.vector_load %arg8[%get3A_2318] {strides = array<i32>} : memref<656xi32, #tpu.memory_space<vmem>>, vector<16xi32>,
      %add3A_2320 = arith.addi %get3A_2319, %gather3A_2317 : vector<16xi32>
      %swap3A_2321 = arith.constant 416 : index
      %swap3A_2322 = tpu.vector_load %arg11[%swap3A_2321] {strides = array<i32>} : memref<656xi32, #tpu.memory_space<vmem>>, vector<16xi32>,
      tpu.vector_store %arg11[%swap3A_2321], %add3A_2320 {strides = array<i32>} : memref<656xi32, #tpu.memory_space<vmem>>, vector<16xi32>,
      %get3A_2323 = arith.constant 432 : index
      %get3A_2324 = tpu.vector_load %arg9[%get3A_2323] {strides = array<i32>} : memref<656xi32, #tpu.memory_space<vmem>>, vector<16xi32>,
      %mul3A_2325 = arith.constant 26 : i32
      %mul3A_2326 = arith.muli %add3A_1998, %mul3A_2325 : i32
      %add3A_2327 = vector.broadcast %mul3A_2326 : i32 to vector<16xi32>
      %add3A_2328 = arith.addi %add3A_2327, %get3A_2324 : vector<16xi32>
      %gather3A_2329 = tpu.vector_load_idx %arg7[%add3A_2328] : memref<3328xi32, #tpu.memory_space<vmem>>[vector<16xi32>], vector<16xi32>,
      %get3A_2330 = arith.constant 432 : index
      %get3A_2331 = tpu.vector_load %arg8[%get3A_2330] {strides = array<i32>} : memref<656xi32, #tpu.memory_space<vmem>>, vector<16xi32>,
      %add3A_2332 = arith.addi %get3A_2331, %gather3A_2329 : vector<16xi32>
      %swap3A_2333 = arith.constant 432 : index
      %swap3A_2334 = tpu.vector_load %arg11[%swap3A_2333] {strides = array<i32>} : memref<656xi32, #tpu.memory_space<vmem>>, vector<16xi32>,
      tpu.vector_store %arg11[%swap3A_2333], %add3A_2332 {strides = array<i32>} : memref<656xi32, #tpu.memory_space<vmem>>, vector<16xi32>,
      %get3A_2335 = arith.constant 448 : index
      %get3A_2336 = tpu.vector_load %arg9[%get3A_2335] {strides = array<i32>} : memref<656xi32, #tpu.memory_space<vmem>>, vector<16xi32>,
      %mul3A_2337 = arith.constant 26 : i32
      %mul3A_2338 = arith.muli %add3A_1998, %mul3A_2337 : i32
      %add3A_2339 = vector.broadcast %mul3A_2338 : i32 to vector<16xi32>
      %add3A_2340 = arith.addi %add3A_2339, %get3A_2336 : vector<16xi32>
      %gather3A_2341 = tpu.vector_load_idx %arg7[%add3A_2340] : memref<3328xi32, #tpu.memory_space<vmem>>[vector<16xi32>], vector<16xi32>,
      %get3A_2342 = arith.constant 448 : index
      %get3A_2343 = tpu.vector_load %arg8[%get3A_2342] {strides = array<i32>} : memref<656xi32, #tpu.memory_space<vmem>>, vector<16xi32>,
      %add3A_2344 = arith.addi %get3A_2343, %gather3A_2341 : vector<16xi32>
      %swap3A_2345 = arith.constant 448 : index
      %swap3A_2346 = tpu.vector_load %arg11[%swap3A_2345] {strides = array<i32>} : memref<656xi32, #tpu.memory_space<vmem>>, vector<16xi32>,
      tpu.vector_store %arg11[%swap3A_2345], %add3A_2344 {strides = array<i32>} : memref<656xi32, #tpu.memory_space<vmem>>, vector<16xi32>,
      %get3A_2347 = arith.constant 464 : index
      %get3A_2348 = tpu.vector_load %arg9[%get3A_2347] {strides = array<i32>} : memref<656xi32, #tpu.memory_space<vmem>>, vector<16xi32>,
      %mul3A_2349 = arith.constant 26 : i32
      %mul3A_2350 = arith.muli %add3A_1998, %mul3A_2349 : i32
      %add3A_2351 = vector.broadcast %mul3A_2350 : i32 to vector<16xi32>
      %add3A_2352 = arith.addi %add3A_2351, %get3A_2348 : vector<16xi32>
      %gather3A_2353 = tpu.vector_load_idx %arg7[%add3A_2352] : memref<3328xi32, #tpu.memory_space<vmem>>[vector<16xi32>], vector<16xi32>,
      %get3A_2354 = arith.constant 464 : index
      %get3A_2355 = tpu.vector_load %arg8[%get3A_2354] {strides = array<i32>} : memref<656xi32, #tpu.memory_space<vmem>>, vector<16xi32>,
      %add3A_2356 = arith.addi %get3A_2355, %gather3A_2353 : vector<16xi32>
      %swap3A_2357 = arith.constant 464 : index
      %swap3A_2358 = tpu.vector_load %arg11[%swap3A_2357] {strides = array<i32>} : memref<656xi32, #tpu.memory_space<vmem>>, vector<16xi32>,
      tpu.vector_store %arg11[%swap3A_2357], %add3A_2356 {strides = array<i32>} : memref<656xi32, #tpu.memory_space<vmem>>, vector<16xi32>,
      %get3A_2359 = arith.constant 480 : index
      %get3A_2360 = tpu.vector_load %arg9[%get3A_2359] {strides = array<i32>} : memref<656xi32, #tpu.memory_space<vmem>>, vector<16xi32>,
      %mul3A_2361 = arith.constant 26 : i32
      %mul3A_2362 = arith.muli %add3A_1998, %mul3A_2361 : i32
      %add3A_2363 = vector.broadcast %mul3A_2362 : i32 to vector<16xi32>
      %add3A_2364 = arith.addi %add3A_2363, %get3A_2360 : vector<16xi32>
      %gather3A_2365 = tpu.vector_load_idx %arg7[%add3A_2364] : memref<3328xi32, #tpu.memory_space<vmem>>[vector<16xi32>], vector<16xi32>,
      %get3A_2366 = arith.constant 480 : index
      %get3A_2367 = tpu.vector_load %arg8[%get3A_2366] {strides = array<i32>} : memref<656xi32, #tpu.memory_space<vmem>>, vector<16xi32>,
      %add3A_2368 = arith.addi %get3A_2367, %gather3A_2365 : vector<16xi32>
      %swap3A_2369 = arith.constant 480 : index
      %swap3A_2370 = tpu.vector_load %arg11[%swap3A_2369] {strides = array<i32>} : memref<656xi32, #tpu.memory_space<vmem>>, vector<16xi32>,
      tpu.vector_store %arg11[%swap3A_2369], %add3A_2368 {strides = array<i32>} : memref<656xi32, #tpu.memory_space<vmem>>, vector<16xi32>,
      %get3A_2371 = arith.constant 496 : index
      %get3A_2372 = tpu.vector_load %arg9[%get3A_2371] {strides = array<i32>} : memref<656xi32, #tpu.memory_space<vmem>>, vector<16xi32>,
      %mul3A_2373 = arith.constant 26 : i32
      %mul3A_2374 = arith.muli %add3A_1998, %mul3A_2373 : i32
      %add3A_2375 = vector.broadcast %mul3A_2374 : i32 to vector<16xi32>
      %add3A_2376 = arith.addi %add3A_2375, %get3A_2372 : vector<16xi32>
      %gather3A_2377 = tpu.vector_load_idx %arg7[%add3A_2376] : memref<3328xi32, #tpu.memory_space<vmem>>[vector<16xi32>], vector<16xi32>,
      %get3A_2378 = arith.constant 496 : index
      %get3A_2379 = tpu.vector_load %arg8[%get3A_2378] {strides = array<i32>} : memref<656xi32, #tpu.memory_space<vmem>>, vector<16xi32>,
      %add3A_2380 = arith.addi %get3A_2379, %gather3A_2377 : vector<16xi32>
      %swap3A_2381 = arith.constant 496 : index
      %swap3A_2382 = tpu.vector_load %arg11[%swap3A_2381] {strides = array<i32>} : memref<656xi32, #tpu.memory_space<vmem>>, vector<16xi32>,
      tpu.vector_store %arg11[%swap3A_2381], %add3A_2380 {strides = array<i32>} : memref<656xi32, #tpu.memory_space<vmem>>, vector<16xi32>,
      %get3A_2383 = arith.constant 512 : index
      %get3A_2384 = tpu.vector_load %arg9[%get3A_2383] {strides = array<i32>} : memref<656xi32, #tpu.memory_space<vmem>>, vector<16xi32>,
      %mul3A_2385 = arith.constant 26 : i32
      %mul3A_2386 = arith.muli %add3A_1998, %mul3A_2385 : i32
      %add3A_2387 = vector.broadcast %mul3A_2386 : i32 to vector<16xi32>
      %add3A_2388 = arith.addi %add3A_2387, %get3A_2384 : vector<16xi32>
      %gather3A_2389 = tpu.vector_load_idx %arg7[%add3A_2388] : memref<3328xi32, #tpu.memory_space<vmem>>[vector<16xi32>], vector<16xi32>,
      %get3A_2390 = arith.constant 512 : index
      %get3A_2391 = tpu.vector_load %arg8[%get3A_2390] {strides = array<i32>} : memref<656xi32, #tpu.memory_space<vmem>>, vector<16xi32>,
      %add3A_2392 = arith.addi %get3A_2391, %gather3A_2389 : vector<16xi32>
      %swap3A_2393 = arith.constant 512 : index
      %swap3A_2394 = tpu.vector_load %arg11[%swap3A_2393] {strides = array<i32>} : memref<656xi32, #tpu.memory_space<vmem>>, vector<16xi32>,
      tpu.vector_store %arg11[%swap3A_2393], %add3A_2392 {strides = array<i32>} : memref<656xi32, #tpu.memory_space<vmem>>, vector<16xi32>,
      %get3A_2395 = arith.constant 528 : index
      %get3A_2396 = tpu.vector_load %arg9[%get3A_2395] {strides = array<i32>} : memref<656xi32, #tpu.memory_space<vmem>>, vector<16xi32>,
      %mul3A_2397 = arith.constant 26 : i32
      %mul3A_2398 = arith.muli %add3A_1998, %mul3A_2397 : i32
      %add3A_2399 = vector.broadcast %mul3A_2398 : i32 to vector<16xi32>
      %add3A_2400 = arith.addi %add3A_2399, %get3A_2396 : vector<16xi32>
      %gather3A_2401 = tpu.vector_load_idx %arg7[%add3A_2400] : memref<3328xi32, #tpu.memory_space<vmem>>[vector<16xi32>], vector<16xi32>,
      %get3A_2402 = arith.constant 528 : index
      %get3A_2403 = tpu.vector_load %arg8[%get3A_2402] {strides = array<i32>} : memref<656xi32, #tpu.memory_space<vmem>>, vector<16xi32>,
      %add3A_2404 = arith.addi %get3A_2403, %gather3A_2401 : vector<16xi32>
      %swap3A_2405 = arith.constant 528 : index
      %swap3A_2406 = tpu.vector_load %arg11[%swap3A_2405] {strides = array<i32>} : memref<656xi32, #tpu.memory_space<vmem>>, vector<16xi32>,
      tpu.vector_store %arg11[%swap3A_2405], %add3A_2404 {strides = array<i32>} : memref<656xi32, #tpu.memory_space<vmem>>, vector<16xi32>,
      %get3A_2407 = arith.constant 544 : index
      %get3A_2408 = tpu.vector_load %arg9[%get3A_2407] {strides = array<i32>} : memref<656xi32, #tpu.memory_space<vmem>>, vector<16xi32>,
      %mul3A_2409 = arith.constant 26 : i32
      %mul3A_2410 = arith.muli %add3A_1998, %mul3A_2409 : i32
      %add3A_2411 = vector.broadcast %mul3A_2410 : i32 to vector<16xi32>
      %add3A_2412 = arith.addi %add3A_2411, %get3A_2408 : vector<16xi32>
      %gather3A_2413 = tpu.vector_load_idx %arg7[%add3A_2412] : memref<3328xi32, #tpu.memory_space<vmem>>[vector<16xi32>], vector<16xi32>,
      %get3A_2414 = arith.constant 544 : index
      %get3A_2415 = tpu.vector_load %arg8[%get3A_2414] {strides = array<i32>} : memref<656xi32, #tpu.memory_space<vmem>>, vector<16xi32>,
      %add3A_2416 = arith.addi %get3A_2415, %gather3A_2413 : vector<16xi32>
      %swap3A_2417 = arith.constant 544 : index
      %swap3A_2418 = tpu.vector_load %arg11[%swap3A_2417] {strides = array<i32>} : memref<656xi32, #tpu.memory_space<vmem>>, vector<16xi32>,
      tpu.vector_store %arg11[%swap3A_2417], %add3A_2416 {strides = array<i32>} : memref<656xi32, #tpu.memory_space<vmem>>, vector<16xi32>,
      %get3A_2419 = arith.constant 560 : index
      %get3A_2420 = tpu.vector_load %arg9[%get3A_2419] {strides = array<i32>} : memref<656xi32, #tpu.memory_space<vmem>>, vector<16xi32>,
      %mul3A_2421 = arith.constant 26 : i32
      %mul3A_2422 = arith.muli %add3A_1998, %mul3A_2421 : i32
      %add3A_2423 = vector.broadcast %mul3A_2422 : i32 to vector<16xi32>
      %add3A_2424 = arith.addi %add3A_2423, %get3A_2420 : vector<16xi32>
      %gather3A_2425 = tpu.vector_load_idx %arg7[%add3A_2424] : memref<3328xi32, #tpu.memory_space<vmem>>[vector<16xi32>], vector<16xi32>,
      %get3A_2426 = arith.constant 560 : index
      %get3A_2427 = tpu.vector_load %arg8[%get3A_2426] {strides = array<i32>} : memref<656xi32, #tpu.memory_space<vmem>>, vector<16xi32>,
      %add3A_2428 = arith.addi %get3A_2427, %gather3A_2425 : vector<16xi32>
      %swap3A_2429 = arith.constant 560 : index
      %swap3A_2430 = tpu.vector_load %arg11[%swap3A_2429] {strides = array<i32>} : memref<656xi32, #tpu.memory_space<vmem>>, vector<16xi32>,
      tpu.vector_store %arg11[%swap3A_2429], %add3A_2428 {strides = array<i32>} : memref<656xi32, #tpu.memory_space<vmem>>, vector<16xi32>,
      %get3A_2431 = arith.constant 576 : index
      %get3A_2432 = tpu.vector_load %arg9[%get3A_2431] {strides = array<i32>} : memref<656xi32, #tpu.memory_space<vmem>>, vector<16xi32>,
      %mul3A_2433 = arith.constant 26 : i32
      %mul3A_2434 = arith.muli %add3A_1998, %mul3A_2433 : i32
      %add3A_2435 = vector.broadcast %mul3A_2434 : i32 to vector<16xi32>
      %add3A_2436 = arith.addi %add3A_2435, %get3A_2432 : vector<16xi32>
      %gather3A_2437 = tpu.vector_load_idx %arg7[%add3A_2436] : memref<3328xi32, #tpu.memory_space<vmem>>[vector<16xi32>], vector<16xi32>,
      %get3A_2438 = arith.constant 576 : index
      %get3A_2439 = tpu.vector_load %arg8[%get3A_2438] {strides = array<i32>} : memref<656xi32, #tpu.memory_space<vmem>>, vector<16xi32>,
      %add3A_2440 = arith.addi %get3A_2439, %gather3A_2437 : vector<16xi32>
      %swap3A_2441 = arith.constant 576 : index
      %swap3A_2442 = tpu.vector_load %arg11[%swap3A_2441] {strides = array<i32>} : memref<656xi32, #tpu.memory_space<vmem>>, vector<16xi32>,
      tpu.vector_store %arg11[%swap3A_2441], %add3A_2440 {strides = array<i32>} : memref<656xi32, #tpu.memory_space<vmem>>, vector<16xi32>,
      %get3A_2443 = arith.constant 592 : index
      %get3A_2444 = tpu.vector_load %arg9[%get3A_2443] {strides = array<i32>} : memref<656xi32, #tpu.memory_space<vmem>>, vector<16xi32>,
      %mul3A_2445 = arith.constant 26 : i32
      %mul3A_2446 = arith.muli %add3A_1998, %mul3A_2445 : i32
      %add3A_2447 = vector.broadcast %mul3A_2446 : i32 to vector<16xi32>
      %add3A_2448 = arith.addi %add3A_2447, %get3A_2444 : vector<16xi32>
      %gather3A_2449 = tpu.vector_load_idx %arg7[%add3A_2448] : memref<3328xi32, #tpu.memory_space<vmem>>[vector<16xi32>], vector<16xi32>,
      %get3A_2450 = arith.constant 592 : index
      %get3A_2451 = tpu.vector_load %arg8[%get3A_2450] {strides = array<i32>} : memref<656xi32, #tpu.memory_space<vmem>>, vector<16xi32>,
      %add3A_2452 = arith.addi %get3A_2451, %gather3A_2449 : vector<16xi32>
      %swap3A_2453 = arith.constant 592 : index
      %swap3A_2454 = tpu.vector_load %arg11[%swap3A_2453] {strides = array<i32>} : memref<656xi32, #tpu.memory_space<vmem>>, vector<16xi32>,
      tpu.vector_store %arg11[%swap3A_2453], %add3A_2452 {strides = array<i32>} : memref<656xi32, #tpu.memory_space<vmem>>, vector<16xi32>,
      %get3A_2455 = arith.constant 608 : index
      %get3A_2456 = tpu.vector_load %arg9[%get3A_2455] {strides = array<i32>} : memref<656xi32, #tpu.memory_space<vmem>>, vector<16xi32>,
      %mul3A_2457 = arith.constant 26 : i32
      %mul3A_2458 = arith.muli %add3A_1998, %mul3A_2457 : i32
      %add3A_2459 = vector.broadcast %mul3A_2458 : i32 to vector<16xi32>
      %add3A_2460 = arith.addi %add3A_2459, %get3A_2456 : vector<16xi32>
      %gather3A_2461 = tpu.vector_load_idx %arg7[%add3A_2460] : memref<3328xi32, #tpu.memory_space<vmem>>[vector<16xi32>], vector<16xi32>,
      %get3A_2462 = arith.constant 608 : index
      %get3A_2463 = tpu.vector_load %arg8[%get3A_2462] {strides = array<i32>} : memref<656xi32, #tpu.memory_space<vmem>>, vector<16xi32>,
      %add3A_2464 = arith.addi %get3A_2463, %gather3A_2461 : vector<16xi32>
      %swap3A_2465 = arith.constant 608 : index
      %swap3A_2466 = tpu.vector_load %arg11[%swap3A_2465] {strides = array<i32>} : memref<656xi32, #tpu.memory_space<vmem>>, vector<16xi32>,
      tpu.vector_store %arg11[%swap3A_2465], %add3A_2464 {strides = array<i32>} : memref<656xi32, #tpu.memory_space<vmem>>, vector<16xi32>,
      %get3A_2467 = arith.constant 624 : index
      %get3A_2468 = tpu.vector_load %arg9[%get3A_2467] {strides = array<i32>} : memref<656xi32, #tpu.memory_space<vmem>>, vector<16xi32>,
      %mul3A_2469 = arith.constant 26 : i32
      %mul3A_2470 = arith.muli %add3A_1998, %mul3A_2469 : i32
      %add3A_2471 = vector.broadcast %mul3A_2470 : i32 to vector<16xi32>
      %add3A_2472 = arith.addi %add3A_2471, %get3A_2468 : vector<16xi32>
      %gather3A_2473 = tpu.vector_load_idx %arg7[%add3A_2472] : memref<3328xi32, #tpu.memory_space<vmem>>[vector<16xi32>], vector<16xi32>,
      %get3A_2474 = arith.constant 624 : index
      %get3A_2475 = tpu.vector_load %arg8[%get3A_2474] {strides = array<i32>} : memref<656xi32, #tpu.memory_space<vmem>>, vector<16xi32>,
      %add3A_2476 = arith.addi %get3A_2475, %gather3A_2473 : vector<16xi32>
      %swap3A_2477 = arith.constant 624 : index
      %swap3A_2478 = tpu.vector_load %arg11[%swap3A_2477] {strides = array<i32>} : memref<656xi32, #tpu.memory_space<vmem>>, vector<16xi32>,
      tpu.vector_store %arg11[%swap3A_2477], %add3A_2476 {strides = array<i32>} : memref<656xi32, #tpu.memory_space<vmem>>, vector<16xi32>,
      %get3A_2479 = arith.constant 640 : index
      %get3A_2480 = tpu.vector_load %arg9[%get3A_2479] {strides = array<i32>} : memref<656xi32, #tpu.memory_space<vmem>>, vector<16xi32>,
      %mul3A_2481 = arith.constant 26 : i32
      %mul3A_2482 = arith.muli %add3A_1998, %mul3A_2481 : i32
      %add3A_2483 = vector.broadcast %mul3A_2482 : i32 to vector<16xi32>
      %add3A_2484 = arith.addi %add3A_2483, %get3A_2480 : vector<16xi32>
      %gather3A_2485 = tpu.vector_load_idx %arg7[%add3A_2484] : memref<3328xi32, #tpu.memory_space<vmem>>[vector<16xi32>], vector<16xi32>,
      %get3A_2486 = arith.constant 640 : index
      %get3A_2487 = tpu.vector_load %arg8[%get3A_2486] {strides = array<i32>} : memref<656xi32, #tpu.memory_space<vmem>>, vector<16xi32>,
      %add3A_2488 = arith.addi %get3A_2487, %gather3A_2485 : vector<16xi32>
      %swap3A_2489 = arith.constant 640 : index
      %swap3A_2490 = tpu.vector_load %arg11[%swap3A_2489] {strides = array<i32>} : memref<656xi32, #tpu.memory_space<vmem>>, vector<16xi32>,
      tpu.vector_store %arg11[%swap3A_2489], %add3A_2488 {strides = array<i32>} : memref<656xi32, #tpu.memory_space<vmem>>, vector<16xi32>,
      %dma_start3A_2491 = arith.constant 0 : i32
      %dma_start3A_2492 = arith.constant 0 : i32
      %dma_start3A_2493 = tpu.memref_slice %arg13[%dma_start3A_2491, %dma_start3A_2492] : memref<656x64xf32, #tpu.memory_space<vmem>> -> memref<128x64xf32, #tpu.memory_space<vmem>>
      %dma_start3A_2494 = arith.constant 0 : i32
      %dma_start3A_2495 = tpu.memref_slice %arg11[%dma_start3A_2494] : memref<656xi32, #tpu.memory_space<vmem>> -> memref<128xi32, #tpu.memory_space<vmem>>
      %dma_start3A_2496 = arith.constant 0 : i32
      %dma_start3A_2497 = arith.constant 0 : i32
      %dma_start3A_2498 = tpu.memref_slice %arg3[%dma_start3A_2496, %dma_start3A_2497] : memref<676000x64xf32, #tpu.memory_space<hbm>> -> memref<676000x64xf32, #tpu.memory_space<hbm>>
      tpu.enqueue_indirect_dma source(%dma_start3A_2498 : memref<676000x64xf32, #tpu.memory_space<hbm>>) target(%dma_start3A_2493 : memref<128x64xf32, #tpu.memory_space<vmem>>) offsets(%dma_start3A_2495 : memref<128xi32, #tpu.memory_space<vmem>>) semaphore(%arg17 : memref<!tpu.dma_semaphore, #tpu.memory_space<semaphore_mem>>)
      %dma_start3A_2499 = arith.constant 128 : i32
      %dma_start3A_2500 = arith.constant 0 : i32
      %dma_start3A_2501 = tpu.memref_slice %arg13[%dma_start3A_2499, %dma_start3A_2500] : memref<656x64xf32, #tpu.memory_space<vmem>> -> memref<128x64xf32, #tpu.memory_space<vmem>>
      %dma_start3A_2502 = arith.constant 128 : i32
      %dma_start3A_2503 = tpu.memref_slice %arg11[%dma_start3A_2502] : memref<656xi32, #tpu.memory_space<vmem>> -> memref<128xi32, #tpu.memory_space<vmem>>
      %dma_start3A_2504 = arith.constant 0 : i32
      %dma_start3A_2505 = arith.constant 0 : i32
      %dma_start3A_2506 = tpu.memref_slice %arg3[%dma_start3A_2504, %dma_start3A_2505] : memref<676000x64xf32, #tpu.memory_space<hbm>> -> memref<676000x64xf32, #tpu.memory_space<hbm>>
      tpu.enqueue_indirect_dma source(%dma_start3A_2506 : memref<676000x64xf32, #tpu.memory_space<hbm>>) target(%dma_start3A_2501 : memref<128x64xf32, #tpu.memory_space<vmem>>) offsets(%dma_start3A_2503 : memref<128xi32, #tpu.memory_space<vmem>>) semaphore(%arg17 : memref<!tpu.dma_semaphore, #tpu.memory_space<semaphore_mem>>)
      %dma_start3A_2507 = arith.constant 256 : i32
      %dma_start3A_2508 = arith.constant 0 : i32
      %dma_start3A_2509 = tpu.memref_slice %arg13[%dma_start3A_2507, %dma_start3A_2508] : memref<656x64xf32, #tpu.memory_space<vmem>> -> memref<72x64xf32, #tpu.memory_space<vmem>>
      %dma_start3A_2510 = arith.constant 256 : i32
      %dma_start3A_2511 = tpu.memref_slice %arg11[%dma_start3A_2510] : memref<656xi32, #tpu.memory_space<vmem>> -> memref<72xi32, #tpu.memory_space<vmem>>
      %dma_start3A_2512 = arith.constant 0 : i32
      %dma_start3A_2513 = arith.constant 0 : i32
      %dma_start3A_2514 = tpu.memref_slice %arg3[%dma_start3A_2512, %dma_start3A_2513] : memref<676000x64xf32, #tpu.memory_space<hbm>> -> memref<676000x64xf32, #tpu.memory_space<hbm>>
      tpu.enqueue_indirect_dma source(%dma_start3A_2514 : memref<676000x64xf32, #tpu.memory_space<hbm>>) target(%dma_start3A_2509 : memref<72x64xf32, #tpu.memory_space<vmem>>) offsets(%dma_start3A_2511 : memref<72xi32, #tpu.memory_space<vmem>>) semaphore(%arg17 : memref<!tpu.dma_semaphore, #tpu.memory_space<semaphore_mem>>)
      %dma_start3A_2515 = arith.constant 328 : i32
      %dma_start3A_2516 = arith.constant 0 : i32
      %dma_start3A_2517 = tpu.memref_slice %arg13[%dma_start3A_2515, %dma_start3A_2516] : memref<656x64xf32, #tpu.memory_space<vmem>> -> memref<128x64xf32, #tpu.memory_space<vmem>>
      %dma_start3A_2518 = arith.constant 328 : i32
      %dma_start3A_2519 = tpu.memref_slice %arg11[%dma_start3A_2518] : memref<656xi32, #tpu.memory_space<vmem>> -> memref<128xi32, #tpu.memory_space<vmem>>
      %dma_start3A_2520 = arith.constant 0 : i32
      %dma_start3A_2521 = arith.constant 0 : i32
      %dma_start3A_2522 = tpu.memref_slice %arg3[%dma_start3A_2520, %dma_start3A_2521] : memref<676000x64xf32, #tpu.memory_space<hbm>> -> memref<676000x64xf32, #tpu.memory_space<hbm>>
      tpu.enqueue_indirect_dma source(%dma_start3A_2522 : memref<676000x64xf32, #tpu.memory_space<hbm>>) target(%dma_start3A_2517 : memref<128x64xf32, #tpu.memory_space<vmem>>) offsets(%dma_start3A_2519 : memref<128xi32, #tpu.memory_space<vmem>>) semaphore(%arg17 : memref<!tpu.dma_semaphore, #tpu.memory_space<semaphore_mem>>)
      %dma_start3A_2523 = arith.constant 456 : i32
      %dma_start3A_2524 = arith.constant 0 : i32
      %dma_start3A_2525 = tpu.memref_slice %arg13[%dma_start3A_2523, %dma_start3A_2524] : memref<656x64xf32, #tpu.memory_space<vmem>> -> memref<128x64xf32, #tpu.memory_space<vmem>>
      %dma_start3A_2526 = arith.constant 456 : i32
      %dma_start3A_2527 = tpu.memref_slice %arg11[%dma_start3A_2526] : memref<656xi32, #tpu.memory_space<vmem>> -> memref<128xi32, #tpu.memory_space<vmem>>
      %dma_start3A_2528 = arith.constant 0 : i32
      %dma_start3A_2529 = arith.constant 0 : i32
      %dma_start3A_2530 = tpu.memref_slice %arg3[%dma_start3A_2528, %dma_start3A_2529] : memref<676000x64xf32, #tpu.memory_space<hbm>> -> memref<676000x64xf32, #tpu.memory_space<hbm>>
      tpu.enqueue_indirect_dma source(%dma_start3A_2530 : memref<676000x64xf32, #tpu.memory_space<hbm>>) target(%dma_start3A_2525 : memref<128x64xf32, #tpu.memory_space<vmem>>) offsets(%dma_start3A_2527 : memref<128xi32, #tpu.memory_space<vmem>>) semaphore(%arg17 : memref<!tpu.dma_semaphore, #tpu.memory_space<semaphore_mem>>)
      %dma_start3A_2531 = arith.constant 584 : i32
      %dma_start3A_2532 = arith.constant 0 : i32
      %dma_start3A_2533 = tpu.memref_slice %arg13[%dma_start3A_2531, %dma_start3A_2532] : memref<656x64xf32, #tpu.memory_space<vmem>> -> memref<72x64xf32, #tpu.memory_space<vmem>>
      %dma_start3A_2534 = arith.constant 584 : i32
      %dma_start3A_2535 = tpu.memref_slice %arg11[%dma_start3A_2534] : memref<656xi32, #tpu.memory_space<vmem>> -> memref<72xi32, #tpu.memory_space<vmem>>
      %dma_start3A_2536 = arith.constant 0 : i32
      %dma_start3A_2537 = arith.constant 0 : i32
      %dma_start3A_2538 = tpu.memref_slice %arg3[%dma_start3A_2536, %dma_start3A_2537] : memref<676000x64xf32, #tpu.memory_space<hbm>> -> memref<676000x64xf32, #tpu.memory_space<hbm>>
      tpu.enqueue_indirect_dma source(%dma_start3A_2538 : memref<676000x64xf32, #tpu.memory_space<hbm>>) target(%dma_start3A_2533 : memref<72x64xf32, #tpu.memory_space<vmem>>) offsets(%dma_start3A_2535 : memref<72xi32, #tpu.memory_space<vmem>>) semaphore(%arg17 : memref<!tpu.dma_semaphore, #tpu.memory_space<semaphore_mem>>)
      %dma_wait3A_2539 = arith.constant 0 : i32
      %dma_wait3A_2540 = arith.constant 0 : i32
      %dma_wait3A_2541 = tpu.memref_slice %arg12[%dma_wait3A_2539, %dma_wait3A_2540] : memref<656x64xf32, #tpu.memory_space<vmem>> -> memref<128x64xf32, #tpu.memory_space<vmem>>
      %dma_wait3A_2542 = arith.constant 0 : i32
      %dma_wait3A_2543 = tpu.memref_slice %arg10[%dma_wait3A_2542] : memref<656xi32, #tpu.memory_space<vmem>> -> memref<128xi32, #tpu.memory_space<vmem>>
      %dma_wait3A_2544 = arith.constant 0 : i32
      %dma_wait3A_2545 = arith.constant 0 : i32
      %dma_wait3A_2546 = tpu.memref_slice %arg3[%dma_wait3A_2544, %dma_wait3A_2545] : memref<676000x64xf32, #tpu.memory_space<hbm>> -> memref<676000x64xf32, #tpu.memory_space<hbm>>
      tpu.wait_indirect_dma semaphore(%arg16 : memref<!tpu.dma_semaphore, #tpu.memory_space<semaphore_mem>>) src(%dma_wait3A_2546 : memref<676000x64xf32, #tpu.memory_space<hbm>>) dst(%dma_wait3A_2541 : memref<128x64xf32, #tpu.memory_space<vmem>>)
      %dma_wait3A_2547 = arith.constant 128 : i32
      %dma_wait3A_2548 = arith.constant 0 : i32
      %dma_wait3A_2549 = tpu.memref_slice %arg12[%dma_wait3A_2547, %dma_wait3A_2548] : memref<656x64xf32, #tpu.memory_space<vmem>> -> memref<128x64xf32, #tpu.memory_space<vmem>>
      %dma_wait3A_2550 = arith.constant 128 : i32
      %dma_wait3A_2551 = tpu.memref_slice %arg10[%dma_wait3A_2550] : memref<656xi32, #tpu.memory_space<vmem>> -> memref<128xi32, #tpu.memory_space<vmem>>
      %dma_wait3A_2552 = arith.constant 0 : i32
      %dma_wait3A_2553 = arith.constant 0 : i32
      %dma_wait3A_2554 = tpu.memref_slice %arg3[%dma_wait3A_2552, %dma_wait3A_2553] : memref<676000x64xf32, #tpu.memory_space<hbm>> -> memref<676000x64xf32, #tpu.memory_space<hbm>>
      tpu.wait_indirect_dma semaphore(%arg16 : memref<!tpu.dma_semaphore, #tpu.memory_space<semaphore_mem>>) src(%dma_wait3A_2554 : memref<676000x64xf32, #tpu.memory_space<hbm>>) dst(%dma_wait3A_2549 : memref<128x64xf32, #tpu.memory_space<vmem>>)
      %dma_wait3A_2555 = arith.constant 256 : i32
      %dma_wait3A_2556 = arith.constant 0 : i32
      %dma_wait3A_2557 = tpu.memref_slice %arg12[%dma_wait3A_2555, %dma_wait3A_2556] : memref<656x64xf32, #tpu.memory_space<vmem>> -> memref<72x64xf32, #tpu.memory_space<vmem>>
      %dma_wait3A_2558 = arith.constant 256 : i32
      %dma_wait3A_2559 = tpu.memref_slice %arg10[%dma_wait3A_2558] : memref<656xi32, #tpu.memory_space<vmem>> -> memref<72xi32, #tpu.memory_space<vmem>>
      %dma_wait3A_2560 = arith.constant 0 : i32
      %dma_wait3A_2561 = arith.constant 0 : i32
      %dma_wait3A_2562 = tpu.memref_slice %arg3[%dma_wait3A_2560, %dma_wait3A_2561] : memref<676000x64xf32, #tpu.memory_space<hbm>> -> memref<676000x64xf32, #tpu.memory_space<hbm>>
      tpu.wait_indirect_dma semaphore(%arg16 : memref<!tpu.dma_semaphore, #tpu.memory_space<semaphore_mem>>) src(%dma_wait3A_2562 : memref<676000x64xf32, #tpu.memory_space<hbm>>) dst(%dma_wait3A_2557 : memref<72x64xf32, #tpu.memory_space<vmem>>)
      %dma_wait3A_2563 = arith.constant 328 : i32
      %dma_wait3A_2564 = arith.constant 0 : i32
      %dma_wait3A_2565 = tpu.memref_slice %arg12[%dma_wait3A_2563, %dma_wait3A_2564] : memref<656x64xf32, #tpu.memory_space<vmem>> -> memref<128x64xf32, #tpu.memory_space<vmem>>
      %dma_wait3A_2566 = arith.constant 328 : i32
      %dma_wait3A_2567 = tpu.memref_slice %arg10[%dma_wait3A_2566] : memref<656xi32, #tpu.memory_space<vmem>> -> memref<128xi32, #tpu.memory_space<vmem>>
      %dma_wait3A_2568 = arith.constant 0 : i32
      %dma_wait3A_2569 = arith.constant 0 : i32
      %dma_wait3A_2570 = tpu.memref_slice %arg3[%dma_wait3A_2568, %dma_wait3A_2569] : memref<676000x64xf32, #tpu.memory_space<hbm>> -> memref<676000x64xf32, #tpu.memory_space<hbm>>
      tpu.wait_indirect_dma semaphore(%arg16 : memref<!tpu.dma_semaphore, #tpu.memory_space<semaphore_mem>>) src(%dma_wait3A_2570 : memref<676000x64xf32, #tpu.memory_space<hbm>>) dst(%dma_wait3A_2565 : memref<128x64xf32, #tpu.memory_space<vmem>>)
      %dma_wait3A_2571 = arith.constant 456 : i32
      %dma_wait3A_2572 = arith.constant 0 : i32
      %dma_wait3A_2573 = tpu.memref_slice %arg12[%dma_wait3A_2571, %dma_wait3A_2572] : memref<656x64xf32, #tpu.memory_space<vmem>> -> memref<128x64xf32, #tpu.memory_space<vmem>>
      %dma_wait3A_2574 = arith.constant 456 : i32
      %dma_wait3A_2575 = tpu.memref_slice %arg10[%dma_wait3A_2574] : memref<656xi32, #tpu.memory_space<vmem>> -> memref<128xi32, #tpu.memory_space<vmem>>
      %dma_wait3A_2576 = arith.constant 0 : i32
      %dma_wait3A_2577 = arith.constant 0 : i32
      %dma_wait3A_2578 = tpu.memref_slice %arg3[%dma_wait3A_2576, %dma_wait3A_2577] : memref<676000x64xf32, #tpu.memory_space<hbm>> -> memref<676000x64xf32, #tpu.memory_space<hbm>>
      tpu.wait_indirect_dma semaphore(%arg16 : memref<!tpu.dma_semaphore, #tpu.memory_space<semaphore_mem>>) src(%dma_wait3A_2578 : memref<676000x64xf32, #tpu.memory_space<hbm>>) dst(%dma_wait3A_2573 : memref<128x64xf32, #tpu.memory_space<vmem>>)
      %dma_wait3A_2579 = arith.constant 584 : i32
      %dma_wait3A_2580 = arith.constant 0 : i32
      %dma_wait3A_2581 = tpu.memref_slice %arg12[%dma_wait3A_2579, %dma_wait3A_2580] : memref<656x64xf32, #tpu.memory_space<vmem>> -> memref<72x64xf32, #tpu.memory_space<vmem>>
      %dma_wait3A_2582 = arith.constant 584 : i32
      %dma_wait3A_2583 = tpu.memref_slice %arg10[%dma_wait3A_2582] : memref<656xi32, #tpu.memory_space<vmem>> -> memref<72xi32, #tpu.memory_space<vmem>>
      %dma_wait3A_2584 = arith.constant 0 : i32
      %dma_wait3A_2585 = arith.constant 0 : i32
      %dma_wait3A_2586 = tpu.memref_slice %arg3[%dma_wait3A_2584, %dma_wait3A_2585] : memref<676000x64xf32, #tpu.memory_space<hbm>> -> memref<676000x64xf32, #tpu.memory_space<hbm>>
      tpu.wait_indirect_dma semaphore(%arg16 : memref<!tpu.dma_semaphore, #tpu.memory_space<semaphore_mem>>) src(%dma_wait3A_2586 : memref<676000x64xf32, #tpu.memory_space<hbm>>) dst(%dma_wait3A_2581 : memref<72x64xf32, #tpu.memory_space<vmem>>)
      %broadcast_in_dim3A_2587 = arith.constant 0.000000e+00 : f32
      %broadcast_in_dim3A_2588 = vector.broadcast %broadcast_in_dim3A_2587 : f32 to vector<16xf32>
      %scan3A_2589 = arith.constant 0 : i32
      %scan3A_2590 = arith.constant 320 : i32
      %scan3A_2591 = arith.addi %scan3A_2589, %scan3A_2590 : i32
      %scan3A_2592 = arith.constant 8 : i32
      %scan3A_2593:4 = scf.for %scan3A_3630 = %scan3A_2589 to %scan3A_2591 step %scan3A_2592 iter_args(%scan3A_3631 = %broadcast_in_dim3A_2588, %scan3A_3632 = %broadcast_in_dim3A_2588, %scan3A_3633 = %broadcast_in_dim3A_2588, %scan3A_3634 = %broadcast_in_dim3A_2588) -> (vector<16xf32>, vector<16xf32>, vector<16xf32>, vector<16xf32>)  : i32 {
        %get3A_3635 = arith.index_cast %scan3A_3630 : i32 to index
        %get3A_3636 = arith.constant 0 : index
        %get3A_3637 = tpu.vector_load %arg12[%get3A_3635, %get3A_3636] {strides = array<i32>} : memref<656x64xf32, #tpu.memory_space<vmem>>, vector<16xf32>,
        %add3A_3638 = arith.constant 328 : i32
        %add3A_3639 = arith.addi %add3A_3638, %scan3A_3630 : i32
        %get3A_3640 = arith.index_cast %add3A_3639 : i32 to index
        %get3A_3641 = arith.constant 0 : index
        %get3A_3642 = tpu.vector_load %arg12[%get3A_3640, %get3A_3641] {strides = array<i32>} : memref<656x64xf32, #tpu.memory_space<vmem>>, vector<16xf32>,
        %mul3A_3643 = arith.mulf %get3A_3637, %get3A_3642 : vector<16xf32>
        %add3A_3644 = arith.addf %scan3A_3631, %mul3A_3643 : vector<16xf32>
        %get3A_3645 = arith.index_cast %scan3A_3630 : i32 to index
        %get3A_3646 = arith.constant 16 : index
        %get3A_3647 = tpu.vector_load %arg12[%get3A_3645, %get3A_3646] {strides = array<i32>} : memref<656x64xf32, #tpu.memory_space<vmem>>, vector<16xf32>,
        %add3A_3648 = arith.constant 328 : i32
        %add3A_3649 = arith.addi %add3A_3648, %scan3A_3630 : i32
        %get3A_3650 = arith.index_cast %add3A_3649 : i32 to index
        %get3A_3651 = arith.constant 16 : index
        %get3A_3652 = tpu.vector_load %arg12[%get3A_3650, %get3A_3651] {strides = array<i32>} : memref<656x64xf32, #tpu.memory_space<vmem>>, vector<16xf32>,
        %mul3A_3653 = arith.mulf %get3A_3647, %get3A_3652 : vector<16xf32>
        %add3A_3654 = arith.addf %scan3A_3632, %mul3A_3653 : vector<16xf32>
        %get3A_3655 = arith.index_cast %scan3A_3630 : i32 to index
        %get3A_3656 = arith.constant 32 : index
        %get3A_3657 = tpu.vector_load %arg12[%get3A_3655, %get3A_3656] {strides = array<i32>} : memref<656x64xf32, #tpu.memory_space<vmem>>, vector<16xf32>,
        %add3A_3658 = arith.constant 328 : i32
        %add3A_3659 = arith.addi %add3A_3658, %scan3A_3630 : i32
        %get3A_3660 = arith.index_cast %add3A_3659 : i32 to index
        %get3A_3661 = arith.constant 32 : index
        %get3A_3662 = tpu.vector_load %arg12[%get3A_3660, %get3A_3661] {strides = array<i32>} : memref<656x64xf32, #tpu.memory_space<vmem>>, vector<16xf32>,
        %mul3A_3663 = arith.mulf %get3A_3657, %get3A_3662 : vector<16xf32>
        %add3A_3664 = arith.addf %scan3A_3633, %mul3A_3663 : vector<16xf32>
        %get3A_3665 = arith.index_cast %scan3A_3630 : i32 to index
        %get3A_3666 = arith.constant 48 : index
        %get3A_3667 = tpu.vector_load %arg12[%get3A_3665, %get3A_3666] {strides = array<i32>} : memref<656x64xf32, #tpu.memory_space<vmem>>, vector<16xf32>,
        %add3A_3668 = arith.constant 328 : i32
        %add3A_3669 = arith.addi %add3A_3668, %scan3A_3630 : i32
        %get3A_3670 = arith.index_cast %add3A_3669 : i32 to index
        %get3A_3671 = arith.constant 48 : index
        %get3A_3672 = tpu.vector_load %arg12[%get3A_3670, %get3A_3671] {strides = array<i32>} : memref<656x64xf32, #tpu.memory_space<vmem>>, vector<16xf32>,
        %mul3A_3673 = arith.mulf %get3A_3667, %get3A_3672 : vector<16xf32>
        %add3A_3674 = arith.addf %scan3A_3634, %mul3A_3673 : vector<16xf32>
        %scan3A_3675 = arith.constant 1 : i32
        %scan3A_3676 = arith.addi %scan3A_3630, %scan3A_3675 : i32
        %get3A_3677 = arith.index_cast %scan3A_3676 : i32 to index
        %get3A_3678 = arith.constant 0 : index
        %get3A_3679 = tpu.vector_load %arg12[%get3A_3677, %get3A_3678] {strides = array<i32>} : memref<656x64xf32, #tpu.memory_space<vmem>>, vector<16xf32>,
        %add3A_3680 = arith.constant 328 : i32
        %add3A_3681 = arith.addi %add3A_3680, %scan3A_3676 : i32
        %get3A_3682 = arith.index_cast %add3A_3681 : i32 to index
        %get3A_3683 = arith.constant 0 : index
        %get3A_3684 = tpu.vector_load %arg12[%get3A_3682, %get3A_3683] {strides = array<i32>} : memref<656x64xf32, #tpu.memory_space<vmem>>, vector<16xf32>,
        %mul3A_3685 = arith.mulf %get3A_3679, %get3A_3684 : vector<16xf32>
        %add3A_3686 = arith.addf %add3A_3644, %mul3A_3685 : vector<16xf32>
        %get3A_3687 = arith.index_cast %scan3A_3676 : i32 to index
        %get3A_3688 = arith.constant 16 : index
        %get3A_3689 = tpu.vector_load %arg12[%get3A_3687, %get3A_3688] {strides = array<i32>} : memref<656x64xf32, #tpu.memory_space<vmem>>, vector<16xf32>,
        %add3A_3690 = arith.constant 328 : i32
        %add3A_3691 = arith.addi %add3A_3690, %scan3A_3676 : i32
        %get3A_3692 = arith.index_cast %add3A_3691 : i32 to index
        %get3A_3693 = arith.constant 16 : index
        %get3A_3694 = tpu.vector_load %arg12[%get3A_3692, %get3A_3693] {strides = array<i32>} : memref<656x64xf32, #tpu.memory_space<vmem>>, vector<16xf32>,
        %mul3A_3695 = arith.mulf %get3A_3689, %get3A_3694 : vector<16xf32>
        %add3A_3696 = arith.addf %add3A_3654, %mul3A_3695 : vector<16xf32>
        %get3A_3697 = arith.index_cast %scan3A_3676 : i32 to index
        %get3A_3698 = arith.constant 32 : index
        %get3A_3699 = tpu.vector_load %arg12[%get3A_3697, %get3A_3698] {strides = array<i32>} : memref<656x64xf32, #tpu.memory_space<vmem>>, vector<16xf32>,
        %add3A_3700 = arith.constant 328 : i32
        %add3A_3701 = arith.addi %add3A_3700, %scan3A_3676 : i32
        %get3A_3702 = arith.index_cast %add3A_3701 : i32 to index
        %get3A_3703 = arith.constant 32 : index
        %get3A_3704 = tpu.vector_load %arg12[%get3A_3702, %get3A_3703] {strides = array<i32>} : memref<656x64xf32, #tpu.memory_space<vmem>>, vector<16xf32>,
        %mul3A_3705 = arith.mulf %get3A_3699, %get3A_3704 : vector<16xf32>
        %add3A_3706 = arith.addf %add3A_3664, %mul3A_3705 : vector<16xf32>
        %get3A_3707 = arith.index_cast %scan3A_3676 : i32 to index
        %get3A_3708 = arith.constant 48 : index
        %get3A_3709 = tpu.vector_load %arg12[%get3A_3707, %get3A_3708] {strides = array<i32>} : memref<656x64xf32, #tpu.memory_space<vmem>>, vector<16xf32>,
        %add3A_3710 = arith.constant 328 : i32
        %add3A_3711 = arith.addi %add3A_3710, %scan3A_3676 : i32
        %get3A_3712 = arith.index_cast %add3A_3711 : i32 to index
        %get3A_3713 = arith.constant 48 : index
        %get3A_3714 = tpu.vector_load %arg12[%get3A_3712, %get3A_3713] {strides = array<i32>} : memref<656x64xf32, #tpu.memory_space<vmem>>, vector<16xf32>,
        %mul3A_3715 = arith.mulf %get3A_3709, %get3A_3714 : vector<16xf32>
        %add3A_3716 = arith.addf %add3A_3674, %mul3A_3715 : vector<16xf32>
        %scan3A_3717 = arith.constant 2 : i32
        %scan3A_3718 = arith.addi %scan3A_3630, %scan3A_3717 : i32
        %get3A_3719 = arith.index_cast %scan3A_3718 : i32 to index
        %get3A_3720 = arith.constant 0 : index
        %get3A_3721 = tpu.vector_load %arg12[%get3A_3719, %get3A_3720] {strides = array<i32>} : memref<656x64xf32, #tpu.memory_space<vmem>>, vector<16xf32>,
        %add3A_3722 = arith.constant 328 : i32
        %add3A_3723 = arith.addi %add3A_3722, %scan3A_3718 : i32
        %get3A_3724 = arith.index_cast %add3A_3723 : i32 to index
        %get3A_3725 = arith.constant 0 : index
        %get3A_3726 = tpu.vector_load %arg12[%get3A_3724, %get3A_3725] {strides = array<i32>} : memref<656x64xf32, #tpu.memory_space<vmem>>, vector<16xf32>,
        %mul3A_3727 = arith.mulf %get3A_3721, %get3A_3726 : vector<16xf32>
        %add3A_3728 = arith.addf %add3A_3686, %mul3A_3727 : vector<16xf32>
        %get3A_3729 = arith.index_cast %scan3A_3718 : i32 to index
        %get3A_3730 = arith.constant 16 : index
        %get3A_3731 = tpu.vector_load %arg12[%get3A_3729, %get3A_3730] {strides = array<i32>} : memref<656x64xf32, #tpu.memory_space<vmem>>, vector<16xf32>,
        %add3A_3732 = arith.constant 328 : i32
        %add3A_3733 = arith.addi %add3A_3732, %scan3A_3718 : i32
        %get3A_3734 = arith.index_cast %add3A_3733 : i32 to index
        %get3A_3735 = arith.constant 16 : index
        %get3A_3736 = tpu.vector_load %arg12[%get3A_3734, %get3A_3735] {strides = array<i32>} : memref<656x64xf32, #tpu.memory_space<vmem>>, vector<16xf32>,
        %mul3A_3737 = arith.mulf %get3A_3731, %get3A_3736 : vector<16xf32>
        %add3A_3738 = arith.addf %add3A_3696, %mul3A_3737 : vector<16xf32>
        %get3A_3739 = arith.index_cast %scan3A_3718 : i32 to index
        %get3A_3740 = arith.constant 32 : index
        %get3A_3741 = tpu.vector_load %arg12[%get3A_3739, %get3A_3740] {strides = array<i32>} : memref<656x64xf32, #tpu.memory_space<vmem>>, vector<16xf32>,
        %add3A_3742 = arith.constant 328 : i32
        %add3A_3743 = arith.addi %add3A_3742, %scan3A_3718 : i32
        %get3A_3744 = arith.index_cast %add3A_3743 : i32 to index
        %get3A_3745 = arith.constant 32 : index
        %get3A_3746 = tpu.vector_load %arg12[%get3A_3744, %get3A_3745] {strides = array<i32>} : memref<656x64xf32, #tpu.memory_space<vmem>>, vector<16xf32>,
        %mul3A_3747 = arith.mulf %get3A_3741, %get3A_3746 : vector<16xf32>
        %add3A_3748 = arith.addf %add3A_3706, %mul3A_3747 : vector<16xf32>
        %get3A_3749 = arith.index_cast %scan3A_3718 : i32 to index
        %get3A_3750 = arith.constant 48 : index
        %get3A_3751 = tpu.vector_load %arg12[%get3A_3749, %get3A_3750] {strides = array<i32>} : memref<656x64xf32, #tpu.memory_space<vmem>>, vector<16xf32>,
        %add3A_3752 = arith.constant 328 : i32
        %add3A_3753 = arith.addi %add3A_3752, %scan3A_3718 : i32
        %get3A_3754 = arith.index_cast %add3A_3753 : i32 to index
        %get3A_3755 = arith.constant 48 : index
        %get3A_3756 = tpu.vector_load %arg12[%get3A_3754, %get3A_3755] {strides = array<i32>} : memref<656x64xf32, #tpu.memory_space<vmem>>, vector<16xf32>,
        %mul3A_3757 = arith.mulf %get3A_3751, %get3A_3756 : vector<16xf32>
        %add3A_3758 = arith.addf %add3A_3716, %mul3A_3757 : vector<16xf32>
        %scan3A_3759 = arith.constant 3 : i32
        %scan3A_3760 = arith.addi %scan3A_3630, %scan3A_3759 : i32
        %get3A_3761 = arith.index_cast %scan3A_3760 : i32 to index
        %get3A_3762 = arith.constant 0 : index
        %get3A_3763 = tpu.vector_load %arg12[%get3A_3761, %get3A_3762] {strides = array<i32>} : memref<656x64xf32, #tpu.memory_space<vmem>>, vector<16xf32>,
        %add3A_3764 = arith.constant 328 : i32
        %add3A_3765 = arith.addi %add3A_3764, %scan3A_3760 : i32
        %get3A_3766 = arith.index_cast %add3A_3765 : i32 to index
        %get3A_3767 = arith.constant 0 : index
        %get3A_3768 = tpu.vector_load %arg12[%get3A_3766, %get3A_3767] {strides = array<i32>} : memref<656x64xf32, #tpu.memory_space<vmem>>, vector<16xf32>,
        %mul3A_3769 = arith.mulf %get3A_3763, %get3A_3768 : vector<16xf32>
        %add3A_3770 = arith.addf %add3A_3728, %mul3A_3769 : vector<16xf32>
        %get3A_3771 = arith.index_cast %scan3A_3760 : i32 to index
        %get3A_3772 = arith.constant 16 : index
        %get3A_3773 = tpu.vector_load %arg12[%get3A_3771, %get3A_3772] {strides = array<i32>} : memref<656x64xf32, #tpu.memory_space<vmem>>, vector<16xf32>,
        %add3A_3774 = arith.constant 328 : i32
        %add3A_3775 = arith.addi %add3A_3774, %scan3A_3760 : i32
        %get3A_3776 = arith.index_cast %add3A_3775 : i32 to index
        %get3A_3777 = arith.constant 16 : index
        %get3A_3778 = tpu.vector_load %arg12[%get3A_3776, %get3A_3777] {strides = array<i32>} : memref<656x64xf32, #tpu.memory_space<vmem>>, vector<16xf32>,
        %mul3A_3779 = arith.mulf %get3A_3773, %get3A_3778 : vector<16xf32>
        %add3A_3780 = arith.addf %add3A_3738, %mul3A_3779 : vector<16xf32>
        %get3A_3781 = arith.index_cast %scan3A_3760 : i32 to index
        %get3A_3782 = arith.constant 32 : index
        %get3A_3783 = tpu.vector_load %arg12[%get3A_3781, %get3A_3782] {strides = array<i32>} : memref<656x64xf32, #tpu.memory_space<vmem>>, vector<16xf32>,
        %add3A_3784 = arith.constant 328 : i32
        %add3A_3785 = arith.addi %add3A_3784, %scan3A_3760 : i32
        %get3A_3786 = arith.index_cast %add3A_3785 : i32 to index
        %get3A_3787 = arith.constant 32 : index
        %get3A_3788 = tpu.vector_load %arg12[%get3A_3786, %get3A_3787] {strides = array<i32>} : memref<656x64xf32, #tpu.memory_space<vmem>>, vector<16xf32>,
        %mul3A_3789 = arith.mulf %get3A_3783, %get3A_3788 : vector<16xf32>
        %add3A_3790 = arith.addf %add3A_3748, %mul3A_3789 : vector<16xf32>
        %get3A_3791 = arith.index_cast %scan3A_3760 : i32 to index
        %get3A_3792 = arith.constant 48 : index
        %get3A_3793 = tpu.vector_load %arg12[%get3A_3791, %get3A_3792] {strides = array<i32>} : memref<656x64xf32, #tpu.memory_space<vmem>>, vector<16xf32>,
        %add3A_3794 = arith.constant 328 : i32
        %add3A_3795 = arith.addi %add3A_3794, %scan3A_3760 : i32
        %get3A_3796 = arith.index_cast %add3A_3795 : i32 to index
        %get3A_3797 = arith.constant 48 : index
        %get3A_3798 = tpu.vector_load %arg12[%get3A_3796, %get3A_3797] {strides = array<i32>} : memref<656x64xf32, #tpu.memory_space<vmem>>, vector<16xf32>,
        %mul3A_3799 = arith.mulf %get3A_3793, %get3A_3798 : vector<16xf32>
        %add3A_3800 = arith.addf %add3A_3758, %mul3A_3799 : vector<16xf32>
        %scan3A_3801 = arith.constant 4 : i32
        %scan3A_3802 = arith.addi %scan3A_3630, %scan3A_3801 : i32
        %get3A_3803 = arith.index_cast %scan3A_3802 : i32 to index
        %get3A_3804 = arith.constant 0 : index
        %get3A_3805 = tpu.vector_load %arg12[%get3A_3803, %get3A_3804] {strides = array<i32>} : memref<656x64xf32, #tpu.memory_space<vmem>>, vector<16xf32>,
        %add3A_3806 = arith.constant 328 : i32
        %add3A_3807 = arith.addi %add3A_3806, %scan3A_3802 : i32
        %get3A_3808 = arith.index_cast %add3A_3807 : i32 to index
        %get3A_3809 = arith.constant 0 : index
        %get3A_3810 = tpu.vector_load %arg12[%get3A_3808, %get3A_3809] {strides = array<i32>} : memref<656x64xf32, #tpu.memory_space<vmem>>, vector<16xf32>,
        %mul3A_3811 = arith.mulf %get3A_3805, %get3A_3810 : vector<16xf32>
        %add3A_3812 = arith.addf %add3A_3770, %mul3A_3811 : vector<16xf32>
        %get3A_3813 = arith.index_cast %scan3A_3802 : i32 to index
        %get3A_3814 = arith.constant 16 : index
        %get3A_3815 = tpu.vector_load %arg12[%get3A_3813, %get3A_3814] {strides = array<i32>} : memref<656x64xf32, #tpu.memory_space<vmem>>, vector<16xf32>,
        %add3A_3816 = arith.constant 328 : i32
        %add3A_3817 = arith.addi %add3A_3816, %scan3A_3802 : i32
        %get3A_3818 = arith.index_cast %add3A_3817 : i32 to index
        %get3A_3819 = arith.constant 16 : index
        %get3A_3820 = tpu.vector_load %arg12[%get3A_3818, %get3A_3819] {strides = array<i32>} : memref<656x64xf32, #tpu.memory_space<vmem>>, vector<16xf32>,
        %mul3A_3821 = arith.mulf %get3A_3815, %get3A_3820 : vector<16xf32>
        %add3A_3822 = arith.addf %add3A_3780, %mul3A_3821 : vector<16xf32>
        %get3A_3823 = arith.index_cast %scan3A_3802 : i32 to index
        %get3A_3824 = arith.constant 32 : index
        %get3A_3825 = tpu.vector_load %arg12[%get3A_3823, %get3A_3824] {strides = array<i32>} : memref<656x64xf32, #tpu.memory_space<vmem>>, vector<16xf32>,
        %add3A_3826 = arith.constant 328 : i32
        %add3A_3827 = arith.addi %add3A_3826, %scan3A_3802 : i32
        %get3A_3828 = arith.index_cast %add3A_3827 : i32 to index
        %get3A_3829 = arith.constant 32 : index
        %get3A_3830 = tpu.vector_load %arg12[%get3A_3828, %get3A_3829] {strides = array<i32>} : memref<656x64xf32, #tpu.memory_space<vmem>>, vector<16xf32>,
        %mul3A_3831 = arith.mulf %get3A_3825, %get3A_3830 : vector<16xf32>
        %add3A_3832 = arith.addf %add3A_3790, %mul3A_3831 : vector<16xf32>
        %get3A_3833 = arith.index_cast %scan3A_3802 : i32 to index
        %get3A_3834 = arith.constant 48 : index
        %get3A_3835 = tpu.vector_load %arg12[%get3A_3833, %get3A_3834] {strides = array<i32>} : memref<656x64xf32, #tpu.memory_space<vmem>>, vector<16xf32>,
        %add3A_3836 = arith.constant 328 : i32
        %add3A_3837 = arith.addi %add3A_3836, %scan3A_3802 : i32
        %get3A_3838 = arith.index_cast %add3A_3837 : i32 to index
        %get3A_3839 = arith.constant 48 : index
        %get3A_3840 = tpu.vector_load %arg12[%get3A_3838, %get3A_3839] {strides = array<i32>} : memref<656x64xf32, #tpu.memory_space<vmem>>, vector<16xf32>,
        %mul3A_3841 = arith.mulf %get3A_3835, %get3A_3840 : vector<16xf32>
        %add3A_3842 = arith.addf %add3A_3800, %mul3A_3841 : vector<16xf32>
        %scan3A_3843 = arith.constant 5 : i32
        %scan3A_3844 = arith.addi %scan3A_3630, %scan3A_3843 : i32
        %get3A_3845 = arith.index_cast %scan3A_3844 : i32 to index
        %get3A_3846 = arith.constant 0 : index
        %get3A_3847 = tpu.vector_load %arg12[%get3A_3845, %get3A_3846] {strides = array<i32>} : memref<656x64xf32, #tpu.memory_space<vmem>>, vector<16xf32>,
        %add3A_3848 = arith.constant 328 : i32
        %add3A_3849 = arith.addi %add3A_3848, %scan3A_3844 : i32
        %get3A_3850 = arith.index_cast %add3A_3849 : i32 to index
        %get3A_3851 = arith.constant 0 : index
        %get3A_3852 = tpu.vector_load %arg12[%get3A_3850, %get3A_3851] {strides = array<i32>} : memref<656x64xf32, #tpu.memory_space<vmem>>, vector<16xf32>,
        %mul3A_3853 = arith.mulf %get3A_3847, %get3A_3852 : vector<16xf32>
        %add3A_3854 = arith.addf %add3A_3812, %mul3A_3853 : vector<16xf32>
        %get3A_3855 = arith.index_cast %scan3A_3844 : i32 to index
        %get3A_3856 = arith.constant 16 : index
        %get3A_3857 = tpu.vector_load %arg12[%get3A_3855, %get3A_3856] {strides = array<i32>} : memref<656x64xf32, #tpu.memory_space<vmem>>, vector<16xf32>,
        %add3A_3858 = arith.constant 328 : i32
        %add3A_3859 = arith.addi %add3A_3858, %scan3A_3844 : i32
        %get3A_3860 = arith.index_cast %add3A_3859 : i32 to index
        %get3A_3861 = arith.constant 16 : index
        %get3A_3862 = tpu.vector_load %arg12[%get3A_3860, %get3A_3861] {strides = array<i32>} : memref<656x64xf32, #tpu.memory_space<vmem>>, vector<16xf32>,
        %mul3A_3863 = arith.mulf %get3A_3857, %get3A_3862 : vector<16xf32>
        %add3A_3864 = arith.addf %add3A_3822, %mul3A_3863 : vector<16xf32>
        %get3A_3865 = arith.index_cast %scan3A_3844 : i32 to index
        %get3A_3866 = arith.constant 32 : index
        %get3A_3867 = tpu.vector_load %arg12[%get3A_3865, %get3A_3866] {strides = array<i32>} : memref<656x64xf32, #tpu.memory_space<vmem>>, vector<16xf32>,
        %add3A_3868 = arith.constant 328 : i32
        %add3A_3869 = arith.addi %add3A_3868, %scan3A_3844 : i32
        %get3A_3870 = arith.index_cast %add3A_3869 : i32 to index
        %get3A_3871 = arith.constant 32 : index
        %get3A_3872 = tpu.vector_load %arg12[%get3A_3870, %get3A_3871] {strides = array<i32>} : memref<656x64xf32, #tpu.memory_space<vmem>>, vector<16xf32>,
        %mul3A_3873 = arith.mulf %get3A_3867, %get3A_3872 : vector<16xf32>
        %add3A_3874 = arith.addf %add3A_3832, %mul3A_3873 : vector<16xf32>
        %get3A_3875 = arith.index_cast %scan3A_3844 : i32 to index
        %get3A_3876 = arith.constant 48 : index
        %get3A_3877 = tpu.vector_load %arg12[%get3A_3875, %get3A_3876] {strides = array<i32>} : memref<656x64xf32, #tpu.memory_space<vmem>>, vector<16xf32>,
        %add3A_3878 = arith.constant 328 : i32
        %add3A_3879 = arith.addi %add3A_3878, %scan3A_3844 : i32
        %get3A_3880 = arith.index_cast %add3A_3879 : i32 to index
        %get3A_3881 = arith.constant 48 : index
        %get3A_3882 = tpu.vector_load %arg12[%get3A_3880, %get3A_3881] {strides = array<i32>} : memref<656x64xf32, #tpu.memory_space<vmem>>, vector<16xf32>,
        %mul3A_3883 = arith.mulf %get3A_3877, %get3A_3882 : vector<16xf32>
        %add3A_3884 = arith.addf %add3A_3842, %mul3A_3883 : vector<16xf32>
        %scan3A_3885 = arith.constant 6 : i32
        %scan3A_3886 = arith.addi %scan3A_3630, %scan3A_3885 : i32
        %get3A_3887 = arith.index_cast %scan3A_3886 : i32 to index
        %get3A_3888 = arith.constant 0 : index
        %get3A_3889 = tpu.vector_load %arg12[%get3A_3887, %get3A_3888] {strides = array<i32>} : memref<656x64xf32, #tpu.memory_space<vmem>>, vector<16xf32>,
        %add3A_3890 = arith.constant 328 : i32
        %add3A_3891 = arith.addi %add3A_3890, %scan3A_3886 : i32
        %get3A_3892 = arith.index_cast %add3A_3891 : i32 to index
        %get3A_3893 = arith.constant 0 : index
        %get3A_3894 = tpu.vector_load %arg12[%get3A_3892, %get3A_3893] {strides = array<i32>} : memref<656x64xf32, #tpu.memory_space<vmem>>, vector<16xf32>,
        %mul3A_3895 = arith.mulf %get3A_3889, %get3A_3894 : vector<16xf32>
        %add3A_3896 = arith.addf %add3A_3854, %mul3A_3895 : vector<16xf32>
        %get3A_3897 = arith.index_cast %scan3A_3886 : i32 to index
        %get3A_3898 = arith.constant 16 : index
        %get3A_3899 = tpu.vector_load %arg12[%get3A_3897, %get3A_3898] {strides = array<i32>} : memref<656x64xf32, #tpu.memory_space<vmem>>, vector<16xf32>,
        %add3A_3900 = arith.constant 328 : i32
        %add3A_3901 = arith.addi %add3A_3900, %scan3A_3886 : i32
        %get3A_3902 = arith.index_cast %add3A_3901 : i32 to index
        %get3A_3903 = arith.constant 16 : index
        %get3A_3904 = tpu.vector_load %arg12[%get3A_3902, %get3A_3903] {strides = array<i32>} : memref<656x64xf32, #tpu.memory_space<vmem>>, vector<16xf32>,
        %mul3A_3905 = arith.mulf %get3A_3899, %get3A_3904 : vector<16xf32>
        %add3A_3906 = arith.addf %add3A_3864, %mul3A_3905 : vector<16xf32>
        %get3A_3907 = arith.index_cast %scan3A_3886 : i32 to index
        %get3A_3908 = arith.constant 32 : index
        %get3A_3909 = tpu.vector_load %arg12[%get3A_3907, %get3A_3908] {strides = array<i32>} : memref<656x64xf32, #tpu.memory_space<vmem>>, vector<16xf32>,
        %add3A_3910 = arith.constant 328 : i32
        %add3A_3911 = arith.addi %add3A_3910, %scan3A_3886 : i32
        %get3A_3912 = arith.index_cast %add3A_3911 : i32 to index
        %get3A_3913 = arith.constant 32 : index
        %get3A_3914 = tpu.vector_load %arg12[%get3A_3912, %get3A_3913] {strides = array<i32>} : memref<656x64xf32, #tpu.memory_space<vmem>>, vector<16xf32>,
        %mul3A_3915 = arith.mulf %get3A_3909, %get3A_3914 : vector<16xf32>
        %add3A_3916 = arith.addf %add3A_3874, %mul3A_3915 : vector<16xf32>
        %get3A_3917 = arith.index_cast %scan3A_3886 : i32 to index
        %get3A_3918 = arith.constant 48 : index
        %get3A_3919 = tpu.vector_load %arg12[%get3A_3917, %get3A_3918] {strides = array<i32>} : memref<656x64xf32, #tpu.memory_space<vmem>>, vector<16xf32>,
        %add3A_3920 = arith.constant 328 : i32
        %add3A_3921 = arith.addi %add3A_3920, %scan3A_3886 : i32
        %get3A_3922 = arith.index_cast %add3A_3921 : i32 to index
        %get3A_3923 = arith.constant 48 : index
        %get3A_3924 = tpu.vector_load %arg12[%get3A_3922, %get3A_3923] {strides = array<i32>} : memref<656x64xf32, #tpu.memory_space<vmem>>, vector<16xf32>,
        %mul3A_3925 = arith.mulf %get3A_3919, %get3A_3924 : vector<16xf32>
        %add3A_3926 = arith.addf %add3A_3884, %mul3A_3925 : vector<16xf32>
        %scan3A_3927 = arith.constant 7 : i32
        %scan3A_3928 = arith.addi %scan3A_3630, %scan3A_3927 : i32
        %get3A_3929 = arith.index_cast %scan3A_3928 : i32 to index
        %get3A_3930 = arith.constant 0 : index
        %get3A_3931 = tpu.vector_load %arg12[%get3A_3929, %get3A_3930] {strides = array<i32>} : memref<656x64xf32, #tpu.memory_space<vmem>>, vector<16xf32>,
        %add3A_3932 = arith.constant 328 : i32
        %add3A_3933 = arith.addi %add3A_3932, %scan3A_3928 : i32
        %get3A_3934 = arith.index_cast %add3A_3933 : i32 to index
        %get3A_3935 = arith.constant 0 : index
        %get3A_3936 = tpu.vector_load %arg12[%get3A_3934, %get3A_3935] {strides = array<i32>} : memref<656x64xf32, #tpu.memory_space<vmem>>, vector<16xf32>,
        %mul3A_3937 = arith.mulf %get3A_3931, %get3A_3936 : vector<16xf32>
        %add3A_3938 = arith.addf %add3A_3896, %mul3A_3937 : vector<16xf32>
        %get3A_3939 = arith.index_cast %scan3A_3928 : i32 to index
        %get3A_3940 = arith.constant 16 : index
        %get3A_3941 = tpu.vector_load %arg12[%get3A_3939, %get3A_3940] {strides = array<i32>} : memref<656x64xf32, #tpu.memory_space<vmem>>, vector<16xf32>,
        %add3A_3942 = arith.constant 328 : i32
        %add3A_3943 = arith.addi %add3A_3942, %scan3A_3928 : i32
        %get3A_3944 = arith.index_cast %add3A_3943 : i32 to index
        %get3A_3945 = arith.constant 16 : index
        %get3A_3946 = tpu.vector_load %arg12[%get3A_3944, %get3A_3945] {strides = array<i32>} : memref<656x64xf32, #tpu.memory_space<vmem>>, vector<16xf32>,
        %mul3A_3947 = arith.mulf %get3A_3941, %get3A_3946 : vector<16xf32>
        %add3A_3948 = arith.addf %add3A_3906, %mul3A_3947 : vector<16xf32>
        %get3A_3949 = arith.index_cast %scan3A_3928 : i32 to index
        %get3A_3950 = arith.constant 32 : index
        %get3A_3951 = tpu.vector_load %arg12[%get3A_3949, %get3A_3950] {strides = array<i32>} : memref<656x64xf32, #tpu.memory_space<vmem>>, vector<16xf32>,
        %add3A_3952 = arith.constant 328 : i32
        %add3A_3953 = arith.addi %add3A_3952, %scan3A_3928 : i32
        %get3A_3954 = arith.index_cast %add3A_3953 : i32 to index
        %get3A_3955 = arith.constant 32 : index
        %get3A_3956 = tpu.vector_load %arg12[%get3A_3954, %get3A_3955] {strides = array<i32>} : memref<656x64xf32, #tpu.memory_space<vmem>>, vector<16xf32>,
        %mul3A_3957 = arith.mulf %get3A_3951, %get3A_3956 : vector<16xf32>
        %add3A_3958 = arith.addf %add3A_3916, %mul3A_3957 : vector<16xf32>
        %get3A_3959 = arith.index_cast %scan3A_3928 : i32 to index
        %get3A_3960 = arith.constant 48 : index
        %get3A_3961 = tpu.vector_load %arg12[%get3A_3959, %get3A_3960] {strides = array<i32>} : memref<656x64xf32, #tpu.memory_space<vmem>>, vector<16xf32>,
        %add3A_3962 = arith.constant 328 : i32
        %add3A_3963 = arith.addi %add3A_3962, %scan3A_3928 : i32
        %get3A_3964 = arith.index_cast %add3A_3963 : i32 to index
        %get3A_3965 = arith.constant 48 : index
        %get3A_3966 = tpu.vector_load %arg12[%get3A_3964, %get3A_3965] {strides = array<i32>} : memref<656x64xf32, #tpu.memory_space<vmem>>, vector<16xf32>,
        %mul3A_3967 = arith.mulf %get3A_3961, %get3A_3966 : vector<16xf32>
        %add3A_3968 = arith.addf %add3A_3926, %mul3A_3967 : vector<16xf32>
        scf.yield %add3A_3938, %add3A_3948, %add3A_3958, %add3A_3968 : vector<16xf32>, vector<16xf32>, vector<16xf32>, vector<16xf32>
      }
      %scan3A_2594 = arith.constant 320 : i32
      %scan3A_2595 = arith.addi %scan3A_2589, %scan3A_2594 : i32
      %get3A_2596 = arith.index_cast %scan3A_2595 : i32 to index
      %get3A_2597 = arith.constant 0 : index
      %get3A_2598 = tpu.vector_load %arg12[%get3A_2596, %get3A_2597] {strides = array<i32>} : memref<656x64xf32, #tpu.memory_space<vmem>>, vector<16xf32>,
      %add3A_2599 = arith.constant 328 : i32
      %add3A_2600 = arith.addi %add3A_2599, %scan3A_2595 : i32
      %get3A_2601 = arith.index_cast %add3A_2600 : i32 to index
      %get3A_2602 = arith.constant 0 : index
      %get3A_2603 = tpu.vector_load %arg12[%get3A_2601, %get3A_2602] {strides = array<i32>} : memref<656x64xf32, #tpu.memory_space<vmem>>, vector<16xf32>,
      %mul3A_2604 = arith.mulf %get3A_2598, %get3A_2603 : vector<16xf32>
      %add3A_2605 = arith.addf %scan3A_2593#0, %mul3A_2604 : vector<16xf32>
      %get3A_2606 = arith.index_cast %scan3A_2595 : i32 to index
      %get3A_2607 = arith.constant 16 : index
      %get3A_2608 = tpu.vector_load %arg12[%get3A_2606, %get3A_2607] {strides = array<i32>} : memref<656x64xf32, #tpu.memory_space<vmem>>, vector<16xf32>,
      %add3A_2609 = arith.constant 328 : i32
      %add3A_2610 = arith.addi %add3A_2609, %scan3A_2595 : i32
      %get3A_2611 = arith.index_cast %add3A_2610 : i32 to index
      %get3A_2612 = arith.constant 16 : index
      %get3A_2613 = tpu.vector_load %arg12[%get3A_2611, %get3A_2612] {strides = array<i32>} : memref<656x64xf32, #tpu.memory_space<vmem>>, vector<16xf32>,
      %mul3A_2614 = arith.mulf %get3A_2608, %get3A_2613 : vector<16xf32>
      %add3A_2615 = arith.addf %scan3A_2593#1, %mul3A_2614 : vector<16xf32>
      %get3A_2616 = arith.index_cast %scan3A_2595 : i32 to index
      %get3A_2617 = arith.constant 32 : index
      %get3A_2618 = tpu.vector_load %arg12[%get3A_2616, %get3A_2617] {strides = array<i32>} : memref<656x64xf32, #tpu.memory_space<vmem>>, vector<16xf32>,
      %add3A_2619 = arith.constant 328 : i32
      %add3A_2620 = arith.addi %add3A_2619, %scan3A_2595 : i32
      %get3A_2621 = arith.index_cast %add3A_2620 : i32 to index
      %get3A_2622 = arith.constant 32 : index
      %get3A_2623 = tpu.vector_load %arg12[%get3A_2621, %get3A_2622] {strides = array<i32>} : memref<656x64xf32, #tpu.memory_space<vmem>>, vector<16xf32>,
      %mul3A_2624 = arith.mulf %get3A_2618, %get3A_2623 : vector<16xf32>
      %add3A_2625 = arith.addf %scan3A_2593#2, %mul3A_2624 : vector<16xf32>
      %get3A_2626 = arith.index_cast %scan3A_2595 : i32 to index
      %get3A_2627 = arith.constant 48 : index
      %get3A_2628 = tpu.vector_load %arg12[%get3A_2626, %get3A_2627] {strides = array<i32>} : memref<656x64xf32, #tpu.memory_space<vmem>>, vector<16xf32>,
      %add3A_2629 = arith.constant 328 : i32
      %add3A_2630 = arith.addi %add3A_2629, %scan3A_2595 : i32
      %get3A_2631 = arith.index_cast %add3A_2630 : i32 to index
      %get3A_2632 = arith.constant 48 : index
      %get3A_2633 = tpu.vector_load %arg12[%get3A_2631, %get3A_2632] {strides = array<i32>} : memref<656x64xf32, #tpu.memory_space<vmem>>, vector<16xf32>,
      %mul3A_2634 = arith.mulf %get3A_2628, %get3A_2633 : vector<16xf32>
      %add3A_2635 = arith.addf %scan3A_2593#3, %mul3A_2634 : vector<16xf32>
      %scan3A_2636 = arith.constant 321 : i32
      %scan3A_2637 = arith.addi %scan3A_2589, %scan3A_2636 : i32
      %get3A_2638 = arith.index_cast %scan3A_2637 : i32 to index
      %get3A_2639 = arith.constant 0 : index
      %get3A_2640 = tpu.vector_load %arg12[%get3A_2638, %get3A_2639] {strides = array<i32>} : memref<656x64xf32, #tpu.memory_space<vmem>>, vector<16xf32>,
      %add3A_2641 = arith.constant 328 : i32
      %add3A_2642 = arith.addi %add3A_2641, %scan3A_2637 : i32
      %get3A_2643 = arith.index_cast %add3A_2642 : i32 to index
      %get3A_2644 = arith.constant 0 : index
      %get3A_2645 = tpu.vector_load %arg12[%get3A_2643, %get3A_2644] {strides = array<i32>} : memref<656x64xf32, #tpu.memory_space<vmem>>, vector<16xf32>,
      %mul3A_2646 = arith.mulf %get3A_2640, %get3A_2645 : vector<16xf32>
      %add3A_2647 = arith.addf %add3A_2605, %mul3A_2646 : vector<16xf32>
      %get3A_2648 = arith.index_cast %scan3A_2637 : i32 to index
      %get3A_2649 = arith.constant 16 : index
      %get3A_2650 = tpu.vector_load %arg12[%get3A_2648, %get3A_2649] {strides = array<i32>} : memref<656x64xf32, #tpu.memory_space<vmem>>, vector<16xf32>,
      %add3A_2651 = arith.constant 328 : i32
      %add3A_2652 = arith.addi %add3A_2651, %scan3A_2637 : i32
      %get3A_2653 = arith.index_cast %add3A_2652 : i32 to index
      %get3A_2654 = arith.constant 16 : index
      %get3A_2655 = tpu.vector_load %arg12[%get3A_2653, %get3A_2654] {strides = array<i32>} : memref<656x64xf32, #tpu.memory_space<vmem>>, vector<16xf32>,
      %mul3A_2656 = arith.mulf %get3A_2650, %get3A_2655 : vector<16xf32>
      %add3A_2657 = arith.addf %add3A_2615, %mul3A_2656 : vector<16xf32>
      %get3A_2658 = arith.index_cast %scan3A_2637 : i32 to index
      %get3A_2659 = arith.constant 32 : index
      %get3A_2660 = tpu.vector_load %arg12[%get3A_2658, %get3A_2659] {strides = array<i32>} : memref<656x64xf32, #tpu.memory_space<vmem>>, vector<16xf32>,
      %add3A_2661 = arith.constant 328 : i32
      %add3A_2662 = arith.addi %add3A_2661, %scan3A_2637 : i32
      %get3A_2663 = arith.index_cast %add3A_2662 : i32 to index
      %get3A_2664 = arith.constant 32 : index
      %get3A_2665 = tpu.vector_load %arg12[%get3A_2663, %get3A_2664] {strides = array<i32>} : memref<656x64xf32, #tpu.memory_space<vmem>>, vector<16xf32>,
      %mul3A_2666 = arith.mulf %get3A_2660, %get3A_2665 : vector<16xf32>
      %add3A_2667 = arith.addf %add3A_2625, %mul3A_2666 : vector<16xf32>
      %get3A_2668 = arith.index_cast %scan3A_2637 : i32 to index
      %get3A_2669 = arith.constant 48 : index
      %get3A_2670 = tpu.vector_load %arg12[%get3A_2668, %get3A_2669] {strides = array<i32>} : memref<656x64xf32, #tpu.memory_space<vmem>>, vector<16xf32>,
      %add3A_2671 = arith.constant 328 : i32
      %add3A_2672 = arith.addi %add3A_2671, %scan3A_2637 : i32
      %get3A_2673 = arith.index_cast %add3A_2672 : i32 to index
      %get3A_2674 = arith.constant 48 : index
      %get3A_2675 = tpu.vector_load %arg12[%get3A_2673, %get3A_2674] {strides = array<i32>} : memref<656x64xf32, #tpu.memory_space<vmem>>, vector<16xf32>,
      %mul3A_2676 = arith.mulf %get3A_2670, %get3A_2675 : vector<16xf32>
      %add3A_2677 = arith.addf %add3A_2635, %mul3A_2676 : vector<16xf32>
      %scan3A_2678 = arith.constant 322 : i32
      %scan3A_2679 = arith.addi %scan3A_2589, %scan3A_2678 : i32
      %get3A_2680 = arith.index_cast %scan3A_2679 : i32 to index
      %get3A_2681 = arith.constant 0 : index
      %get3A_2682 = tpu.vector_load %arg12[%get3A_2680, %get3A_2681] {strides = array<i32>} : memref<656x64xf32, #tpu.memory_space<vmem>>, vector<16xf32>,
      %add3A_2683 = arith.constant 328 : i32
      %add3A_2684 = arith.addi %add3A_2683, %scan3A_2679 : i32
      %get3A_2685 = arith.index_cast %add3A_2684 : i32 to index
      %get3A_2686 = arith.constant 0 : index
      %get3A_2687 = tpu.vector_load %arg12[%get3A_2685, %get3A_2686] {strides = array<i32>} : memref<656x64xf32, #tpu.memory_space<vmem>>, vector<16xf32>,
      %mul3A_2688 = arith.mulf %get3A_2682, %get3A_2687 : vector<16xf32>
      %add3A_2689 = arith.addf %add3A_2647, %mul3A_2688 : vector<16xf32>
      %get3A_2690 = arith.index_cast %scan3A_2679 : i32 to index
      %get3A_2691 = arith.constant 16 : index
      %get3A_2692 = tpu.vector_load %arg12[%get3A_2690, %get3A_2691] {strides = array<i32>} : memref<656x64xf32, #tpu.memory_space<vmem>>, vector<16xf32>,
      %add3A_2693 = arith.constant 328 : i32
      %add3A_2694 = arith.addi %add3A_2693, %scan3A_2679 : i32
      %get3A_2695 = arith.index_cast %add3A_2694 : i32 to index
      %get3A_2696 = arith.constant 16 : index
      %get3A_2697 = tpu.vector_load %arg12[%get3A_2695, %get3A_2696] {strides = array<i32>} : memref<656x64xf32, #tpu.memory_space<vmem>>, vector<16xf32>,
      %mul3A_2698 = arith.mulf %get3A_2692, %get3A_2697 : vector<16xf32>
      %add3A_2699 = arith.addf %add3A_2657, %mul3A_2698 : vector<16xf32>
      %get3A_2700 = arith.index_cast %scan3A_2679 : i32 to index
      %get3A_2701 = arith.constant 32 : index
      %get3A_2702 = tpu.vector_load %arg12[%get3A_2700, %get3A_2701] {strides = array<i32>} : memref<656x64xf32, #tpu.memory_space<vmem>>, vector<16xf32>,
      %add3A_2703 = arith.constant 328 : i32
      %add3A_2704 = arith.addi %add3A_2703, %scan3A_2679 : i32
      %get3A_2705 = arith.index_cast %add3A_2704 : i32 to index
      %get3A_2706 = arith.constant 32 : index
      %get3A_2707 = tpu.vector_load %arg12[%get3A_2705, %get3A_2706] {strides = array<i32>} : memref<656x64xf32, #tpu.memory_space<vmem>>, vector<16xf32>,
      %mul3A_2708 = arith.mulf %get3A_2702, %get3A_2707 : vector<16xf32>
      %add3A_2709 = arith.addf %add3A_2667, %mul3A_2708 : vector<16xf32>
      %get3A_2710 = arith.index_cast %scan3A_2679 : i32 to index
      %get3A_2711 = arith.constant 48 : index
      %get3A_2712 = tpu.vector_load %arg12[%get3A_2710, %get3A_2711] {strides = array<i32>} : memref<656x64xf32, #tpu.memory_space<vmem>>, vector<16xf32>,
      %add3A_2713 = arith.constant 328 : i32
      %add3A_2714 = arith.addi %add3A_2713, %scan3A_2679 : i32
      %get3A_2715 = arith.index_cast %add3A_2714 : i32 to index
      %get3A_2716 = arith.constant 48 : index
      %get3A_2717 = tpu.vector_load %arg12[%get3A_2715, %get3A_2716] {strides = array<i32>} : memref<656x64xf32, #tpu.memory_space<vmem>>, vector<16xf32>,
      %mul3A_2718 = arith.mulf %get3A_2712, %get3A_2717 : vector<16xf32>
      %add3A_2719 = arith.addf %add3A_2677, %mul3A_2718 : vector<16xf32>
      %scan3A_2720 = arith.constant 323 : i32
      %scan3A_2721 = arith.addi %scan3A_2589, %scan3A_2720 : i32
      %get3A_2722 = arith.index_cast %scan3A_2721 : i32 to index
      %get3A_2723 = arith.constant 0 : index
      %get3A_2724 = tpu.vector_load %arg12[%get3A_2722, %get3A_2723] {strides = array<i32>} : memref<656x64xf32, #tpu.memory_space<vmem>>, vector<16xf32>,
      %add3A_2725 = arith.constant 328 : i32
      %add3A_2726 = arith.addi %add3A_2725, %scan3A_2721 : i32
      %get3A_2727 = arith.index_cast %add3A_2726 : i32 to index
      %get3A_2728 = arith.constant 0 : index
      %get3A_2729 = tpu.vector_load %arg12[%get3A_2727, %get3A_2728] {strides = array<i32>} : memref<656x64xf32, #tpu.memory_space<vmem>>, vector<16xf32>,
      %mul3A_2730 = arith.mulf %get3A_2724, %get3A_2729 : vector<16xf32>
      %add3A_2731 = arith.addf %add3A_2689, %mul3A_2730 : vector<16xf32>
      %get3A_2732 = arith.index_cast %scan3A_2721 : i32 to index
      %get3A_2733 = arith.constant 16 : index
      %get3A_2734 = tpu.vector_load %arg12[%get3A_2732, %get3A_2733] {strides = array<i32>} : memref<656x64xf32, #tpu.memory_space<vmem>>, vector<16xf32>,
      %add3A_2735 = arith.constant 328 : i32
      %add3A_2736 = arith.addi %add3A_2735, %scan3A_2721 : i32
      %get3A_2737 = arith.index_cast %add3A_2736 : i32 to index
      %get3A_2738 = arith.constant 16 : index
      %get3A_2739 = tpu.vector_load %arg12[%get3A_2737, %get3A_2738] {strides = array<i32>} : memref<656x64xf32, #tpu.memory_space<vmem>>, vector<16xf32>,
      %mul3A_2740 = arith.mulf %get3A_2734, %get3A_2739 : vector<16xf32>
      %add3A_2741 = arith.addf %add3A_2699, %mul3A_2740 : vector<16xf32>
      %get3A_2742 = arith.index_cast %scan3A_2721 : i32 to index
      %get3A_2743 = arith.constant 32 : index
      %get3A_2744 = tpu.vector_load %arg12[%get3A_2742, %get3A_2743] {strides = array<i32>} : memref<656x64xf32, #tpu.memory_space<vmem>>, vector<16xf32>,
      %add3A_2745 = arith.constant 328 : i32
      %add3A_2746 = arith.addi %add3A_2745, %scan3A_2721 : i32
      %get3A_2747 = arith.index_cast %add3A_2746 : i32 to index
      %get3A_2748 = arith.constant 32 : index
      %get3A_2749 = tpu.vector_load %arg12[%get3A_2747, %get3A_2748] {strides = array<i32>} : memref<656x64xf32, #tpu.memory_space<vmem>>, vector<16xf32>,
      %mul3A_2750 = arith.mulf %get3A_2744, %get3A_2749 : vector<16xf32>
      %add3A_2751 = arith.addf %add3A_2709, %mul3A_2750 : vector<16xf32>
      %get3A_2752 = arith.index_cast %scan3A_2721 : i32 to index
      %get3A_2753 = arith.constant 48 : index
      %get3A_2754 = tpu.vector_load %arg12[%get3A_2752, %get3A_2753] {strides = array<i32>} : memref<656x64xf32, #tpu.memory_space<vmem>>, vector<16xf32>,
      %add3A_2755 = arith.constant 328 : i32
      %add3A_2756 = arith.addi %add3A_2755, %scan3A_2721 : i32
      %get3A_2757 = arith.index_cast %add3A_2756 : i32 to index
      %get3A_2758 = arith.constant 48 : index
      %get3A_2759 = tpu.vector_load %arg12[%get3A_2757, %get3A_2758] {strides = array<i32>} : memref<656x64xf32, #tpu.memory_space<vmem>>, vector<16xf32>,
      %mul3A_2760 = arith.mulf %get3A_2754, %get3A_2759 : vector<16xf32>
      %add3A_2761 = arith.addf %add3A_2719, %mul3A_2760 : vector<16xf32>
      %scan3A_2762 = arith.constant 324 : i32
      %scan3A_2763 = arith.addi %scan3A_2589, %scan3A_2762 : i32
      %get3A_2764 = arith.index_cast %scan3A_2763 : i32 to index
      %get3A_2765 = arith.constant 0 : index
      %get3A_2766 = tpu.vector_load %arg12[%get3A_2764, %get3A_2765] {strides = array<i32>} : memref<656x64xf32, #tpu.memory_space<vmem>>, vector<16xf32>,
      %add3A_2767 = arith.constant 328 : i32
      %add3A_2768 = arith.addi %add3A_2767, %scan3A_2763 : i32
      %get3A_2769 = arith.index_cast %add3A_2768 : i32 to index
      %get3A_2770 = arith.constant 0 : index
      %get3A_2771 = tpu.vector_load %arg12[%get3A_2769, %get3A_2770] {strides = array<i32>} : memref<656x64xf32, #tpu.memory_space<vmem>>, vector<16xf32>,
      %mul3A_2772 = arith.mulf %get3A_2766, %get3A_2771 : vector<16xf32>
      %add3A_2773 = arith.addf %add3A_2731, %mul3A_2772 : vector<16xf32>
      %get3A_2774 = arith.index_cast %scan3A_2763 : i32 to index
      %get3A_2775 = arith.constant 16 : index
      %get3A_2776 = tpu.vector_load %arg12[%get3A_2774, %get3A_2775] {strides = array<i32>} : memref<656x64xf32, #tpu.memory_space<vmem>>, vector<16xf32>,
      %add3A_2777 = arith.constant 328 : i32
      %add3A_2778 = arith.addi %add3A_2777, %scan3A_2763 : i32
      %get3A_2779 = arith.index_cast %add3A_2778 : i32 to index
      %get3A_2780 = arith.constant 16 : index
      %get3A_2781 = tpu.vector_load %arg12[%get3A_2779, %get3A_2780] {strides = array<i32>} : memref<656x64xf32, #tpu.memory_space<vmem>>, vector<16xf32>,
      %mul3A_2782 = arith.mulf %get3A_2776, %get3A_2781 : vector<16xf32>
      %add3A_2783 = arith.addf %add3A_2741, %mul3A_2782 : vector<16xf32>
      %get3A_2784 = arith.index_cast %scan3A_2763 : i32 to index
      %get3A_2785 = arith.constant 32 : index
      %get3A_2786 = tpu.vector_load %arg12[%get3A_2784, %get3A_2785] {strides = array<i32>} : memref<656x64xf32, #tpu.memory_space<vmem>>, vector<16xf32>,
      %add3A_2787 = arith.constant 328 : i32
      %add3A_2788 = arith.addi %add3A_2787, %scan3A_2763 : i32
      %get3A_2789 = arith.index_cast %add3A_2788 : i32 to index
      %get3A_2790 = arith.constant 32 : index
      %get3A_2791 = tpu.vector_load %arg12[%get3A_2789, %get3A_2790] {strides = array<i32>} : memref<656x64xf32, #tpu.memory_space<vmem>>, vector<16xf32>,
      %mul3A_2792 = arith.mulf %get3A_2786, %get3A_2791 : vector<16xf32>
      %add3A_2793 = arith.addf %add3A_2751, %mul3A_2792 : vector<16xf32>
      %get3A_2794 = arith.index_cast %scan3A_2763 : i32 to index
      %get3A_2795 = arith.constant 48 : index
      %get3A_2796 = tpu.vector_load %arg12[%get3A_2794, %get3A_2795] {strides = array<i32>} : memref<656x64xf32, #tpu.memory_space<vmem>>, vector<16xf32>,
      %add3A_2797 = arith.constant 328 : i32
      %add3A_2798 = arith.addi %add3A_2797, %scan3A_2763 : i32
      %get3A_2799 = arith.index_cast %add3A_2798 : i32 to index
      %get3A_2800 = arith.constant 48 : index
      %get3A_2801 = tpu.vector_load %arg12[%get3A_2799, %get3A_2800] {strides = array<i32>} : memref<656x64xf32, #tpu.memory_space<vmem>>, vector<16xf32>,
      %mul3A_2802 = arith.mulf %get3A_2796, %get3A_2801 : vector<16xf32>
      %add3A_2803 = arith.addf %add3A_2761, %mul3A_2802 : vector<16xf32>
      %scan3A_2804 = arith.constant 325 : i32
      %add3A_2805 = arith.addf %add3A_2773, %add3A_2783 : vector<16xf32>
      %add3A_2806 = arith.addf %add3A_2805, %add3A_2793 : vector<16xf32>
      %add3A_2807 = arith.addf %add3A_2806, %add3A_2803 : vector<16xf32>
      %mul3A_2808 = arith.constant 16 : i32
      %mul3A_2809 = arith.muli %mul3A_1996, %mul3A_2808 : i32
      %swap3A_2810 = arith.index_cast %mul3A_2809 : i32 to index
      %swap3A_2811 = tpu.vector_load %arg14[%swap3A_2810] {strides = array<i32>} : memref<2048xf32, #tpu.memory_space<vmem>>, vector<16xf32>,
      tpu.vector_store %arg14[%swap3A_2810], %add3A_2807 {strides = array<i32>} : memref<2048xf32, #tpu.memory_space<vmem>>, vector<16xf32>,
      %add3A_2812 = arith.constant 2 : i32
      %add3A_2813 = arith.addi %mul3A_1996, %add3A_2812 : i32
      %min3A = arith.constant 127 : i32
      %min3A_2814 = arith.minsi %add3A_2813, %min3A : i32
      %get3A_2815 = arith.constant 0 : index
      %get3A_2816 = tpu.vector_load %arg9[%get3A_2815] {strides = array<i32>} : memref<656xi32, #tpu.memory_space<vmem>>, vector<16xi32>,
      %mul3A_2817 = arith.constant 26 : i32
      %mul3A_2818 = arith.muli %min3A_2814, %mul3A_2817 : i32
      %add3A_2819 = vector.broadcast %mul3A_2818 : i32 to vector<16xi32>
      %add3A_2820 = arith.addi %add3A_2819, %get3A_2816 : vector<16xi32>
      %gather3A_2821 = tpu.vector_load_idx %arg7[%add3A_2820] : memref<3328xi32, #tpu.memory_space<vmem>>[vector<16xi32>], vector<16xi32>,
      %get3A_2822 = arith.constant 0 : index
      %get3A_2823 = tpu.vector_load %arg8[%get3A_2822] {strides = array<i32>} : memref<656xi32, #tpu.memory_space<vmem>>, vector<16xi32>,
      %add3A_2824 = arith.addi %get3A_2823, %gather3A_2821 : vector<16xi32>
      %swap3A_2825 = arith.constant 0 : index
      %swap3A_2826 = tpu.vector_load %arg10[%swap3A_2825] {strides = array<i32>} : memref<656xi32, #tpu.memory_space<vmem>>, vector<16xi32>,
      tpu.vector_store %arg10[%swap3A_2825], %add3A_2824 {strides = array<i32>} : memref<656xi32, #tpu.memory_space<vmem>>, vector<16xi32>,
      %get3A_2827 = arith.constant 16 : index
      %get3A_2828 = tpu.vector_load %arg9[%get3A_2827] {strides = array<i32>} : memref<656xi32, #tpu.memory_space<vmem>>, vector<16xi32>,
      %mul3A_2829 = arith.constant 26 : i32
      %mul3A_2830 = arith.muli %min3A_2814, %mul3A_2829 : i32
      %add3A_2831 = vector.broadcast %mul3A_2830 : i32 to vector<16xi32>
      %add3A_2832 = arith.addi %add3A_2831, %get3A_2828 : vector<16xi32>
      %gather3A_2833 = tpu.vector_load_idx %arg7[%add3A_2832] : memref<3328xi32, #tpu.memory_space<vmem>>[vector<16xi32>], vector<16xi32>,
      %get3A_2834 = arith.constant 16 : index
      %get3A_2835 = tpu.vector_load %arg8[%get3A_2834] {strides = array<i32>} : memref<656xi32, #tpu.memory_space<vmem>>, vector<16xi32>,
      %add3A_2836 = arith.addi %get3A_2835, %gather3A_2833 : vector<16xi32>
      %swap3A_2837 = arith.constant 16 : index
      %swap3A_2838 = tpu.vector_load %arg10[%swap3A_2837] {strides = array<i32>} : memref<656xi32, #tpu.memory_space<vmem>>, vector<16xi32>,
      tpu.vector_store %arg10[%swap3A_2837], %add3A_2836 {strides = array<i32>} : memref<656xi32, #tpu.memory_space<vmem>>, vector<16xi32>,
      %get3A_2839 = arith.constant 32 : index
      %get3A_2840 = tpu.vector_load %arg9[%get3A_2839] {strides = array<i32>} : memref<656xi32, #tpu.memory_space<vmem>>, vector<16xi32>,
      %mul3A_2841 = arith.constant 26 : i32
      %mul3A_2842 = arith.muli %min3A_2814, %mul3A_2841 : i32
      %add3A_2843 = vector.broadcast %mul3A_2842 : i32 to vector<16xi32>
      %add3A_2844 = arith.addi %add3A_2843, %get3A_2840 : vector<16xi32>
      %gather3A_2845 = tpu.vector_load_idx %arg7[%add3A_2844] : memref<3328xi32, #tpu.memory_space<vmem>>[vector<16xi32>], vector<16xi32>,
      %get3A_2846 = arith.constant 32 : index
      %get3A_2847 = tpu.vector_load %arg8[%get3A_2846] {strides = array<i32>} : memref<656xi32, #tpu.memory_space<vmem>>, vector<16xi32>,
      %add3A_2848 = arith.addi %get3A_2847, %gather3A_2845 : vector<16xi32>
      %swap3A_2849 = arith.constant 32 : index
      %swap3A_2850 = tpu.vector_load %arg10[%swap3A_2849] {strides = array<i32>} : memref<656xi32, #tpu.memory_space<vmem>>, vector<16xi32>,
      tpu.vector_store %arg10[%swap3A_2849], %add3A_2848 {strides = array<i32>} : memref<656xi32, #tpu.memory_space<vmem>>, vector<16xi32>,
      %get3A_2851 = arith.constant 48 : index
      %get3A_2852 = tpu.vector_load %arg9[%get3A_2851] {strides = array<i32>} : memref<656xi32, #tpu.memory_space<vmem>>, vector<16xi32>,
      %mul3A_2853 = arith.constant 26 : i32
      %mul3A_2854 = arith.muli %min3A_2814, %mul3A_2853 : i32
      %add3A_2855 = vector.broadcast %mul3A_2854 : i32 to vector<16xi32>
      %add3A_2856 = arith.addi %add3A_2855, %get3A_2852 : vector<16xi32>
      %gather3A_2857 = tpu.vector_load_idx %arg7[%add3A_2856] : memref<3328xi32, #tpu.memory_space<vmem>>[vector<16xi32>], vector<16xi32>,
      %get3A_2858 = arith.constant 48 : index
      %get3A_2859 = tpu.vector_load %arg8[%get3A_2858] {strides = array<i32>} : memref<656xi32, #tpu.memory_space<vmem>>, vector<16xi32>,
      %add3A_2860 = arith.addi %get3A_2859, %gather3A_2857 : vector<16xi32>
      %swap3A_2861 = arith.constant 48 : index
      %swap3A_2862 = tpu.vector_load %arg10[%swap3A_2861] {strides = array<i32>} : memref<656xi32, #tpu.memory_space<vmem>>, vector<16xi32>,
      tpu.vector_store %arg10[%swap3A_2861], %add3A_2860 {strides = array<i32>} : memref<656xi32, #tpu.memory_space<vmem>>, vector<16xi32>,
      %get3A_2863 = arith.constant 64 : index
      %get3A_2864 = tpu.vector_load %arg9[%get3A_2863] {strides = array<i32>} : memref<656xi32, #tpu.memory_space<vmem>>, vector<16xi32>,
      %mul3A_2865 = arith.constant 26 : i32
      %mul3A_2866 = arith.muli %min3A_2814, %mul3A_2865 : i32
      %add3A_2867 = vector.broadcast %mul3A_2866 : i32 to vector<16xi32>
      %add3A_2868 = arith.addi %add3A_2867, %get3A_2864 : vector<16xi32>
      %gather3A_2869 = tpu.vector_load_idx %arg7[%add3A_2868] : memref<3328xi32, #tpu.memory_space<vmem>>[vector<16xi32>], vector<16xi32>,
      %get3A_2870 = arith.constant 64 : index
      %get3A_2871 = tpu.vector_load %arg8[%get3A_2870] {strides = array<i32>} : memref<656xi32, #tpu.memory_space<vmem>>, vector<16xi32>,
      %add3A_2872 = arith.addi %get3A_2871, %gather3A_2869 : vector<16xi32>
      %swap3A_2873 = arith.constant 64 : index
      %swap3A_2874 = tpu.vector_load %arg10[%swap3A_2873] {strides = array<i32>} : memref<656xi32, #tpu.memory_space<vmem>>, vector<16xi32>,
      tpu.vector_store %arg10[%swap3A_2873], %add3A_2872 {strides = array<i32>} : memref<656xi32, #tpu.memory_space<vmem>>, vector<16xi32>,
      %get3A_2875 = arith.constant 80 : index
      %get3A_2876 = tpu.vector_load %arg9[%get3A_2875] {strides = array<i32>} : memref<656xi32, #tpu.memory_space<vmem>>, vector<16xi32>,
      %mul3A_2877 = arith.constant 26 : i32
      %mul3A_2878 = arith.muli %min3A_2814, %mul3A_2877 : i32
      %add3A_2879 = vector.broadcast %mul3A_2878 : i32 to vector<16xi32>
      %add3A_2880 = arith.addi %add3A_2879, %get3A_2876 : vector<16xi32>
      %gather3A_2881 = tpu.vector_load_idx %arg7[%add3A_2880] : memref<3328xi32, #tpu.memory_space<vmem>>[vector<16xi32>], vector<16xi32>,
      %get3A_2882 = arith.constant 80 : index
      %get3A_2883 = tpu.vector_load %arg8[%get3A_2882] {strides = array<i32>} : memref<656xi32, #tpu.memory_space<vmem>>, vector<16xi32>,
      %add3A_2884 = arith.addi %get3A_2883, %gather3A_2881 : vector<16xi32>
      %swap3A_2885 = arith.constant 80 : index
      %swap3A_2886 = tpu.vector_load %arg10[%swap3A_2885] {strides = array<i32>} : memref<656xi32, #tpu.memory_space<vmem>>, vector<16xi32>,
      tpu.vector_store %arg10[%swap3A_2885], %add3A_2884 {strides = array<i32>} : memref<656xi32, #tpu.memory_space<vmem>>, vector<16xi32>,
      %get3A_2887 = arith.constant 96 : index
      %get3A_2888 = tpu.vector_load %arg9[%get3A_2887] {strides = array<i32>} : memref<656xi32, #tpu.memory_space<vmem>>, vector<16xi32>,
      %mul3A_2889 = arith.constant 26 : i32
      %mul3A_2890 = arith.muli %min3A_2814, %mul3A_2889 : i32
      %add3A_2891 = vector.broadcast %mul3A_2890 : i32 to vector<16xi32>
      %add3A_2892 = arith.addi %add3A_2891, %get3A_2888 : vector<16xi32>
      %gather3A_2893 = tpu.vector_load_idx %arg7[%add3A_2892] : memref<3328xi32, #tpu.memory_space<vmem>>[vector<16xi32>], vector<16xi32>,
      %get3A_2894 = arith.constant 96 : index
      %get3A_2895 = tpu.vector_load %arg8[%get3A_2894] {strides = array<i32>} : memref<656xi32, #tpu.memory_space<vmem>>, vector<16xi32>,
      %add3A_2896 = arith.addi %get3A_2895, %gather3A_2893 : vector<16xi32>
      %swap3A_2897 = arith.constant 96 : index
      %swap3A_2898 = tpu.vector_load %arg10[%swap3A_2897] {strides = array<i32>} : memref<656xi32, #tpu.memory_space<vmem>>, vector<16xi32>,
      tpu.vector_store %arg10[%swap3A_2897], %add3A_2896 {strides = array<i32>} : memref<656xi32, #tpu.memory_space<vmem>>, vector<16xi32>,
      %get3A_2899 = arith.constant 112 : index
      %get3A_2900 = tpu.vector_load %arg9[%get3A_2899] {strides = array<i32>} : memref<656xi32, #tpu.memory_space<vmem>>, vector<16xi32>,
      %mul3A_2901 = arith.constant 26 : i32
      %mul3A_2902 = arith.muli %min3A_2814, %mul3A_2901 : i32
      %add3A_2903 = vector.broadcast %mul3A_2902 : i32 to vector<16xi32>
      %add3A_2904 = arith.addi %add3A_2903, %get3A_2900 : vector<16xi32>
      %gather3A_2905 = tpu.vector_load_idx %arg7[%add3A_2904] : memref<3328xi32, #tpu.memory_space<vmem>>[vector<16xi32>], vector<16xi32>,
      %get3A_2906 = arith.constant 112 : index
      %get3A_2907 = tpu.vector_load %arg8[%get3A_2906] {strides = array<i32>} : memref<656xi32, #tpu.memory_space<vmem>>, vector<16xi32>,
      %add3A_2908 = arith.addi %get3A_2907, %gather3A_2905 : vector<16xi32>
      %swap3A_2909 = arith.constant 112 : index
      %swap3A_2910 = tpu.vector_load %arg10[%swap3A_2909] {strides = array<i32>} : memref<656xi32, #tpu.memory_space<vmem>>, vector<16xi32>,
      tpu.vector_store %arg10[%swap3A_2909], %add3A_2908 {strides = array<i32>} : memref<656xi32, #tpu.memory_space<vmem>>, vector<16xi32>,
      %get3A_2911 = arith.constant 128 : index
      %get3A_2912 = tpu.vector_load %arg9[%get3A_2911] {strides = array<i32>} : memref<656xi32, #tpu.memory_space<vmem>>, vector<16xi32>,
      %mul3A_2913 = arith.constant 26 : i32
      %mul3A_2914 = arith.muli %min3A_2814, %mul3A_2913 : i32
      %add3A_2915 = vector.broadcast %mul3A_2914 : i32 to vector<16xi32>
      %add3A_2916 = arith.addi %add3A_2915, %get3A_2912 : vector<16xi32>
      %gather3A_2917 = tpu.vector_load_idx %arg7[%add3A_2916] : memref<3328xi32, #tpu.memory_space<vmem>>[vector<16xi32>], vector<16xi32>,
      %get3A_2918 = arith.constant 128 : index
      %get3A_2919 = tpu.vector_load %arg8[%get3A_2918] {strides = array<i32>} : memref<656xi32, #tpu.memory_space<vmem>>, vector<16xi32>,
      %add3A_2920 = arith.addi %get3A_2919, %gather3A_2917 : vector<16xi32>
      %swap3A_2921 = arith.constant 128 : index
      %swap3A_2922 = tpu.vector_load %arg10[%swap3A_2921] {strides = array<i32>} : memref<656xi32, #tpu.memory_space<vmem>>, vector<16xi32>,
      tpu.vector_store %arg10[%swap3A_2921], %add3A_2920 {strides = array<i32>} : memref<656xi32, #tpu.memory_space<vmem>>, vector<16xi32>,
      %get3A_2923 = arith.constant 144 : index
      %get3A_2924 = tpu.vector_load %arg9[%get3A_2923] {strides = array<i32>} : memref<656xi32, #tpu.memory_space<vmem>>, vector<16xi32>,
      %mul3A_2925 = arith.constant 26 : i32
      %mul3A_2926 = arith.muli %min3A_2814, %mul3A_2925 : i32
      %add3A_2927 = vector.broadcast %mul3A_2926 : i32 to vector<16xi32>
      %add3A_2928 = arith.addi %add3A_2927, %get3A_2924 : vector<16xi32>
      %gather3A_2929 = tpu.vector_load_idx %arg7[%add3A_2928] : memref<3328xi32, #tpu.memory_space<vmem>>[vector<16xi32>], vector<16xi32>,
      %get3A_2930 = arith.constant 144 : index
      %get3A_2931 = tpu.vector_load %arg8[%get3A_2930] {strides = array<i32>} : memref<656xi32, #tpu.memory_space<vmem>>, vector<16xi32>,
      %add3A_2932 = arith.addi %get3A_2931, %gather3A_2929 : vector<16xi32>
      %swap3A_2933 = arith.constant 144 : index
      %swap3A_2934 = tpu.vector_load %arg10[%swap3A_2933] {strides = array<i32>} : memref<656xi32, #tpu.memory_space<vmem>>, vector<16xi32>,
      tpu.vector_store %arg10[%swap3A_2933], %add3A_2932 {strides = array<i32>} : memref<656xi32, #tpu.memory_space<vmem>>, vector<16xi32>,
      %get3A_2935 = arith.constant 160 : index
      %get3A_2936 = tpu.vector_load %arg9[%get3A_2935] {strides = array<i32>} : memref<656xi32, #tpu.memory_space<vmem>>, vector<16xi32>,
      %mul3A_2937 = arith.constant 26 : i32
      %mul3A_2938 = arith.muli %min3A_2814, %mul3A_2937 : i32
      %add3A_2939 = vector.broadcast %mul3A_2938 : i32 to vector<16xi32>
      %add3A_2940 = arith.addi %add3A_2939, %get3A_2936 : vector<16xi32>
      %gather3A_2941 = tpu.vector_load_idx %arg7[%add3A_2940] : memref<3328xi32, #tpu.memory_space<vmem>>[vector<16xi32>], vector<16xi32>,
      %get3A_2942 = arith.constant 160 : index
      %get3A_2943 = tpu.vector_load %arg8[%get3A_2942] {strides = array<i32>} : memref<656xi32, #tpu.memory_space<vmem>>, vector<16xi32>,
      %add3A_2944 = arith.addi %get3A_2943, %gather3A_2941 : vector<16xi32>
      %swap3A_2945 = arith.constant 160 : index
      %swap3A_2946 = tpu.vector_load %arg10[%swap3A_2945] {strides = array<i32>} : memref<656xi32, #tpu.memory_space<vmem>>, vector<16xi32>,
      tpu.vector_store %arg10[%swap3A_2945], %add3A_2944 {strides = array<i32>} : memref<656xi32, #tpu.memory_space<vmem>>, vector<16xi32>,
      %get3A_2947 = arith.constant 176 : index
      %get3A_2948 = tpu.vector_load %arg9[%get3A_2947] {strides = array<i32>} : memref<656xi32, #tpu.memory_space<vmem>>, vector<16xi32>,
      %mul3A_2949 = arith.constant 26 : i32
      %mul3A_2950 = arith.muli %min3A_2814, %mul3A_2949 : i32
      %add3A_2951 = vector.broadcast %mul3A_2950 : i32 to vector<16xi32>
      %add3A_2952 = arith.addi %add3A_2951, %get3A_2948 : vector<16xi32>
      %gather3A_2953 = tpu.vector_load_idx %arg7[%add3A_2952] : memref<3328xi32, #tpu.memory_space<vmem>>[vector<16xi32>], vector<16xi32>,
      %get3A_2954 = arith.constant 176 : index
      %get3A_2955 = tpu.vector_load %arg8[%get3A_2954] {strides = array<i32>} : memref<656xi32, #tpu.memory_space<vmem>>, vector<16xi32>,
      %add3A_2956 = arith.addi %get3A_2955, %gather3A_2953 : vector<16xi32>
      %swap3A_2957 = arith.constant 176 : index
      %swap3A_2958 = tpu.vector_load %arg10[%swap3A_2957] {strides = array<i32>} : memref<656xi32, #tpu.memory_space<vmem>>, vector<16xi32>,
      tpu.vector_store %arg10[%swap3A_2957], %add3A_2956 {strides = array<i32>} : memref<656xi32, #tpu.memory_space<vmem>>, vector<16xi32>,
      %get3A_2959 = arith.constant 192 : index
      %get3A_2960 = tpu.vector_load %arg9[%get3A_2959] {strides = array<i32>} : memref<656xi32, #tpu.memory_space<vmem>>, vector<16xi32>,
      %mul3A_2961 = arith.constant 26 : i32
      %mul3A_2962 = arith.muli %min3A_2814, %mul3A_2961 : i32
      %add3A_2963 = vector.broadcast %mul3A_2962 : i32 to vector<16xi32>
      %add3A_2964 = arith.addi %add3A_2963, %get3A_2960 : vector<16xi32>
      %gather3A_2965 = tpu.vector_load_idx %arg7[%add3A_2964] : memref<3328xi32, #tpu.memory_space<vmem>>[vector<16xi32>], vector<16xi32>,
      %get3A_2966 = arith.constant 192 : index
      %get3A_2967 = tpu.vector_load %arg8[%get3A_2966] {strides = array<i32>} : memref<656xi32, #tpu.memory_space<vmem>>, vector<16xi32>,
      %add3A_2968 = arith.addi %get3A_2967, %gather3A_2965 : vector<16xi32>
      %swap3A_2969 = arith.constant 192 : index
      %swap3A_2970 = tpu.vector_load %arg10[%swap3A_2969] {strides = array<i32>} : memref<656xi32, #tpu.memory_space<vmem>>, vector<16xi32>,
      tpu.vector_store %arg10[%swap3A_2969], %add3A_2968 {strides = array<i32>} : memref<656xi32, #tpu.memory_space<vmem>>, vector<16xi32>,
      %get3A_2971 = arith.constant 208 : index
      %get3A_2972 = tpu.vector_load %arg9[%get3A_2971] {strides = array<i32>} : memref<656xi32, #tpu.memory_space<vmem>>, vector<16xi32>,
      %mul3A_2973 = arith.constant 26 : i32
      %mul3A_2974 = arith.muli %min3A_2814, %mul3A_2973 : i32
      %add3A_2975 = vector.broadcast %mul3A_2974 : i32 to vector<16xi32>
      %add3A_2976 = arith.addi %add3A_2975, %get3A_2972 : vector<16xi32>
      %gather3A_2977 = tpu.vector_load_idx %arg7[%add3A_2976] : memref<3328xi32, #tpu.memory_space<vmem>>[vector<16xi32>], vector<16xi32>,
      %get3A_2978 = arith.constant 208 : index
      %get3A_2979 = tpu.vector_load %arg8[%get3A_2978] {strides = array<i32>} : memref<656xi32, #tpu.memory_space<vmem>>, vector<16xi32>,
      %add3A_2980 = arith.addi %get3A_2979, %gather3A_2977 : vector<16xi32>
      %swap3A_2981 = arith.constant 208 : index
      %swap3A_2982 = tpu.vector_load %arg10[%swap3A_2981] {strides = array<i32>} : memref<656xi32, #tpu.memory_space<vmem>>, vector<16xi32>,
      tpu.vector_store %arg10[%swap3A_2981], %add3A_2980 {strides = array<i32>} : memref<656xi32, #tpu.memory_space<vmem>>, vector<16xi32>,
      %get3A_2983 = arith.constant 224 : index
      %get3A_2984 = tpu.vector_load %arg9[%get3A_2983] {strides = array<i32>} : memref<656xi32, #tpu.memory_space<vmem>>, vector<16xi32>,
      %mul3A_2985 = arith.constant 26 : i32
      %mul3A_2986 = arith.muli %min3A_2814, %mul3A_2985 : i32
      %add3A_2987 = vector.broadcast %mul3A_2986 : i32 to vector<16xi32>
      %add3A_2988 = arith.addi %add3A_2987, %get3A_2984 : vector<16xi32>
      %gather3A_2989 = tpu.vector_load_idx %arg7[%add3A_2988] : memref<3328xi32, #tpu.memory_space<vmem>>[vector<16xi32>], vector<16xi32>,
      %get3A_2990 = arith.constant 224 : index
      %get3A_2991 = tpu.vector_load %arg8[%get3A_2990] {strides = array<i32>} : memref<656xi32, #tpu.memory_space<vmem>>, vector<16xi32>,
      %add3A_2992 = arith.addi %get3A_2991, %gather3A_2989 : vector<16xi32>
      %swap3A_2993 = arith.constant 224 : index
      %swap3A_2994 = tpu.vector_load %arg10[%swap3A_2993] {strides = array<i32>} : memref<656xi32, #tpu.memory_space<vmem>>, vector<16xi32>,
      tpu.vector_store %arg10[%swap3A_2993], %add3A_2992 {strides = array<i32>} : memref<656xi32, #tpu.memory_space<vmem>>, vector<16xi32>,
      %get3A_2995 = arith.constant 240 : index
      %get3A_2996 = tpu.vector_load %arg9[%get3A_2995] {strides = array<i32>} : memref<656xi32, #tpu.memory_space<vmem>>, vector<16xi32>,
      %mul3A_2997 = arith.constant 26 : i32
      %mul3A_2998 = arith.muli %min3A_2814, %mul3A_2997 : i32
      %add3A_2999 = vector.broadcast %mul3A_2998 : i32 to vector<16xi32>
      %add3A_3000 = arith.addi %add3A_2999, %get3A_2996 : vector<16xi32>
      %gather3A_3001 = tpu.vector_load_idx %arg7[%add3A_3000] : memref<3328xi32, #tpu.memory_space<vmem>>[vector<16xi32>], vector<16xi32>,
      %get3A_3002 = arith.constant 240 : index
      %get3A_3003 = tpu.vector_load %arg8[%get3A_3002] {strides = array<i32>} : memref<656xi32, #tpu.memory_space<vmem>>, vector<16xi32>,
      %add3A_3004 = arith.addi %get3A_3003, %gather3A_3001 : vector<16xi32>
      %swap3A_3005 = arith.constant 240 : index
      %swap3A_3006 = tpu.vector_load %arg10[%swap3A_3005] {strides = array<i32>} : memref<656xi32, #tpu.memory_space<vmem>>, vector<16xi32>,
      tpu.vector_store %arg10[%swap3A_3005], %add3A_3004 {strides = array<i32>} : memref<656xi32, #tpu.memory_space<vmem>>, vector<16xi32>,
      %get3A_3007 = arith.constant 256 : index
      %get3A_3008 = tpu.vector_load %arg9[%get3A_3007] {strides = array<i32>} : memref<656xi32, #tpu.memory_space<vmem>>, vector<16xi32>,
      %mul3A_3009 = arith.constant 26 : i32
      %mul3A_3010 = arith.muli %min3A_2814, %mul3A_3009 : i32
      %add3A_3011 = vector.broadcast %mul3A_3010 : i32 to vector<16xi32>
      %add3A_3012 = arith.addi %add3A_3011, %get3A_3008 : vector<16xi32>
      %gather3A_3013 = tpu.vector_load_idx %arg7[%add3A_3012] : memref<3328xi32, #tpu.memory_space<vmem>>[vector<16xi32>], vector<16xi32>,
      %get3A_3014 = arith.constant 256 : index
      %get3A_3015 = tpu.vector_load %arg8[%get3A_3014] {strides = array<i32>} : memref<656xi32, #tpu.memory_space<vmem>>, vector<16xi32>,
      %add3A_3016 = arith.addi %get3A_3015, %gather3A_3013 : vector<16xi32>
      %swap3A_3017 = arith.constant 256 : index
      %swap3A_3018 = tpu.vector_load %arg10[%swap3A_3017] {strides = array<i32>} : memref<656xi32, #tpu.memory_space<vmem>>, vector<16xi32>,
      tpu.vector_store %arg10[%swap3A_3017], %add3A_3016 {strides = array<i32>} : memref<656xi32, #tpu.memory_space<vmem>>, vector<16xi32>,
      %get3A_3019 = arith.constant 272 : index
      %get3A_3020 = tpu.vector_load %arg9[%get3A_3019] {strides = array<i32>} : memref<656xi32, #tpu.memory_space<vmem>>, vector<16xi32>,
      %mul3A_3021 = arith.constant 26 : i32
      %mul3A_3022 = arith.muli %min3A_2814, %mul3A_3021 : i32
      %add3A_3023 = vector.broadcast %mul3A_3022 : i32 to vector<16xi32>
      %add3A_3024 = arith.addi %add3A_3023, %get3A_3020 : vector<16xi32>
      %gather3A_3025 = tpu.vector_load_idx %arg7[%add3A_3024] : memref<3328xi32, #tpu.memory_space<vmem>>[vector<16xi32>], vector<16xi32>,
      %get3A_3026 = arith.constant 272 : index
      %get3A_3027 = tpu.vector_load %arg8[%get3A_3026] {strides = array<i32>} : memref<656xi32, #tpu.memory_space<vmem>>, vector<16xi32>,
      %add3A_3028 = arith.addi %get3A_3027, %gather3A_3025 : vector<16xi32>
      %swap3A_3029 = arith.constant 272 : index
      %swap3A_3030 = tpu.vector_load %arg10[%swap3A_3029] {strides = array<i32>} : memref<656xi32, #tpu.memory_space<vmem>>, vector<16xi32>,
      tpu.vector_store %arg10[%swap3A_3029], %add3A_3028 {strides = array<i32>} : memref<656xi32, #tpu.memory_space<vmem>>, vector<16xi32>,
      %get3A_3031 = arith.constant 288 : index
      %get3A_3032 = tpu.vector_load %arg9[%get3A_3031] {strides = array<i32>} : memref<656xi32, #tpu.memory_space<vmem>>, vector<16xi32>,
      %mul3A_3033 = arith.constant 26 : i32
      %mul3A_3034 = arith.muli %min3A_2814, %mul3A_3033 : i32
      %add3A_3035 = vector.broadcast %mul3A_3034 : i32 to vector<16xi32>
      %add3A_3036 = arith.addi %add3A_3035, %get3A_3032 : vector<16xi32>
      %gather3A_3037 = tpu.vector_load_idx %arg7[%add3A_3036] : memref<3328xi32, #tpu.memory_space<vmem>>[vector<16xi32>], vector<16xi32>,
      %get3A_3038 = arith.constant 288 : index
      %get3A_3039 = tpu.vector_load %arg8[%get3A_3038] {strides = array<i32>} : memref<656xi32, #tpu.memory_space<vmem>>, vector<16xi32>,
      %add3A_3040 = arith.addi %get3A_3039, %gather3A_3037 : vector<16xi32>
      %swap3A_3041 = arith.constant 288 : index
      %swap3A_3042 = tpu.vector_load %arg10[%swap3A_3041] {strides = array<i32>} : memref<656xi32, #tpu.memory_space<vmem>>, vector<16xi32>,
      tpu.vector_store %arg10[%swap3A_3041], %add3A_3040 {strides = array<i32>} : memref<656xi32, #tpu.memory_space<vmem>>, vector<16xi32>,
      %get3A_3043 = arith.constant 304 : index
      %get3A_3044 = tpu.vector_load %arg9[%get3A_3043] {strides = array<i32>} : memref<656xi32, #tpu.memory_space<vmem>>, vector<16xi32>,
      %mul3A_3045 = arith.constant 26 : i32
      %mul3A_3046 = arith.muli %min3A_2814, %mul3A_3045 : i32
      %add3A_3047 = vector.broadcast %mul3A_3046 : i32 to vector<16xi32>
      %add3A_3048 = arith.addi %add3A_3047, %get3A_3044 : vector<16xi32>
      %gather3A_3049 = tpu.vector_load_idx %arg7[%add3A_3048] : memref<3328xi32, #tpu.memory_space<vmem>>[vector<16xi32>], vector<16xi32>,
      %get3A_3050 = arith.constant 304 : index
      %get3A_3051 = tpu.vector_load %arg8[%get3A_3050] {strides = array<i32>} : memref<656xi32, #tpu.memory_space<vmem>>, vector<16xi32>,
      %add3A_3052 = arith.addi %get3A_3051, %gather3A_3049 : vector<16xi32>
      %swap3A_3053 = arith.constant 304 : index
      %swap3A_3054 = tpu.vector_load %arg10[%swap3A_3053] {strides = array<i32>} : memref<656xi32, #tpu.memory_space<vmem>>, vector<16xi32>,
      tpu.vector_store %arg10[%swap3A_3053], %add3A_3052 {strides = array<i32>} : memref<656xi32, #tpu.memory_space<vmem>>, vector<16xi32>,
      %get3A_3055 = arith.constant 320 : index
      %get3A_3056 = tpu.vector_load %arg9[%get3A_3055] {strides = array<i32>} : memref<656xi32, #tpu.memory_space<vmem>>, vector<16xi32>,
      %mul3A_3057 = arith.constant 26 : i32
      %mul3A_3058 = arith.muli %min3A_2814, %mul3A_3057 : i32
      %add3A_3059 = vector.broadcast %mul3A_3058 : i32 to vector<16xi32>
      %add3A_3060 = arith.addi %add3A_3059, %get3A_3056 : vector<16xi32>
      %gather3A_3061 = tpu.vector_load_idx %arg7[%add3A_3060] : memref<3328xi32, #tpu.memory_space<vmem>>[vector<16xi32>], vector<16xi32>,
      %get3A_3062 = arith.constant 320 : index
      %get3A_3063 = tpu.vector_load %arg8[%get3A_3062] {strides = array<i32>} : memref<656xi32, #tpu.memory_space<vmem>>, vector<16xi32>,
      %add3A_3064 = arith.addi %get3A_3063, %gather3A_3061 : vector<16xi32>
      %swap3A_3065 = arith.constant 320 : index
      %swap3A_3066 = tpu.vector_load %arg10[%swap3A_3065] {strides = array<i32>} : memref<656xi32, #tpu.memory_space<vmem>>, vector<16xi32>,
      tpu.vector_store %arg10[%swap3A_3065], %add3A_3064 {strides = array<i32>} : memref<656xi32, #tpu.memory_space<vmem>>, vector<16xi32>,
      %get3A_3067 = arith.constant 336 : index
      %get3A_3068 = tpu.vector_load %arg9[%get3A_3067] {strides = array<i32>} : memref<656xi32, #tpu.memory_space<vmem>>, vector<16xi32>,
      %mul3A_3069 = arith.constant 26 : i32
      %mul3A_3070 = arith.muli %min3A_2814, %mul3A_3069 : i32
      %add3A_3071 = vector.broadcast %mul3A_3070 : i32 to vector<16xi32>
      %add3A_3072 = arith.addi %add3A_3071, %get3A_3068 : vector<16xi32>
      %gather3A_3073 = tpu.vector_load_idx %arg7[%add3A_3072] : memref<3328xi32, #tpu.memory_space<vmem>>[vector<16xi32>], vector<16xi32>,
      %get3A_3074 = arith.constant 336 : index
      %get3A_3075 = tpu.vector_load %arg8[%get3A_3074] {strides = array<i32>} : memref<656xi32, #tpu.memory_space<vmem>>, vector<16xi32>,
      %add3A_3076 = arith.addi %get3A_3075, %gather3A_3073 : vector<16xi32>
      %swap3A_3077 = arith.constant 336 : index
      %swap3A_3078 = tpu.vector_load %arg10[%swap3A_3077] {strides = array<i32>} : memref<656xi32, #tpu.memory_space<vmem>>, vector<16xi32>,
      tpu.vector_store %arg10[%swap3A_3077], %add3A_3076 {strides = array<i32>} : memref<656xi32, #tpu.memory_space<vmem>>, vector<16xi32>,
      %get3A_3079 = arith.constant 352 : index
      %get3A_3080 = tpu.vector_load %arg9[%get3A_3079] {strides = array<i32>} : memref<656xi32, #tpu.memory_space<vmem>>, vector<16xi32>,
      %mul3A_3081 = arith.constant 26 : i32
      %mul3A_3082 = arith.muli %min3A_2814, %mul3A_3081 : i32
      %add3A_3083 = vector.broadcast %mul3A_3082 : i32 to vector<16xi32>
      %add3A_3084 = arith.addi %add3A_3083, %get3A_3080 : vector<16xi32>
      %gather3A_3085 = tpu.vector_load_idx %arg7[%add3A_3084] : memref<3328xi32, #tpu.memory_space<vmem>>[vector<16xi32>], vector<16xi32>,
      %get3A_3086 = arith.constant 352 : index
      %get3A_3087 = tpu.vector_load %arg8[%get3A_3086] {strides = array<i32>} : memref<656xi32, #tpu.memory_space<vmem>>, vector<16xi32>,
      %add3A_3088 = arith.addi %get3A_3087, %gather3A_3085 : vector<16xi32>
      %swap3A_3089 = arith.constant 352 : index
      %swap3A_3090 = tpu.vector_load %arg10[%swap3A_3089] {strides = array<i32>} : memref<656xi32, #tpu.memory_space<vmem>>, vector<16xi32>,
      tpu.vector_store %arg10[%swap3A_3089], %add3A_3088 {strides = array<i32>} : memref<656xi32, #tpu.memory_space<vmem>>, vector<16xi32>,
      %get3A_3091 = arith.constant 368 : index
      %get3A_3092 = tpu.vector_load %arg9[%get3A_3091] {strides = array<i32>} : memref<656xi32, #tpu.memory_space<vmem>>, vector<16xi32>,
      %mul3A_3093 = arith.constant 26 : i32
      %mul3A_3094 = arith.muli %min3A_2814, %mul3A_3093 : i32
      %add3A_3095 = vector.broadcast %mul3A_3094 : i32 to vector<16xi32>
      %add3A_3096 = arith.addi %add3A_3095, %get3A_3092 : vector<16xi32>
      %gather3A_3097 = tpu.vector_load_idx %arg7[%add3A_3096] : memref<3328xi32, #tpu.memory_space<vmem>>[vector<16xi32>], vector<16xi32>,
      %get3A_3098 = arith.constant 368 : index
      %get3A_3099 = tpu.vector_load %arg8[%get3A_3098] {strides = array<i32>} : memref<656xi32, #tpu.memory_space<vmem>>, vector<16xi32>,
      %add3A_3100 = arith.addi %get3A_3099, %gather3A_3097 : vector<16xi32>
      %swap3A_3101 = arith.constant 368 : index
      %swap3A_3102 = tpu.vector_load %arg10[%swap3A_3101] {strides = array<i32>} : memref<656xi32, #tpu.memory_space<vmem>>, vector<16xi32>,
      tpu.vector_store %arg10[%swap3A_3101], %add3A_3100 {strides = array<i32>} : memref<656xi32, #tpu.memory_space<vmem>>, vector<16xi32>,
      %get3A_3103 = arith.constant 384 : index
      %get3A_3104 = tpu.vector_load %arg9[%get3A_3103] {strides = array<i32>} : memref<656xi32, #tpu.memory_space<vmem>>, vector<16xi32>,
      %mul3A_3105 = arith.constant 26 : i32
      %mul3A_3106 = arith.muli %min3A_2814, %mul3A_3105 : i32
      %add3A_3107 = vector.broadcast %mul3A_3106 : i32 to vector<16xi32>
      %add3A_3108 = arith.addi %add3A_3107, %get3A_3104 : vector<16xi32>
      %gather3A_3109 = tpu.vector_load_idx %arg7[%add3A_3108] : memref<3328xi32, #tpu.memory_space<vmem>>[vector<16xi32>], vector<16xi32>,
      %get3A_3110 = arith.constant 384 : index
      %get3A_3111 = tpu.vector_load %arg8[%get3A_3110] {strides = array<i32>} : memref<656xi32, #tpu.memory_space<vmem>>, vector<16xi32>,
      %add3A_3112 = arith.addi %get3A_3111, %gather3A_3109 : vector<16xi32>
      %swap3A_3113 = arith.constant 384 : index
      %swap3A_3114 = tpu.vector_load %arg10[%swap3A_3113] {strides = array<i32>} : memref<656xi32, #tpu.memory_space<vmem>>, vector<16xi32>,
      tpu.vector_store %arg10[%swap3A_3113], %add3A_3112 {strides = array<i32>} : memref<656xi32, #tpu.memory_space<vmem>>, vector<16xi32>,
      %get3A_3115 = arith.constant 400 : index
      %get3A_3116 = tpu.vector_load %arg9[%get3A_3115] {strides = array<i32>} : memref<656xi32, #tpu.memory_space<vmem>>, vector<16xi32>,
      %mul3A_3117 = arith.constant 26 : i32
      %mul3A_3118 = arith.muli %min3A_2814, %mul3A_3117 : i32
      %add3A_3119 = vector.broadcast %mul3A_3118 : i32 to vector<16xi32>
      %add3A_3120 = arith.addi %add3A_3119, %get3A_3116 : vector<16xi32>
      %gather3A_3121 = tpu.vector_load_idx %arg7[%add3A_3120] : memref<3328xi32, #tpu.memory_space<vmem>>[vector<16xi32>], vector<16xi32>,
      %get3A_3122 = arith.constant 400 : index
      %get3A_3123 = tpu.vector_load %arg8[%get3A_3122] {strides = array<i32>} : memref<656xi32, #tpu.memory_space<vmem>>, vector<16xi32>,
      %add3A_3124 = arith.addi %get3A_3123, %gather3A_3121 : vector<16xi32>
      %swap3A_3125 = arith.constant 400 : index
      %swap3A_3126 = tpu.vector_load %arg10[%swap3A_3125] {strides = array<i32>} : memref<656xi32, #tpu.memory_space<vmem>>, vector<16xi32>,
      tpu.vector_store %arg10[%swap3A_3125], %add3A_3124 {strides = array<i32>} : memref<656xi32, #tpu.memory_space<vmem>>, vector<16xi32>,
      %get3A_3127 = arith.constant 416 : index
      %get3A_3128 = tpu.vector_load %arg9[%get3A_3127] {strides = array<i32>} : memref<656xi32, #tpu.memory_space<vmem>>, vector<16xi32>,
      %mul3A_3129 = arith.constant 26 : i32
      %mul3A_3130 = arith.muli %min3A_2814, %mul3A_3129 : i32
      %add3A_3131 = vector.broadcast %mul3A_3130 : i32 to vector<16xi32>
      %add3A_3132 = arith.addi %add3A_3131, %get3A_3128 : vector<16xi32>
      %gather3A_3133 = tpu.vector_load_idx %arg7[%add3A_3132] : memref<3328xi32, #tpu.memory_space<vmem>>[vector<16xi32>], vector<16xi32>,
      %get3A_3134 = arith.constant 416 : index
      %get3A_3135 = tpu.vector_load %arg8[%get3A_3134] {strides = array<i32>} : memref<656xi32, #tpu.memory_space<vmem>>, vector<16xi32>,
      %add3A_3136 = arith.addi %get3A_3135, %gather3A_3133 : vector<16xi32>
      %swap3A_3137 = arith.constant 416 : index
      %swap3A_3138 = tpu.vector_load %arg10[%swap3A_3137] {strides = array<i32>} : memref<656xi32, #tpu.memory_space<vmem>>, vector<16xi32>,
      tpu.vector_store %arg10[%swap3A_3137], %add3A_3136 {strides = array<i32>} : memref<656xi32, #tpu.memory_space<vmem>>, vector<16xi32>,
      %get3A_3139 = arith.constant 432 : index
      %get3A_3140 = tpu.vector_load %arg9[%get3A_3139] {strides = array<i32>} : memref<656xi32, #tpu.memory_space<vmem>>, vector<16xi32>,
      %mul3A_3141 = arith.constant 26 : i32
      %mul3A_3142 = arith.muli %min3A_2814, %mul3A_3141 : i32
      %add3A_3143 = vector.broadcast %mul3A_3142 : i32 to vector<16xi32>
      %add3A_3144 = arith.addi %add3A_3143, %get3A_3140 : vector<16xi32>
      %gather3A_3145 = tpu.vector_load_idx %arg7[%add3A_3144] : memref<3328xi32, #tpu.memory_space<vmem>>[vector<16xi32>], vector<16xi32>,
      %get3A_3146 = arith.constant 432 : index
      %get3A_3147 = tpu.vector_load %arg8[%get3A_3146] {strides = array<i32>} : memref<656xi32, #tpu.memory_space<vmem>>, vector<16xi32>,
      %add3A_3148 = arith.addi %get3A_3147, %gather3A_3145 : vector<16xi32>
      %swap3A_3149 = arith.constant 432 : index
      %swap3A_3150 = tpu.vector_load %arg10[%swap3A_3149] {strides = array<i32>} : memref<656xi32, #tpu.memory_space<vmem>>, vector<16xi32>,
      tpu.vector_store %arg10[%swap3A_3149], %add3A_3148 {strides = array<i32>} : memref<656xi32, #tpu.memory_space<vmem>>, vector<16xi32>,
      %get3A_3151 = arith.constant 448 : index
      %get3A_3152 = tpu.vector_load %arg9[%get3A_3151] {strides = array<i32>} : memref<656xi32, #tpu.memory_space<vmem>>, vector<16xi32>,
      %mul3A_3153 = arith.constant 26 : i32
      %mul3A_3154 = arith.muli %min3A_2814, %mul3A_3153 : i32
      %add3A_3155 = vector.broadcast %mul3A_3154 : i32 to vector<16xi32>
      %add3A_3156 = arith.addi %add3A_3155, %get3A_3152 : vector<16xi32>
      %gather3A_3157 = tpu.vector_load_idx %arg7[%add3A_3156] : memref<3328xi32, #tpu.memory_space<vmem>>[vector<16xi32>], vector<16xi32>,
      %get3A_3158 = arith.constant 448 : index
      %get3A_3159 = tpu.vector_load %arg8[%get3A_3158] {strides = array<i32>} : memref<656xi32, #tpu.memory_space<vmem>>, vector<16xi32>,
      %add3A_3160 = arith.addi %get3A_3159, %gather3A_3157 : vector<16xi32>
      %swap3A_3161 = arith.constant 448 : index
      %swap3A_3162 = tpu.vector_load %arg10[%swap3A_3161] {strides = array<i32>} : memref<656xi32, #tpu.memory_space<vmem>>, vector<16xi32>,
      tpu.vector_store %arg10[%swap3A_3161], %add3A_3160 {strides = array<i32>} : memref<656xi32, #tpu.memory_space<vmem>>, vector<16xi32>,
      %get3A_3163 = arith.constant 464 : index
      %get3A_3164 = tpu.vector_load %arg9[%get3A_3163] {strides = array<i32>} : memref<656xi32, #tpu.memory_space<vmem>>, vector<16xi32>,
      %mul3A_3165 = arith.constant 26 : i32
      %mul3A_3166 = arith.muli %min3A_2814, %mul3A_3165 : i32
      %add3A_3167 = vector.broadcast %mul3A_3166 : i32 to vector<16xi32>
      %add3A_3168 = arith.addi %add3A_3167, %get3A_3164 : vector<16xi32>
      %gather3A_3169 = tpu.vector_load_idx %arg7[%add3A_3168] : memref<3328xi32, #tpu.memory_space<vmem>>[vector<16xi32>], vector<16xi32>,
      %get3A_3170 = arith.constant 464 : index
      %get3A_3171 = tpu.vector_load %arg8[%get3A_3170] {strides = array<i32>} : memref<656xi32, #tpu.memory_space<vmem>>, vector<16xi32>,
      %add3A_3172 = arith.addi %get3A_3171, %gather3A_3169 : vector<16xi32>
      %swap3A_3173 = arith.constant 464 : index
      %swap3A_3174 = tpu.vector_load %arg10[%swap3A_3173] {strides = array<i32>} : memref<656xi32, #tpu.memory_space<vmem>>, vector<16xi32>,
      tpu.vector_store %arg10[%swap3A_3173], %add3A_3172 {strides = array<i32>} : memref<656xi32, #tpu.memory_space<vmem>>, vector<16xi32>,
      %get3A_3175 = arith.constant 480 : index
      %get3A_3176 = tpu.vector_load %arg9[%get3A_3175] {strides = array<i32>} : memref<656xi32, #tpu.memory_space<vmem>>, vector<16xi32>,
      %mul3A_3177 = arith.constant 26 : i32
      %mul3A_3178 = arith.muli %min3A_2814, %mul3A_3177 : i32
      %add3A_3179 = vector.broadcast %mul3A_3178 : i32 to vector<16xi32>
      %add3A_3180 = arith.addi %add3A_3179, %get3A_3176 : vector<16xi32>
      %gather3A_3181 = tpu.vector_load_idx %arg7[%add3A_3180] : memref<3328xi32, #tpu.memory_space<vmem>>[vector<16xi32>], vector<16xi32>,
      %get3A_3182 = arith.constant 480 : index
      %get3A_3183 = tpu.vector_load %arg8[%get3A_3182] {strides = array<i32>} : memref<656xi32, #tpu.memory_space<vmem>>, vector<16xi32>,
      %add3A_3184 = arith.addi %get3A_3183, %gather3A_3181 : vector<16xi32>
      %swap3A_3185 = arith.constant 480 : index
      %swap3A_3186 = tpu.vector_load %arg10[%swap3A_3185] {strides = array<i32>} : memref<656xi32, #tpu.memory_space<vmem>>, vector<16xi32>,
      tpu.vector_store %arg10[%swap3A_3185], %add3A_3184 {strides = array<i32>} : memref<656xi32, #tpu.memory_space<vmem>>, vector<16xi32>,
      %get3A_3187 = arith.constant 496 : index
      %get3A_3188 = tpu.vector_load %arg9[%get3A_3187] {strides = array<i32>} : memref<656xi32, #tpu.memory_space<vmem>>, vector<16xi32>,
      %mul3A_3189 = arith.constant 26 : i32
      %mul3A_3190 = arith.muli %min3A_2814, %mul3A_3189 : i32
      %add3A_3191 = vector.broadcast %mul3A_3190 : i32 to vector<16xi32>
      %add3A_3192 = arith.addi %add3A_3191, %get3A_3188 : vector<16xi32>
      %gather3A_3193 = tpu.vector_load_idx %arg7[%add3A_3192] : memref<3328xi32, #tpu.memory_space<vmem>>[vector<16xi32>], vector<16xi32>,
      %get3A_3194 = arith.constant 496 : index
      %get3A_3195 = tpu.vector_load %arg8[%get3A_3194] {strides = array<i32>} : memref<656xi32, #tpu.memory_space<vmem>>, vector<16xi32>,
      %add3A_3196 = arith.addi %get3A_3195, %gather3A_3193 : vector<16xi32>
      %swap3A_3197 = arith.constant 496 : index
      %swap3A_3198 = tpu.vector_load %arg10[%swap3A_3197] {strides = array<i32>} : memref<656xi32, #tpu.memory_space<vmem>>, vector<16xi32>,
      tpu.vector_store %arg10[%swap3A_3197], %add3A_3196 {strides = array<i32>} : memref<656xi32, #tpu.memory_space<vmem>>, vector<16xi32>,
      %get3A_3199 = arith.constant 512 : index
      %get3A_3200 = tpu.vector_load %arg9[%get3A_3199] {strides = array<i32>} : memref<656xi32, #tpu.memory_space<vmem>>, vector<16xi32>,
      %mul3A_3201 = arith.constant 26 : i32
      %mul3A_3202 = arith.muli %min3A_2814, %mul3A_3201 : i32
      %add3A_3203 = vector.broadcast %mul3A_3202 : i32 to vector<16xi32>
      %add3A_3204 = arith.addi %add3A_3203, %get3A_3200 : vector<16xi32>
      %gather3A_3205 = tpu.vector_load_idx %arg7[%add3A_3204] : memref<3328xi32, #tpu.memory_space<vmem>>[vector<16xi32>], vector<16xi32>,
      %get3A_3206 = arith.constant 512 : index
      %get3A_3207 = tpu.vector_load %arg8[%get3A_3206] {strides = array<i32>} : memref<656xi32, #tpu.memory_space<vmem>>, vector<16xi32>,
      %add3A_3208 = arith.addi %get3A_3207, %gather3A_3205 : vector<16xi32>
      %swap3A_3209 = arith.constant 512 : index
      %swap3A_3210 = tpu.vector_load %arg10[%swap3A_3209] {strides = array<i32>} : memref<656xi32, #tpu.memory_space<vmem>>, vector<16xi32>,
      tpu.vector_store %arg10[%swap3A_3209], %add3A_3208 {strides = array<i32>} : memref<656xi32, #tpu.memory_space<vmem>>, vector<16xi32>,
      %get3A_3211 = arith.constant 528 : index
      %get3A_3212 = tpu.vector_load %arg9[%get3A_3211] {strides = array<i32>} : memref<656xi32, #tpu.memory_space<vmem>>, vector<16xi32>,
      %mul3A_3213 = arith.constant 26 : i32
      %mul3A_3214 = arith.muli %min3A_2814, %mul3A_3213 : i32
      %add3A_3215 = vector.broadcast %mul3A_3214 : i32 to vector<16xi32>
      %add3A_3216 = arith.addi %add3A_3215, %get3A_3212 : vector<16xi32>
      %gather3A_3217 = tpu.vector_load_idx %arg7[%add3A_3216] : memref<3328xi32, #tpu.memory_space<vmem>>[vector<16xi32>], vector<16xi32>,
      %get3A_3218 = arith.constant 528 : index
      %get3A_3219 = tpu.vector_load %arg8[%get3A_3218] {strides = array<i32>} : memref<656xi32, #tpu.memory_space<vmem>>, vector<16xi32>,
      %add3A_3220 = arith.addi %get3A_3219, %gather3A_3217 : vector<16xi32>
      %swap3A_3221 = arith.constant 528 : index
      %swap3A_3222 = tpu.vector_load %arg10[%swap3A_3221] {strides = array<i32>} : memref<656xi32, #tpu.memory_space<vmem>>, vector<16xi32>,
      tpu.vector_store %arg10[%swap3A_3221], %add3A_3220 {strides = array<i32>} : memref<656xi32, #tpu.memory_space<vmem>>, vector<16xi32>,
      %get3A_3223 = arith.constant 544 : index
      %get3A_3224 = tpu.vector_load %arg9[%get3A_3223] {strides = array<i32>} : memref<656xi32, #tpu.memory_space<vmem>>, vector<16xi32>,
      %mul3A_3225 = arith.constant 26 : i32
      %mul3A_3226 = arith.muli %min3A_2814, %mul3A_3225 : i32
      %add3A_3227 = vector.broadcast %mul3A_3226 : i32 to vector<16xi32>
      %add3A_3228 = arith.addi %add3A_3227, %get3A_3224 : vector<16xi32>
      %gather3A_3229 = tpu.vector_load_idx %arg7[%add3A_3228] : memref<3328xi32, #tpu.memory_space<vmem>>[vector<16xi32>], vector<16xi32>,
      %get3A_3230 = arith.constant 544 : index
      %get3A_3231 = tpu.vector_load %arg8[%get3A_3230] {strides = array<i32>} : memref<656xi32, #tpu.memory_space<vmem>>, vector<16xi32>,
      %add3A_3232 = arith.addi %get3A_3231, %gather3A_3229 : vector<16xi32>
      %swap3A_3233 = arith.constant 544 : index
      %swap3A_3234 = tpu.vector_load %arg10[%swap3A_3233] {strides = array<i32>} : memref<656xi32, #tpu.memory_space<vmem>>, vector<16xi32>,
      tpu.vector_store %arg10[%swap3A_3233], %add3A_3232 {strides = array<i32>} : memref<656xi32, #tpu.memory_space<vmem>>, vector<16xi32>,
      %get3A_3235 = arith.constant 560 : index
      %get3A_3236 = tpu.vector_load %arg9[%get3A_3235] {strides = array<i32>} : memref<656xi32, #tpu.memory_space<vmem>>, vector<16xi32>,
      %mul3A_3237 = arith.constant 26 : i32
      %mul3A_3238 = arith.muli %min3A_2814, %mul3A_3237 : i32
      %add3A_3239 = vector.broadcast %mul3A_3238 : i32 to vector<16xi32>
      %add3A_3240 = arith.addi %add3A_3239, %get3A_3236 : vector<16xi32>
      %gather3A_3241 = tpu.vector_load_idx %arg7[%add3A_3240] : memref<3328xi32, #tpu.memory_space<vmem>>[vector<16xi32>], vector<16xi32>,
      %get3A_3242 = arith.constant 560 : index
      %get3A_3243 = tpu.vector_load %arg8[%get3A_3242] {strides = array<i32>} : memref<656xi32, #tpu.memory_space<vmem>>, vector<16xi32>,
      %add3A_3244 = arith.addi %get3A_3243, %gather3A_3241 : vector<16xi32>
      %swap3A_3245 = arith.constant 560 : index
      %swap3A_3246 = tpu.vector_load %arg10[%swap3A_3245] {strides = array<i32>} : memref<656xi32, #tpu.memory_space<vmem>>, vector<16xi32>,
      tpu.vector_store %arg10[%swap3A_3245], %add3A_3244 {strides = array<i32>} : memref<656xi32, #tpu.memory_space<vmem>>, vector<16xi32>,
      %get3A_3247 = arith.constant 576 : index
      %get3A_3248 = tpu.vector_load %arg9[%get3A_3247] {strides = array<i32>} : memref<656xi32, #tpu.memory_space<vmem>>, vector<16xi32>,
      %mul3A_3249 = arith.constant 26 : i32
      %mul3A_3250 = arith.muli %min3A_2814, %mul3A_3249 : i32
      %add3A_3251 = vector.broadcast %mul3A_3250 : i32 to vector<16xi32>
      %add3A_3252 = arith.addi %add3A_3251, %get3A_3248 : vector<16xi32>
      %gather3A_3253 = tpu.vector_load_idx %arg7[%add3A_3252] : memref<3328xi32, #tpu.memory_space<vmem>>[vector<16xi32>], vector<16xi32>,
      %get3A_3254 = arith.constant 576 : index
      %get3A_3255 = tpu.vector_load %arg8[%get3A_3254] {strides = array<i32>} : memref<656xi32, #tpu.memory_space<vmem>>, vector<16xi32>,
      %add3A_3256 = arith.addi %get3A_3255, %gather3A_3253 : vector<16xi32>
      %swap3A_3257 = arith.constant 576 : index
      %swap3A_3258 = tpu.vector_load %arg10[%swap3A_3257] {strides = array<i32>} : memref<656xi32, #tpu.memory_space<vmem>>, vector<16xi32>,
      tpu.vector_store %arg10[%swap3A_3257], %add3A_3256 {strides = array<i32>} : memref<656xi32, #tpu.memory_space<vmem>>, vector<16xi32>,
      %get3A_3259 = arith.constant 592 : index
      %get3A_3260 = tpu.vector_load %arg9[%get3A_3259] {strides = array<i32>} : memref<656xi32, #tpu.memory_space<vmem>>, vector<16xi32>,
      %mul3A_3261 = arith.constant 26 : i32
      %mul3A_3262 = arith.muli %min3A_2814, %mul3A_3261 : i32
      %add3A_3263 = vector.broadcast %mul3A_3262 : i32 to vector<16xi32>
      %add3A_3264 = arith.addi %add3A_3263, %get3A_3260 : vector<16xi32>
      %gather3A_3265 = tpu.vector_load_idx %arg7[%add3A_3264] : memref<3328xi32, #tpu.memory_space<vmem>>[vector<16xi32>], vector<16xi32>,
      %get3A_3266 = arith.constant 592 : index
      %get3A_3267 = tpu.vector_load %arg8[%get3A_3266] {strides = array<i32>} : memref<656xi32, #tpu.memory_space<vmem>>, vector<16xi32>,
      %add3A_3268 = arith.addi %get3A_3267, %gather3A_3265 : vector<16xi32>
      %swap3A_3269 = arith.constant 592 : index
      %swap3A_3270 = tpu.vector_load %arg10[%swap3A_3269] {strides = array<i32>} : memref<656xi32, #tpu.memory_space<vmem>>, vector<16xi32>,
      tpu.vector_store %arg10[%swap3A_3269], %add3A_3268 {strides = array<i32>} : memref<656xi32, #tpu.memory_space<vmem>>, vector<16xi32>,
      %get3A_3271 = arith.constant 608 : index
      %get3A_3272 = tpu.vector_load %arg9[%get3A_3271] {strides = array<i32>} : memref<656xi32, #tpu.memory_space<vmem>>, vector<16xi32>,
      %mul3A_3273 = arith.constant 26 : i32
      %mul3A_3274 = arith.muli %min3A_2814, %mul3A_3273 : i32
      %add3A_3275 = vector.broadcast %mul3A_3274 : i32 to vector<16xi32>
      %add3A_3276 = arith.addi %add3A_3275, %get3A_3272 : vector<16xi32>
      %gather3A_3277 = tpu.vector_load_idx %arg7[%add3A_3276] : memref<3328xi32, #tpu.memory_space<vmem>>[vector<16xi32>], vector<16xi32>,
      %get3A_3278 = arith.constant 608 : index
      %get3A_3279 = tpu.vector_load %arg8[%get3A_3278] {strides = array<i32>} : memref<656xi32, #tpu.memory_space<vmem>>, vector<16xi32>,
      %add3A_3280 = arith.addi %get3A_3279, %gather3A_3277 : vector<16xi32>
      %swap3A_3281 = arith.constant 608 : index
      %swap3A_3282 = tpu.vector_load %arg10[%swap3A_3281] {strides = array<i32>} : memref<656xi32, #tpu.memory_space<vmem>>, vector<16xi32>,
      tpu.vector_store %arg10[%swap3A_3281], %add3A_3280 {strides = array<i32>} : memref<656xi32, #tpu.memory_space<vmem>>, vector<16xi32>,
      %get3A_3283 = arith.constant 624 : index
      %get3A_3284 = tpu.vector_load %arg9[%get3A_3283] {strides = array<i32>} : memref<656xi32, #tpu.memory_space<vmem>>, vector<16xi32>,
      %mul3A_3285 = arith.constant 26 : i32
      %mul3A_3286 = arith.muli %min3A_2814, %mul3A_3285 : i32
      %add3A_3287 = vector.broadcast %mul3A_3286 : i32 to vector<16xi32>
      %add3A_3288 = arith.addi %add3A_3287, %get3A_3284 : vector<16xi32>
      %gather3A_3289 = tpu.vector_load_idx %arg7[%add3A_3288] : memref<3328xi32, #tpu.memory_space<vmem>>[vector<16xi32>], vector<16xi32>,
      %get3A_3290 = arith.constant 624 : index
      %get3A_3291 = tpu.vector_load %arg8[%get3A_3290] {strides = array<i32>} : memref<656xi32, #tpu.memory_space<vmem>>, vector<16xi32>,
      %add3A_3292 = arith.addi %get3A_3291, %gather3A_3289 : vector<16xi32>
      %swap3A_3293 = arith.constant 624 : index
      %swap3A_3294 = tpu.vector_load %arg10[%swap3A_3293] {strides = array<i32>} : memref<656xi32, #tpu.memory_space<vmem>>, vector<16xi32>,
      tpu.vector_store %arg10[%swap3A_3293], %add3A_3292 {strides = array<i32>} : memref<656xi32, #tpu.memory_space<vmem>>, vector<16xi32>,
      %get3A_3295 = arith.constant 640 : index
      %get3A_3296 = tpu.vector_load %arg9[%get3A_3295] {strides = array<i32>} : memref<656xi32, #tpu.memory_space<vmem>>, vector<16xi32>,
      %mul3A_3297 = arith.constant 26 : i32
      %mul3A_3298 = arith.muli %min3A_2814, %mul3A_3297 : i32
      %add3A_3299 = vector.broadcast %mul3A_3298 : i32 to vector<16xi32>
      %add3A_3300 = arith.addi %add3A_3299, %get3A_3296 : vector<16xi32>
      %gather3A_3301 = tpu.vector_load_idx %arg7[%add3A_3300] : memref<3328xi32, #tpu.memory_space<vmem>>[vector<16xi32>], vector<16xi32>,
      %get3A_3302 = arith.constant 640 : index
      %get3A_3303 = tpu.vector_load %arg8[%get3A_3302] {strides = array<i32>} : memref<656xi32, #tpu.memory_space<vmem>>, vector<16xi32>,
      %add3A_3304 = arith.addi %get3A_3303, %gather3A_3301 : vector<16xi32>
      %swap3A_3305 = arith.constant 640 : index
      %swap3A_3306 = tpu.vector_load %arg10[%swap3A_3305] {strides = array<i32>} : memref<656xi32, #tpu.memory_space<vmem>>, vector<16xi32>,
      tpu.vector_store %arg10[%swap3A_3305], %add3A_3304 {strides = array<i32>} : memref<656xi32, #tpu.memory_space<vmem>>, vector<16xi32>,
      %dma_start3A_3307 = arith.constant 0 : i32
      %dma_start3A_3308 = arith.constant 0 : i32
      %dma_start3A_3309 = tpu.memref_slice %arg12[%dma_start3A_3307, %dma_start3A_3308] : memref<656x64xf32, #tpu.memory_space<vmem>> -> memref<128x64xf32, #tpu.memory_space<vmem>>
      %dma_start3A_3310 = arith.constant 0 : i32
      %dma_start3A_3311 = tpu.memref_slice %arg10[%dma_start3A_3310] : memref<656xi32, #tpu.memory_space<vmem>> -> memref<128xi32, #tpu.memory_space<vmem>>
      %dma_start3A_3312 = arith.constant 0 : i32
      %dma_start3A_3313 = arith.constant 0 : i32
      %dma_start3A_3314 = tpu.memref_slice %arg3[%dma_start3A_3312, %dma_start3A_3313] : memref<676000x64xf32, #tpu.memory_space<hbm>> -> memref<676000x64xf32, #tpu.memory_space<hbm>>
      tpu.enqueue_indirect_dma source(%dma_start3A_3314 : memref<676000x64xf32, #tpu.memory_space<hbm>>) target(%dma_start3A_3309 : memref<128x64xf32, #tpu.memory_space<vmem>>) offsets(%dma_start3A_3311 : memref<128xi32, #tpu.memory_space<vmem>>) semaphore(%arg16 : memref<!tpu.dma_semaphore, #tpu.memory_space<semaphore_mem>>)
      %dma_start3A_3315 = arith.constant 128 : i32
      %dma_start3A_3316 = arith.constant 0 : i32
      %dma_start3A_3317 = tpu.memref_slice %arg12[%dma_start3A_3315, %dma_start3A_3316] : memref<656x64xf32, #tpu.memory_space<vmem>> -> memref<128x64xf32, #tpu.memory_space<vmem>>
      %dma_start3A_3318 = arith.constant 128 : i32
      %dma_start3A_3319 = tpu.memref_slice %arg10[%dma_start3A_3318] : memref<656xi32, #tpu.memory_space<vmem>> -> memref<128xi32, #tpu.memory_space<vmem>>
      %dma_start3A_3320 = arith.constant 0 : i32
      %dma_start3A_3321 = arith.constant 0 : i32
      %dma_start3A_3322 = tpu.memref_slice %arg3[%dma_start3A_3320, %dma_start3A_3321] : memref<676000x64xf32, #tpu.memory_space<hbm>> -> memref<676000x64xf32, #tpu.memory_space<hbm>>
      tpu.enqueue_indirect_dma source(%dma_start3A_3322 : memref<676000x64xf32, #tpu.memory_space<hbm>>) target(%dma_start3A_3317 : memref<128x64xf32, #tpu.memory_space<vmem>>) offsets(%dma_start3A_3319 : memref<128xi32, #tpu.memory_space<vmem>>) semaphore(%arg16 : memref<!tpu.dma_semaphore, #tpu.memory_space<semaphore_mem>>)
      %dma_start3A_3323 = arith.constant 256 : i32
      %dma_start3A_3324 = arith.constant 0 : i32
      %dma_start3A_3325 = tpu.memref_slice %arg12[%dma_start3A_3323, %dma_start3A_3324] : memref<656x64xf32, #tpu.memory_space<vmem>> -> memref<72x64xf32, #tpu.memory_space<vmem>>
      %dma_start3A_3326 = arith.constant 256 : i32
      %dma_start3A_3327 = tpu.memref_slice %arg10[%dma_start3A_3326] : memref<656xi32, #tpu.memory_space<vmem>> -> memref<72xi32, #tpu.memory_space<vmem>>
      %dma_start3A_3328 = arith.constant 0 : i32
      %dma_start3A_3329 = arith.constant 0 : i32
      %dma_start3A_3330 = tpu.memref_slice %arg3[%dma_start3A_3328, %dma_start3A_3329] : memref<676000x64xf32, #tpu.memory_space<hbm>> -> memref<676000x64xf32, #tpu.memory_space<hbm>>
      tpu.enqueue_indirect_dma source(%dma_start3A_3330 : memref<676000x64xf32, #tpu.memory_space<hbm>>) target(%dma_start3A_3325 : memref<72x64xf32, #tpu.memory_space<vmem>>) offsets(%dma_start3A_3327 : memref<72xi32, #tpu.memory_space<vmem>>) semaphore(%arg16 : memref<!tpu.dma_semaphore, #tpu.memory_space<semaphore_mem>>)
      %dma_start3A_3331 = arith.constant 328 : i32
      %dma_start3A_3332 = arith.constant 0 : i32
      %dma_start3A_3333 = tpu.memref_slice %arg12[%dma_start3A_3331, %dma_start3A_3332] : memref<656x64xf32, #tpu.memory_space<vmem>> -> memref<128x64xf32, #tpu.memory_space<vmem>>
      %dma_start3A_3334 = arith.constant 328 : i32
      %dma_start3A_3335 = tpu.memref_slice %arg10[%dma_start3A_3334] : memref<656xi32, #tpu.memory_space<vmem>> -> memref<128xi32, #tpu.memory_space<vmem>>
      %dma_start3A_3336 = arith.constant 0 : i32
      %dma_start3A_3337 = arith.constant 0 : i32
      %dma_start3A_3338 = tpu.memref_slice %arg3[%dma_start3A_3336, %dma_start3A_3337] : memref<676000x64xf32, #tpu.memory_space<hbm>> -> memref<676000x64xf32, #tpu.memory_space<hbm>>
      tpu.enqueue_indirect_dma source(%dma_start3A_3338 : memref<676000x64xf32, #tpu.memory_space<hbm>>) target(%dma_start3A_3333 : memref<128x64xf32, #tpu.memory_space<vmem>>) offsets(%dma_start3A_3335 : memref<128xi32, #tpu.memory_space<vmem>>) semaphore(%arg16 : memref<!tpu.dma_semaphore, #tpu.memory_space<semaphore_mem>>)
      %dma_start3A_3339 = arith.constant 456 : i32
      %dma_start3A_3340 = arith.constant 0 : i32
      %dma_start3A_3341 = tpu.memref_slice %arg12[%dma_start3A_3339, %dma_start3A_3340] : memref<656x64xf32, #tpu.memory_space<vmem>> -> memref<128x64xf32, #tpu.memory_space<vmem>>
      %dma_start3A_3342 = arith.constant 456 : i32
      %dma_start3A_3343 = tpu.memref_slice %arg10[%dma_start3A_3342] : memref<656xi32, #tpu.memory_space<vmem>> -> memref<128xi32, #tpu.memory_space<vmem>>
      %dma_start3A_3344 = arith.constant 0 : i32
      %dma_start3A_3345 = arith.constant 0 : i32
      %dma_start3A_3346 = tpu.memref_slice %arg3[%dma_start3A_3344, %dma_start3A_3345] : memref<676000x64xf32, #tpu.memory_space<hbm>> -> memref<676000x64xf32, #tpu.memory_space<hbm>>
      tpu.enqueue_indirect_dma source(%dma_start3A_3346 : memref<676000x64xf32, #tpu.memory_space<hbm>>) target(%dma_start3A_3341 : memref<128x64xf32, #tpu.memory_space<vmem>>) offsets(%dma_start3A_3343 : memref<128xi32, #tpu.memory_space<vmem>>) semaphore(%arg16 : memref<!tpu.dma_semaphore, #tpu.memory_space<semaphore_mem>>)
      %dma_start3A_3347 = arith.constant 584 : i32
      %dma_start3A_3348 = arith.constant 0 : i32
      %dma_start3A_3349 = tpu.memref_slice %arg12[%dma_start3A_3347, %dma_start3A_3348] : memref<656x64xf32, #tpu.memory_space<vmem>> -> memref<72x64xf32, #tpu.memory_space<vmem>>
      %dma_start3A_3350 = arith.constant 584 : i32
      %dma_start3A_3351 = tpu.memref_slice %arg10[%dma_start3A_3350] : memref<656xi32, #tpu.memory_space<vmem>> -> memref<72xi32, #tpu.memory_space<vmem>>
      %dma_start3A_3352 = arith.constant 0 : i32
      %dma_start3A_3353 = arith.constant 0 : i32
      %dma_start3A_3354 = tpu.memref_slice %arg3[%dma_start3A_3352, %dma_start3A_3353] : memref<676000x64xf32, #tpu.memory_space<hbm>> -> memref<676000x64xf32, #tpu.memory_space<hbm>>
      tpu.enqueue_indirect_dma source(%dma_start3A_3354 : memref<676000x64xf32, #tpu.memory_space<hbm>>) target(%dma_start3A_3349 : memref<72x64xf32, #tpu.memory_space<vmem>>) offsets(%dma_start3A_3351 : memref<72xi32, #tpu.memory_space<vmem>>) semaphore(%arg16 : memref<!tpu.dma_semaphore, #tpu.memory_space<semaphore_mem>>)
      %dma_wait3A_3355 = arith.constant 0 : i32
      %dma_wait3A_3356 = arith.constant 0 : i32
      %dma_wait3A_3357 = tpu.memref_slice %arg13[%dma_wait3A_3355, %dma_wait3A_3356] : memref<656x64xf32, #tpu.memory_space<vmem>> -> memref<128x64xf32, #tpu.memory_space<vmem>>
      %dma_wait3A_3358 = arith.constant 0 : i32
      %dma_wait3A_3359 = tpu.memref_slice %arg11[%dma_wait3A_3358] : memref<656xi32, #tpu.memory_space<vmem>> -> memref<128xi32, #tpu.memory_space<vmem>>
      %dma_wait3A_3360 = arith.constant 0 : i32
      %dma_wait3A_3361 = arith.constant 0 : i32
      %dma_wait3A_3362 = tpu.memref_slice %arg3[%dma_wait3A_3360, %dma_wait3A_3361] : memref<676000x64xf32, #tpu.memory_space<hbm>> -> memref<676000x64xf32, #tpu.memory_space<hbm>>
      tpu.wait_indirect_dma semaphore(%arg17 : memref<!tpu.dma_semaphore, #tpu.memory_space<semaphore_mem>>) src(%dma_wait3A_3362 : memref<676000x64xf32, #tpu.memory_space<hbm>>) dst(%dma_wait3A_3357 : memref<128x64xf32, #tpu.memory_space<vmem>>)
      %dma_wait3A_3363 = arith.constant 128 : i32
      %dma_wait3A_3364 = arith.constant 0 : i32
      %dma_wait3A_3365 = tpu.memref_slice %arg13[%dma_wait3A_3363, %dma_wait3A_3364] : memref<656x64xf32, #tpu.memory_space<vmem>> -> memref<128x64xf32, #tpu.memory_space<vmem>>
      %dma_wait3A_3366 = arith.constant 128 : i32
      %dma_wait3A_3367 = tpu.memref_slice %arg11[%dma_wait3A_3366] : memref<656xi32, #tpu.memory_space<vmem>> -> memref<128xi32, #tpu.memory_space<vmem>>
      %dma_wait3A_3368 = arith.constant 0 : i32
      %dma_wait3A_3369 = arith.constant 0 : i32
      %dma_wait3A_3370 = tpu.memref_slice %arg3[%dma_wait3A_3368, %dma_wait3A_3369] : memref<676000x64xf32, #tpu.memory_space<hbm>> -> memref<676000x64xf32, #tpu.memory_space<hbm>>
      tpu.wait_indirect_dma semaphore(%arg17 : memref<!tpu.dma_semaphore, #tpu.memory_space<semaphore_mem>>) src(%dma_wait3A_3370 : memref<676000x64xf32, #tpu.memory_space<hbm>>) dst(%dma_wait3A_3365 : memref<128x64xf32, #tpu.memory_space<vmem>>)
      %dma_wait3A_3371 = arith.constant 256 : i32
      %dma_wait3A_3372 = arith.constant 0 : i32
      %dma_wait3A_3373 = tpu.memref_slice %arg13[%dma_wait3A_3371, %dma_wait3A_3372] : memref<656x64xf32, #tpu.memory_space<vmem>> -> memref<72x64xf32, #tpu.memory_space<vmem>>
      %dma_wait3A_3374 = arith.constant 256 : i32
      %dma_wait3A_3375 = tpu.memref_slice %arg11[%dma_wait3A_3374] : memref<656xi32, #tpu.memory_space<vmem>> -> memref<72xi32, #tpu.memory_space<vmem>>
      %dma_wait3A_3376 = arith.constant 0 : i32
      %dma_wait3A_3377 = arith.constant 0 : i32
      %dma_wait3A_3378 = tpu.memref_slice %arg3[%dma_wait3A_3376, %dma_wait3A_3377] : memref<676000x64xf32, #tpu.memory_space<hbm>> -> memref<676000x64xf32, #tpu.memory_space<hbm>>
      tpu.wait_indirect_dma semaphore(%arg17 : memref<!tpu.dma_semaphore, #tpu.memory_space<semaphore_mem>>) src(%dma_wait3A_3378 : memref<676000x64xf32, #tpu.memory_space<hbm>>) dst(%dma_wait3A_3373 : memref<72x64xf32, #tpu.memory_space<vmem>>)
      %dma_wait3A_3379 = arith.constant 328 : i32
      %dma_wait3A_3380 = arith.constant 0 : i32
      %dma_wait3A_3381 = tpu.memref_slice %arg13[%dma_wait3A_3379, %dma_wait3A_3380] : memref<656x64xf32, #tpu.memory_space<vmem>> -> memref<128x64xf32, #tpu.memory_space<vmem>>
      %dma_wait3A_3382 = arith.constant 328 : i32
      %dma_wait3A_3383 = tpu.memref_slice %arg11[%dma_wait3A_3382] : memref<656xi32, #tpu.memory_space<vmem>> -> memref<128xi32, #tpu.memory_space<vmem>>
      %dma_wait3A_3384 = arith.constant 0 : i32
      %dma_wait3A_3385 = arith.constant 0 : i32
      %dma_wait3A_3386 = tpu.memref_slice %arg3[%dma_wait3A_3384, %dma_wait3A_3385] : memref<676000x64xf32, #tpu.memory_space<hbm>> -> memref<676000x64xf32, #tpu.memory_space<hbm>>
      tpu.wait_indirect_dma semaphore(%arg17 : memref<!tpu.dma_semaphore, #tpu.memory_space<semaphore_mem>>) src(%dma_wait3A_3386 : memref<676000x64xf32, #tpu.memory_space<hbm>>) dst(%dma_wait3A_3381 : memref<128x64xf32, #tpu.memory_space<vmem>>)
      %dma_wait3A_3387 = arith.constant 456 : i32
      %dma_wait3A_3388 = arith.constant 0 : i32
      %dma_wait3A_3389 = tpu.memref_slice %arg13[%dma_wait3A_3387, %dma_wait3A_3388] : memref<656x64xf32, #tpu.memory_space<vmem>> -> memref<128x64xf32, #tpu.memory_space<vmem>>
      %dma_wait3A_3390 = arith.constant 456 : i32
      %dma_wait3A_3391 = tpu.memref_slice %arg11[%dma_wait3A_3390] : memref<656xi32, #tpu.memory_space<vmem>> -> memref<128xi32, #tpu.memory_space<vmem>>
      %dma_wait3A_3392 = arith.constant 0 : i32
      %dma_wait3A_3393 = arith.constant 0 : i32
      %dma_wait3A_3394 = tpu.memref_slice %arg3[%dma_wait3A_3392, %dma_wait3A_3393] : memref<676000x64xf32, #tpu.memory_space<hbm>> -> memref<676000x64xf32, #tpu.memory_space<hbm>>
      tpu.wait_indirect_dma semaphore(%arg17 : memref<!tpu.dma_semaphore, #tpu.memory_space<semaphore_mem>>) src(%dma_wait3A_3394 : memref<676000x64xf32, #tpu.memory_space<hbm>>) dst(%dma_wait3A_3389 : memref<128x64xf32, #tpu.memory_space<vmem>>)
      %dma_wait3A_3395 = arith.constant 584 : i32
      %dma_wait3A_3396 = arith.constant 0 : i32
      %dma_wait3A_3397 = tpu.memref_slice %arg13[%dma_wait3A_3395, %dma_wait3A_3396] : memref<656x64xf32, #tpu.memory_space<vmem>> -> memref<72x64xf32, #tpu.memory_space<vmem>>
      %dma_wait3A_3398 = arith.constant 584 : i32
      %dma_wait3A_3399 = tpu.memref_slice %arg11[%dma_wait3A_3398] : memref<656xi32, #tpu.memory_space<vmem>> -> memref<72xi32, #tpu.memory_space<vmem>>
      %dma_wait3A_3400 = arith.constant 0 : i32
      %dma_wait3A_3401 = arith.constant 0 : i32
      %dma_wait3A_3402 = tpu.memref_slice %arg3[%dma_wait3A_3400, %dma_wait3A_3401] : memref<676000x64xf32, #tpu.memory_space<hbm>> -> memref<676000x64xf32, #tpu.memory_space<hbm>>
      tpu.wait_indirect_dma semaphore(%arg17 : memref<!tpu.dma_semaphore, #tpu.memory_space<semaphore_mem>>) src(%dma_wait3A_3402 : memref<676000x64xf32, #tpu.memory_space<hbm>>) dst(%dma_wait3A_3397 : memref<72x64xf32, #tpu.memory_space<vmem>>)
      %add3A_3403 = arith.constant 1 : i32
      %add3A_3404 = arith.addi %mul3A_1996, %add3A_3403 : i32
      %broadcast_in_dim3A_3405 = arith.constant 0.000000e+00 : f32
      %broadcast_in_dim3A_3406 = vector.broadcast %broadcast_in_dim3A_3405 : f32 to vector<16xf32>
      %scan3A_3407 = arith.constant 0 : i32
      %scan3A_3408 = arith.constant 320 : i32
      %scan3A_3409 = arith.addi %scan3A_3407, %scan3A_3408 : i32
      %scan3A_3410 = arith.constant 8 : i32
      %scan3A_3411:4 = scf.for %scan3A_3630 = %scan3A_3407 to %scan3A_3409 step %scan3A_3410 iter_args(%scan3A_3631 = %broadcast_in_dim3A_3406, %scan3A_3632 = %broadcast_in_dim3A_3406, %scan3A_3633 = %broadcast_in_dim3A_3406, %scan3A_3634 = %broadcast_in_dim3A_3406) -> (vector<16xf32>, vector<16xf32>, vector<16xf32>, vector<16xf32>)  : i32 {
        %get3A_3635 = arith.index_cast %scan3A_3630 : i32 to index
        %get3A_3636 = arith.constant 0 : index
        %get3A_3637 = tpu.vector_load %arg13[%get3A_3635, %get3A_3636] {strides = array<i32>} : memref<656x64xf32, #tpu.memory_space<vmem>>, vector<16xf32>,
        %add3A_3638 = arith.constant 328 : i32
        %add3A_3639 = arith.addi %add3A_3638, %scan3A_3630 : i32
        %get3A_3640 = arith.index_cast %add3A_3639 : i32 to index
        %get3A_3641 = arith.constant 0 : index
        %get3A_3642 = tpu.vector_load %arg13[%get3A_3640, %get3A_3641] {strides = array<i32>} : memref<656x64xf32, #tpu.memory_space<vmem>>, vector<16xf32>,
        %mul3A_3643 = arith.mulf %get3A_3637, %get3A_3642 : vector<16xf32>
        %add3A_3644 = arith.addf %scan3A_3631, %mul3A_3643 : vector<16xf32>
        %get3A_3645 = arith.index_cast %scan3A_3630 : i32 to index
        %get3A_3646 = arith.constant 16 : index
        %get3A_3647 = tpu.vector_load %arg13[%get3A_3645, %get3A_3646] {strides = array<i32>} : memref<656x64xf32, #tpu.memory_space<vmem>>, vector<16xf32>,
        %add3A_3648 = arith.constant 328 : i32
        %add3A_3649 = arith.addi %add3A_3648, %scan3A_3630 : i32
        %get3A_3650 = arith.index_cast %add3A_3649 : i32 to index
        %get3A_3651 = arith.constant 16 : index
        %get3A_3652 = tpu.vector_load %arg13[%get3A_3650, %get3A_3651] {strides = array<i32>} : memref<656x64xf32, #tpu.memory_space<vmem>>, vector<16xf32>,
        %mul3A_3653 = arith.mulf %get3A_3647, %get3A_3652 : vector<16xf32>
        %add3A_3654 = arith.addf %scan3A_3632, %mul3A_3653 : vector<16xf32>
        %get3A_3655 = arith.index_cast %scan3A_3630 : i32 to index
        %get3A_3656 = arith.constant 32 : index
        %get3A_3657 = tpu.vector_load %arg13[%get3A_3655, %get3A_3656] {strides = array<i32>} : memref<656x64xf32, #tpu.memory_space<vmem>>, vector<16xf32>,
        %add3A_3658 = arith.constant 328 : i32
        %add3A_3659 = arith.addi %add3A_3658, %scan3A_3630 : i32
        %get3A_3660 = arith.index_cast %add3A_3659 : i32 to index
        %get3A_3661 = arith.constant 32 : index
        %get3A_3662 = tpu.vector_load %arg13[%get3A_3660, %get3A_3661] {strides = array<i32>} : memref<656x64xf32, #tpu.memory_space<vmem>>, vector<16xf32>,
        %mul3A_3663 = arith.mulf %get3A_3657, %get3A_3662 : vector<16xf32>
        %add3A_3664 = arith.addf %scan3A_3633, %mul3A_3663 : vector<16xf32>
        %get3A_3665 = arith.index_cast %scan3A_3630 : i32 to index
        %get3A_3666 = arith.constant 48 : index
        %get3A_3667 = tpu.vector_load %arg13[%get3A_3665, %get3A_3666] {strides = array<i32>} : memref<656x64xf32, #tpu.memory_space<vmem>>, vector<16xf32>,
        %add3A_3668 = arith.constant 328 : i32
        %add3A_3669 = arith.addi %add3A_3668, %scan3A_3630 : i32
        %get3A_3670 = arith.index_cast %add3A_3669 : i32 to index
        %get3A_3671 = arith.constant 48 : index
        %get3A_3672 = tpu.vector_load %arg13[%get3A_3670, %get3A_3671] {strides = array<i32>} : memref<656x64xf32, #tpu.memory_space<vmem>>, vector<16xf32>,
        %mul3A_3673 = arith.mulf %get3A_3667, %get3A_3672 : vector<16xf32>
        %add3A_3674 = arith.addf %scan3A_3634, %mul3A_3673 : vector<16xf32>
        %scan3A_3675 = arith.constant 1 : i32
        %scan3A_3676 = arith.addi %scan3A_3630, %scan3A_3675 : i32
        %get3A_3677 = arith.index_cast %scan3A_3676 : i32 to index
        %get3A_3678 = arith.constant 0 : index
        %get3A_3679 = tpu.vector_load %arg13[%get3A_3677, %get3A_3678] {strides = array<i32>} : memref<656x64xf32, #tpu.memory_space<vmem>>, vector<16xf32>,
        %add3A_3680 = arith.constant 328 : i32
        %add3A_3681 = arith.addi %add3A_3680, %scan3A_3676 : i32
        %get3A_3682 = arith.index_cast %add3A_3681 : i32 to index
        %get3A_3683 = arith.constant 0 : index
        %get3A_3684 = tpu.vector_load %arg13[%get3A_3682, %get3A_3683] {strides = array<i32>} : memref<656x64xf32, #tpu.memory_space<vmem>>, vector<16xf32>,
        %mul3A_3685 = arith.mulf %get3A_3679, %get3A_3684 : vector<16xf32>
        %add3A_3686 = arith.addf %add3A_3644, %mul3A_3685 : vector<16xf32>
        %get3A_3687 = arith.index_cast %scan3A_3676 : i32 to index
        %get3A_3688 = arith.constant 16 : index
        %get3A_3689 = tpu.vector_load %arg13[%get3A_3687, %get3A_3688] {strides = array<i32>} : memref<656x64xf32, #tpu.memory_space<vmem>>, vector<16xf32>,
        %add3A_3690 = arith.constant 328 : i32
        %add3A_3691 = arith.addi %add3A_3690, %scan3A_3676 : i32
        %get3A_3692 = arith.index_cast %add3A_3691 : i32 to index
        %get3A_3693 = arith.constant 16 : index
        %get3A_3694 = tpu.vector_load %arg13[%get3A_3692, %get3A_3693] {strides = array<i32>} : memref<656x64xf32, #tpu.memory_space<vmem>>, vector<16xf32>,
        %mul3A_3695 = arith.mulf %get3A_3689, %get3A_3694 : vector<16xf32>
        %add3A_3696 = arith.addf %add3A_3654, %mul3A_3695 : vector<16xf32>
        %get3A_3697 = arith.index_cast %scan3A_3676 : i32 to index
        %get3A_3698 = arith.constant 32 : index
        %get3A_3699 = tpu.vector_load %arg13[%get3A_3697, %get3A_3698] {strides = array<i32>} : memref<656x64xf32, #tpu.memory_space<vmem>>, vector<16xf32>,
        %add3A_3700 = arith.constant 328 : i32
        %add3A_3701 = arith.addi %add3A_3700, %scan3A_3676 : i32
        %get3A_3702 = arith.index_cast %add3A_3701 : i32 to index
        %get3A_3703 = arith.constant 32 : index
        %get3A_3704 = tpu.vector_load %arg13[%get3A_3702, %get3A_3703] {strides = array<i32>} : memref<656x64xf32, #tpu.memory_space<vmem>>, vector<16xf32>,
        %mul3A_3705 = arith.mulf %get3A_3699, %get3A_3704 : vector<16xf32>
        %add3A_3706 = arith.addf %add3A_3664, %mul3A_3705 : vector<16xf32>
        %get3A_3707 = arith.index_cast %scan3A_3676 : i32 to index
        %get3A_3708 = arith.constant 48 : index
        %get3A_3709 = tpu.vector_load %arg13[%get3A_3707, %get3A_3708] {strides = array<i32>} : memref<656x64xf32, #tpu.memory_space<vmem>>, vector<16xf32>,
        %add3A_3710 = arith.constant 328 : i32
        %add3A_3711 = arith.addi %add3A_3710, %scan3A_3676 : i32
        %get3A_3712 = arith.index_cast %add3A_3711 : i32 to index
        %get3A_3713 = arith.constant 48 : index
        %get3A_3714 = tpu.vector_load %arg13[%get3A_3712, %get3A_3713] {strides = array<i32>} : memref<656x64xf32, #tpu.memory_space<vmem>>, vector<16xf32>,
        %mul3A_3715 = arith.mulf %get3A_3709, %get3A_3714 : vector<16xf32>
        %add3A_3716 = arith.addf %add3A_3674, %mul3A_3715 : vector<16xf32>
        %scan3A_3717 = arith.constant 2 : i32
        %scan3A_3718 = arith.addi %scan3A_3630, %scan3A_3717 : i32
        %get3A_3719 = arith.index_cast %scan3A_3718 : i32 to index
        %get3A_3720 = arith.constant 0 : index
        %get3A_3721 = tpu.vector_load %arg13[%get3A_3719, %get3A_3720] {strides = array<i32>} : memref<656x64xf32, #tpu.memory_space<vmem>>, vector<16xf32>,
        %add3A_3722 = arith.constant 328 : i32
        %add3A_3723 = arith.addi %add3A_3722, %scan3A_3718 : i32
        %get3A_3724 = arith.index_cast %add3A_3723 : i32 to index
        %get3A_3725 = arith.constant 0 : index
        %get3A_3726 = tpu.vector_load %arg13[%get3A_3724, %get3A_3725] {strides = array<i32>} : memref<656x64xf32, #tpu.memory_space<vmem>>, vector<16xf32>,
        %mul3A_3727 = arith.mulf %get3A_3721, %get3A_3726 : vector<16xf32>
        %add3A_3728 = arith.addf %add3A_3686, %mul3A_3727 : vector<16xf32>
        %get3A_3729 = arith.index_cast %scan3A_3718 : i32 to index
        %get3A_3730 = arith.constant 16 : index
        %get3A_3731 = tpu.vector_load %arg13[%get3A_3729, %get3A_3730] {strides = array<i32>} : memref<656x64xf32, #tpu.memory_space<vmem>>, vector<16xf32>,
        %add3A_3732 = arith.constant 328 : i32
        %add3A_3733 = arith.addi %add3A_3732, %scan3A_3718 : i32
        %get3A_3734 = arith.index_cast %add3A_3733 : i32 to index
        %get3A_3735 = arith.constant 16 : index
        %get3A_3736 = tpu.vector_load %arg13[%get3A_3734, %get3A_3735] {strides = array<i32>} : memref<656x64xf32, #tpu.memory_space<vmem>>, vector<16xf32>,
        %mul3A_3737 = arith.mulf %get3A_3731, %get3A_3736 : vector<16xf32>
        %add3A_3738 = arith.addf %add3A_3696, %mul3A_3737 : vector<16xf32>
        %get3A_3739 = arith.index_cast %scan3A_3718 : i32 to index
        %get3A_3740 = arith.constant 32 : index
        %get3A_3741 = tpu.vector_load %arg13[%get3A_3739, %get3A_3740] {strides = array<i32>} : memref<656x64xf32, #tpu.memory_space<vmem>>, vector<16xf32>,
        %add3A_3742 = arith.constant 328 : i32
        %add3A_3743 = arith.addi %add3A_3742, %scan3A_3718 : i32
        %get3A_3744 = arith.index_cast %add3A_3743 : i32 to index
        %get3A_3745 = arith.constant 32 : index
        %get3A_3746 = tpu.vector_load %arg13[%get3A_3744, %get3A_3745] {strides = array<i32>} : memref<656x64xf32, #tpu.memory_space<vmem>>, vector<16xf32>,
        %mul3A_3747 = arith.mulf %get3A_3741, %get3A_3746 : vector<16xf32>
        %add3A_3748 = arith.addf %add3A_3706, %mul3A_3747 : vector<16xf32>
        %get3A_3749 = arith.index_cast %scan3A_3718 : i32 to index
        %get3A_3750 = arith.constant 48 : index
        %get3A_3751 = tpu.vector_load %arg13[%get3A_3749, %get3A_3750] {strides = array<i32>} : memref<656x64xf32, #tpu.memory_space<vmem>>, vector<16xf32>,
        %add3A_3752 = arith.constant 328 : i32
        %add3A_3753 = arith.addi %add3A_3752, %scan3A_3718 : i32
        %get3A_3754 = arith.index_cast %add3A_3753 : i32 to index
        %get3A_3755 = arith.constant 48 : index
        %get3A_3756 = tpu.vector_load %arg13[%get3A_3754, %get3A_3755] {strides = array<i32>} : memref<656x64xf32, #tpu.memory_space<vmem>>, vector<16xf32>,
        %mul3A_3757 = arith.mulf %get3A_3751, %get3A_3756 : vector<16xf32>
        %add3A_3758 = arith.addf %add3A_3716, %mul3A_3757 : vector<16xf32>
        %scan3A_3759 = arith.constant 3 : i32
        %scan3A_3760 = arith.addi %scan3A_3630, %scan3A_3759 : i32
        %get3A_3761 = arith.index_cast %scan3A_3760 : i32 to index
        %get3A_3762 = arith.constant 0 : index
        %get3A_3763 = tpu.vector_load %arg13[%get3A_3761, %get3A_3762] {strides = array<i32>} : memref<656x64xf32, #tpu.memory_space<vmem>>, vector<16xf32>,
        %add3A_3764 = arith.constant 328 : i32
        %add3A_3765 = arith.addi %add3A_3764, %scan3A_3760 : i32
        %get3A_3766 = arith.index_cast %add3A_3765 : i32 to index
        %get3A_3767 = arith.constant 0 : index
        %get3A_3768 = tpu.vector_load %arg13[%get3A_3766, %get3A_3767] {strides = array<i32>} : memref<656x64xf32, #tpu.memory_space<vmem>>, vector<16xf32>,
        %mul3A_3769 = arith.mulf %get3A_3763, %get3A_3768 : vector<16xf32>
        %add3A_3770 = arith.addf %add3A_3728, %mul3A_3769 : vector<16xf32>
        %get3A_3771 = arith.index_cast %scan3A_3760 : i32 to index
        %get3A_3772 = arith.constant 16 : index
        %get3A_3773 = tpu.vector_load %arg13[%get3A_3771, %get3A_3772] {strides = array<i32>} : memref<656x64xf32, #tpu.memory_space<vmem>>, vector<16xf32>,
        %add3A_3774 = arith.constant 328 : i32
        %add3A_3775 = arith.addi %add3A_3774, %scan3A_3760 : i32
        %get3A_3776 = arith.index_cast %add3A_3775 : i32 to index
        %get3A_3777 = arith.constant 16 : index
        %get3A_3778 = tpu.vector_load %arg13[%get3A_3776, %get3A_3777] {strides = array<i32>} : memref<656x64xf32, #tpu.memory_space<vmem>>, vector<16xf32>,
        %mul3A_3779 = arith.mulf %get3A_3773, %get3A_3778 : vector<16xf32>
        %add3A_3780 = arith.addf %add3A_3738, %mul3A_3779 : vector<16xf32>
        %get3A_3781 = arith.index_cast %scan3A_3760 : i32 to index
        %get3A_3782 = arith.constant 32 : index
        %get3A_3783 = tpu.vector_load %arg13[%get3A_3781, %get3A_3782] {strides = array<i32>} : memref<656x64xf32, #tpu.memory_space<vmem>>, vector<16xf32>,
        %add3A_3784 = arith.constant 328 : i32
        %add3A_3785 = arith.addi %add3A_3784, %scan3A_3760 : i32
        %get3A_3786 = arith.index_cast %add3A_3785 : i32 to index
        %get3A_3787 = arith.constant 32 : index
        %get3A_3788 = tpu.vector_load %arg13[%get3A_3786, %get3A_3787] {strides = array<i32>} : memref<656x64xf32, #tpu.memory_space<vmem>>, vector<16xf32>,
        %mul3A_3789 = arith.mulf %get3A_3783, %get3A_3788 : vector<16xf32>
        %add3A_3790 = arith.addf %add3A_3748, %mul3A_3789 : vector<16xf32>
        %get3A_3791 = arith.index_cast %scan3A_3760 : i32 to index
        %get3A_3792 = arith.constant 48 : index
        %get3A_3793 = tpu.vector_load %arg13[%get3A_3791, %get3A_3792] {strides = array<i32>} : memref<656x64xf32, #tpu.memory_space<vmem>>, vector<16xf32>,
        %add3A_3794 = arith.constant 328 : i32
        %add3A_3795 = arith.addi %add3A_3794, %scan3A_3760 : i32
        %get3A_3796 = arith.index_cast %add3A_3795 : i32 to index
        %get3A_3797 = arith.constant 48 : index
        %get3A_3798 = tpu.vector_load %arg13[%get3A_3796, %get3A_3797] {strides = array<i32>} : memref<656x64xf32, #tpu.memory_space<vmem>>, vector<16xf32>,
        %mul3A_3799 = arith.mulf %get3A_3793, %get3A_3798 : vector<16xf32>
        %add3A_3800 = arith.addf %add3A_3758, %mul3A_3799 : vector<16xf32>
        %scan3A_3801 = arith.constant 4 : i32
        %scan3A_3802 = arith.addi %scan3A_3630, %scan3A_3801 : i32
        %get3A_3803 = arith.index_cast %scan3A_3802 : i32 to index
        %get3A_3804 = arith.constant 0 : index
        %get3A_3805 = tpu.vector_load %arg13[%get3A_3803, %get3A_3804] {strides = array<i32>} : memref<656x64xf32, #tpu.memory_space<vmem>>, vector<16xf32>,
        %add3A_3806 = arith.constant 328 : i32
        %add3A_3807 = arith.addi %add3A_3806, %scan3A_3802 : i32
        %get3A_3808 = arith.index_cast %add3A_3807 : i32 to index
        %get3A_3809 = arith.constant 0 : index
        %get3A_3810 = tpu.vector_load %arg13[%get3A_3808, %get3A_3809] {strides = array<i32>} : memref<656x64xf32, #tpu.memory_space<vmem>>, vector<16xf32>,
        %mul3A_3811 = arith.mulf %get3A_3805, %get3A_3810 : vector<16xf32>
        %add3A_3812 = arith.addf %add3A_3770, %mul3A_3811 : vector<16xf32>
        %get3A_3813 = arith.index_cast %scan3A_3802 : i32 to index
        %get3A_3814 = arith.constant 16 : index
        %get3A_3815 = tpu.vector_load %arg13[%get3A_3813, %get3A_3814] {strides = array<i32>} : memref<656x64xf32, #tpu.memory_space<vmem>>, vector<16xf32>,
        %add3A_3816 = arith.constant 328 : i32
        %add3A_3817 = arith.addi %add3A_3816, %scan3A_3802 : i32
        %get3A_3818 = arith.index_cast %add3A_3817 : i32 to index
        %get3A_3819 = arith.constant 16 : index
        %get3A_3820 = tpu.vector_load %arg13[%get3A_3818, %get3A_3819] {strides = array<i32>} : memref<656x64xf32, #tpu.memory_space<vmem>>, vector<16xf32>,
        %mul3A_3821 = arith.mulf %get3A_3815, %get3A_3820 : vector<16xf32>
        %add3A_3822 = arith.addf %add3A_3780, %mul3A_3821 : vector<16xf32>
        %get3A_3823 = arith.index_cast %scan3A_3802 : i32 to index
        %get3A_3824 = arith.constant 32 : index
        %get3A_3825 = tpu.vector_load %arg13[%get3A_3823, %get3A_3824] {strides = array<i32>} : memref<656x64xf32, #tpu.memory_space<vmem>>, vector<16xf32>,
        %add3A_3826 = arith.constant 328 : i32
        %add3A_3827 = arith.addi %add3A_3826, %scan3A_3802 : i32
        %get3A_3828 = arith.index_cast %add3A_3827 : i32 to index
        %get3A_3829 = arith.constant 32 : index
        %get3A_3830 = tpu.vector_load %arg13[%get3A_3828, %get3A_3829] {strides = array<i32>} : memref<656x64xf32, #tpu.memory_space<vmem>>, vector<16xf32>,
        %mul3A_3831 = arith.mulf %get3A_3825, %get3A_3830 : vector<16xf32>
        %add3A_3832 = arith.addf %add3A_3790, %mul3A_3831 : vector<16xf32>
        %get3A_3833 = arith.index_cast %scan3A_3802 : i32 to index
        %get3A_3834 = arith.constant 48 : index
        %get3A_3835 = tpu.vector_load %arg13[%get3A_3833, %get3A_3834] {strides = array<i32>} : memref<656x64xf32, #tpu.memory_space<vmem>>, vector<16xf32>,
        %add3A_3836 = arith.constant 328 : i32
        %add3A_3837 = arith.addi %add3A_3836, %scan3A_3802 : i32
        %get3A_3838 = arith.index_cast %add3A_3837 : i32 to index
        %get3A_3839 = arith.constant 48 : index
        %get3A_3840 = tpu.vector_load %arg13[%get3A_3838, %get3A_3839] {strides = array<i32>} : memref<656x64xf32, #tpu.memory_space<vmem>>, vector<16xf32>,
        %mul3A_3841 = arith.mulf %get3A_3835, %get3A_3840 : vector<16xf32>
        %add3A_3842 = arith.addf %add3A_3800, %mul3A_3841 : vector<16xf32>
        %scan3A_3843 = arith.constant 5 : i32
        %scan3A_3844 = arith.addi %scan3A_3630, %scan3A_3843 : i32
        %get3A_3845 = arith.index_cast %scan3A_3844 : i32 to index
        %get3A_3846 = arith.constant 0 : index
        %get3A_3847 = tpu.vector_load %arg13[%get3A_3845, %get3A_3846] {strides = array<i32>} : memref<656x64xf32, #tpu.memory_space<vmem>>, vector<16xf32>,
        %add3A_3848 = arith.constant 328 : i32
        %add3A_3849 = arith.addi %add3A_3848, %scan3A_3844 : i32
        %get3A_3850 = arith.index_cast %add3A_3849 : i32 to index
        %get3A_3851 = arith.constant 0 : index
        %get3A_3852 = tpu.vector_load %arg13[%get3A_3850, %get3A_3851] {strides = array<i32>} : memref<656x64xf32, #tpu.memory_space<vmem>>, vector<16xf32>,
        %mul3A_3853 = arith.mulf %get3A_3847, %get3A_3852 : vector<16xf32>
        %add3A_3854 = arith.addf %add3A_3812, %mul3A_3853 : vector<16xf32>
        %get3A_3855 = arith.index_cast %scan3A_3844 : i32 to index
        %get3A_3856 = arith.constant 16 : index
        %get3A_3857 = tpu.vector_load %arg13[%get3A_3855, %get3A_3856] {strides = array<i32>} : memref<656x64xf32, #tpu.memory_space<vmem>>, vector<16xf32>,
        %add3A_3858 = arith.constant 328 : i32
        %add3A_3859 = arith.addi %add3A_3858, %scan3A_3844 : i32
        %get3A_3860 = arith.index_cast %add3A_3859 : i32 to index
        %get3A_3861 = arith.constant 16 : index
        %get3A_3862 = tpu.vector_load %arg13[%get3A_3860, %get3A_3861] {strides = array<i32>} : memref<656x64xf32, #tpu.memory_space<vmem>>, vector<16xf32>,
        %mul3A_3863 = arith.mulf %get3A_3857, %get3A_3862 : vector<16xf32>
        %add3A_3864 = arith.addf %add3A_3822, %mul3A_3863 : vector<16xf32>
        %get3A_3865 = arith.index_cast %scan3A_3844 : i32 to index
        %get3A_3866 = arith.constant 32 : index
        %get3A_3867 = tpu.vector_load %arg13[%get3A_3865, %get3A_3866] {strides = array<i32>} : memref<656x64xf32, #tpu.memory_space<vmem>>, vector<16xf32>,
        %add3A_3868 = arith.constant 328 : i32
        %add3A_3869 = arith.addi %add3A_3868, %scan3A_3844 : i32
        %get3A_3870 = arith.index_cast %add3A_3869 : i32 to index
        %get3A_3871 = arith.constant 32 : index
        %get3A_3872 = tpu.vector_load %arg13[%get3A_3870, %get3A_3871] {strides = array<i32>} : memref<656x64xf32, #tpu.memory_space<vmem>>, vector<16xf32>,
        %mul3A_3873 = arith.mulf %get3A_3867, %get3A_3872 : vector<16xf32>
        %add3A_3874 = arith.addf %add3A_3832, %mul3A_3873 : vector<16xf32>
        %get3A_3875 = arith.index_cast %scan3A_3844 : i32 to index
        %get3A_3876 = arith.constant 48 : index
        %get3A_3877 = tpu.vector_load %arg13[%get3A_3875, %get3A_3876] {strides = array<i32>} : memref<656x64xf32, #tpu.memory_space<vmem>>, vector<16xf32>,
        %add3A_3878 = arith.constant 328 : i32
        %add3A_3879 = arith.addi %add3A_3878, %scan3A_3844 : i32
        %get3A_3880 = arith.index_cast %add3A_3879 : i32 to index
        %get3A_3881 = arith.constant 48 : index
        %get3A_3882 = tpu.vector_load %arg13[%get3A_3880, %get3A_3881] {strides = array<i32>} : memref<656x64xf32, #tpu.memory_space<vmem>>, vector<16xf32>,
        %mul3A_3883 = arith.mulf %get3A_3877, %get3A_3882 : vector<16xf32>
        %add3A_3884 = arith.addf %add3A_3842, %mul3A_3883 : vector<16xf32>
        %scan3A_3885 = arith.constant 6 : i32
        %scan3A_3886 = arith.addi %scan3A_3630, %scan3A_3885 : i32
        %get3A_3887 = arith.index_cast %scan3A_3886 : i32 to index
        %get3A_3888 = arith.constant 0 : index
        %get3A_3889 = tpu.vector_load %arg13[%get3A_3887, %get3A_3888] {strides = array<i32>} : memref<656x64xf32, #tpu.memory_space<vmem>>, vector<16xf32>,
        %add3A_3890 = arith.constant 328 : i32
        %add3A_3891 = arith.addi %add3A_3890, %scan3A_3886 : i32
        %get3A_3892 = arith.index_cast %add3A_3891 : i32 to index
        %get3A_3893 = arith.constant 0 : index
        %get3A_3894 = tpu.vector_load %arg13[%get3A_3892, %get3A_3893] {strides = array<i32>} : memref<656x64xf32, #tpu.memory_space<vmem>>, vector<16xf32>,
        %mul3A_3895 = arith.mulf %get3A_3889, %get3A_3894 : vector<16xf32>
        %add3A_3896 = arith.addf %add3A_3854, %mul3A_3895 : vector<16xf32>
        %get3A_3897 = arith.index_cast %scan3A_3886 : i32 to index
        %get3A_3898 = arith.constant 16 : index
        %get3A_3899 = tpu.vector_load %arg13[%get3A_3897, %get3A_3898] {strides = array<i32>} : memref<656x64xf32, #tpu.memory_space<vmem>>, vector<16xf32>,
        %add3A_3900 = arith.constant 328 : i32
        %add3A_3901 = arith.addi %add3A_3900, %scan3A_3886 : i32
        %get3A_3902 = arith.index_cast %add3A_3901 : i32 to index
        %get3A_3903 = arith.constant 16 : index
        %get3A_3904 = tpu.vector_load %arg13[%get3A_3902, %get3A_3903] {strides = array<i32>} : memref<656x64xf32, #tpu.memory_space<vmem>>, vector<16xf32>,
        %mul3A_3905 = arith.mulf %get3A_3899, %get3A_3904 : vector<16xf32>
        %add3A_3906 = arith.addf %add3A_3864, %mul3A_3905 : vector<16xf32>
        %get3A_3907 = arith.index_cast %scan3A_3886 : i32 to index
        %get3A_3908 = arith.constant 32 : index
        %get3A_3909 = tpu.vector_load %arg13[%get3A_3907, %get3A_3908] {strides = array<i32>} : memref<656x64xf32, #tpu.memory_space<vmem>>, vector<16xf32>,
        %add3A_3910 = arith.constant 328 : i32
        %add3A_3911 = arith.addi %add3A_3910, %scan3A_3886 : i32
        %get3A_3912 = arith.index_cast %add3A_3911 : i32 to index
        %get3A_3913 = arith.constant 32 : index
        %get3A_3914 = tpu.vector_load %arg13[%get3A_3912, %get3A_3913] {strides = array<i32>} : memref<656x64xf32, #tpu.memory_space<vmem>>, vector<16xf32>,
        %mul3A_3915 = arith.mulf %get3A_3909, %get3A_3914 : vector<16xf32>
        %add3A_3916 = arith.addf %add3A_3874, %mul3A_3915 : vector<16xf32>
        %get3A_3917 = arith.index_cast %scan3A_3886 : i32 to index
        %get3A_3918 = arith.constant 48 : index
        %get3A_3919 = tpu.vector_load %arg13[%get3A_3917, %get3A_3918] {strides = array<i32>} : memref<656x64xf32, #tpu.memory_space<vmem>>, vector<16xf32>,
        %add3A_3920 = arith.constant 328 : i32
        %add3A_3921 = arith.addi %add3A_3920, %scan3A_3886 : i32
        %get3A_3922 = arith.index_cast %add3A_3921 : i32 to index
        %get3A_3923 = arith.constant 48 : index
        %get3A_3924 = tpu.vector_load %arg13[%get3A_3922, %get3A_3923] {strides = array<i32>} : memref<656x64xf32, #tpu.memory_space<vmem>>, vector<16xf32>,
        %mul3A_3925 = arith.mulf %get3A_3919, %get3A_3924 : vector<16xf32>
        %add3A_3926 = arith.addf %add3A_3884, %mul3A_3925 : vector<16xf32>
        %scan3A_3927 = arith.constant 7 : i32
        %scan3A_3928 = arith.addi %scan3A_3630, %scan3A_3927 : i32
        %get3A_3929 = arith.index_cast %scan3A_3928 : i32 to index
        %get3A_3930 = arith.constant 0 : index
        %get3A_3931 = tpu.vector_load %arg13[%get3A_3929, %get3A_3930] {strides = array<i32>} : memref<656x64xf32, #tpu.memory_space<vmem>>, vector<16xf32>,
        %add3A_3932 = arith.constant 328 : i32
        %add3A_3933 = arith.addi %add3A_3932, %scan3A_3928 : i32
        %get3A_3934 = arith.index_cast %add3A_3933 : i32 to index
        %get3A_3935 = arith.constant 0 : index
        %get3A_3936 = tpu.vector_load %arg13[%get3A_3934, %get3A_3935] {strides = array<i32>} : memref<656x64xf32, #tpu.memory_space<vmem>>, vector<16xf32>,
        %mul3A_3937 = arith.mulf %get3A_3931, %get3A_3936 : vector<16xf32>
        %add3A_3938 = arith.addf %add3A_3896, %mul3A_3937 : vector<16xf32>
        %get3A_3939 = arith.index_cast %scan3A_3928 : i32 to index
        %get3A_3940 = arith.constant 16 : index
        %get3A_3941 = tpu.vector_load %arg13[%get3A_3939, %get3A_3940] {strides = array<i32>} : memref<656x64xf32, #tpu.memory_space<vmem>>, vector<16xf32>,
        %add3A_3942 = arith.constant 328 : i32
        %add3A_3943 = arith.addi %add3A_3942, %scan3A_3928 : i32
        %get3A_3944 = arith.index_cast %add3A_3943 : i32 to index
        %get3A_3945 = arith.constant 16 : index
        %get3A_3946 = tpu.vector_load %arg13[%get3A_3944, %get3A_3945] {strides = array<i32>} : memref<656x64xf32, #tpu.memory_space<vmem>>, vector<16xf32>,
        %mul3A_3947 = arith.mulf %get3A_3941, %get3A_3946 : vector<16xf32>
        %add3A_3948 = arith.addf %add3A_3906, %mul3A_3947 : vector<16xf32>
        %get3A_3949 = arith.index_cast %scan3A_3928 : i32 to index
        %get3A_3950 = arith.constant 32 : index
        %get3A_3951 = tpu.vector_load %arg13[%get3A_3949, %get3A_3950] {strides = array<i32>} : memref<656x64xf32, #tpu.memory_space<vmem>>, vector<16xf32>,
        %add3A_3952 = arith.constant 328 : i32
        %add3A_3953 = arith.addi %add3A_3952, %scan3A_3928 : i32
        %get3A_3954 = arith.index_cast %add3A_3953 : i32 to index
        %get3A_3955 = arith.constant 32 : index
        %get3A_3956 = tpu.vector_load %arg13[%get3A_3954, %get3A_3955] {strides = array<i32>} : memref<656x64xf32, #tpu.memory_space<vmem>>, vector<16xf32>,
        %mul3A_3957 = arith.mulf %get3A_3951, %get3A_3956 : vector<16xf32>
        %add3A_3958 = arith.addf %add3A_3916, %mul3A_3957 : vector<16xf32>
        %get3A_3959 = arith.index_cast %scan3A_3928 : i32 to index
        %get3A_3960 = arith.constant 48 : index
        %get3A_3961 = tpu.vector_load %arg13[%get3A_3959, %get3A_3960] {strides = array<i32>} : memref<656x64xf32, #tpu.memory_space<vmem>>, vector<16xf32>,
        %add3A_3962 = arith.constant 328 : i32
        %add3A_3963 = arith.addi %add3A_3962, %scan3A_3928 : i32
        %get3A_3964 = arith.index_cast %add3A_3963 : i32 to index
        %get3A_3965 = arith.constant 48 : index
        %get3A_3966 = tpu.vector_load %arg13[%get3A_3964, %get3A_3965] {strides = array<i32>} : memref<656x64xf32, #tpu.memory_space<vmem>>, vector<16xf32>,
        %mul3A_3967 = arith.mulf %get3A_3961, %get3A_3966 : vector<16xf32>
        %add3A_3968 = arith.addf %add3A_3926, %mul3A_3967 : vector<16xf32>
        scf.yield %add3A_3938, %add3A_3948, %add3A_3958, %add3A_3968 : vector<16xf32>, vector<16xf32>, vector<16xf32>, vector<16xf32>
      }
      %scan3A_3412 = arith.constant 320 : i32
      %scan3A_3413 = arith.addi %scan3A_3407, %scan3A_3412 : i32
      %get3A_3414 = arith.index_cast %scan3A_3413 : i32 to index
      %get3A_3415 = arith.constant 0 : index
      %get3A_3416 = tpu.vector_load %arg13[%get3A_3414, %get3A_3415] {strides = array<i32>} : memref<656x64xf32, #tpu.memory_space<vmem>>, vector<16xf32>,
      %add3A_3417 = arith.constant 328 : i32
      %add3A_3418 = arith.addi %add3A_3417, %scan3A_3413 : i32
      %get3A_3419 = arith.index_cast %add3A_3418 : i32 to index
      %get3A_3420 = arith.constant 0 : index
      %get3A_3421 = tpu.vector_load %arg13[%get3A_3419, %get3A_3420] {strides = array<i32>} : memref<656x64xf32, #tpu.memory_space<vmem>>, vector<16xf32>,
      %mul3A_3422 = arith.mulf %get3A_3416, %get3A_3421 : vector<16xf32>
      %add3A_3423 = arith.addf %scan3A_3411#0, %mul3A_3422 : vector<16xf32>
      %get3A_3424 = arith.index_cast %scan3A_3413 : i32 to index
      %get3A_3425 = arith.constant 16 : index
      %get3A_3426 = tpu.vector_load %arg13[%get3A_3424, %get3A_3425] {strides = array<i32>} : memref<656x64xf32, #tpu.memory_space<vmem>>, vector<16xf32>,
      %add3A_3427 = arith.constant 328 : i32
      %add3A_3428 = arith.addi %add3A_3427, %scan3A_3413 : i32
      %get3A_3429 = arith.index_cast %add3A_3428 : i32 to index
      %get3A_3430 = arith.constant 16 : index
      %get3A_3431 = tpu.vector_load %arg13[%get3A_3429, %get3A_3430] {strides = array<i32>} : memref<656x64xf32, #tpu.memory_space<vmem>>, vector<16xf32>,
      %mul3A_3432 = arith.mulf %get3A_3426, %get3A_3431 : vector<16xf32>
      %add3A_3433 = arith.addf %scan3A_3411#1, %mul3A_3432 : vector<16xf32>
      %get3A_3434 = arith.index_cast %scan3A_3413 : i32 to index
      %get3A_3435 = arith.constant 32 : index
      %get3A_3436 = tpu.vector_load %arg13[%get3A_3434, %get3A_3435] {strides = array<i32>} : memref<656x64xf32, #tpu.memory_space<vmem>>, vector<16xf32>,
      %add3A_3437 = arith.constant 328 : i32
      %add3A_3438 = arith.addi %add3A_3437, %scan3A_3413 : i32
      %get3A_3439 = arith.index_cast %add3A_3438 : i32 to index
      %get3A_3440 = arith.constant 32 : index
      %get3A_3441 = tpu.vector_load %arg13[%get3A_3439, %get3A_3440] {strides = array<i32>} : memref<656x64xf32, #tpu.memory_space<vmem>>, vector<16xf32>,
      %mul3A_3442 = arith.mulf %get3A_3436, %get3A_3441 : vector<16xf32>
      %add3A_3443 = arith.addf %scan3A_3411#2, %mul3A_3442 : vector<16xf32>
      %get3A_3444 = arith.index_cast %scan3A_3413 : i32 to index
      %get3A_3445 = arith.constant 48 : index
      %get3A_3446 = tpu.vector_load %arg13[%get3A_3444, %get3A_3445] {strides = array<i32>} : memref<656x64xf32, #tpu.memory_space<vmem>>, vector<16xf32>,
      %add3A_3447 = arith.constant 328 : i32
      %add3A_3448 = arith.addi %add3A_3447, %scan3A_3413 : i32
      %get3A_3449 = arith.index_cast %add3A_3448 : i32 to index
      %get3A_3450 = arith.constant 48 : index
      %get3A_3451 = tpu.vector_load %arg13[%get3A_3449, %get3A_3450] {strides = array<i32>} : memref<656x64xf32, #tpu.memory_space<vmem>>, vector<16xf32>,
      %mul3A_3452 = arith.mulf %get3A_3446, %get3A_3451 : vector<16xf32>
      %add3A_3453 = arith.addf %scan3A_3411#3, %mul3A_3452 : vector<16xf32>
      %scan3A_3454 = arith.constant 321 : i32
      %scan3A_3455 = arith.addi %scan3A_3407, %scan3A_3454 : i32
      %get3A_3456 = arith.index_cast %scan3A_3455 : i32 to index
      %get3A_3457 = arith.constant 0 : index
      %get3A_3458 = tpu.vector_load %arg13[%get3A_3456, %get3A_3457] {strides = array<i32>} : memref<656x64xf32, #tpu.memory_space<vmem>>, vector<16xf32>,
      %add3A_3459 = arith.constant 328 : i32
      %add3A_3460 = arith.addi %add3A_3459, %scan3A_3455 : i32
      %get3A_3461 = arith.index_cast %add3A_3460 : i32 to index
      %get3A_3462 = arith.constant 0 : index
      %get3A_3463 = tpu.vector_load %arg13[%get3A_3461, %get3A_3462] {strides = array<i32>} : memref<656x64xf32, #tpu.memory_space<vmem>>, vector<16xf32>,
      %mul3A_3464 = arith.mulf %get3A_3458, %get3A_3463 : vector<16xf32>
      %add3A_3465 = arith.addf %add3A_3423, %mul3A_3464 : vector<16xf32>
      %get3A_3466 = arith.index_cast %scan3A_3455 : i32 to index
      %get3A_3467 = arith.constant 16 : index
      %get3A_3468 = tpu.vector_load %arg13[%get3A_3466, %get3A_3467] {strides = array<i32>} : memref<656x64xf32, #tpu.memory_space<vmem>>, vector<16xf32>,
      %add3A_3469 = arith.constant 328 : i32
      %add3A_3470 = arith.addi %add3A_3469, %scan3A_3455 : i32
      %get3A_3471 = arith.index_cast %add3A_3470 : i32 to index
      %get3A_3472 = arith.constant 16 : index
      %get3A_3473 = tpu.vector_load %arg13[%get3A_3471, %get3A_3472] {strides = array<i32>} : memref<656x64xf32, #tpu.memory_space<vmem>>, vector<16xf32>,
      %mul3A_3474 = arith.mulf %get3A_3468, %get3A_3473 : vector<16xf32>
      %add3A_3475 = arith.addf %add3A_3433, %mul3A_3474 : vector<16xf32>
      %get3A_3476 = arith.index_cast %scan3A_3455 : i32 to index
      %get3A_3477 = arith.constant 32 : index
      %get3A_3478 = tpu.vector_load %arg13[%get3A_3476, %get3A_3477] {strides = array<i32>} : memref<656x64xf32, #tpu.memory_space<vmem>>, vector<16xf32>,
      %add3A_3479 = arith.constant 328 : i32
      %add3A_3480 = arith.addi %add3A_3479, %scan3A_3455 : i32
      %get3A_3481 = arith.index_cast %add3A_3480 : i32 to index
      %get3A_3482 = arith.constant 32 : index
      %get3A_3483 = tpu.vector_load %arg13[%get3A_3481, %get3A_3482] {strides = array<i32>} : memref<656x64xf32, #tpu.memory_space<vmem>>, vector<16xf32>,
      %mul3A_3484 = arith.mulf %get3A_3478, %get3A_3483 : vector<16xf32>
      %add3A_3485 = arith.addf %add3A_3443, %mul3A_3484 : vector<16xf32>
      %get3A_3486 = arith.index_cast %scan3A_3455 : i32 to index
      %get3A_3487 = arith.constant 48 : index
      %get3A_3488 = tpu.vector_load %arg13[%get3A_3486, %get3A_3487] {strides = array<i32>} : memref<656x64xf32, #tpu.memory_space<vmem>>, vector<16xf32>,
      %add3A_3489 = arith.constant 328 : i32
      %add3A_3490 = arith.addi %add3A_3489, %scan3A_3455 : i32
      %get3A_3491 = arith.index_cast %add3A_3490 : i32 to index
      %get3A_3492 = arith.constant 48 : index
      %get3A_3493 = tpu.vector_load %arg13[%get3A_3491, %get3A_3492] {strides = array<i32>} : memref<656x64xf32, #tpu.memory_space<vmem>>, vector<16xf32>,
      %mul3A_3494 = arith.mulf %get3A_3488, %get3A_3493 : vector<16xf32>
      %add3A_3495 = arith.addf %add3A_3453, %mul3A_3494 : vector<16xf32>
      %scan3A_3496 = arith.constant 322 : i32
      %scan3A_3497 = arith.addi %scan3A_3407, %scan3A_3496 : i32
      %get3A_3498 = arith.index_cast %scan3A_3497 : i32 to index
      %get3A_3499 = arith.constant 0 : index
      %get3A_3500 = tpu.vector_load %arg13[%get3A_3498, %get3A_3499] {strides = array<i32>} : memref<656x64xf32, #tpu.memory_space<vmem>>, vector<16xf32>,
      %add3A_3501 = arith.constant 328 : i32
      %add3A_3502 = arith.addi %add3A_3501, %scan3A_3497 : i32
      %get3A_3503 = arith.index_cast %add3A_3502 : i32 to index
      %get3A_3504 = arith.constant 0 : index
      %get3A_3505 = tpu.vector_load %arg13[%get3A_3503, %get3A_3504] {strides = array<i32>} : memref<656x64xf32, #tpu.memory_space<vmem>>, vector<16xf32>,
      %mul3A_3506 = arith.mulf %get3A_3500, %get3A_3505 : vector<16xf32>
      %add3A_3507 = arith.addf %add3A_3465, %mul3A_3506 : vector<16xf32>
      %get3A_3508 = arith.index_cast %scan3A_3497 : i32 to index
      %get3A_3509 = arith.constant 16 : index
      %get3A_3510 = tpu.vector_load %arg13[%get3A_3508, %get3A_3509] {strides = array<i32>} : memref<656x64xf32, #tpu.memory_space<vmem>>, vector<16xf32>,
      %add3A_3511 = arith.constant 328 : i32
      %add3A_3512 = arith.addi %add3A_3511, %scan3A_3497 : i32
      %get3A_3513 = arith.index_cast %add3A_3512 : i32 to index
      %get3A_3514 = arith.constant 16 : index
      %get3A_3515 = tpu.vector_load %arg13[%get3A_3513, %get3A_3514] {strides = array<i32>} : memref<656x64xf32, #tpu.memory_space<vmem>>, vector<16xf32>,
      %mul3A_3516 = arith.mulf %get3A_3510, %get3A_3515 : vector<16xf32>
      %add3A_3517 = arith.addf %add3A_3475, %mul3A_3516 : vector<16xf32>
      %get3A_3518 = arith.index_cast %scan3A_3497 : i32 to index
      %get3A_3519 = arith.constant 32 : index
      %get3A_3520 = tpu.vector_load %arg13[%get3A_3518, %get3A_3519] {strides = array<i32>} : memref<656x64xf32, #tpu.memory_space<vmem>>, vector<16xf32>,
      %add3A_3521 = arith.constant 328 : i32
      %add3A_3522 = arith.addi %add3A_3521, %scan3A_3497 : i32
      %get3A_3523 = arith.index_cast %add3A_3522 : i32 to index
      %get3A_3524 = arith.constant 32 : index
      %get3A_3525 = tpu.vector_load %arg13[%get3A_3523, %get3A_3524] {strides = array<i32>} : memref<656x64xf32, #tpu.memory_space<vmem>>, vector<16xf32>,
      %mul3A_3526 = arith.mulf %get3A_3520, %get3A_3525 : vector<16xf32>
      %add3A_3527 = arith.addf %add3A_3485, %mul3A_3526 : vector<16xf32>
      %get3A_3528 = arith.index_cast %scan3A_3497 : i32 to index
      %get3A_3529 = arith.constant 48 : index
      %get3A_3530 = tpu.vector_load %arg13[%get3A_3528, %get3A_3529] {strides = array<i32>} : memref<656x64xf32, #tpu.memory_space<vmem>>, vector<16xf32>,
      %add3A_3531 = arith.constant 328 : i32
      %add3A_3532 = arith.addi %add3A_3531, %scan3A_3497 : i32
      %get3A_3533 = arith.index_cast %add3A_3532 : i32 to index
      %get3A_3534 = arith.constant 48 : index
      %get3A_3535 = tpu.vector_load %arg13[%get3A_3533, %get3A_3534] {strides = array<i32>} : memref<656x64xf32, #tpu.memory_space<vmem>>, vector<16xf32>,
      %mul3A_3536 = arith.mulf %get3A_3530, %get3A_3535 : vector<16xf32>
      %add3A_3537 = arith.addf %add3A_3495, %mul3A_3536 : vector<16xf32>
      %scan3A_3538 = arith.constant 323 : i32
      %scan3A_3539 = arith.addi %scan3A_3407, %scan3A_3538 : i32
      %get3A_3540 = arith.index_cast %scan3A_3539 : i32 to index
      %get3A_3541 = arith.constant 0 : index
      %get3A_3542 = tpu.vector_load %arg13[%get3A_3540, %get3A_3541] {strides = array<i32>} : memref<656x64xf32, #tpu.memory_space<vmem>>, vector<16xf32>,
      %add3A_3543 = arith.constant 328 : i32
      %add3A_3544 = arith.addi %add3A_3543, %scan3A_3539 : i32
      %get3A_3545 = arith.index_cast %add3A_3544 : i32 to index
      %get3A_3546 = arith.constant 0 : index
      %get3A_3547 = tpu.vector_load %arg13[%get3A_3545, %get3A_3546] {strides = array<i32>} : memref<656x64xf32, #tpu.memory_space<vmem>>, vector<16xf32>,
      %mul3A_3548 = arith.mulf %get3A_3542, %get3A_3547 : vector<16xf32>
      %add3A_3549 = arith.addf %add3A_3507, %mul3A_3548 : vector<16xf32>
      %get3A_3550 = arith.index_cast %scan3A_3539 : i32 to index
      %get3A_3551 = arith.constant 16 : index
      %get3A_3552 = tpu.vector_load %arg13[%get3A_3550, %get3A_3551] {strides = array<i32>} : memref<656x64xf32, #tpu.memory_space<vmem>>, vector<16xf32>,
      %add3A_3553 = arith.constant 328 : i32
      %add3A_3554 = arith.addi %add3A_3553, %scan3A_3539 : i32
      %get3A_3555 = arith.index_cast %add3A_3554 : i32 to index
      %get3A_3556 = arith.constant 16 : index
      %get3A_3557 = tpu.vector_load %arg13[%get3A_3555, %get3A_3556] {strides = array<i32>} : memref<656x64xf32, #tpu.memory_space<vmem>>, vector<16xf32>,
      %mul3A_3558 = arith.mulf %get3A_3552, %get3A_3557 : vector<16xf32>
      %add3A_3559 = arith.addf %add3A_3517, %mul3A_3558 : vector<16xf32>
      %get3A_3560 = arith.index_cast %scan3A_3539 : i32 to index
      %get3A_3561 = arith.constant 32 : index
      %get3A_3562 = tpu.vector_load %arg13[%get3A_3560, %get3A_3561] {strides = array<i32>} : memref<656x64xf32, #tpu.memory_space<vmem>>, vector<16xf32>,
      %add3A_3563 = arith.constant 328 : i32
      %add3A_3564 = arith.addi %add3A_3563, %scan3A_3539 : i32
      %get3A_3565 = arith.index_cast %add3A_3564 : i32 to index
      %get3A_3566 = arith.constant 32 : index
      %get3A_3567 = tpu.vector_load %arg13[%get3A_3565, %get3A_3566] {strides = array<i32>} : memref<656x64xf32, #tpu.memory_space<vmem>>, vector<16xf32>,
      %mul3A_3568 = arith.mulf %get3A_3562, %get3A_3567 : vector<16xf32>
      %add3A_3569 = arith.addf %add3A_3527, %mul3A_3568 : vector<16xf32>
      %get3A_3570 = arith.index_cast %scan3A_3539 : i32 to index
      %get3A_3571 = arith.constant 48 : index
      %get3A_3572 = tpu.vector_load %arg13[%get3A_3570, %get3A_3571] {strides = array<i32>} : memref<656x64xf32, #tpu.memory_space<vmem>>, vector<16xf32>,
      %add3A_3573 = arith.constant 328 : i32
      %add3A_3574 = arith.addi %add3A_3573, %scan3A_3539 : i32
      %get3A_3575 = arith.index_cast %add3A_3574 : i32 to index
      %get3A_3576 = arith.constant 48 : index
      %get3A_3577 = tpu.vector_load %arg13[%get3A_3575, %get3A_3576] {strides = array<i32>} : memref<656x64xf32, #tpu.memory_space<vmem>>, vector<16xf32>,
      %mul3A_3578 = arith.mulf %get3A_3572, %get3A_3577 : vector<16xf32>
      %add3A_3579 = arith.addf %add3A_3537, %mul3A_3578 : vector<16xf32>
      %scan3A_3580 = arith.constant 324 : i32
      %scan3A_3581 = arith.addi %scan3A_3407, %scan3A_3580 : i32
      %get3A_3582 = arith.index_cast %scan3A_3581 : i32 to index
      %get3A_3583 = arith.constant 0 : index
      %get3A_3584 = tpu.vector_load %arg13[%get3A_3582, %get3A_3583] {strides = array<i32>} : memref<656x64xf32, #tpu.memory_space<vmem>>, vector<16xf32>,
      %add3A_3585 = arith.constant 328 : i32
      %add3A_3586 = arith.addi %add3A_3585, %scan3A_3581 : i32
      %get3A_3587 = arith.index_cast %add3A_3586 : i32 to index
      %get3A_3588 = arith.constant 0 : index
      %get3A_3589 = tpu.vector_load %arg13[%get3A_3587, %get3A_3588] {strides = array<i32>} : memref<656x64xf32, #tpu.memory_space<vmem>>, vector<16xf32>,
      %mul3A_3590 = arith.mulf %get3A_3584, %get3A_3589 : vector<16xf32>
      %add3A_3591 = arith.addf %add3A_3549, %mul3A_3590 : vector<16xf32>
      %get3A_3592 = arith.index_cast %scan3A_3581 : i32 to index
      %get3A_3593 = arith.constant 16 : index
      %get3A_3594 = tpu.vector_load %arg13[%get3A_3592, %get3A_3593] {strides = array<i32>} : memref<656x64xf32, #tpu.memory_space<vmem>>, vector<16xf32>,
      %add3A_3595 = arith.constant 328 : i32
      %add3A_3596 = arith.addi %add3A_3595, %scan3A_3581 : i32
      %get3A_3597 = arith.index_cast %add3A_3596 : i32 to index
      %get3A_3598 = arith.constant 16 : index
      %get3A_3599 = tpu.vector_load %arg13[%get3A_3597, %get3A_3598] {strides = array<i32>} : memref<656x64xf32, #tpu.memory_space<vmem>>, vector<16xf32>,
      %mul3A_3600 = arith.mulf %get3A_3594, %get3A_3599 : vector<16xf32>
      %add3A_3601 = arith.addf %add3A_3559, %mul3A_3600 : vector<16xf32>
      %get3A_3602 = arith.index_cast %scan3A_3581 : i32 to index
      %get3A_3603 = arith.constant 32 : index
      %get3A_3604 = tpu.vector_load %arg13[%get3A_3602, %get3A_3603] {strides = array<i32>} : memref<656x64xf32, #tpu.memory_space<vmem>>, vector<16xf32>,
      %add3A_3605 = arith.constant 328 : i32
      %add3A_3606 = arith.addi %add3A_3605, %scan3A_3581 : i32
      %get3A_3607 = arith.index_cast %add3A_3606 : i32 to index
      %get3A_3608 = arith.constant 32 : index
      %get3A_3609 = tpu.vector_load %arg13[%get3A_3607, %get3A_3608] {strides = array<i32>} : memref<656x64xf32, #tpu.memory_space<vmem>>, vector<16xf32>,
      %mul3A_3610 = arith.mulf %get3A_3604, %get3A_3609 : vector<16xf32>
      %add3A_3611 = arith.addf %add3A_3569, %mul3A_3610 : vector<16xf32>
      %get3A_3612 = arith.index_cast %scan3A_3581 : i32 to index
      %get3A_3613 = arith.constant 48 : index
      %get3A_3614 = tpu.vector_load %arg13[%get3A_3612, %get3A_3613] {strides = array<i32>} : memref<656x64xf32, #tpu.memory_space<vmem>>, vector<16xf32>,
      %add3A_3615 = arith.constant 328 : i32
      %add3A_3616 = arith.addi %add3A_3615, %scan3A_3581 : i32
      %get3A_3617 = arith.index_cast %add3A_3616 : i32 to index
      %get3A_3618 = arith.constant 48 : index
      %get3A_3619 = tpu.vector_load %arg13[%get3A_3617, %get3A_3618] {strides = array<i32>} : memref<656x64xf32, #tpu.memory_space<vmem>>, vector<16xf32>,
      %mul3A_3620 = arith.mulf %get3A_3614, %get3A_3619 : vector<16xf32>
      %add3A_3621 = arith.addf %add3A_3579, %mul3A_3620 : vector<16xf32>
      %scan3A_3622 = arith.constant 325 : i32
      %add3A_3623 = arith.addf %add3A_3591, %add3A_3601 : vector<16xf32>
      %add3A_3624 = arith.addf %add3A_3623, %add3A_3611 : vector<16xf32>
      %add3A_3625 = arith.addf %add3A_3624, %add3A_3621 : vector<16xf32>
      %mul3A_3626 = arith.constant 16 : i32
      %mul3A_3627 = arith.muli %add3A_3404, %mul3A_3626 : i32
      %swap3A_3628 = arith.index_cast %mul3A_3627 : i32 to index
      %swap3A_3629 = tpu.vector_load %arg14[%swap3A_3628] {strides = array<i32>} : memref<2048xf32, #tpu.memory_space<vmem>>, vector<16xf32>,
      tpu.vector_store %arg14[%swap3A_3628], %add3A_3625 {strides = array<i32>} : memref<2048xf32, #tpu.memory_space<vmem>>, vector<16xf32>,
    }
    %scan3A_503 = arith.constant 64 : i32
    %dma_wait3A = arith.constant 0 : i32
    %dma_wait3A_504 = arith.constant 0 : i32
    %dma_wait3A_505 = tpu.memref_slice %arg12[%dma_wait3A, %dma_wait3A_504] : memref<656x64xf32, #tpu.memory_space<vmem>> -> memref<128x64xf32, #tpu.memory_space<vmem>>
    %dma_wait3A_506 = arith.constant 0 : i32
    %dma_wait3A_507 = tpu.memref_slice %arg10[%dma_wait3A_506] : memref<656xi32, #tpu.memory_space<vmem>> -> memref<128xi32, #tpu.memory_space<vmem>>
    %dma_wait3A_508 = arith.constant 0 : i32
    %dma_wait3A_509 = arith.constant 0 : i32
    %dma_wait3A_510 = tpu.memref_slice %arg3[%dma_wait3A_508, %dma_wait3A_509] : memref<676000x64xf32, #tpu.memory_space<hbm>> -> memref<676000x64xf32, #tpu.memory_space<hbm>>
    tpu.wait_indirect_dma semaphore(%arg16 : memref<!tpu.dma_semaphore, #tpu.memory_space<semaphore_mem>>) src(%dma_wait3A_510 : memref<676000x64xf32, #tpu.memory_space<hbm>>) dst(%dma_wait3A_505 : memref<128x64xf32, #tpu.memory_space<vmem>>)
    %dma_wait3A_511 = arith.constant 128 : i32
    %dma_wait3A_512 = arith.constant 0 : i32
    %dma_wait3A_513 = tpu.memref_slice %arg12[%dma_wait3A_511, %dma_wait3A_512] : memref<656x64xf32, #tpu.memory_space<vmem>> -> memref<128x64xf32, #tpu.memory_space<vmem>>
    %dma_wait3A_514 = arith.constant 128 : i32
    %dma_wait3A_515 = tpu.memref_slice %arg10[%dma_wait3A_514] : memref<656xi32, #tpu.memory_space<vmem>> -> memref<128xi32, #tpu.memory_space<vmem>>
    %dma_wait3A_516 = arith.constant 0 : i32
    %dma_wait3A_517 = arith.constant 0 : i32
    %dma_wait3A_518 = tpu.memref_slice %arg3[%dma_wait3A_516, %dma_wait3A_517] : memref<676000x64xf32, #tpu.memory_space<hbm>> -> memref<676000x64xf32, #tpu.memory_space<hbm>>
    tpu.wait_indirect_dma semaphore(%arg16 : memref<!tpu.dma_semaphore, #tpu.memory_space<semaphore_mem>>) src(%dma_wait3A_518 : memref<676000x64xf32, #tpu.memory_space<hbm>>) dst(%dma_wait3A_513 : memref<128x64xf32, #tpu.memory_space<vmem>>)
    %dma_wait3A_519 = arith.constant 256 : i32
    %dma_wait3A_520 = arith.constant 0 : i32
    %dma_wait3A_521 = tpu.memref_slice %arg12[%dma_wait3A_519, %dma_wait3A_520] : memref<656x64xf32, #tpu.memory_space<vmem>> -> memref<72x64xf32, #tpu.memory_space<vmem>>
    %dma_wait3A_522 = arith.constant 256 : i32
    %dma_wait3A_523 = tpu.memref_slice %arg10[%dma_wait3A_522] : memref<656xi32, #tpu.memory_space<vmem>> -> memref<72xi32, #tpu.memory_space<vmem>>
    %dma_wait3A_524 = arith.constant 0 : i32
    %dma_wait3A_525 = arith.constant 0 : i32
    %dma_wait3A_526 = tpu.memref_slice %arg3[%dma_wait3A_524, %dma_wait3A_525] : memref<676000x64xf32, #tpu.memory_space<hbm>> -> memref<676000x64xf32, #tpu.memory_space<hbm>>
    tpu.wait_indirect_dma semaphore(%arg16 : memref<!tpu.dma_semaphore, #tpu.memory_space<semaphore_mem>>) src(%dma_wait3A_526 : memref<676000x64xf32, #tpu.memory_space<hbm>>) dst(%dma_wait3A_521 : memref<72x64xf32, #tpu.memory_space<vmem>>)
    %dma_wait3A_527 = arith.constant 328 : i32
    %dma_wait3A_528 = arith.constant 0 : i32
    %dma_wait3A_529 = tpu.memref_slice %arg12[%dma_wait3A_527, %dma_wait3A_528] : memref<656x64xf32, #tpu.memory_space<vmem>> -> memref<128x64xf32, #tpu.memory_space<vmem>>
    %dma_wait3A_530 = arith.constant 328 : i32
    %dma_wait3A_531 = tpu.memref_slice %arg10[%dma_wait3A_530] : memref<656xi32, #tpu.memory_space<vmem>> -> memref<128xi32, #tpu.memory_space<vmem>>
    %dma_wait3A_532 = arith.constant 0 : i32
    %dma_wait3A_533 = arith.constant 0 : i32
    %dma_wait3A_534 = tpu.memref_slice %arg3[%dma_wait3A_532, %dma_wait3A_533] : memref<676000x64xf32, #tpu.memory_space<hbm>> -> memref<676000x64xf32, #tpu.memory_space<hbm>>
    tpu.wait_indirect_dma semaphore(%arg16 : memref<!tpu.dma_semaphore, #tpu.memory_space<semaphore_mem>>) src(%dma_wait3A_534 : memref<676000x64xf32, #tpu.memory_space<hbm>>) dst(%dma_wait3A_529 : memref<128x64xf32, #tpu.memory_space<vmem>>)
    %dma_wait3A_535 = arith.constant 456 : i32
    %dma_wait3A_536 = arith.constant 0 : i32
    %dma_wait3A_537 = tpu.memref_slice %arg12[%dma_wait3A_535, %dma_wait3A_536] : memref<656x64xf32, #tpu.memory_space<vmem>> -> memref<128x64xf32, #tpu.memory_space<vmem>>
    %dma_wait3A_538 = arith.constant 456 : i32
    %dma_wait3A_539 = tpu.memref_slice %arg10[%dma_wait3A_538] : memref<656xi32, #tpu.memory_space<vmem>> -> memref<128xi32, #tpu.memory_space<vmem>>
    %dma_wait3A_540 = arith.constant 0 : i32
    %dma_wait3A_541 = arith.constant 0 : i32
    %dma_wait3A_542 = tpu.memref_slice %arg3[%dma_wait3A_540, %dma_wait3A_541] : memref<676000x64xf32, #tpu.memory_space<hbm>> -> memref<676000x64xf32, #tpu.memory_space<hbm>>
    tpu.wait_indirect_dma semaphore(%arg16 : memref<!tpu.dma_semaphore, #tpu.memory_space<semaphore_mem>>) src(%dma_wait3A_542 : memref<676000x64xf32, #tpu.memory_space<hbm>>) dst(%dma_wait3A_537 : memref<128x64xf32, #tpu.memory_space<vmem>>)
    %dma_wait3A_543 = arith.constant 584 : i32
    %dma_wait3A_544 = arith.constant 0 : i32
    %dma_wait3A_545 = tpu.memref_slice %arg12[%dma_wait3A_543, %dma_wait3A_544] : memref<656x64xf32, #tpu.memory_space<vmem>> -> memref<72x64xf32, #tpu.memory_space<vmem>>
    %dma_wait3A_546 = arith.constant 584 : i32
    %dma_wait3A_547 = tpu.memref_slice %arg10[%dma_wait3A_546] : memref<656xi32, #tpu.memory_space<vmem>> -> memref<72xi32, #tpu.memory_space<vmem>>
    %dma_wait3A_548 = arith.constant 0 : i32
    %dma_wait3A_549 = arith.constant 0 : i32
    %dma_wait3A_550 = tpu.memref_slice %arg3[%dma_wait3A_548, %dma_wait3A_549] : memref<676000x64xf32, #tpu.memory_space<hbm>> -> memref<676000x64xf32, #tpu.memory_space<hbm>>
    tpu.wait_indirect_dma semaphore(%arg16 : memref<!tpu.dma_semaphore, #tpu.memory_space<semaphore_mem>>) src(%dma_wait3A_550 : memref<676000x64xf32, #tpu.memory_space<hbm>>) dst(%dma_wait3A_545 : memref<72x64xf32, #tpu.memory_space<vmem>>)
    %iota3A = tpu.iota {dimensions = array<i32: 0>} : vector<16xi32>
    %broadcast_in_dim3A = arith.constant 0.000000e+00 : f32
    %broadcast_in_dim3A_551 = vector.broadcast %broadcast_in_dim3A : f32 to vector<16xf32>
    %mul3A_552 = arith.constant 16 : i32
    %mul3A_553 = vector.broadcast %mul3A_552 : i32 to vector<16xi32>
    %mul3A_554 = arith.muli %iota3A, %mul3A_553 : vector<16xi32>
    %add3A_555 = arith.constant 0 : i32
    %add3A_556 = vector.broadcast %add3A_555 : i32 to vector<16xi32>
    %add3A_557 = arith.addi %add3A_556, %mul3A_554 : vector<16xi32>
    %add3A_558 = arith.constant 0 : i32
    %add3A_559 = vector.broadcast %add3A_558 : i32 to vector<16xi32>
    %add3A_560 = arith.addi %add3A_557, %add3A_559 : vector<16xi32>
    %gather3A_561 = tpu.vector_load_idx %arg14[%add3A_560] : memref<2048xf32, #tpu.memory_space<vmem>>[vector<16xi32>], vector<16xf32>,
    %add3A_562 = arith.addf %broadcast_in_dim3A_551, %gather3A_561 : vector<16xf32>
    %mul3A_563 = arith.constant 16 : i32
    %mul3A_564 = vector.broadcast %mul3A_563 : i32 to vector<16xi32>
    %mul3A_565 = arith.muli %iota3A, %mul3A_564 : vector<16xi32>
    %add3A_566 = arith.constant 0 : i32
    %add3A_567 = vector.broadcast %add3A_566 : i32 to vector<16xi32>
    %add3A_568 = arith.addi %add3A_567, %mul3A_565 : vector<16xi32>
    %add3A_569 = arith.constant 1 : i32
    %add3A_570 = vector.broadcast %add3A_569 : i32 to vector<16xi32>
    %add3A_571 = arith.addi %add3A_568, %add3A_570 : vector<16xi32>
    %gather3A_572 = tpu.vector_load_idx %arg14[%add3A_571] : memref<2048xf32, #tpu.memory_space<vmem>>[vector<16xi32>], vector<16xf32>,
    %add3A_573 = arith.addf %add3A_562, %gather3A_572 : vector<16xf32>
    %mul3A_574 = arith.constant 16 : i32
    %mul3A_575 = vector.broadcast %mul3A_574 : i32 to vector<16xi32>
    %mul3A_576 = arith.muli %iota3A, %mul3A_575 : vector<16xi32>
    %add3A_577 = arith.constant 0 : i32
    %add3A_578 = vector.broadcast %add3A_577 : i32 to vector<16xi32>
    %add3A_579 = arith.addi %add3A_578, %mul3A_576 : vector<16xi32>
    %add3A_580 = arith.constant 2 : i32
    %add3A_581 = vector.broadcast %add3A_580 : i32 to vector<16xi32>
    %add3A_582 = arith.addi %add3A_579, %add3A_581 : vector<16xi32>
    %gather3A_583 = tpu.vector_load_idx %arg14[%add3A_582] : memref<2048xf32, #tpu.memory_space<vmem>>[vector<16xi32>], vector<16xf32>,
    %add3A_584 = arith.addf %add3A_573, %gather3A_583 : vector<16xf32>
    %mul3A_585 = arith.constant 16 : i32
    %mul3A_586 = vector.broadcast %mul3A_585 : i32 to vector<16xi32>
    %mul3A_587 = arith.muli %iota3A, %mul3A_586 : vector<16xi32>
    %add3A_588 = arith.constant 0 : i32
    %add3A_589 = vector.broadcast %add3A_588 : i32 to vector<16xi32>
    %add3A_590 = arith.addi %add3A_589, %mul3A_587 : vector<16xi32>
    %add3A_591 = arith.constant 3 : i32
    %add3A_592 = vector.broadcast %add3A_591 : i32 to vector<16xi32>
    %add3A_593 = arith.addi %add3A_590, %add3A_592 : vector<16xi32>
    %gather3A_594 = tpu.vector_load_idx %arg14[%add3A_593] : memref<2048xf32, #tpu.memory_space<vmem>>[vector<16xi32>], vector<16xf32>,
    %add3A_595 = arith.addf %add3A_584, %gather3A_594 : vector<16xf32>
    %mul3A_596 = arith.constant 16 : i32
    %mul3A_597 = vector.broadcast %mul3A_596 : i32 to vector<16xi32>
    %mul3A_598 = arith.muli %iota3A, %mul3A_597 : vector<16xi32>
    %add3A_599 = arith.constant 0 : i32
    %add3A_600 = vector.broadcast %add3A_599 : i32 to vector<16xi32>
    %add3A_601 = arith.addi %add3A_600, %mul3A_598 : vector<16xi32>
    %add3A_602 = arith.constant 4 : i32
    %add3A_603 = vector.broadcast %add3A_602 : i32 to vector<16xi32>
    %add3A_604 = arith.addi %add3A_601, %add3A_603 : vector<16xi32>
    %gather3A_605 = tpu.vector_load_idx %arg14[%add3A_604] : memref<2048xf32, #tpu.memory_space<vmem>>[vector<16xi32>], vector<16xf32>,
    %add3A_606 = arith.addf %add3A_595, %gather3A_605 : vector<16xf32>
    %mul3A_607 = arith.constant 16 : i32
    %mul3A_608 = vector.broadcast %mul3A_607 : i32 to vector<16xi32>
    %mul3A_609 = arith.muli %iota3A, %mul3A_608 : vector<16xi32>
    %add3A_610 = arith.constant 0 : i32
    %add3A_611 = vector.broadcast %add3A_610 : i32 to vector<16xi32>
    %add3A_612 = arith.addi %add3A_611, %mul3A_609 : vector<16xi32>
    %add3A_613 = arith.constant 5 : i32
    %add3A_614 = vector.broadcast %add3A_613 : i32 to vector<16xi32>
    %add3A_615 = arith.addi %add3A_612, %add3A_614 : vector<16xi32>
    %gather3A_616 = tpu.vector_load_idx %arg14[%add3A_615] : memref<2048xf32, #tpu.memory_space<vmem>>[vector<16xi32>], vector<16xf32>,
    %add3A_617 = arith.addf %add3A_606, %gather3A_616 : vector<16xf32>
    %mul3A_618 = arith.constant 16 : i32
    %mul3A_619 = vector.broadcast %mul3A_618 : i32 to vector<16xi32>
    %mul3A_620 = arith.muli %iota3A, %mul3A_619 : vector<16xi32>
    %add3A_621 = arith.constant 0 : i32
    %add3A_622 = vector.broadcast %add3A_621 : i32 to vector<16xi32>
    %add3A_623 = arith.addi %add3A_622, %mul3A_620 : vector<16xi32>
    %add3A_624 = arith.constant 6 : i32
    %add3A_625 = vector.broadcast %add3A_624 : i32 to vector<16xi32>
    %add3A_626 = arith.addi %add3A_623, %add3A_625 : vector<16xi32>
    %gather3A_627 = tpu.vector_load_idx %arg14[%add3A_626] : memref<2048xf32, #tpu.memory_space<vmem>>[vector<16xi32>], vector<16xf32>,
    %add3A_628 = arith.addf %add3A_617, %gather3A_627 : vector<16xf32>
    %mul3A_629 = arith.constant 16 : i32
    %mul3A_630 = vector.broadcast %mul3A_629 : i32 to vector<16xi32>
    %mul3A_631 = arith.muli %iota3A, %mul3A_630 : vector<16xi32>
    %add3A_632 = arith.constant 0 : i32
    %add3A_633 = vector.broadcast %add3A_632 : i32 to vector<16xi32>
    %add3A_634 = arith.addi %add3A_633, %mul3A_631 : vector<16xi32>
    %add3A_635 = arith.constant 7 : i32
    %add3A_636 = vector.broadcast %add3A_635 : i32 to vector<16xi32>
    %add3A_637 = arith.addi %add3A_634, %add3A_636 : vector<16xi32>
    %gather3A_638 = tpu.vector_load_idx %arg14[%add3A_637] : memref<2048xf32, #tpu.memory_space<vmem>>[vector<16xi32>], vector<16xf32>,
    %add3A_639 = arith.addf %add3A_628, %gather3A_638 : vector<16xf32>
    %mul3A_640 = arith.constant 16 : i32
    %mul3A_641 = vector.broadcast %mul3A_640 : i32 to vector<16xi32>
    %mul3A_642 = arith.muli %iota3A, %mul3A_641 : vector<16xi32>
    %add3A_643 = arith.constant 0 : i32
    %add3A_644 = vector.broadcast %add3A_643 : i32 to vector<16xi32>
    %add3A_645 = arith.addi %add3A_644, %mul3A_642 : vector<16xi32>
    %add3A_646 = arith.constant 8 : i32
    %add3A_647 = vector.broadcast %add3A_646 : i32 to vector<16xi32>
    %add3A_648 = arith.addi %add3A_645, %add3A_647 : vector<16xi32>
    %gather3A_649 = tpu.vector_load_idx %arg14[%add3A_648] : memref<2048xf32, #tpu.memory_space<vmem>>[vector<16xi32>], vector<16xf32>,
    %add3A_650 = arith.addf %add3A_639, %gather3A_649 : vector<16xf32>
    %mul3A_651 = arith.constant 16 : i32
    %mul3A_652 = vector.broadcast %mul3A_651 : i32 to vector<16xi32>
    %mul3A_653 = arith.muli %iota3A, %mul3A_652 : vector<16xi32>
    %add3A_654 = arith.constant 0 : i32
    %add3A_655 = vector.broadcast %add3A_654 : i32 to vector<16xi32>
    %add3A_656 = arith.addi %add3A_655, %mul3A_653 : vector<16xi32>
    %add3A_657 = arith.constant 9 : i32
    %add3A_658 = vector.broadcast %add3A_657 : i32 to vector<16xi32>
    %add3A_659 = arith.addi %add3A_656, %add3A_658 : vector<16xi32>
    %gather3A_660 = tpu.vector_load_idx %arg14[%add3A_659] : memref<2048xf32, #tpu.memory_space<vmem>>[vector<16xi32>], vector<16xf32>,
    %add3A_661 = arith.addf %add3A_650, %gather3A_660 : vector<16xf32>
    %mul3A_662 = arith.constant 16 : i32
    %mul3A_663 = vector.broadcast %mul3A_662 : i32 to vector<16xi32>
    %mul3A_664 = arith.muli %iota3A, %mul3A_663 : vector<16xi32>
    %add3A_665 = arith.constant 0 : i32
    %add3A_666 = vector.broadcast %add3A_665 : i32 to vector<16xi32>
    %add3A_667 = arith.addi %add3A_666, %mul3A_664 : vector<16xi32>
    %add3A_668 = arith.constant 10 : i32
    %add3A_669 = vector.broadcast %add3A_668 : i32 to vector<16xi32>
    %add3A_670 = arith.addi %add3A_667, %add3A_669 : vector<16xi32>
    %gather3A_671 = tpu.vector_load_idx %arg14[%add3A_670] : memref<2048xf32, #tpu.memory_space<vmem>>[vector<16xi32>], vector<16xf32>,
    %add3A_672 = arith.addf %add3A_661, %gather3A_671 : vector<16xf32>
    %mul3A_673 = arith.constant 16 : i32
    %mul3A_674 = vector.broadcast %mul3A_673 : i32 to vector<16xi32>
    %mul3A_675 = arith.muli %iota3A, %mul3A_674 : vector<16xi32>
    %add3A_676 = arith.constant 0 : i32
    %add3A_677 = vector.broadcast %add3A_676 : i32 to vector<16xi32>
    %add3A_678 = arith.addi %add3A_677, %mul3A_675 : vector<16xi32>
    %add3A_679 = arith.constant 11 : i32
    %add3A_680 = vector.broadcast %add3A_679 : i32 to vector<16xi32>
    %add3A_681 = arith.addi %add3A_678, %add3A_680 : vector<16xi32>
    %gather3A_682 = tpu.vector_load_idx %arg14[%add3A_681] : memref<2048xf32, #tpu.memory_space<vmem>>[vector<16xi32>], vector<16xf32>,
    %add3A_683 = arith.addf %add3A_672, %gather3A_682 : vector<16xf32>
    %mul3A_684 = arith.constant 16 : i32
    %mul3A_685 = vector.broadcast %mul3A_684 : i32 to vector<16xi32>
    %mul3A_686 = arith.muli %iota3A, %mul3A_685 : vector<16xi32>
    %add3A_687 = arith.constant 0 : i32
    %add3A_688 = vector.broadcast %add3A_687 : i32 to vector<16xi32>
    %add3A_689 = arith.addi %add3A_688, %mul3A_686 : vector<16xi32>
    %add3A_690 = arith.constant 12 : i32
    %add3A_691 = vector.broadcast %add3A_690 : i32 to vector<16xi32>
    %add3A_692 = arith.addi %add3A_689, %add3A_691 : vector<16xi32>
    %gather3A_693 = tpu.vector_load_idx %arg14[%add3A_692] : memref<2048xf32, #tpu.memory_space<vmem>>[vector<16xi32>], vector<16xf32>,
    %add3A_694 = arith.addf %add3A_683, %gather3A_693 : vector<16xf32>
    %mul3A_695 = arith.constant 16 : i32
    %mul3A_696 = vector.broadcast %mul3A_695 : i32 to vector<16xi32>
    %mul3A_697 = arith.muli %iota3A, %mul3A_696 : vector<16xi32>
    %add3A_698 = arith.constant 0 : i32
    %add3A_699 = vector.broadcast %add3A_698 : i32 to vector<16xi32>
    %add3A_700 = arith.addi %add3A_699, %mul3A_697 : vector<16xi32>
    %add3A_701 = arith.constant 13 : i32
    %add3A_702 = vector.broadcast %add3A_701 : i32 to vector<16xi32>
    %add3A_703 = arith.addi %add3A_700, %add3A_702 : vector<16xi32>
    %gather3A_704 = tpu.vector_load_idx %arg14[%add3A_703] : memref<2048xf32, #tpu.memory_space<vmem>>[vector<16xi32>], vector<16xf32>,
    %add3A_705 = arith.addf %add3A_694, %gather3A_704 : vector<16xf32>
    %mul3A_706 = arith.constant 16 : i32
    %mul3A_707 = vector.broadcast %mul3A_706 : i32 to vector<16xi32>
    %mul3A_708 = arith.muli %iota3A, %mul3A_707 : vector<16xi32>
    %add3A_709 = arith.constant 0 : i32
    %add3A_710 = vector.broadcast %add3A_709 : i32 to vector<16xi32>
    %add3A_711 = arith.addi %add3A_710, %mul3A_708 : vector<16xi32>
    %add3A_712 = arith.constant 14 : i32
    %add3A_713 = vector.broadcast %add3A_712 : i32 to vector<16xi32>
    %add3A_714 = arith.addi %add3A_711, %add3A_713 : vector<16xi32>
    %gather3A_715 = tpu.vector_load_idx %arg14[%add3A_714] : memref<2048xf32, #tpu.memory_space<vmem>>[vector<16xi32>], vector<16xf32>,
    %add3A_716 = arith.addf %add3A_705, %gather3A_715 : vector<16xf32>
    %mul3A_717 = arith.constant 16 : i32
    %mul3A_718 = vector.broadcast %mul3A_717 : i32 to vector<16xi32>
    %mul3A_719 = arith.muli %iota3A, %mul3A_718 : vector<16xi32>
    %add3A_720 = arith.constant 0 : i32
    %add3A_721 = vector.broadcast %add3A_720 : i32 to vector<16xi32>
    %add3A_722 = arith.addi %add3A_721, %mul3A_719 : vector<16xi32>
    %add3A_723 = arith.constant 15 : i32
    %add3A_724 = vector.broadcast %add3A_723 : i32 to vector<16xi32>
    %add3A_725 = arith.addi %add3A_722, %add3A_724 : vector<16xi32>
    %gather3A_726 = tpu.vector_load_idx %arg14[%add3A_725] : memref<2048xf32, #tpu.memory_space<vmem>>[vector<16xi32>], vector<16xf32>,
    %add3A_727 = arith.addf %add3A_716, %gather3A_726 : vector<16xf32>
    %swap3A_728 = arith.constant 0 : index
    %swap3A_729 = tpu.vector_load %arg15[%swap3A_728] {strides = array<i32>} : memref<128xf32, #tpu.memory_space<vmem>>, vector<16xf32>,
    tpu.vector_store %arg15[%swap3A_728], %add3A_727 {strides = array<i32>} : memref<128xf32, #tpu.memory_space<vmem>>, vector<16xf32>,
    %broadcast_in_dim3A_730 = arith.constant 0.000000e+00 : f32
    %broadcast_in_dim3A_731 = vector.broadcast %broadcast_in_dim3A_730 : f32 to vector<16xf32>
    %mul3A_732 = arith.constant 16 : i32
    %mul3A_733 = vector.broadcast %mul3A_732 : i32 to vector<16xi32>
    %mul3A_734 = arith.muli %iota3A, %mul3A_733 : vector<16xi32>
    %add3A_735 = arith.constant 256 : i32
    %add3A_736 = vector.broadcast %add3A_735 : i32 to vector<16xi32>
    %add3A_737 = arith.addi %add3A_736, %mul3A_734 : vector<16xi32>
    %add3A_738 = arith.constant 0 : i32
    %add3A_739 = vector.broadcast %add3A_738 : i32 to vector<16xi32>
    %add3A_740 = arith.addi %add3A_737, %add3A_739 : vector<16xi32>
    %gather3A_741 = tpu.vector_load_idx %arg14[%add3A_740] : memref<2048xf32, #tpu.memory_space<vmem>>[vector<16xi32>], vector<16xf32>,
    %add3A_742 = arith.addf %broadcast_in_dim3A_731, %gather3A_741 : vector<16xf32>
    %mul3A_743 = arith.constant 16 : i32
    %mul3A_744 = vector.broadcast %mul3A_743 : i32 to vector<16xi32>
    %mul3A_745 = arith.muli %iota3A, %mul3A_744 : vector<16xi32>
    %add3A_746 = arith.constant 256 : i32
    %add3A_747 = vector.broadcast %add3A_746 : i32 to vector<16xi32>
    %add3A_748 = arith.addi %add3A_747, %mul3A_745 : vector<16xi32>
    %add3A_749 = arith.constant 1 : i32
    %add3A_750 = vector.broadcast %add3A_749 : i32 to vector<16xi32>
    %add3A_751 = arith.addi %add3A_748, %add3A_750 : vector<16xi32>
    %gather3A_752 = tpu.vector_load_idx %arg14[%add3A_751] : memref<2048xf32, #tpu.memory_space<vmem>>[vector<16xi32>], vector<16xf32>,
    %add3A_753 = arith.addf %add3A_742, %gather3A_752 : vector<16xf32>
    %mul3A_754 = arith.constant 16 : i32
    %mul3A_755 = vector.broadcast %mul3A_754 : i32 to vector<16xi32>
    %mul3A_756 = arith.muli %iota3A, %mul3A_755 : vector<16xi32>
    %add3A_757 = arith.constant 256 : i32
    %add3A_758 = vector.broadcast %add3A_757 : i32 to vector<16xi32>
    %add3A_759 = arith.addi %add3A_758, %mul3A_756 : vector<16xi32>
    %add3A_760 = arith.constant 2 : i32
    %add3A_761 = vector.broadcast %add3A_760 : i32 to vector<16xi32>
    %add3A_762 = arith.addi %add3A_759, %add3A_761 : vector<16xi32>
    %gather3A_763 = tpu.vector_load_idx %arg14[%add3A_762] : memref<2048xf32, #tpu.memory_space<vmem>>[vector<16xi32>], vector<16xf32>,
    %add3A_764 = arith.addf %add3A_753, %gather3A_763 : vector<16xf32>
    %mul3A_765 = arith.constant 16 : i32
    %mul3A_766 = vector.broadcast %mul3A_765 : i32 to vector<16xi32>
    %mul3A_767 = arith.muli %iota3A, %mul3A_766 : vector<16xi32>
    %add3A_768 = arith.constant 256 : i32
    %add3A_769 = vector.broadcast %add3A_768 : i32 to vector<16xi32>
    %add3A_770 = arith.addi %add3A_769, %mul3A_767 : vector<16xi32>
    %add3A_771 = arith.constant 3 : i32
    %add3A_772 = vector.broadcast %add3A_771 : i32 to vector<16xi32>
    %add3A_773 = arith.addi %add3A_770, %add3A_772 : vector<16xi32>
    %gather3A_774 = tpu.vector_load_idx %arg14[%add3A_773] : memref<2048xf32, #tpu.memory_space<vmem>>[vector<16xi32>], vector<16xf32>,
    %add3A_775 = arith.addf %add3A_764, %gather3A_774 : vector<16xf32>
    %mul3A_776 = arith.constant 16 : i32
    %mul3A_777 = vector.broadcast %mul3A_776 : i32 to vector<16xi32>
    %mul3A_778 = arith.muli %iota3A, %mul3A_777 : vector<16xi32>
    %add3A_779 = arith.constant 256 : i32
    %add3A_780 = vector.broadcast %add3A_779 : i32 to vector<16xi32>
    %add3A_781 = arith.addi %add3A_780, %mul3A_778 : vector<16xi32>
    %add3A_782 = arith.constant 4 : i32
    %add3A_783 = vector.broadcast %add3A_782 : i32 to vector<16xi32>
    %add3A_784 = arith.addi %add3A_781, %add3A_783 : vector<16xi32>
    %gather3A_785 = tpu.vector_load_idx %arg14[%add3A_784] : memref<2048xf32, #tpu.memory_space<vmem>>[vector<16xi32>], vector<16xf32>,
    %add3A_786 = arith.addf %add3A_775, %gather3A_785 : vector<16xf32>
    %mul3A_787 = arith.constant 16 : i32
    %mul3A_788 = vector.broadcast %mul3A_787 : i32 to vector<16xi32>
    %mul3A_789 = arith.muli %iota3A, %mul3A_788 : vector<16xi32>
    %add3A_790 = arith.constant 256 : i32
    %add3A_791 = vector.broadcast %add3A_790 : i32 to vector<16xi32>
    %add3A_792 = arith.addi %add3A_791, %mul3A_789 : vector<16xi32>
    %add3A_793 = arith.constant 5 : i32
    %add3A_794 = vector.broadcast %add3A_793 : i32 to vector<16xi32>
    %add3A_795 = arith.addi %add3A_792, %add3A_794 : vector<16xi32>
    %gather3A_796 = tpu.vector_load_idx %arg14[%add3A_795] : memref<2048xf32, #tpu.memory_space<vmem>>[vector<16xi32>], vector<16xf32>,
    %add3A_797 = arith.addf %add3A_786, %gather3A_796 : vector<16xf32>
    %mul3A_798 = arith.constant 16 : i32
    %mul3A_799 = vector.broadcast %mul3A_798 : i32 to vector<16xi32>
    %mul3A_800 = arith.muli %iota3A, %mul3A_799 : vector<16xi32>
    %add3A_801 = arith.constant 256 : i32
    %add3A_802 = vector.broadcast %add3A_801 : i32 to vector<16xi32>
    %add3A_803 = arith.addi %add3A_802, %mul3A_800 : vector<16xi32>
    %add3A_804 = arith.constant 6 : i32
    %add3A_805 = vector.broadcast %add3A_804 : i32 to vector<16xi32>
    %add3A_806 = arith.addi %add3A_803, %add3A_805 : vector<16xi32>
    %gather3A_807 = tpu.vector_load_idx %arg14[%add3A_806] : memref<2048xf32, #tpu.memory_space<vmem>>[vector<16xi32>], vector<16xf32>,
    %add3A_808 = arith.addf %add3A_797, %gather3A_807 : vector<16xf32>
    %mul3A_809 = arith.constant 16 : i32
    %mul3A_810 = vector.broadcast %mul3A_809 : i32 to vector<16xi32>
    %mul3A_811 = arith.muli %iota3A, %mul3A_810 : vector<16xi32>
    %add3A_812 = arith.constant 256 : i32
    %add3A_813 = vector.broadcast %add3A_812 : i32 to vector<16xi32>
    %add3A_814 = arith.addi %add3A_813, %mul3A_811 : vector<16xi32>
    %add3A_815 = arith.constant 7 : i32
    %add3A_816 = vector.broadcast %add3A_815 : i32 to vector<16xi32>
    %add3A_817 = arith.addi %add3A_814, %add3A_816 : vector<16xi32>
    %gather3A_818 = tpu.vector_load_idx %arg14[%add3A_817] : memref<2048xf32, #tpu.memory_space<vmem>>[vector<16xi32>], vector<16xf32>,
    %add3A_819 = arith.addf %add3A_808, %gather3A_818 : vector<16xf32>
    %mul3A_820 = arith.constant 16 : i32
    %mul3A_821 = vector.broadcast %mul3A_820 : i32 to vector<16xi32>
    %mul3A_822 = arith.muli %iota3A, %mul3A_821 : vector<16xi32>
    %add3A_823 = arith.constant 256 : i32
    %add3A_824 = vector.broadcast %add3A_823 : i32 to vector<16xi32>
    %add3A_825 = arith.addi %add3A_824, %mul3A_822 : vector<16xi32>
    %add3A_826 = arith.constant 8 : i32
    %add3A_827 = vector.broadcast %add3A_826 : i32 to vector<16xi32>
    %add3A_828 = arith.addi %add3A_825, %add3A_827 : vector<16xi32>
    %gather3A_829 = tpu.vector_load_idx %arg14[%add3A_828] : memref<2048xf32, #tpu.memory_space<vmem>>[vector<16xi32>], vector<16xf32>,
    %add3A_830 = arith.addf %add3A_819, %gather3A_829 : vector<16xf32>
    %mul3A_831 = arith.constant 16 : i32
    %mul3A_832 = vector.broadcast %mul3A_831 : i32 to vector<16xi32>
    %mul3A_833 = arith.muli %iota3A, %mul3A_832 : vector<16xi32>
    %add3A_834 = arith.constant 256 : i32
    %add3A_835 = vector.broadcast %add3A_834 : i32 to vector<16xi32>
    %add3A_836 = arith.addi %add3A_835, %mul3A_833 : vector<16xi32>
    %add3A_837 = arith.constant 9 : i32
    %add3A_838 = vector.broadcast %add3A_837 : i32 to vector<16xi32>
    %add3A_839 = arith.addi %add3A_836, %add3A_838 : vector<16xi32>
    %gather3A_840 = tpu.vector_load_idx %arg14[%add3A_839] : memref<2048xf32, #tpu.memory_space<vmem>>[vector<16xi32>], vector<16xf32>,
    %add3A_841 = arith.addf %add3A_830, %gather3A_840 : vector<16xf32>
    %mul3A_842 = arith.constant 16 : i32
    %mul3A_843 = vector.broadcast %mul3A_842 : i32 to vector<16xi32>
    %mul3A_844 = arith.muli %iota3A, %mul3A_843 : vector<16xi32>
    %add3A_845 = arith.constant 256 : i32
    %add3A_846 = vector.broadcast %add3A_845 : i32 to vector<16xi32>
    %add3A_847 = arith.addi %add3A_846, %mul3A_844 : vector<16xi32>
    %add3A_848 = arith.constant 10 : i32
    %add3A_849 = vector.broadcast %add3A_848 : i32 to vector<16xi32>
    %add3A_850 = arith.addi %add3A_847, %add3A_849 : vector<16xi32>
    %gather3A_851 = tpu.vector_load_idx %arg14[%add3A_850] : memref<2048xf32, #tpu.memory_space<vmem>>[vector<16xi32>], vector<16xf32>,
    %add3A_852 = arith.addf %add3A_841, %gather3A_851 : vector<16xf32>
    %mul3A_853 = arith.constant 16 : i32
    %mul3A_854 = vector.broadcast %mul3A_853 : i32 to vector<16xi32>
    %mul3A_855 = arith.muli %iota3A, %mul3A_854 : vector<16xi32>
    %add3A_856 = arith.constant 256 : i32
    %add3A_857 = vector.broadcast %add3A_856 : i32 to vector<16xi32>
    %add3A_858 = arith.addi %add3A_857, %mul3A_855 : vector<16xi32>
    %add3A_859 = arith.constant 11 : i32
    %add3A_860 = vector.broadcast %add3A_859 : i32 to vector<16xi32>
    %add3A_861 = arith.addi %add3A_858, %add3A_860 : vector<16xi32>
    %gather3A_862 = tpu.vector_load_idx %arg14[%add3A_861] : memref<2048xf32, #tpu.memory_space<vmem>>[vector<16xi32>], vector<16xf32>,
    %add3A_863 = arith.addf %add3A_852, %gather3A_862 : vector<16xf32>
    %mul3A_864 = arith.constant 16 : i32
    %mul3A_865 = vector.broadcast %mul3A_864 : i32 to vector<16xi32>
    %mul3A_866 = arith.muli %iota3A, %mul3A_865 : vector<16xi32>
    %add3A_867 = arith.constant 256 : i32
    %add3A_868 = vector.broadcast %add3A_867 : i32 to vector<16xi32>
    %add3A_869 = arith.addi %add3A_868, %mul3A_866 : vector<16xi32>
    %add3A_870 = arith.constant 12 : i32
    %add3A_871 = vector.broadcast %add3A_870 : i32 to vector<16xi32>
    %add3A_872 = arith.addi %add3A_869, %add3A_871 : vector<16xi32>
    %gather3A_873 = tpu.vector_load_idx %arg14[%add3A_872] : memref<2048xf32, #tpu.memory_space<vmem>>[vector<16xi32>], vector<16xf32>,
    %add3A_874 = arith.addf %add3A_863, %gather3A_873 : vector<16xf32>
    %mul3A_875 = arith.constant 16 : i32
    %mul3A_876 = vector.broadcast %mul3A_875 : i32 to vector<16xi32>
    %mul3A_877 = arith.muli %iota3A, %mul3A_876 : vector<16xi32>
    %add3A_878 = arith.constant 256 : i32
    %add3A_879 = vector.broadcast %add3A_878 : i32 to vector<16xi32>
    %add3A_880 = arith.addi %add3A_879, %mul3A_877 : vector<16xi32>
    %add3A_881 = arith.constant 13 : i32
    %add3A_882 = vector.broadcast %add3A_881 : i32 to vector<16xi32>
    %add3A_883 = arith.addi %add3A_880, %add3A_882 : vector<16xi32>
    %gather3A_884 = tpu.vector_load_idx %arg14[%add3A_883] : memref<2048xf32, #tpu.memory_space<vmem>>[vector<16xi32>], vector<16xf32>,
    %add3A_885 = arith.addf %add3A_874, %gather3A_884 : vector<16xf32>
    %mul3A_886 = arith.constant 16 : i32
    %mul3A_887 = vector.broadcast %mul3A_886 : i32 to vector<16xi32>
    %mul3A_888 = arith.muli %iota3A, %mul3A_887 : vector<16xi32>
    %add3A_889 = arith.constant 256 : i32
    %add3A_890 = vector.broadcast %add3A_889 : i32 to vector<16xi32>
    %add3A_891 = arith.addi %add3A_890, %mul3A_888 : vector<16xi32>
    %add3A_892 = arith.constant 14 : i32
    %add3A_893 = vector.broadcast %add3A_892 : i32 to vector<16xi32>
    %add3A_894 = arith.addi %add3A_891, %add3A_893 : vector<16xi32>
    %gather3A_895 = tpu.vector_load_idx %arg14[%add3A_894] : memref<2048xf32, #tpu.memory_space<vmem>>[vector<16xi32>], vector<16xf32>,
    %add3A_896 = arith.addf %add3A_885, %gather3A_895 : vector<16xf32>
    %mul3A_897 = arith.constant 16 : i32
    %mul3A_898 = vector.broadcast %mul3A_897 : i32 to vector<16xi32>
    %mul3A_899 = arith.muli %iota3A, %mul3A_898 : vector<16xi32>
    %add3A_900 = arith.constant 256 : i32
    %add3A_901 = vector.broadcast %add3A_900 : i32 to vector<16xi32>
    %add3A_902 = arith.addi %add3A_901, %mul3A_899 : vector<16xi32>
    %add3A_903 = arith.constant 15 : i32
    %add3A_904 = vector.broadcast %add3A_903 : i32 to vector<16xi32>
    %add3A_905 = arith.addi %add3A_902, %add3A_904 : vector<16xi32>
    %gather3A_906 = tpu.vector_load_idx %arg14[%add3A_905] : memref<2048xf32, #tpu.memory_space<vmem>>[vector<16xi32>], vector<16xf32>,
    %add3A_907 = arith.addf %add3A_896, %gather3A_906 : vector<16xf32>
    %swap3A_908 = arith.constant 16 : index
    %swap3A_909 = tpu.vector_load %arg15[%swap3A_908] {strides = array<i32>} : memref<128xf32, #tpu.memory_space<vmem>>, vector<16xf32>,
    tpu.vector_store %arg15[%swap3A_908], %add3A_907 {strides = array<i32>} : memref<128xf32, #tpu.memory_space<vmem>>, vector<16xf32>,
    %broadcast_in_dim3A_910 = arith.constant 0.000000e+00 : f32
    %broadcast_in_dim3A_911 = vector.broadcast %broadcast_in_dim3A_910 : f32 to vector<16xf32>
    %mul3A_912 = arith.constant 16 : i32
    %mul3A_913 = vector.broadcast %mul3A_912 : i32 to vector<16xi32>
    %mul3A_914 = arith.muli %iota3A, %mul3A_913 : vector<16xi32>
    %add3A_915 = arith.constant 512 : i32
    %add3A_916 = vector.broadcast %add3A_915 : i32 to vector<16xi32>
    %add3A_917 = arith.addi %add3A_916, %mul3A_914 : vector<16xi32>
    %add3A_918 = arith.constant 0 : i32
    %add3A_919 = vector.broadcast %add3A_918 : i32 to vector<16xi32>
    %add3A_920 = arith.addi %add3A_917, %add3A_919 : vector<16xi32>
    %gather3A_921 = tpu.vector_load_idx %arg14[%add3A_920] : memref<2048xf32, #tpu.memory_space<vmem>>[vector<16xi32>], vector<16xf32>,
    %add3A_922 = arith.addf %broadcast_in_dim3A_911, %gather3A_921 : vector<16xf32>
    %mul3A_923 = arith.constant 16 : i32
    %mul3A_924 = vector.broadcast %mul3A_923 : i32 to vector<16xi32>
    %mul3A_925 = arith.muli %iota3A, %mul3A_924 : vector<16xi32>
    %add3A_926 = arith.constant 512 : i32
    %add3A_927 = vector.broadcast %add3A_926 : i32 to vector<16xi32>
    %add3A_928 = arith.addi %add3A_927, %mul3A_925 : vector<16xi32>
    %add3A_929 = arith.constant 1 : i32
    %add3A_930 = vector.broadcast %add3A_929 : i32 to vector<16xi32>
    %add3A_931 = arith.addi %add3A_928, %add3A_930 : vector<16xi32>
    %gather3A_932 = tpu.vector_load_idx %arg14[%add3A_931] : memref<2048xf32, #tpu.memory_space<vmem>>[vector<16xi32>], vector<16xf32>,
    %add3A_933 = arith.addf %add3A_922, %gather3A_932 : vector<16xf32>
    %mul3A_934 = arith.constant 16 : i32
    %mul3A_935 = vector.broadcast %mul3A_934 : i32 to vector<16xi32>
    %mul3A_936 = arith.muli %iota3A, %mul3A_935 : vector<16xi32>
    %add3A_937 = arith.constant 512 : i32
    %add3A_938 = vector.broadcast %add3A_937 : i32 to vector<16xi32>
    %add3A_939 = arith.addi %add3A_938, %mul3A_936 : vector<16xi32>
    %add3A_940 = arith.constant 2 : i32
    %add3A_941 = vector.broadcast %add3A_940 : i32 to vector<16xi32>
    %add3A_942 = arith.addi %add3A_939, %add3A_941 : vector<16xi32>
    %gather3A_943 = tpu.vector_load_idx %arg14[%add3A_942] : memref<2048xf32, #tpu.memory_space<vmem>>[vector<16xi32>], vector<16xf32>,
    %add3A_944 = arith.addf %add3A_933, %gather3A_943 : vector<16xf32>
    %mul3A_945 = arith.constant 16 : i32
    %mul3A_946 = vector.broadcast %mul3A_945 : i32 to vector<16xi32>
    %mul3A_947 = arith.muli %iota3A, %mul3A_946 : vector<16xi32>
    %add3A_948 = arith.constant 512 : i32
    %add3A_949 = vector.broadcast %add3A_948 : i32 to vector<16xi32>
    %add3A_950 = arith.addi %add3A_949, %mul3A_947 : vector<16xi32>
    %add3A_951 = arith.constant 3 : i32
    %add3A_952 = vector.broadcast %add3A_951 : i32 to vector<16xi32>
    %add3A_953 = arith.addi %add3A_950, %add3A_952 : vector<16xi32>
    %gather3A_954 = tpu.vector_load_idx %arg14[%add3A_953] : memref<2048xf32, #tpu.memory_space<vmem>>[vector<16xi32>], vector<16xf32>,
    %add3A_955 = arith.addf %add3A_944, %gather3A_954 : vector<16xf32>
    %mul3A_956 = arith.constant 16 : i32
    %mul3A_957 = vector.broadcast %mul3A_956 : i32 to vector<16xi32>
    %mul3A_958 = arith.muli %iota3A, %mul3A_957 : vector<16xi32>
    %add3A_959 = arith.constant 512 : i32
    %add3A_960 = vector.broadcast %add3A_959 : i32 to vector<16xi32>
    %add3A_961 = arith.addi %add3A_960, %mul3A_958 : vector<16xi32>
    %add3A_962 = arith.constant 4 : i32
    %add3A_963 = vector.broadcast %add3A_962 : i32 to vector<16xi32>
    %add3A_964 = arith.addi %add3A_961, %add3A_963 : vector<16xi32>
    %gather3A_965 = tpu.vector_load_idx %arg14[%add3A_964] : memref<2048xf32, #tpu.memory_space<vmem>>[vector<16xi32>], vector<16xf32>,
    %add3A_966 = arith.addf %add3A_955, %gather3A_965 : vector<16xf32>
    %mul3A_967 = arith.constant 16 : i32
    %mul3A_968 = vector.broadcast %mul3A_967 : i32 to vector<16xi32>
    %mul3A_969 = arith.muli %iota3A, %mul3A_968 : vector<16xi32>
    %add3A_970 = arith.constant 512 : i32
    %add3A_971 = vector.broadcast %add3A_970 : i32 to vector<16xi32>
    %add3A_972 = arith.addi %add3A_971, %mul3A_969 : vector<16xi32>
    %add3A_973 = arith.constant 5 : i32
    %add3A_974 = vector.broadcast %add3A_973 : i32 to vector<16xi32>
    %add3A_975 = arith.addi %add3A_972, %add3A_974 : vector<16xi32>
    %gather3A_976 = tpu.vector_load_idx %arg14[%add3A_975] : memref<2048xf32, #tpu.memory_space<vmem>>[vector<16xi32>], vector<16xf32>,
    %add3A_977 = arith.addf %add3A_966, %gather3A_976 : vector<16xf32>
    %mul3A_978 = arith.constant 16 : i32
    %mul3A_979 = vector.broadcast %mul3A_978 : i32 to vector<16xi32>
    %mul3A_980 = arith.muli %iota3A, %mul3A_979 : vector<16xi32>
    %add3A_981 = arith.constant 512 : i32
    %add3A_982 = vector.broadcast %add3A_981 : i32 to vector<16xi32>
    %add3A_983 = arith.addi %add3A_982, %mul3A_980 : vector<16xi32>
    %add3A_984 = arith.constant 6 : i32
    %add3A_985 = vector.broadcast %add3A_984 : i32 to vector<16xi32>
    %add3A_986 = arith.addi %add3A_983, %add3A_985 : vector<16xi32>
    %gather3A_987 = tpu.vector_load_idx %arg14[%add3A_986] : memref<2048xf32, #tpu.memory_space<vmem>>[vector<16xi32>], vector<16xf32>,
    %add3A_988 = arith.addf %add3A_977, %gather3A_987 : vector<16xf32>
    %mul3A_989 = arith.constant 16 : i32
    %mul3A_990 = vector.broadcast %mul3A_989 : i32 to vector<16xi32>
    %mul3A_991 = arith.muli %iota3A, %mul3A_990 : vector<16xi32>
    %add3A_992 = arith.constant 512 : i32
    %add3A_993 = vector.broadcast %add3A_992 : i32 to vector<16xi32>
    %add3A_994 = arith.addi %add3A_993, %mul3A_991 : vector<16xi32>
    %add3A_995 = arith.constant 7 : i32
    %add3A_996 = vector.broadcast %add3A_995 : i32 to vector<16xi32>
    %add3A_997 = arith.addi %add3A_994, %add3A_996 : vector<16xi32>
    %gather3A_998 = tpu.vector_load_idx %arg14[%add3A_997] : memref<2048xf32, #tpu.memory_space<vmem>>[vector<16xi32>], vector<16xf32>,
    %add3A_999 = arith.addf %add3A_988, %gather3A_998 : vector<16xf32>
    %mul3A_1000 = arith.constant 16 : i32
    %mul3A_1001 = vector.broadcast %mul3A_1000 : i32 to vector<16xi32>
    %mul3A_1002 = arith.muli %iota3A, %mul3A_1001 : vector<16xi32>
    %add3A_1003 = arith.constant 512 : i32
    %add3A_1004 = vector.broadcast %add3A_1003 : i32 to vector<16xi32>
    %add3A_1005 = arith.addi %add3A_1004, %mul3A_1002 : vector<16xi32>
    %add3A_1006 = arith.constant 8 : i32
    %add3A_1007 = vector.broadcast %add3A_1006 : i32 to vector<16xi32>
    %add3A_1008 = arith.addi %add3A_1005, %add3A_1007 : vector<16xi32>
    %gather3A_1009 = tpu.vector_load_idx %arg14[%add3A_1008] : memref<2048xf32, #tpu.memory_space<vmem>>[vector<16xi32>], vector<16xf32>,
    %add3A_1010 = arith.addf %add3A_999, %gather3A_1009 : vector<16xf32>
    %mul3A_1011 = arith.constant 16 : i32
    %mul3A_1012 = vector.broadcast %mul3A_1011 : i32 to vector<16xi32>
    %mul3A_1013 = arith.muli %iota3A, %mul3A_1012 : vector<16xi32>
    %add3A_1014 = arith.constant 512 : i32
    %add3A_1015 = vector.broadcast %add3A_1014 : i32 to vector<16xi32>
    %add3A_1016 = arith.addi %add3A_1015, %mul3A_1013 : vector<16xi32>
    %add3A_1017 = arith.constant 9 : i32
    %add3A_1018 = vector.broadcast %add3A_1017 : i32 to vector<16xi32>
    %add3A_1019 = arith.addi %add3A_1016, %add3A_1018 : vector<16xi32>
    %gather3A_1020 = tpu.vector_load_idx %arg14[%add3A_1019] : memref<2048xf32, #tpu.memory_space<vmem>>[vector<16xi32>], vector<16xf32>,
    %add3A_1021 = arith.addf %add3A_1010, %gather3A_1020 : vector<16xf32>
    %mul3A_1022 = arith.constant 16 : i32
    %mul3A_1023 = vector.broadcast %mul3A_1022 : i32 to vector<16xi32>
    %mul3A_1024 = arith.muli %iota3A, %mul3A_1023 : vector<16xi32>
    %add3A_1025 = arith.constant 512 : i32
    %add3A_1026 = vector.broadcast %add3A_1025 : i32 to vector<16xi32>
    %add3A_1027 = arith.addi %add3A_1026, %mul3A_1024 : vector<16xi32>
    %add3A_1028 = arith.constant 10 : i32
    %add3A_1029 = vector.broadcast %add3A_1028 : i32 to vector<16xi32>
    %add3A_1030 = arith.addi %add3A_1027, %add3A_1029 : vector<16xi32>
    %gather3A_1031 = tpu.vector_load_idx %arg14[%add3A_1030] : memref<2048xf32, #tpu.memory_space<vmem>>[vector<16xi32>], vector<16xf32>,
    %add3A_1032 = arith.addf %add3A_1021, %gather3A_1031 : vector<16xf32>
    %mul3A_1033 = arith.constant 16 : i32
    %mul3A_1034 = vector.broadcast %mul3A_1033 : i32 to vector<16xi32>
    %mul3A_1035 = arith.muli %iota3A, %mul3A_1034 : vector<16xi32>
    %add3A_1036 = arith.constant 512 : i32
    %add3A_1037 = vector.broadcast %add3A_1036 : i32 to vector<16xi32>
    %add3A_1038 = arith.addi %add3A_1037, %mul3A_1035 : vector<16xi32>
    %add3A_1039 = arith.constant 11 : i32
    %add3A_1040 = vector.broadcast %add3A_1039 : i32 to vector<16xi32>
    %add3A_1041 = arith.addi %add3A_1038, %add3A_1040 : vector<16xi32>
    %gather3A_1042 = tpu.vector_load_idx %arg14[%add3A_1041] : memref<2048xf32, #tpu.memory_space<vmem>>[vector<16xi32>], vector<16xf32>,
    %add3A_1043 = arith.addf %add3A_1032, %gather3A_1042 : vector<16xf32>
    %mul3A_1044 = arith.constant 16 : i32
    %mul3A_1045 = vector.broadcast %mul3A_1044 : i32 to vector<16xi32>
    %mul3A_1046 = arith.muli %iota3A, %mul3A_1045 : vector<16xi32>
    %add3A_1047 = arith.constant 512 : i32
    %add3A_1048 = vector.broadcast %add3A_1047 : i32 to vector<16xi32>
    %add3A_1049 = arith.addi %add3A_1048, %mul3A_1046 : vector<16xi32>
    %add3A_1050 = arith.constant 12 : i32
    %add3A_1051 = vector.broadcast %add3A_1050 : i32 to vector<16xi32>
    %add3A_1052 = arith.addi %add3A_1049, %add3A_1051 : vector<16xi32>
    %gather3A_1053 = tpu.vector_load_idx %arg14[%add3A_1052] : memref<2048xf32, #tpu.memory_space<vmem>>[vector<16xi32>], vector<16xf32>,
    %add3A_1054 = arith.addf %add3A_1043, %gather3A_1053 : vector<16xf32>
    %mul3A_1055 = arith.constant 16 : i32
    %mul3A_1056 = vector.broadcast %mul3A_1055 : i32 to vector<16xi32>
    %mul3A_1057 = arith.muli %iota3A, %mul3A_1056 : vector<16xi32>
    %add3A_1058 = arith.constant 512 : i32
    %add3A_1059 = vector.broadcast %add3A_1058 : i32 to vector<16xi32>
    %add3A_1060 = arith.addi %add3A_1059, %mul3A_1057 : vector<16xi32>
    %add3A_1061 = arith.constant 13 : i32
    %add3A_1062 = vector.broadcast %add3A_1061 : i32 to vector<16xi32>
    %add3A_1063 = arith.addi %add3A_1060, %add3A_1062 : vector<16xi32>
    %gather3A_1064 = tpu.vector_load_idx %arg14[%add3A_1063] : memref<2048xf32, #tpu.memory_space<vmem>>[vector<16xi32>], vector<16xf32>,
    %add3A_1065 = arith.addf %add3A_1054, %gather3A_1064 : vector<16xf32>
    %mul3A_1066 = arith.constant 16 : i32
    %mul3A_1067 = vector.broadcast %mul3A_1066 : i32 to vector<16xi32>
    %mul3A_1068 = arith.muli %iota3A, %mul3A_1067 : vector<16xi32>
    %add3A_1069 = arith.constant 512 : i32
    %add3A_1070 = vector.broadcast %add3A_1069 : i32 to vector<16xi32>
    %add3A_1071 = arith.addi %add3A_1070, %mul3A_1068 : vector<16xi32>
    %add3A_1072 = arith.constant 14 : i32
    %add3A_1073 = vector.broadcast %add3A_1072 : i32 to vector<16xi32>
    %add3A_1074 = arith.addi %add3A_1071, %add3A_1073 : vector<16xi32>
    %gather3A_1075 = tpu.vector_load_idx %arg14[%add3A_1074] : memref<2048xf32, #tpu.memory_space<vmem>>[vector<16xi32>], vector<16xf32>,
    %add3A_1076 = arith.addf %add3A_1065, %gather3A_1075 : vector<16xf32>
    %mul3A_1077 = arith.constant 16 : i32
    %mul3A_1078 = vector.broadcast %mul3A_1077 : i32 to vector<16xi32>
    %mul3A_1079 = arith.muli %iota3A, %mul3A_1078 : vector<16xi32>
    %add3A_1080 = arith.constant 512 : i32
    %add3A_1081 = vector.broadcast %add3A_1080 : i32 to vector<16xi32>
    %add3A_1082 = arith.addi %add3A_1081, %mul3A_1079 : vector<16xi32>
    %add3A_1083 = arith.constant 15 : i32
    %add3A_1084 = vector.broadcast %add3A_1083 : i32 to vector<16xi32>
    %add3A_1085 = arith.addi %add3A_1082, %add3A_1084 : vector<16xi32>
    %gather3A_1086 = tpu.vector_load_idx %arg14[%add3A_1085] : memref<2048xf32, #tpu.memory_space<vmem>>[vector<16xi32>], vector<16xf32>,
    %add3A_1087 = arith.addf %add3A_1076, %gather3A_1086 : vector<16xf32>
    %swap3A_1088 = arith.constant 32 : index
    %swap3A_1089 = tpu.vector_load %arg15[%swap3A_1088] {strides = array<i32>} : memref<128xf32, #tpu.memory_space<vmem>>, vector<16xf32>,
    tpu.vector_store %arg15[%swap3A_1088], %add3A_1087 {strides = array<i32>} : memref<128xf32, #tpu.memory_space<vmem>>, vector<16xf32>,
    %broadcast_in_dim3A_1090 = arith.constant 0.000000e+00 : f32
    %broadcast_in_dim3A_1091 = vector.broadcast %broadcast_in_dim3A_1090 : f32 to vector<16xf32>
    %mul3A_1092 = arith.constant 16 : i32
    %mul3A_1093 = vector.broadcast %mul3A_1092 : i32 to vector<16xi32>
    %mul3A_1094 = arith.muli %iota3A, %mul3A_1093 : vector<16xi32>
    %add3A_1095 = arith.constant 768 : i32
    %add3A_1096 = vector.broadcast %add3A_1095 : i32 to vector<16xi32>
    %add3A_1097 = arith.addi %add3A_1096, %mul3A_1094 : vector<16xi32>
    %add3A_1098 = arith.constant 0 : i32
    %add3A_1099 = vector.broadcast %add3A_1098 : i32 to vector<16xi32>
    %add3A_1100 = arith.addi %add3A_1097, %add3A_1099 : vector<16xi32>
    %gather3A_1101 = tpu.vector_load_idx %arg14[%add3A_1100] : memref<2048xf32, #tpu.memory_space<vmem>>[vector<16xi32>], vector<16xf32>,
    %add3A_1102 = arith.addf %broadcast_in_dim3A_1091, %gather3A_1101 : vector<16xf32>
    %mul3A_1103 = arith.constant 16 : i32
    %mul3A_1104 = vector.broadcast %mul3A_1103 : i32 to vector<16xi32>
    %mul3A_1105 = arith.muli %iota3A, %mul3A_1104 : vector<16xi32>
    %add3A_1106 = arith.constant 768 : i32
    %add3A_1107 = vector.broadcast %add3A_1106 : i32 to vector<16xi32>
    %add3A_1108 = arith.addi %add3A_1107, %mul3A_1105 : vector<16xi32>
    %add3A_1109 = arith.constant 1 : i32
    %add3A_1110 = vector.broadcast %add3A_1109 : i32 to vector<16xi32>
    %add3A_1111 = arith.addi %add3A_1108, %add3A_1110 : vector<16xi32>
    %gather3A_1112 = tpu.vector_load_idx %arg14[%add3A_1111] : memref<2048xf32, #tpu.memory_space<vmem>>[vector<16xi32>], vector<16xf32>,
    %add3A_1113 = arith.addf %add3A_1102, %gather3A_1112 : vector<16xf32>
    %mul3A_1114 = arith.constant 16 : i32
    %mul3A_1115 = vector.broadcast %mul3A_1114 : i32 to vector<16xi32>
    %mul3A_1116 = arith.muli %iota3A, %mul3A_1115 : vector<16xi32>
    %add3A_1117 = arith.constant 768 : i32
    %add3A_1118 = vector.broadcast %add3A_1117 : i32 to vector<16xi32>
    %add3A_1119 = arith.addi %add3A_1118, %mul3A_1116 : vector<16xi32>
    %add3A_1120 = arith.constant 2 : i32
    %add3A_1121 = vector.broadcast %add3A_1120 : i32 to vector<16xi32>
    %add3A_1122 = arith.addi %add3A_1119, %add3A_1121 : vector<16xi32>
    %gather3A_1123 = tpu.vector_load_idx %arg14[%add3A_1122] : memref<2048xf32, #tpu.memory_space<vmem>>[vector<16xi32>], vector<16xf32>,
    %add3A_1124 = arith.addf %add3A_1113, %gather3A_1123 : vector<16xf32>
    %mul3A_1125 = arith.constant 16 : i32
    %mul3A_1126 = vector.broadcast %mul3A_1125 : i32 to vector<16xi32>
    %mul3A_1127 = arith.muli %iota3A, %mul3A_1126 : vector<16xi32>
    %add3A_1128 = arith.constant 768 : i32
    %add3A_1129 = vector.broadcast %add3A_1128 : i32 to vector<16xi32>
    %add3A_1130 = arith.addi %add3A_1129, %mul3A_1127 : vector<16xi32>
    %add3A_1131 = arith.constant 3 : i32
    %add3A_1132 = vector.broadcast %add3A_1131 : i32 to vector<16xi32>
    %add3A_1133 = arith.addi %add3A_1130, %add3A_1132 : vector<16xi32>
    %gather3A_1134 = tpu.vector_load_idx %arg14[%add3A_1133] : memref<2048xf32, #tpu.memory_space<vmem>>[vector<16xi32>], vector<16xf32>,
    %add3A_1135 = arith.addf %add3A_1124, %gather3A_1134 : vector<16xf32>
    %mul3A_1136 = arith.constant 16 : i32
    %mul3A_1137 = vector.broadcast %mul3A_1136 : i32 to vector<16xi32>
    %mul3A_1138 = arith.muli %iota3A, %mul3A_1137 : vector<16xi32>
    %add3A_1139 = arith.constant 768 : i32
    %add3A_1140 = vector.broadcast %add3A_1139 : i32 to vector<16xi32>
    %add3A_1141 = arith.addi %add3A_1140, %mul3A_1138 : vector<16xi32>
    %add3A_1142 = arith.constant 4 : i32
    %add3A_1143 = vector.broadcast %add3A_1142 : i32 to vector<16xi32>
    %add3A_1144 = arith.addi %add3A_1141, %add3A_1143 : vector<16xi32>
    %gather3A_1145 = tpu.vector_load_idx %arg14[%add3A_1144] : memref<2048xf32, #tpu.memory_space<vmem>>[vector<16xi32>], vector<16xf32>,
    %add3A_1146 = arith.addf %add3A_1135, %gather3A_1145 : vector<16xf32>
    %mul3A_1147 = arith.constant 16 : i32
    %mul3A_1148 = vector.broadcast %mul3A_1147 : i32 to vector<16xi32>
    %mul3A_1149 = arith.muli %iota3A, %mul3A_1148 : vector<16xi32>
    %add3A_1150 = arith.constant 768 : i32
    %add3A_1151 = vector.broadcast %add3A_1150 : i32 to vector<16xi32>
    %add3A_1152 = arith.addi %add3A_1151, %mul3A_1149 : vector<16xi32>
    %add3A_1153 = arith.constant 5 : i32
    %add3A_1154 = vector.broadcast %add3A_1153 : i32 to vector<16xi32>
    %add3A_1155 = arith.addi %add3A_1152, %add3A_1154 : vector<16xi32>
    %gather3A_1156 = tpu.vector_load_idx %arg14[%add3A_1155] : memref<2048xf32, #tpu.memory_space<vmem>>[vector<16xi32>], vector<16xf32>,
    %add3A_1157 = arith.addf %add3A_1146, %gather3A_1156 : vector<16xf32>
    %mul3A_1158 = arith.constant 16 : i32
    %mul3A_1159 = vector.broadcast %mul3A_1158 : i32 to vector<16xi32>
    %mul3A_1160 = arith.muli %iota3A, %mul3A_1159 : vector<16xi32>
    %add3A_1161 = arith.constant 768 : i32
    %add3A_1162 = vector.broadcast %add3A_1161 : i32 to vector<16xi32>
    %add3A_1163 = arith.addi %add3A_1162, %mul3A_1160 : vector<16xi32>
    %add3A_1164 = arith.constant 6 : i32
    %add3A_1165 = vector.broadcast %add3A_1164 : i32 to vector<16xi32>
    %add3A_1166 = arith.addi %add3A_1163, %add3A_1165 : vector<16xi32>
    %gather3A_1167 = tpu.vector_load_idx %arg14[%add3A_1166] : memref<2048xf32, #tpu.memory_space<vmem>>[vector<16xi32>], vector<16xf32>,
    %add3A_1168 = arith.addf %add3A_1157, %gather3A_1167 : vector<16xf32>
    %mul3A_1169 = arith.constant 16 : i32
    %mul3A_1170 = vector.broadcast %mul3A_1169 : i32 to vector<16xi32>
    %mul3A_1171 = arith.muli %iota3A, %mul3A_1170 : vector<16xi32>
    %add3A_1172 = arith.constant 768 : i32
    %add3A_1173 = vector.broadcast %add3A_1172 : i32 to vector<16xi32>
    %add3A_1174 = arith.addi %add3A_1173, %mul3A_1171 : vector<16xi32>
    %add3A_1175 = arith.constant 7 : i32
    %add3A_1176 = vector.broadcast %add3A_1175 : i32 to vector<16xi32>
    %add3A_1177 = arith.addi %add3A_1174, %add3A_1176 : vector<16xi32>
    %gather3A_1178 = tpu.vector_load_idx %arg14[%add3A_1177] : memref<2048xf32, #tpu.memory_space<vmem>>[vector<16xi32>], vector<16xf32>,
    %add3A_1179 = arith.addf %add3A_1168, %gather3A_1178 : vector<16xf32>
    %mul3A_1180 = arith.constant 16 : i32
    %mul3A_1181 = vector.broadcast %mul3A_1180 : i32 to vector<16xi32>
    %mul3A_1182 = arith.muli %iota3A, %mul3A_1181 : vector<16xi32>
    %add3A_1183 = arith.constant 768 : i32
    %add3A_1184 = vector.broadcast %add3A_1183 : i32 to vector<16xi32>
    %add3A_1185 = arith.addi %add3A_1184, %mul3A_1182 : vector<16xi32>
    %add3A_1186 = arith.constant 8 : i32
    %add3A_1187 = vector.broadcast %add3A_1186 : i32 to vector<16xi32>
    %add3A_1188 = arith.addi %add3A_1185, %add3A_1187 : vector<16xi32>
    %gather3A_1189 = tpu.vector_load_idx %arg14[%add3A_1188] : memref<2048xf32, #tpu.memory_space<vmem>>[vector<16xi32>], vector<16xf32>,
    %add3A_1190 = arith.addf %add3A_1179, %gather3A_1189 : vector<16xf32>
    %mul3A_1191 = arith.constant 16 : i32
    %mul3A_1192 = vector.broadcast %mul3A_1191 : i32 to vector<16xi32>
    %mul3A_1193 = arith.muli %iota3A, %mul3A_1192 : vector<16xi32>
    %add3A_1194 = arith.constant 768 : i32
    %add3A_1195 = vector.broadcast %add3A_1194 : i32 to vector<16xi32>
    %add3A_1196 = arith.addi %add3A_1195, %mul3A_1193 : vector<16xi32>
    %add3A_1197 = arith.constant 9 : i32
    %add3A_1198 = vector.broadcast %add3A_1197 : i32 to vector<16xi32>
    %add3A_1199 = arith.addi %add3A_1196, %add3A_1198 : vector<16xi32>
    %gather3A_1200 = tpu.vector_load_idx %arg14[%add3A_1199] : memref<2048xf32, #tpu.memory_space<vmem>>[vector<16xi32>], vector<16xf32>,
    %add3A_1201 = arith.addf %add3A_1190, %gather3A_1200 : vector<16xf32>
    %mul3A_1202 = arith.constant 16 : i32
    %mul3A_1203 = vector.broadcast %mul3A_1202 : i32 to vector<16xi32>
    %mul3A_1204 = arith.muli %iota3A, %mul3A_1203 : vector<16xi32>
    %add3A_1205 = arith.constant 768 : i32
    %add3A_1206 = vector.broadcast %add3A_1205 : i32 to vector<16xi32>
    %add3A_1207 = arith.addi %add3A_1206, %mul3A_1204 : vector<16xi32>
    %add3A_1208 = arith.constant 10 : i32
    %add3A_1209 = vector.broadcast %add3A_1208 : i32 to vector<16xi32>
    %add3A_1210 = arith.addi %add3A_1207, %add3A_1209 : vector<16xi32>
    %gather3A_1211 = tpu.vector_load_idx %arg14[%add3A_1210] : memref<2048xf32, #tpu.memory_space<vmem>>[vector<16xi32>], vector<16xf32>,
    %add3A_1212 = arith.addf %add3A_1201, %gather3A_1211 : vector<16xf32>
    %mul3A_1213 = arith.constant 16 : i32
    %mul3A_1214 = vector.broadcast %mul3A_1213 : i32 to vector<16xi32>
    %mul3A_1215 = arith.muli %iota3A, %mul3A_1214 : vector<16xi32>
    %add3A_1216 = arith.constant 768 : i32
    %add3A_1217 = vector.broadcast %add3A_1216 : i32 to vector<16xi32>
    %add3A_1218 = arith.addi %add3A_1217, %mul3A_1215 : vector<16xi32>
    %add3A_1219 = arith.constant 11 : i32
    %add3A_1220 = vector.broadcast %add3A_1219 : i32 to vector<16xi32>
    %add3A_1221 = arith.addi %add3A_1218, %add3A_1220 : vector<16xi32>
    %gather3A_1222 = tpu.vector_load_idx %arg14[%add3A_1221] : memref<2048xf32, #tpu.memory_space<vmem>>[vector<16xi32>], vector<16xf32>,
    %add3A_1223 = arith.addf %add3A_1212, %gather3A_1222 : vector<16xf32>
    %mul3A_1224 = arith.constant 16 : i32
    %mul3A_1225 = vector.broadcast %mul3A_1224 : i32 to vector<16xi32>
    %mul3A_1226 = arith.muli %iota3A, %mul3A_1225 : vector<16xi32>
    %add3A_1227 = arith.constant 768 : i32
    %add3A_1228 = vector.broadcast %add3A_1227 : i32 to vector<16xi32>
    %add3A_1229 = arith.addi %add3A_1228, %mul3A_1226 : vector<16xi32>
    %add3A_1230 = arith.constant 12 : i32
    %add3A_1231 = vector.broadcast %add3A_1230 : i32 to vector<16xi32>
    %add3A_1232 = arith.addi %add3A_1229, %add3A_1231 : vector<16xi32>
    %gather3A_1233 = tpu.vector_load_idx %arg14[%add3A_1232] : memref<2048xf32, #tpu.memory_space<vmem>>[vector<16xi32>], vector<16xf32>,
    %add3A_1234 = arith.addf %add3A_1223, %gather3A_1233 : vector<16xf32>
    %mul3A_1235 = arith.constant 16 : i32
    %mul3A_1236 = vector.broadcast %mul3A_1235 : i32 to vector<16xi32>
    %mul3A_1237 = arith.muli %iota3A, %mul3A_1236 : vector<16xi32>
    %add3A_1238 = arith.constant 768 : i32
    %add3A_1239 = vector.broadcast %add3A_1238 : i32 to vector<16xi32>
    %add3A_1240 = arith.addi %add3A_1239, %mul3A_1237 : vector<16xi32>
    %add3A_1241 = arith.constant 13 : i32
    %add3A_1242 = vector.broadcast %add3A_1241 : i32 to vector<16xi32>
    %add3A_1243 = arith.addi %add3A_1240, %add3A_1242 : vector<16xi32>
    %gather3A_1244 = tpu.vector_load_idx %arg14[%add3A_1243] : memref<2048xf32, #tpu.memory_space<vmem>>[vector<16xi32>], vector<16xf32>,
    %add3A_1245 = arith.addf %add3A_1234, %gather3A_1244 : vector<16xf32>
    %mul3A_1246 = arith.constant 16 : i32
    %mul3A_1247 = vector.broadcast %mul3A_1246 : i32 to vector<16xi32>
    %mul3A_1248 = arith.muli %iota3A, %mul3A_1247 : vector<16xi32>
    %add3A_1249 = arith.constant 768 : i32
    %add3A_1250 = vector.broadcast %add3A_1249 : i32 to vector<16xi32>
    %add3A_1251 = arith.addi %add3A_1250, %mul3A_1248 : vector<16xi32>
    %add3A_1252 = arith.constant 14 : i32
    %add3A_1253 = vector.broadcast %add3A_1252 : i32 to vector<16xi32>
    %add3A_1254 = arith.addi %add3A_1251, %add3A_1253 : vector<16xi32>
    %gather3A_1255 = tpu.vector_load_idx %arg14[%add3A_1254] : memref<2048xf32, #tpu.memory_space<vmem>>[vector<16xi32>], vector<16xf32>,
    %add3A_1256 = arith.addf %add3A_1245, %gather3A_1255 : vector<16xf32>
    %mul3A_1257 = arith.constant 16 : i32
    %mul3A_1258 = vector.broadcast %mul3A_1257 : i32 to vector<16xi32>
    %mul3A_1259 = arith.muli %iota3A, %mul3A_1258 : vector<16xi32>
    %add3A_1260 = arith.constant 768 : i32
    %add3A_1261 = vector.broadcast %add3A_1260 : i32 to vector<16xi32>
    %add3A_1262 = arith.addi %add3A_1261, %mul3A_1259 : vector<16xi32>
    %add3A_1263 = arith.constant 15 : i32
    %add3A_1264 = vector.broadcast %add3A_1263 : i32 to vector<16xi32>
    %add3A_1265 = arith.addi %add3A_1262, %add3A_1264 : vector<16xi32>
    %gather3A_1266 = tpu.vector_load_idx %arg14[%add3A_1265] : memref<2048xf32, #tpu.memory_space<vmem>>[vector<16xi32>], vector<16xf32>,
    %add3A_1267 = arith.addf %add3A_1256, %gather3A_1266 : vector<16xf32>
    %swap3A_1268 = arith.constant 48 : index
    %swap3A_1269 = tpu.vector_load %arg15[%swap3A_1268] {strides = array<i32>} : memref<128xf32, #tpu.memory_space<vmem>>, vector<16xf32>,
    tpu.vector_store %arg15[%swap3A_1268], %add3A_1267 {strides = array<i32>} : memref<128xf32, #tpu.memory_space<vmem>>, vector<16xf32>,
    %broadcast_in_dim3A_1270 = arith.constant 0.000000e+00 : f32
    %broadcast_in_dim3A_1271 = vector.broadcast %broadcast_in_dim3A_1270 : f32 to vector<16xf32>
    %mul3A_1272 = arith.constant 16 : i32
    %mul3A_1273 = vector.broadcast %mul3A_1272 : i32 to vector<16xi32>
    %mul3A_1274 = arith.muli %iota3A, %mul3A_1273 : vector<16xi32>
    %add3A_1275 = arith.constant 1024 : i32
    %add3A_1276 = vector.broadcast %add3A_1275 : i32 to vector<16xi32>
    %add3A_1277 = arith.addi %add3A_1276, %mul3A_1274 : vector<16xi32>
    %add3A_1278 = arith.constant 0 : i32
    %add3A_1279 = vector.broadcast %add3A_1278 : i32 to vector<16xi32>
    %add3A_1280 = arith.addi %add3A_1277, %add3A_1279 : vector<16xi32>
    %gather3A_1281 = tpu.vector_load_idx %arg14[%add3A_1280] : memref<2048xf32, #tpu.memory_space<vmem>>[vector<16xi32>], vector<16xf32>,
    %add3A_1282 = arith.addf %broadcast_in_dim3A_1271, %gather3A_1281 : vector<16xf32>
    %mul3A_1283 = arith.constant 16 : i32
    %mul3A_1284 = vector.broadcast %mul3A_1283 : i32 to vector<16xi32>
    %mul3A_1285 = arith.muli %iota3A, %mul3A_1284 : vector<16xi32>
    %add3A_1286 = arith.constant 1024 : i32
    %add3A_1287 = vector.broadcast %add3A_1286 : i32 to vector<16xi32>
    %add3A_1288 = arith.addi %add3A_1287, %mul3A_1285 : vector<16xi32>
    %add3A_1289 = arith.constant 1 : i32
    %add3A_1290 = vector.broadcast %add3A_1289 : i32 to vector<16xi32>
    %add3A_1291 = arith.addi %add3A_1288, %add3A_1290 : vector<16xi32>
    %gather3A_1292 = tpu.vector_load_idx %arg14[%add3A_1291] : memref<2048xf32, #tpu.memory_space<vmem>>[vector<16xi32>], vector<16xf32>,
    %add3A_1293 = arith.addf %add3A_1282, %gather3A_1292 : vector<16xf32>
    %mul3A_1294 = arith.constant 16 : i32
    %mul3A_1295 = vector.broadcast %mul3A_1294 : i32 to vector<16xi32>
    %mul3A_1296 = arith.muli %iota3A, %mul3A_1295 : vector<16xi32>
    %add3A_1297 = arith.constant 1024 : i32
    %add3A_1298 = vector.broadcast %add3A_1297 : i32 to vector<16xi32>
    %add3A_1299 = arith.addi %add3A_1298, %mul3A_1296 : vector<16xi32>
    %add3A_1300 = arith.constant 2 : i32
    %add3A_1301 = vector.broadcast %add3A_1300 : i32 to vector<16xi32>
    %add3A_1302 = arith.addi %add3A_1299, %add3A_1301 : vector<16xi32>
    %gather3A_1303 = tpu.vector_load_idx %arg14[%add3A_1302] : memref<2048xf32, #tpu.memory_space<vmem>>[vector<16xi32>], vector<16xf32>,
    %add3A_1304 = arith.addf %add3A_1293, %gather3A_1303 : vector<16xf32>
    %mul3A_1305 = arith.constant 16 : i32
    %mul3A_1306 = vector.broadcast %mul3A_1305 : i32 to vector<16xi32>
    %mul3A_1307 = arith.muli %iota3A, %mul3A_1306 : vector<16xi32>
    %add3A_1308 = arith.constant 1024 : i32
    %add3A_1309 = vector.broadcast %add3A_1308 : i32 to vector<16xi32>
    %add3A_1310 = arith.addi %add3A_1309, %mul3A_1307 : vector<16xi32>
    %add3A_1311 = arith.constant 3 : i32
    %add3A_1312 = vector.broadcast %add3A_1311 : i32 to vector<16xi32>
    %add3A_1313 = arith.addi %add3A_1310, %add3A_1312 : vector<16xi32>
    %gather3A_1314 = tpu.vector_load_idx %arg14[%add3A_1313] : memref<2048xf32, #tpu.memory_space<vmem>>[vector<16xi32>], vector<16xf32>,
    %add3A_1315 = arith.addf %add3A_1304, %gather3A_1314 : vector<16xf32>
    %mul3A_1316 = arith.constant 16 : i32
    %mul3A_1317 = vector.broadcast %mul3A_1316 : i32 to vector<16xi32>
    %mul3A_1318 = arith.muli %iota3A, %mul3A_1317 : vector<16xi32>
    %add3A_1319 = arith.constant 1024 : i32
    %add3A_1320 = vector.broadcast %add3A_1319 : i32 to vector<16xi32>
    %add3A_1321 = arith.addi %add3A_1320, %mul3A_1318 : vector<16xi32>
    %add3A_1322 = arith.constant 4 : i32
    %add3A_1323 = vector.broadcast %add3A_1322 : i32 to vector<16xi32>
    %add3A_1324 = arith.addi %add3A_1321, %add3A_1323 : vector<16xi32>
    %gather3A_1325 = tpu.vector_load_idx %arg14[%add3A_1324] : memref<2048xf32, #tpu.memory_space<vmem>>[vector<16xi32>], vector<16xf32>,
    %add3A_1326 = arith.addf %add3A_1315, %gather3A_1325 : vector<16xf32>
    %mul3A_1327 = arith.constant 16 : i32
    %mul3A_1328 = vector.broadcast %mul3A_1327 : i32 to vector<16xi32>
    %mul3A_1329 = arith.muli %iota3A, %mul3A_1328 : vector<16xi32>
    %add3A_1330 = arith.constant 1024 : i32
    %add3A_1331 = vector.broadcast %add3A_1330 : i32 to vector<16xi32>
    %add3A_1332 = arith.addi %add3A_1331, %mul3A_1329 : vector<16xi32>
    %add3A_1333 = arith.constant 5 : i32
    %add3A_1334 = vector.broadcast %add3A_1333 : i32 to vector<16xi32>
    %add3A_1335 = arith.addi %add3A_1332, %add3A_1334 : vector<16xi32>
    %gather3A_1336 = tpu.vector_load_idx %arg14[%add3A_1335] : memref<2048xf32, #tpu.memory_space<vmem>>[vector<16xi32>], vector<16xf32>,
    %add3A_1337 = arith.addf %add3A_1326, %gather3A_1336 : vector<16xf32>
    %mul3A_1338 = arith.constant 16 : i32
    %mul3A_1339 = vector.broadcast %mul3A_1338 : i32 to vector<16xi32>
    %mul3A_1340 = arith.muli %iota3A, %mul3A_1339 : vector<16xi32>
    %add3A_1341 = arith.constant 1024 : i32
    %add3A_1342 = vector.broadcast %add3A_1341 : i32 to vector<16xi32>
    %add3A_1343 = arith.addi %add3A_1342, %mul3A_1340 : vector<16xi32>
    %add3A_1344 = arith.constant 6 : i32
    %add3A_1345 = vector.broadcast %add3A_1344 : i32 to vector<16xi32>
    %add3A_1346 = arith.addi %add3A_1343, %add3A_1345 : vector<16xi32>
    %gather3A_1347 = tpu.vector_load_idx %arg14[%add3A_1346] : memref<2048xf32, #tpu.memory_space<vmem>>[vector<16xi32>], vector<16xf32>,
    %add3A_1348 = arith.addf %add3A_1337, %gather3A_1347 : vector<16xf32>
    %mul3A_1349 = arith.constant 16 : i32
    %mul3A_1350 = vector.broadcast %mul3A_1349 : i32 to vector<16xi32>
    %mul3A_1351 = arith.muli %iota3A, %mul3A_1350 : vector<16xi32>
    %add3A_1352 = arith.constant 1024 : i32
    %add3A_1353 = vector.broadcast %add3A_1352 : i32 to vector<16xi32>
    %add3A_1354 = arith.addi %add3A_1353, %mul3A_1351 : vector<16xi32>
    %add3A_1355 = arith.constant 7 : i32
    %add3A_1356 = vector.broadcast %add3A_1355 : i32 to vector<16xi32>
    %add3A_1357 = arith.addi %add3A_1354, %add3A_1356 : vector<16xi32>
    %gather3A_1358 = tpu.vector_load_idx %arg14[%add3A_1357] : memref<2048xf32, #tpu.memory_space<vmem>>[vector<16xi32>], vector<16xf32>,
    %add3A_1359 = arith.addf %add3A_1348, %gather3A_1358 : vector<16xf32>
    %mul3A_1360 = arith.constant 16 : i32
    %mul3A_1361 = vector.broadcast %mul3A_1360 : i32 to vector<16xi32>
    %mul3A_1362 = arith.muli %iota3A, %mul3A_1361 : vector<16xi32>
    %add3A_1363 = arith.constant 1024 : i32
    %add3A_1364 = vector.broadcast %add3A_1363 : i32 to vector<16xi32>
    %add3A_1365 = arith.addi %add3A_1364, %mul3A_1362 : vector<16xi32>
    %add3A_1366 = arith.constant 8 : i32
    %add3A_1367 = vector.broadcast %add3A_1366 : i32 to vector<16xi32>
    %add3A_1368 = arith.addi %add3A_1365, %add3A_1367 : vector<16xi32>
    %gather3A_1369 = tpu.vector_load_idx %arg14[%add3A_1368] : memref<2048xf32, #tpu.memory_space<vmem>>[vector<16xi32>], vector<16xf32>,
    %add3A_1370 = arith.addf %add3A_1359, %gather3A_1369 : vector<16xf32>
    %mul3A_1371 = arith.constant 16 : i32
    %mul3A_1372 = vector.broadcast %mul3A_1371 : i32 to vector<16xi32>
    %mul3A_1373 = arith.muli %iota3A, %mul3A_1372 : vector<16xi32>
    %add3A_1374 = arith.constant 1024 : i32
    %add3A_1375 = vector.broadcast %add3A_1374 : i32 to vector<16xi32>
    %add3A_1376 = arith.addi %add3A_1375, %mul3A_1373 : vector<16xi32>
    %add3A_1377 = arith.constant 9 : i32
    %add3A_1378 = vector.broadcast %add3A_1377 : i32 to vector<16xi32>
    %add3A_1379 = arith.addi %add3A_1376, %add3A_1378 : vector<16xi32>
    %gather3A_1380 = tpu.vector_load_idx %arg14[%add3A_1379] : memref<2048xf32, #tpu.memory_space<vmem>>[vector<16xi32>], vector<16xf32>,
    %add3A_1381 = arith.addf %add3A_1370, %gather3A_1380 : vector<16xf32>
    %mul3A_1382 = arith.constant 16 : i32
    %mul3A_1383 = vector.broadcast %mul3A_1382 : i32 to vector<16xi32>
    %mul3A_1384 = arith.muli %iota3A, %mul3A_1383 : vector<16xi32>
    %add3A_1385 = arith.constant 1024 : i32
    %add3A_1386 = vector.broadcast %add3A_1385 : i32 to vector<16xi32>
    %add3A_1387 = arith.addi %add3A_1386, %mul3A_1384 : vector<16xi32>
    %add3A_1388 = arith.constant 10 : i32
    %add3A_1389 = vector.broadcast %add3A_1388 : i32 to vector<16xi32>
    %add3A_1390 = arith.addi %add3A_1387, %add3A_1389 : vector<16xi32>
    %gather3A_1391 = tpu.vector_load_idx %arg14[%add3A_1390] : memref<2048xf32, #tpu.memory_space<vmem>>[vector<16xi32>], vector<16xf32>,
    %add3A_1392 = arith.addf %add3A_1381, %gather3A_1391 : vector<16xf32>
    %mul3A_1393 = arith.constant 16 : i32
    %mul3A_1394 = vector.broadcast %mul3A_1393 : i32 to vector<16xi32>
    %mul3A_1395 = arith.muli %iota3A, %mul3A_1394 : vector<16xi32>
    %add3A_1396 = arith.constant 1024 : i32
    %add3A_1397 = vector.broadcast %add3A_1396 : i32 to vector<16xi32>
    %add3A_1398 = arith.addi %add3A_1397, %mul3A_1395 : vector<16xi32>
    %add3A_1399 = arith.constant 11 : i32
    %add3A_1400 = vector.broadcast %add3A_1399 : i32 to vector<16xi32>
    %add3A_1401 = arith.addi %add3A_1398, %add3A_1400 : vector<16xi32>
    %gather3A_1402 = tpu.vector_load_idx %arg14[%add3A_1401] : memref<2048xf32, #tpu.memory_space<vmem>>[vector<16xi32>], vector<16xf32>,
    %add3A_1403 = arith.addf %add3A_1392, %gather3A_1402 : vector<16xf32>
    %mul3A_1404 = arith.constant 16 : i32
    %mul3A_1405 = vector.broadcast %mul3A_1404 : i32 to vector<16xi32>
    %mul3A_1406 = arith.muli %iota3A, %mul3A_1405 : vector<16xi32>
    %add3A_1407 = arith.constant 1024 : i32
    %add3A_1408 = vector.broadcast %add3A_1407 : i32 to vector<16xi32>
    %add3A_1409 = arith.addi %add3A_1408, %mul3A_1406 : vector<16xi32>
    %add3A_1410 = arith.constant 12 : i32
    %add3A_1411 = vector.broadcast %add3A_1410 : i32 to vector<16xi32>
    %add3A_1412 = arith.addi %add3A_1409, %add3A_1411 : vector<16xi32>
    %gather3A_1413 = tpu.vector_load_idx %arg14[%add3A_1412] : memref<2048xf32, #tpu.memory_space<vmem>>[vector<16xi32>], vector<16xf32>,
    %add3A_1414 = arith.addf %add3A_1403, %gather3A_1413 : vector<16xf32>
    %mul3A_1415 = arith.constant 16 : i32
    %mul3A_1416 = vector.broadcast %mul3A_1415 : i32 to vector<16xi32>
    %mul3A_1417 = arith.muli %iota3A, %mul3A_1416 : vector<16xi32>
    %add3A_1418 = arith.constant 1024 : i32
    %add3A_1419 = vector.broadcast %add3A_1418 : i32 to vector<16xi32>
    %add3A_1420 = arith.addi %add3A_1419, %mul3A_1417 : vector<16xi32>
    %add3A_1421 = arith.constant 13 : i32
    %add3A_1422 = vector.broadcast %add3A_1421 : i32 to vector<16xi32>
    %add3A_1423 = arith.addi %add3A_1420, %add3A_1422 : vector<16xi32>
    %gather3A_1424 = tpu.vector_load_idx %arg14[%add3A_1423] : memref<2048xf32, #tpu.memory_space<vmem>>[vector<16xi32>], vector<16xf32>,
    %add3A_1425 = arith.addf %add3A_1414, %gather3A_1424 : vector<16xf32>
    %mul3A_1426 = arith.constant 16 : i32
    %mul3A_1427 = vector.broadcast %mul3A_1426 : i32 to vector<16xi32>
    %mul3A_1428 = arith.muli %iota3A, %mul3A_1427 : vector<16xi32>
    %add3A_1429 = arith.constant 1024 : i32
    %add3A_1430 = vector.broadcast %add3A_1429 : i32 to vector<16xi32>
    %add3A_1431 = arith.addi %add3A_1430, %mul3A_1428 : vector<16xi32>
    %add3A_1432 = arith.constant 14 : i32
    %add3A_1433 = vector.broadcast %add3A_1432 : i32 to vector<16xi32>
    %add3A_1434 = arith.addi %add3A_1431, %add3A_1433 : vector<16xi32>
    %gather3A_1435 = tpu.vector_load_idx %arg14[%add3A_1434] : memref<2048xf32, #tpu.memory_space<vmem>>[vector<16xi32>], vector<16xf32>,
    %add3A_1436 = arith.addf %add3A_1425, %gather3A_1435 : vector<16xf32>
    %mul3A_1437 = arith.constant 16 : i32
    %mul3A_1438 = vector.broadcast %mul3A_1437 : i32 to vector<16xi32>
    %mul3A_1439 = arith.muli %iota3A, %mul3A_1438 : vector<16xi32>
    %add3A_1440 = arith.constant 1024 : i32
    %add3A_1441 = vector.broadcast %add3A_1440 : i32 to vector<16xi32>
    %add3A_1442 = arith.addi %add3A_1441, %mul3A_1439 : vector<16xi32>
    %add3A_1443 = arith.constant 15 : i32
    %add3A_1444 = vector.broadcast %add3A_1443 : i32 to vector<16xi32>
    %add3A_1445 = arith.addi %add3A_1442, %add3A_1444 : vector<16xi32>
    %gather3A_1446 = tpu.vector_load_idx %arg14[%add3A_1445] : memref<2048xf32, #tpu.memory_space<vmem>>[vector<16xi32>], vector<16xf32>,
    %add3A_1447 = arith.addf %add3A_1436, %gather3A_1446 : vector<16xf32>
    %swap3A_1448 = arith.constant 64 : index
    %swap3A_1449 = tpu.vector_load %arg15[%swap3A_1448] {strides = array<i32>} : memref<128xf32, #tpu.memory_space<vmem>>, vector<16xf32>,
    tpu.vector_store %arg15[%swap3A_1448], %add3A_1447 {strides = array<i32>} : memref<128xf32, #tpu.memory_space<vmem>>, vector<16xf32>,
    %broadcast_in_dim3A_1450 = arith.constant 0.000000e+00 : f32
    %broadcast_in_dim3A_1451 = vector.broadcast %broadcast_in_dim3A_1450 : f32 to vector<16xf32>
    %mul3A_1452 = arith.constant 16 : i32
    %mul3A_1453 = vector.broadcast %mul3A_1452 : i32 to vector<16xi32>
    %mul3A_1454 = arith.muli %iota3A, %mul3A_1453 : vector<16xi32>
    %add3A_1455 = arith.constant 1280 : i32
    %add3A_1456 = vector.broadcast %add3A_1455 : i32 to vector<16xi32>
    %add3A_1457 = arith.addi %add3A_1456, %mul3A_1454 : vector<16xi32>
    %add3A_1458 = arith.constant 0 : i32
    %add3A_1459 = vector.broadcast %add3A_1458 : i32 to vector<16xi32>
    %add3A_1460 = arith.addi %add3A_1457, %add3A_1459 : vector<16xi32>
    %gather3A_1461 = tpu.vector_load_idx %arg14[%add3A_1460] : memref<2048xf32, #tpu.memory_space<vmem>>[vector<16xi32>], vector<16xf32>,
    %add3A_1462 = arith.addf %broadcast_in_dim3A_1451, %gather3A_1461 : vector<16xf32>
    %mul3A_1463 = arith.constant 16 : i32
    %mul3A_1464 = vector.broadcast %mul3A_1463 : i32 to vector<16xi32>
    %mul3A_1465 = arith.muli %iota3A, %mul3A_1464 : vector<16xi32>
    %add3A_1466 = arith.constant 1280 : i32
    %add3A_1467 = vector.broadcast %add3A_1466 : i32 to vector<16xi32>
    %add3A_1468 = arith.addi %add3A_1467, %mul3A_1465 : vector<16xi32>
    %add3A_1469 = arith.constant 1 : i32
    %add3A_1470 = vector.broadcast %add3A_1469 : i32 to vector<16xi32>
    %add3A_1471 = arith.addi %add3A_1468, %add3A_1470 : vector<16xi32>
    %gather3A_1472 = tpu.vector_load_idx %arg14[%add3A_1471] : memref<2048xf32, #tpu.memory_space<vmem>>[vector<16xi32>], vector<16xf32>,
    %add3A_1473 = arith.addf %add3A_1462, %gather3A_1472 : vector<16xf32>
    %mul3A_1474 = arith.constant 16 : i32
    %mul3A_1475 = vector.broadcast %mul3A_1474 : i32 to vector<16xi32>
    %mul3A_1476 = arith.muli %iota3A, %mul3A_1475 : vector<16xi32>
    %add3A_1477 = arith.constant 1280 : i32
    %add3A_1478 = vector.broadcast %add3A_1477 : i32 to vector<16xi32>
    %add3A_1479 = arith.addi %add3A_1478, %mul3A_1476 : vector<16xi32>
    %add3A_1480 = arith.constant 2 : i32
    %add3A_1481 = vector.broadcast %add3A_1480 : i32 to vector<16xi32>
    %add3A_1482 = arith.addi %add3A_1479, %add3A_1481 : vector<16xi32>
    %gather3A_1483 = tpu.vector_load_idx %arg14[%add3A_1482] : memref<2048xf32, #tpu.memory_space<vmem>>[vector<16xi32>], vector<16xf32>,
    %add3A_1484 = arith.addf %add3A_1473, %gather3A_1483 : vector<16xf32>
    %mul3A_1485 = arith.constant 16 : i32
    %mul3A_1486 = vector.broadcast %mul3A_1485 : i32 to vector<16xi32>
    %mul3A_1487 = arith.muli %iota3A, %mul3A_1486 : vector<16xi32>
    %add3A_1488 = arith.constant 1280 : i32
    %add3A_1489 = vector.broadcast %add3A_1488 : i32 to vector<16xi32>
    %add3A_1490 = arith.addi %add3A_1489, %mul3A_1487 : vector<16xi32>
    %add3A_1491 = arith.constant 3 : i32
    %add3A_1492 = vector.broadcast %add3A_1491 : i32 to vector<16xi32>
    %add3A_1493 = arith.addi %add3A_1490, %add3A_1492 : vector<16xi32>
    %gather3A_1494 = tpu.vector_load_idx %arg14[%add3A_1493] : memref<2048xf32, #tpu.memory_space<vmem>>[vector<16xi32>], vector<16xf32>,
    %add3A_1495 = arith.addf %add3A_1484, %gather3A_1494 : vector<16xf32>
    %mul3A_1496 = arith.constant 16 : i32
    %mul3A_1497 = vector.broadcast %mul3A_1496 : i32 to vector<16xi32>
    %mul3A_1498 = arith.muli %iota3A, %mul3A_1497 : vector<16xi32>
    %add3A_1499 = arith.constant 1280 : i32
    %add3A_1500 = vector.broadcast %add3A_1499 : i32 to vector<16xi32>
    %add3A_1501 = arith.addi %add3A_1500, %mul3A_1498 : vector<16xi32>
    %add3A_1502 = arith.constant 4 : i32
    %add3A_1503 = vector.broadcast %add3A_1502 : i32 to vector<16xi32>
    %add3A_1504 = arith.addi %add3A_1501, %add3A_1503 : vector<16xi32>
    %gather3A_1505 = tpu.vector_load_idx %arg14[%add3A_1504] : memref<2048xf32, #tpu.memory_space<vmem>>[vector<16xi32>], vector<16xf32>,
    %add3A_1506 = arith.addf %add3A_1495, %gather3A_1505 : vector<16xf32>
    %mul3A_1507 = arith.constant 16 : i32
    %mul3A_1508 = vector.broadcast %mul3A_1507 : i32 to vector<16xi32>
    %mul3A_1509 = arith.muli %iota3A, %mul3A_1508 : vector<16xi32>
    %add3A_1510 = arith.constant 1280 : i32
    %add3A_1511 = vector.broadcast %add3A_1510 : i32 to vector<16xi32>
    %add3A_1512 = arith.addi %add3A_1511, %mul3A_1509 : vector<16xi32>
    %add3A_1513 = arith.constant 5 : i32
    %add3A_1514 = vector.broadcast %add3A_1513 : i32 to vector<16xi32>
    %add3A_1515 = arith.addi %add3A_1512, %add3A_1514 : vector<16xi32>
    %gather3A_1516 = tpu.vector_load_idx %arg14[%add3A_1515] : memref<2048xf32, #tpu.memory_space<vmem>>[vector<16xi32>], vector<16xf32>,
    %add3A_1517 = arith.addf %add3A_1506, %gather3A_1516 : vector<16xf32>
    %mul3A_1518 = arith.constant 16 : i32
    %mul3A_1519 = vector.broadcast %mul3A_1518 : i32 to vector<16xi32>
    %mul3A_1520 = arith.muli %iota3A, %mul3A_1519 : vector<16xi32>
    %add3A_1521 = arith.constant 1280 : i32
    %add3A_1522 = vector.broadcast %add3A_1521 : i32 to vector<16xi32>
    %add3A_1523 = arith.addi %add3A_1522, %mul3A_1520 : vector<16xi32>
    %add3A_1524 = arith.constant 6 : i32
    %add3A_1525 = vector.broadcast %add3A_1524 : i32 to vector<16xi32>
    %add3A_1526 = arith.addi %add3A_1523, %add3A_1525 : vector<16xi32>
    %gather3A_1527 = tpu.vector_load_idx %arg14[%add3A_1526] : memref<2048xf32, #tpu.memory_space<vmem>>[vector<16xi32>], vector<16xf32>,
    %add3A_1528 = arith.addf %add3A_1517, %gather3A_1527 : vector<16xf32>
    %mul3A_1529 = arith.constant 16 : i32
    %mul3A_1530 = vector.broadcast %mul3A_1529 : i32 to vector<16xi32>
    %mul3A_1531 = arith.muli %iota3A, %mul3A_1530 : vector<16xi32>
    %add3A_1532 = arith.constant 1280 : i32
    %add3A_1533 = vector.broadcast %add3A_1532 : i32 to vector<16xi32>
    %add3A_1534 = arith.addi %add3A_1533, %mul3A_1531 : vector<16xi32>
    %add3A_1535 = arith.constant 7 : i32
    %add3A_1536 = vector.broadcast %add3A_1535 : i32 to vector<16xi32>
    %add3A_1537 = arith.addi %add3A_1534, %add3A_1536 : vector<16xi32>
    %gather3A_1538 = tpu.vector_load_idx %arg14[%add3A_1537] : memref<2048xf32, #tpu.memory_space<vmem>>[vector<16xi32>], vector<16xf32>,
    %add3A_1539 = arith.addf %add3A_1528, %gather3A_1538 : vector<16xf32>
    %mul3A_1540 = arith.constant 16 : i32
    %mul3A_1541 = vector.broadcast %mul3A_1540 : i32 to vector<16xi32>
    %mul3A_1542 = arith.muli %iota3A, %mul3A_1541 : vector<16xi32>
    %add3A_1543 = arith.constant 1280 : i32
    %add3A_1544 = vector.broadcast %add3A_1543 : i32 to vector<16xi32>
    %add3A_1545 = arith.addi %add3A_1544, %mul3A_1542 : vector<16xi32>
    %add3A_1546 = arith.constant 8 : i32
    %add3A_1547 = vector.broadcast %add3A_1546 : i32 to vector<16xi32>
    %add3A_1548 = arith.addi %add3A_1545, %add3A_1547 : vector<16xi32>
    %gather3A_1549 = tpu.vector_load_idx %arg14[%add3A_1548] : memref<2048xf32, #tpu.memory_space<vmem>>[vector<16xi32>], vector<16xf32>,
    %add3A_1550 = arith.addf %add3A_1539, %gather3A_1549 : vector<16xf32>
    %mul3A_1551 = arith.constant 16 : i32
    %mul3A_1552 = vector.broadcast %mul3A_1551 : i32 to vector<16xi32>
    %mul3A_1553 = arith.muli %iota3A, %mul3A_1552 : vector<16xi32>
    %add3A_1554 = arith.constant 1280 : i32
    %add3A_1555 = vector.broadcast %add3A_1554 : i32 to vector<16xi32>
    %add3A_1556 = arith.addi %add3A_1555, %mul3A_1553 : vector<16xi32>
    %add3A_1557 = arith.constant 9 : i32
    %add3A_1558 = vector.broadcast %add3A_1557 : i32 to vector<16xi32>
    %add3A_1559 = arith.addi %add3A_1556, %add3A_1558 : vector<16xi32>
    %gather3A_1560 = tpu.vector_load_idx %arg14[%add3A_1559] : memref<2048xf32, #tpu.memory_space<vmem>>[vector<16xi32>], vector<16xf32>,
    %add3A_1561 = arith.addf %add3A_1550, %gather3A_1560 : vector<16xf32>
    %mul3A_1562 = arith.constant 16 : i32
    %mul3A_1563 = vector.broadcast %mul3A_1562 : i32 to vector<16xi32>
    %mul3A_1564 = arith.muli %iota3A, %mul3A_1563 : vector<16xi32>
    %add3A_1565 = arith.constant 1280 : i32
    %add3A_1566 = vector.broadcast %add3A_1565 : i32 to vector<16xi32>
    %add3A_1567 = arith.addi %add3A_1566, %mul3A_1564 : vector<16xi32>
    %add3A_1568 = arith.constant 10 : i32
    %add3A_1569 = vector.broadcast %add3A_1568 : i32 to vector<16xi32>
    %add3A_1570 = arith.addi %add3A_1567, %add3A_1569 : vector<16xi32>
    %gather3A_1571 = tpu.vector_load_idx %arg14[%add3A_1570] : memref<2048xf32, #tpu.memory_space<vmem>>[vector<16xi32>], vector<16xf32>,
    %add3A_1572 = arith.addf %add3A_1561, %gather3A_1571 : vector<16xf32>
    %mul3A_1573 = arith.constant 16 : i32
    %mul3A_1574 = vector.broadcast %mul3A_1573 : i32 to vector<16xi32>
    %mul3A_1575 = arith.muli %iota3A, %mul3A_1574 : vector<16xi32>
    %add3A_1576 = arith.constant 1280 : i32
    %add3A_1577 = vector.broadcast %add3A_1576 : i32 to vector<16xi32>
    %add3A_1578 = arith.addi %add3A_1577, %mul3A_1575 : vector<16xi32>
    %add3A_1579 = arith.constant 11 : i32
    %add3A_1580 = vector.broadcast %add3A_1579 : i32 to vector<16xi32>
    %add3A_1581 = arith.addi %add3A_1578, %add3A_1580 : vector<16xi32>
    %gather3A_1582 = tpu.vector_load_idx %arg14[%add3A_1581] : memref<2048xf32, #tpu.memory_space<vmem>>[vector<16xi32>], vector<16xf32>,
    %add3A_1583 = arith.addf %add3A_1572, %gather3A_1582 : vector<16xf32>
    %mul3A_1584 = arith.constant 16 : i32
    %mul3A_1585 = vector.broadcast %mul3A_1584 : i32 to vector<16xi32>
    %mul3A_1586 = arith.muli %iota3A, %mul3A_1585 : vector<16xi32>
    %add3A_1587 = arith.constant 1280 : i32
    %add3A_1588 = vector.broadcast %add3A_1587 : i32 to vector<16xi32>
    %add3A_1589 = arith.addi %add3A_1588, %mul3A_1586 : vector<16xi32>
    %add3A_1590 = arith.constant 12 : i32
    %add3A_1591 = vector.broadcast %add3A_1590 : i32 to vector<16xi32>
    %add3A_1592 = arith.addi %add3A_1589, %add3A_1591 : vector<16xi32>
    %gather3A_1593 = tpu.vector_load_idx %arg14[%add3A_1592] : memref<2048xf32, #tpu.memory_space<vmem>>[vector<16xi32>], vector<16xf32>,
    %add3A_1594 = arith.addf %add3A_1583, %gather3A_1593 : vector<16xf32>
    %mul3A_1595 = arith.constant 16 : i32
    %mul3A_1596 = vector.broadcast %mul3A_1595 : i32 to vector<16xi32>
    %mul3A_1597 = arith.muli %iota3A, %mul3A_1596 : vector<16xi32>
    %add3A_1598 = arith.constant 1280 : i32
    %add3A_1599 = vector.broadcast %add3A_1598 : i32 to vector<16xi32>
    %add3A_1600 = arith.addi %add3A_1599, %mul3A_1597 : vector<16xi32>
    %add3A_1601 = arith.constant 13 : i32
    %add3A_1602 = vector.broadcast %add3A_1601 : i32 to vector<16xi32>
    %add3A_1603 = arith.addi %add3A_1600, %add3A_1602 : vector<16xi32>
    %gather3A_1604 = tpu.vector_load_idx %arg14[%add3A_1603] : memref<2048xf32, #tpu.memory_space<vmem>>[vector<16xi32>], vector<16xf32>,
    %add3A_1605 = arith.addf %add3A_1594, %gather3A_1604 : vector<16xf32>
    %mul3A_1606 = arith.constant 16 : i32
    %mul3A_1607 = vector.broadcast %mul3A_1606 : i32 to vector<16xi32>
    %mul3A_1608 = arith.muli %iota3A, %mul3A_1607 : vector<16xi32>
    %add3A_1609 = arith.constant 1280 : i32
    %add3A_1610 = vector.broadcast %add3A_1609 : i32 to vector<16xi32>
    %add3A_1611 = arith.addi %add3A_1610, %mul3A_1608 : vector<16xi32>
    %add3A_1612 = arith.constant 14 : i32
    %add3A_1613 = vector.broadcast %add3A_1612 : i32 to vector<16xi32>
    %add3A_1614 = arith.addi %add3A_1611, %add3A_1613 : vector<16xi32>
    %gather3A_1615 = tpu.vector_load_idx %arg14[%add3A_1614] : memref<2048xf32, #tpu.memory_space<vmem>>[vector<16xi32>], vector<16xf32>,
    %add3A_1616 = arith.addf %add3A_1605, %gather3A_1615 : vector<16xf32>
    %mul3A_1617 = arith.constant 16 : i32
    %mul3A_1618 = vector.broadcast %mul3A_1617 : i32 to vector<16xi32>
    %mul3A_1619 = arith.muli %iota3A, %mul3A_1618 : vector<16xi32>
    %add3A_1620 = arith.constant 1280 : i32
    %add3A_1621 = vector.broadcast %add3A_1620 : i32 to vector<16xi32>
    %add3A_1622 = arith.addi %add3A_1621, %mul3A_1619 : vector<16xi32>
    %add3A_1623 = arith.constant 15 : i32
    %add3A_1624 = vector.broadcast %add3A_1623 : i32 to vector<16xi32>
    %add3A_1625 = arith.addi %add3A_1622, %add3A_1624 : vector<16xi32>
    %gather3A_1626 = tpu.vector_load_idx %arg14[%add3A_1625] : memref<2048xf32, #tpu.memory_space<vmem>>[vector<16xi32>], vector<16xf32>,
    %add3A_1627 = arith.addf %add3A_1616, %gather3A_1626 : vector<16xf32>
    %swap3A_1628 = arith.constant 80 : index
    %swap3A_1629 = tpu.vector_load %arg15[%swap3A_1628] {strides = array<i32>} : memref<128xf32, #tpu.memory_space<vmem>>, vector<16xf32>,
    tpu.vector_store %arg15[%swap3A_1628], %add3A_1627 {strides = array<i32>} : memref<128xf32, #tpu.memory_space<vmem>>, vector<16xf32>,
    %broadcast_in_dim3A_1630 = arith.constant 0.000000e+00 : f32
    %broadcast_in_dim3A_1631 = vector.broadcast %broadcast_in_dim3A_1630 : f32 to vector<16xf32>
    %mul3A_1632 = arith.constant 16 : i32
    %mul3A_1633 = vector.broadcast %mul3A_1632 : i32 to vector<16xi32>
    %mul3A_1634 = arith.muli %iota3A, %mul3A_1633 : vector<16xi32>
    %add3A_1635 = arith.constant 1536 : i32
    %add3A_1636 = vector.broadcast %add3A_1635 : i32 to vector<16xi32>
    %add3A_1637 = arith.addi %add3A_1636, %mul3A_1634 : vector<16xi32>
    %add3A_1638 = arith.constant 0 : i32
    %add3A_1639 = vector.broadcast %add3A_1638 : i32 to vector<16xi32>
    %add3A_1640 = arith.addi %add3A_1637, %add3A_1639 : vector<16xi32>
    %gather3A_1641 = tpu.vector_load_idx %arg14[%add3A_1640] : memref<2048xf32, #tpu.memory_space<vmem>>[vector<16xi32>], vector<16xf32>,
    %add3A_1642 = arith.addf %broadcast_in_dim3A_1631, %gather3A_1641 : vector<16xf32>
    %mul3A_1643 = arith.constant 16 : i32
    %mul3A_1644 = vector.broadcast %mul3A_1643 : i32 to vector<16xi32>
    %mul3A_1645 = arith.muli %iota3A, %mul3A_1644 : vector<16xi32>
    %add3A_1646 = arith.constant 1536 : i32
    %add3A_1647 = vector.broadcast %add3A_1646 : i32 to vector<16xi32>
    %add3A_1648 = arith.addi %add3A_1647, %mul3A_1645 : vector<16xi32>
    %add3A_1649 = arith.constant 1 : i32
    %add3A_1650 = vector.broadcast %add3A_1649 : i32 to vector<16xi32>
    %add3A_1651 = arith.addi %add3A_1648, %add3A_1650 : vector<16xi32>
    %gather3A_1652 = tpu.vector_load_idx %arg14[%add3A_1651] : memref<2048xf32, #tpu.memory_space<vmem>>[vector<16xi32>], vector<16xf32>,
    %add3A_1653 = arith.addf %add3A_1642, %gather3A_1652 : vector<16xf32>
    %mul3A_1654 = arith.constant 16 : i32
    %mul3A_1655 = vector.broadcast %mul3A_1654 : i32 to vector<16xi32>
    %mul3A_1656 = arith.muli %iota3A, %mul3A_1655 : vector<16xi32>
    %add3A_1657 = arith.constant 1536 : i32
    %add3A_1658 = vector.broadcast %add3A_1657 : i32 to vector<16xi32>
    %add3A_1659 = arith.addi %add3A_1658, %mul3A_1656 : vector<16xi32>
    %add3A_1660 = arith.constant 2 : i32
    %add3A_1661 = vector.broadcast %add3A_1660 : i32 to vector<16xi32>
    %add3A_1662 = arith.addi %add3A_1659, %add3A_1661 : vector<16xi32>
    %gather3A_1663 = tpu.vector_load_idx %arg14[%add3A_1662] : memref<2048xf32, #tpu.memory_space<vmem>>[vector<16xi32>], vector<16xf32>,
    %add3A_1664 = arith.addf %add3A_1653, %gather3A_1663 : vector<16xf32>
    %mul3A_1665 = arith.constant 16 : i32
    %mul3A_1666 = vector.broadcast %mul3A_1665 : i32 to vector<16xi32>
    %mul3A_1667 = arith.muli %iota3A, %mul3A_1666 : vector<16xi32>
    %add3A_1668 = arith.constant 1536 : i32
    %add3A_1669 = vector.broadcast %add3A_1668 : i32 to vector<16xi32>
    %add3A_1670 = arith.addi %add3A_1669, %mul3A_1667 : vector<16xi32>
    %add3A_1671 = arith.constant 3 : i32
    %add3A_1672 = vector.broadcast %add3A_1671 : i32 to vector<16xi32>
    %add3A_1673 = arith.addi %add3A_1670, %add3A_1672 : vector<16xi32>
    %gather3A_1674 = tpu.vector_load_idx %arg14[%add3A_1673] : memref<2048xf32, #tpu.memory_space<vmem>>[vector<16xi32>], vector<16xf32>,
    %add3A_1675 = arith.addf %add3A_1664, %gather3A_1674 : vector<16xf32>
    %mul3A_1676 = arith.constant 16 : i32
    %mul3A_1677 = vector.broadcast %mul3A_1676 : i32 to vector<16xi32>
    %mul3A_1678 = arith.muli %iota3A, %mul3A_1677 : vector<16xi32>
    %add3A_1679 = arith.constant 1536 : i32
    %add3A_1680 = vector.broadcast %add3A_1679 : i32 to vector<16xi32>
    %add3A_1681 = arith.addi %add3A_1680, %mul3A_1678 : vector<16xi32>
    %add3A_1682 = arith.constant 4 : i32
    %add3A_1683 = vector.broadcast %add3A_1682 : i32 to vector<16xi32>
    %add3A_1684 = arith.addi %add3A_1681, %add3A_1683 : vector<16xi32>
    %gather3A_1685 = tpu.vector_load_idx %arg14[%add3A_1684] : memref<2048xf32, #tpu.memory_space<vmem>>[vector<16xi32>], vector<16xf32>,
    %add3A_1686 = arith.addf %add3A_1675, %gather3A_1685 : vector<16xf32>
    %mul3A_1687 = arith.constant 16 : i32
    %mul3A_1688 = vector.broadcast %mul3A_1687 : i32 to vector<16xi32>
    %mul3A_1689 = arith.muli %iota3A, %mul3A_1688 : vector<16xi32>
    %add3A_1690 = arith.constant 1536 : i32
    %add3A_1691 = vector.broadcast %add3A_1690 : i32 to vector<16xi32>
    %add3A_1692 = arith.addi %add3A_1691, %mul3A_1689 : vector<16xi32>
    %add3A_1693 = arith.constant 5 : i32
    %add3A_1694 = vector.broadcast %add3A_1693 : i32 to vector<16xi32>
    %add3A_1695 = arith.addi %add3A_1692, %add3A_1694 : vector<16xi32>
    %gather3A_1696 = tpu.vector_load_idx %arg14[%add3A_1695] : memref<2048xf32, #tpu.memory_space<vmem>>[vector<16xi32>], vector<16xf32>,
    %add3A_1697 = arith.addf %add3A_1686, %gather3A_1696 : vector<16xf32>
    %mul3A_1698 = arith.constant 16 : i32
    %mul3A_1699 = vector.broadcast %mul3A_1698 : i32 to vector<16xi32>
    %mul3A_1700 = arith.muli %iota3A, %mul3A_1699 : vector<16xi32>
    %add3A_1701 = arith.constant 1536 : i32
    %add3A_1702 = vector.broadcast %add3A_1701 : i32 to vector<16xi32>
    %add3A_1703 = arith.addi %add3A_1702, %mul3A_1700 : vector<16xi32>
    %add3A_1704 = arith.constant 6 : i32
    %add3A_1705 = vector.broadcast %add3A_1704 : i32 to vector<16xi32>
    %add3A_1706 = arith.addi %add3A_1703, %add3A_1705 : vector<16xi32>
    %gather3A_1707 = tpu.vector_load_idx %arg14[%add3A_1706] : memref<2048xf32, #tpu.memory_space<vmem>>[vector<16xi32>], vector<16xf32>,
    %add3A_1708 = arith.addf %add3A_1697, %gather3A_1707 : vector<16xf32>
    %mul3A_1709 = arith.constant 16 : i32
    %mul3A_1710 = vector.broadcast %mul3A_1709 : i32 to vector<16xi32>
    %mul3A_1711 = arith.muli %iota3A, %mul3A_1710 : vector<16xi32>
    %add3A_1712 = arith.constant 1536 : i32
    %add3A_1713 = vector.broadcast %add3A_1712 : i32 to vector<16xi32>
    %add3A_1714 = arith.addi %add3A_1713, %mul3A_1711 : vector<16xi32>
    %add3A_1715 = arith.constant 7 : i32
    %add3A_1716 = vector.broadcast %add3A_1715 : i32 to vector<16xi32>
    %add3A_1717 = arith.addi %add3A_1714, %add3A_1716 : vector<16xi32>
    %gather3A_1718 = tpu.vector_load_idx %arg14[%add3A_1717] : memref<2048xf32, #tpu.memory_space<vmem>>[vector<16xi32>], vector<16xf32>,
    %add3A_1719 = arith.addf %add3A_1708, %gather3A_1718 : vector<16xf32>
    %mul3A_1720 = arith.constant 16 : i32
    %mul3A_1721 = vector.broadcast %mul3A_1720 : i32 to vector<16xi32>
    %mul3A_1722 = arith.muli %iota3A, %mul3A_1721 : vector<16xi32>
    %add3A_1723 = arith.constant 1536 : i32
    %add3A_1724 = vector.broadcast %add3A_1723 : i32 to vector<16xi32>
    %add3A_1725 = arith.addi %add3A_1724, %mul3A_1722 : vector<16xi32>
    %add3A_1726 = arith.constant 8 : i32
    %add3A_1727 = vector.broadcast %add3A_1726 : i32 to vector<16xi32>
    %add3A_1728 = arith.addi %add3A_1725, %add3A_1727 : vector<16xi32>
    %gather3A_1729 = tpu.vector_load_idx %arg14[%add3A_1728] : memref<2048xf32, #tpu.memory_space<vmem>>[vector<16xi32>], vector<16xf32>,
    %add3A_1730 = arith.addf %add3A_1719, %gather3A_1729 : vector<16xf32>
    %mul3A_1731 = arith.constant 16 : i32
    %mul3A_1732 = vector.broadcast %mul3A_1731 : i32 to vector<16xi32>
    %mul3A_1733 = arith.muli %iota3A, %mul3A_1732 : vector<16xi32>
    %add3A_1734 = arith.constant 1536 : i32
    %add3A_1735 = vector.broadcast %add3A_1734 : i32 to vector<16xi32>
    %add3A_1736 = arith.addi %add3A_1735, %mul3A_1733 : vector<16xi32>
    %add3A_1737 = arith.constant 9 : i32
    %add3A_1738 = vector.broadcast %add3A_1737 : i32 to vector<16xi32>
    %add3A_1739 = arith.addi %add3A_1736, %add3A_1738 : vector<16xi32>
    %gather3A_1740 = tpu.vector_load_idx %arg14[%add3A_1739] : memref<2048xf32, #tpu.memory_space<vmem>>[vector<16xi32>], vector<16xf32>,
    %add3A_1741 = arith.addf %add3A_1730, %gather3A_1740 : vector<16xf32>
    %mul3A_1742 = arith.constant 16 : i32
    %mul3A_1743 = vector.broadcast %mul3A_1742 : i32 to vector<16xi32>
    %mul3A_1744 = arith.muli %iota3A, %mul3A_1743 : vector<16xi32>
    %add3A_1745 = arith.constant 1536 : i32
    %add3A_1746 = vector.broadcast %add3A_1745 : i32 to vector<16xi32>
    %add3A_1747 = arith.addi %add3A_1746, %mul3A_1744 : vector<16xi32>
    %add3A_1748 = arith.constant 10 : i32
    %add3A_1749 = vector.broadcast %add3A_1748 : i32 to vector<16xi32>
    %add3A_1750 = arith.addi %add3A_1747, %add3A_1749 : vector<16xi32>
    %gather3A_1751 = tpu.vector_load_idx %arg14[%add3A_1750] : memref<2048xf32, #tpu.memory_space<vmem>>[vector<16xi32>], vector<16xf32>,
    %add3A_1752 = arith.addf %add3A_1741, %gather3A_1751 : vector<16xf32>
    %mul3A_1753 = arith.constant 16 : i32
    %mul3A_1754 = vector.broadcast %mul3A_1753 : i32 to vector<16xi32>
    %mul3A_1755 = arith.muli %iota3A, %mul3A_1754 : vector<16xi32>
    %add3A_1756 = arith.constant 1536 : i32
    %add3A_1757 = vector.broadcast %add3A_1756 : i32 to vector<16xi32>
    %add3A_1758 = arith.addi %add3A_1757, %mul3A_1755 : vector<16xi32>
    %add3A_1759 = arith.constant 11 : i32
    %add3A_1760 = vector.broadcast %add3A_1759 : i32 to vector<16xi32>
    %add3A_1761 = arith.addi %add3A_1758, %add3A_1760 : vector<16xi32>
    %gather3A_1762 = tpu.vector_load_idx %arg14[%add3A_1761] : memref<2048xf32, #tpu.memory_space<vmem>>[vector<16xi32>], vector<16xf32>,
    %add3A_1763 = arith.addf %add3A_1752, %gather3A_1762 : vector<16xf32>
    %mul3A_1764 = arith.constant 16 : i32
    %mul3A_1765 = vector.broadcast %mul3A_1764 : i32 to vector<16xi32>
    %mul3A_1766 = arith.muli %iota3A, %mul3A_1765 : vector<16xi32>
    %add3A_1767 = arith.constant 1536 : i32
    %add3A_1768 = vector.broadcast %add3A_1767 : i32 to vector<16xi32>
    %add3A_1769 = arith.addi %add3A_1768, %mul3A_1766 : vector<16xi32>
    %add3A_1770 = arith.constant 12 : i32
    %add3A_1771 = vector.broadcast %add3A_1770 : i32 to vector<16xi32>
    %add3A_1772 = arith.addi %add3A_1769, %add3A_1771 : vector<16xi32>
    %gather3A_1773 = tpu.vector_load_idx %arg14[%add3A_1772] : memref<2048xf32, #tpu.memory_space<vmem>>[vector<16xi32>], vector<16xf32>,
    %add3A_1774 = arith.addf %add3A_1763, %gather3A_1773 : vector<16xf32>
    %mul3A_1775 = arith.constant 16 : i32
    %mul3A_1776 = vector.broadcast %mul3A_1775 : i32 to vector<16xi32>
    %mul3A_1777 = arith.muli %iota3A, %mul3A_1776 : vector<16xi32>
    %add3A_1778 = arith.constant 1536 : i32
    %add3A_1779 = vector.broadcast %add3A_1778 : i32 to vector<16xi32>
    %add3A_1780 = arith.addi %add3A_1779, %mul3A_1777 : vector<16xi32>
    %add3A_1781 = arith.constant 13 : i32
    %add3A_1782 = vector.broadcast %add3A_1781 : i32 to vector<16xi32>
    %add3A_1783 = arith.addi %add3A_1780, %add3A_1782 : vector<16xi32>
    %gather3A_1784 = tpu.vector_load_idx %arg14[%add3A_1783] : memref<2048xf32, #tpu.memory_space<vmem>>[vector<16xi32>], vector<16xf32>,
    %add3A_1785 = arith.addf %add3A_1774, %gather3A_1784 : vector<16xf32>
    %mul3A_1786 = arith.constant 16 : i32
    %mul3A_1787 = vector.broadcast %mul3A_1786 : i32 to vector<16xi32>
    %mul3A_1788 = arith.muli %iota3A, %mul3A_1787 : vector<16xi32>
    %add3A_1789 = arith.constant 1536 : i32
    %add3A_1790 = vector.broadcast %add3A_1789 : i32 to vector<16xi32>
    %add3A_1791 = arith.addi %add3A_1790, %mul3A_1788 : vector<16xi32>
    %add3A_1792 = arith.constant 14 : i32
    %add3A_1793 = vector.broadcast %add3A_1792 : i32 to vector<16xi32>
    %add3A_1794 = arith.addi %add3A_1791, %add3A_1793 : vector<16xi32>
    %gather3A_1795 = tpu.vector_load_idx %arg14[%add3A_1794] : memref<2048xf32, #tpu.memory_space<vmem>>[vector<16xi32>], vector<16xf32>,
    %add3A_1796 = arith.addf %add3A_1785, %gather3A_1795 : vector<16xf32>
    %mul3A_1797 = arith.constant 16 : i32
    %mul3A_1798 = vector.broadcast %mul3A_1797 : i32 to vector<16xi32>
    %mul3A_1799 = arith.muli %iota3A, %mul3A_1798 : vector<16xi32>
    %add3A_1800 = arith.constant 1536 : i32
    %add3A_1801 = vector.broadcast %add3A_1800 : i32 to vector<16xi32>
    %add3A_1802 = arith.addi %add3A_1801, %mul3A_1799 : vector<16xi32>
    %add3A_1803 = arith.constant 15 : i32
    %add3A_1804 = vector.broadcast %add3A_1803 : i32 to vector<16xi32>
    %add3A_1805 = arith.addi %add3A_1802, %add3A_1804 : vector<16xi32>
    %gather3A_1806 = tpu.vector_load_idx %arg14[%add3A_1805] : memref<2048xf32, #tpu.memory_space<vmem>>[vector<16xi32>], vector<16xf32>,
    %add3A_1807 = arith.addf %add3A_1796, %gather3A_1806 : vector<16xf32>
    %swap3A_1808 = arith.constant 96 : index
    %swap3A_1809 = tpu.vector_load %arg15[%swap3A_1808] {strides = array<i32>} : memref<128xf32, #tpu.memory_space<vmem>>, vector<16xf32>,
    tpu.vector_store %arg15[%swap3A_1808], %add3A_1807 {strides = array<i32>} : memref<128xf32, #tpu.memory_space<vmem>>, vector<16xf32>,
    %broadcast_in_dim3A_1810 = arith.constant 0.000000e+00 : f32
    %broadcast_in_dim3A_1811 = vector.broadcast %broadcast_in_dim3A_1810 : f32 to vector<16xf32>
    %mul3A_1812 = arith.constant 16 : i32
    %mul3A_1813 = vector.broadcast %mul3A_1812 : i32 to vector<16xi32>
    %mul3A_1814 = arith.muli %iota3A, %mul3A_1813 : vector<16xi32>
    %add3A_1815 = arith.constant 1792 : i32
    %add3A_1816 = vector.broadcast %add3A_1815 : i32 to vector<16xi32>
    %add3A_1817 = arith.addi %add3A_1816, %mul3A_1814 : vector<16xi32>
    %add3A_1818 = arith.constant 0 : i32
    %add3A_1819 = vector.broadcast %add3A_1818 : i32 to vector<16xi32>
    %add3A_1820 = arith.addi %add3A_1817, %add3A_1819 : vector<16xi32>
    %gather3A_1821 = tpu.vector_load_idx %arg14[%add3A_1820] : memref<2048xf32, #tpu.memory_space<vmem>>[vector<16xi32>], vector<16xf32>,
    %add3A_1822 = arith.addf %broadcast_in_dim3A_1811, %gather3A_1821 : vector<16xf32>
    %mul3A_1823 = arith.constant 16 : i32
    %mul3A_1824 = vector.broadcast %mul3A_1823 : i32 to vector<16xi32>
    %mul3A_1825 = arith.muli %iota3A, %mul3A_1824 : vector<16xi32>
    %add3A_1826 = arith.constant 1792 : i32
    %add3A_1827 = vector.broadcast %add3A_1826 : i32 to vector<16xi32>
    %add3A_1828 = arith.addi %add3A_1827, %mul3A_1825 : vector<16xi32>
    %add3A_1829 = arith.constant 1 : i32
    %add3A_1830 = vector.broadcast %add3A_1829 : i32 to vector<16xi32>
    %add3A_1831 = arith.addi %add3A_1828, %add3A_1830 : vector<16xi32>
    %gather3A_1832 = tpu.vector_load_idx %arg14[%add3A_1831] : memref<2048xf32, #tpu.memory_space<vmem>>[vector<16xi32>], vector<16xf32>,
    %add3A_1833 = arith.addf %add3A_1822, %gather3A_1832 : vector<16xf32>
    %mul3A_1834 = arith.constant 16 : i32
    %mul3A_1835 = vector.broadcast %mul3A_1834 : i32 to vector<16xi32>
    %mul3A_1836 = arith.muli %iota3A, %mul3A_1835 : vector<16xi32>
    %add3A_1837 = arith.constant 1792 : i32
    %add3A_1838 = vector.broadcast %add3A_1837 : i32 to vector<16xi32>
    %add3A_1839 = arith.addi %add3A_1838, %mul3A_1836 : vector<16xi32>
    %add3A_1840 = arith.constant 2 : i32
    %add3A_1841 = vector.broadcast %add3A_1840 : i32 to vector<16xi32>
    %add3A_1842 = arith.addi %add3A_1839, %add3A_1841 : vector<16xi32>
    %gather3A_1843 = tpu.vector_load_idx %arg14[%add3A_1842] : memref<2048xf32, #tpu.memory_space<vmem>>[vector<16xi32>], vector<16xf32>,
    %add3A_1844 = arith.addf %add3A_1833, %gather3A_1843 : vector<16xf32>
    %mul3A_1845 = arith.constant 16 : i32
    %mul3A_1846 = vector.broadcast %mul3A_1845 : i32 to vector<16xi32>
    %mul3A_1847 = arith.muli %iota3A, %mul3A_1846 : vector<16xi32>
    %add3A_1848 = arith.constant 1792 : i32
    %add3A_1849 = vector.broadcast %add3A_1848 : i32 to vector<16xi32>
    %add3A_1850 = arith.addi %add3A_1849, %mul3A_1847 : vector<16xi32>
    %add3A_1851 = arith.constant 3 : i32
    %add3A_1852 = vector.broadcast %add3A_1851 : i32 to vector<16xi32>
    %add3A_1853 = arith.addi %add3A_1850, %add3A_1852 : vector<16xi32>
    %gather3A_1854 = tpu.vector_load_idx %arg14[%add3A_1853] : memref<2048xf32, #tpu.memory_space<vmem>>[vector<16xi32>], vector<16xf32>,
    %add3A_1855 = arith.addf %add3A_1844, %gather3A_1854 : vector<16xf32>
    %mul3A_1856 = arith.constant 16 : i32
    %mul3A_1857 = vector.broadcast %mul3A_1856 : i32 to vector<16xi32>
    %mul3A_1858 = arith.muli %iota3A, %mul3A_1857 : vector<16xi32>
    %add3A_1859 = arith.constant 1792 : i32
    %add3A_1860 = vector.broadcast %add3A_1859 : i32 to vector<16xi32>
    %add3A_1861 = arith.addi %add3A_1860, %mul3A_1858 : vector<16xi32>
    %add3A_1862 = arith.constant 4 : i32
    %add3A_1863 = vector.broadcast %add3A_1862 : i32 to vector<16xi32>
    %add3A_1864 = arith.addi %add3A_1861, %add3A_1863 : vector<16xi32>
    %gather3A_1865 = tpu.vector_load_idx %arg14[%add3A_1864] : memref<2048xf32, #tpu.memory_space<vmem>>[vector<16xi32>], vector<16xf32>,
    %add3A_1866 = arith.addf %add3A_1855, %gather3A_1865 : vector<16xf32>
    %mul3A_1867 = arith.constant 16 : i32
    %mul3A_1868 = vector.broadcast %mul3A_1867 : i32 to vector<16xi32>
    %mul3A_1869 = arith.muli %iota3A, %mul3A_1868 : vector<16xi32>
    %add3A_1870 = arith.constant 1792 : i32
    %add3A_1871 = vector.broadcast %add3A_1870 : i32 to vector<16xi32>
    %add3A_1872 = arith.addi %add3A_1871, %mul3A_1869 : vector<16xi32>
    %add3A_1873 = arith.constant 5 : i32
    %add3A_1874 = vector.broadcast %add3A_1873 : i32 to vector<16xi32>
    %add3A_1875 = arith.addi %add3A_1872, %add3A_1874 : vector<16xi32>
    %gather3A_1876 = tpu.vector_load_idx %arg14[%add3A_1875] : memref<2048xf32, #tpu.memory_space<vmem>>[vector<16xi32>], vector<16xf32>,
    %add3A_1877 = arith.addf %add3A_1866, %gather3A_1876 : vector<16xf32>
    %mul3A_1878 = arith.constant 16 : i32
    %mul3A_1879 = vector.broadcast %mul3A_1878 : i32 to vector<16xi32>
    %mul3A_1880 = arith.muli %iota3A, %mul3A_1879 : vector<16xi32>
    %add3A_1881 = arith.constant 1792 : i32
    %add3A_1882 = vector.broadcast %add3A_1881 : i32 to vector<16xi32>
    %add3A_1883 = arith.addi %add3A_1882, %mul3A_1880 : vector<16xi32>
    %add3A_1884 = arith.constant 6 : i32
    %add3A_1885 = vector.broadcast %add3A_1884 : i32 to vector<16xi32>
    %add3A_1886 = arith.addi %add3A_1883, %add3A_1885 : vector<16xi32>
    %gather3A_1887 = tpu.vector_load_idx %arg14[%add3A_1886] : memref<2048xf32, #tpu.memory_space<vmem>>[vector<16xi32>], vector<16xf32>,
    %add3A_1888 = arith.addf %add3A_1877, %gather3A_1887 : vector<16xf32>
    %mul3A_1889 = arith.constant 16 : i32
    %mul3A_1890 = vector.broadcast %mul3A_1889 : i32 to vector<16xi32>
    %mul3A_1891 = arith.muli %iota3A, %mul3A_1890 : vector<16xi32>
    %add3A_1892 = arith.constant 1792 : i32
    %add3A_1893 = vector.broadcast %add3A_1892 : i32 to vector<16xi32>
    %add3A_1894 = arith.addi %add3A_1893, %mul3A_1891 : vector<16xi32>
    %add3A_1895 = arith.constant 7 : i32
    %add3A_1896 = vector.broadcast %add3A_1895 : i32 to vector<16xi32>
    %add3A_1897 = arith.addi %add3A_1894, %add3A_1896 : vector<16xi32>
    %gather3A_1898 = tpu.vector_load_idx %arg14[%add3A_1897] : memref<2048xf32, #tpu.memory_space<vmem>>[vector<16xi32>], vector<16xf32>,
    %add3A_1899 = arith.addf %add3A_1888, %gather3A_1898 : vector<16xf32>
    %mul3A_1900 = arith.constant 16 : i32
    %mul3A_1901 = vector.broadcast %mul3A_1900 : i32 to vector<16xi32>
    %mul3A_1902 = arith.muli %iota3A, %mul3A_1901 : vector<16xi32>
    %add3A_1903 = arith.constant 1792 : i32
    %add3A_1904 = vector.broadcast %add3A_1903 : i32 to vector<16xi32>
    %add3A_1905 = arith.addi %add3A_1904, %mul3A_1902 : vector<16xi32>
    %add3A_1906 = arith.constant 8 : i32
    %add3A_1907 = vector.broadcast %add3A_1906 : i32 to vector<16xi32>
    %add3A_1908 = arith.addi %add3A_1905, %add3A_1907 : vector<16xi32>
    %gather3A_1909 = tpu.vector_load_idx %arg14[%add3A_1908] : memref<2048xf32, #tpu.memory_space<vmem>>[vector<16xi32>], vector<16xf32>,
    %add3A_1910 = arith.addf %add3A_1899, %gather3A_1909 : vector<16xf32>
    %mul3A_1911 = arith.constant 16 : i32
    %mul3A_1912 = vector.broadcast %mul3A_1911 : i32 to vector<16xi32>
    %mul3A_1913 = arith.muli %iota3A, %mul3A_1912 : vector<16xi32>
    %add3A_1914 = arith.constant 1792 : i32
    %add3A_1915 = vector.broadcast %add3A_1914 : i32 to vector<16xi32>
    %add3A_1916 = arith.addi %add3A_1915, %mul3A_1913 : vector<16xi32>
    %add3A_1917 = arith.constant 9 : i32
    %add3A_1918 = vector.broadcast %add3A_1917 : i32 to vector<16xi32>
    %add3A_1919 = arith.addi %add3A_1916, %add3A_1918 : vector<16xi32>
    %gather3A_1920 = tpu.vector_load_idx %arg14[%add3A_1919] : memref<2048xf32, #tpu.memory_space<vmem>>[vector<16xi32>], vector<16xf32>,
    %add3A_1921 = arith.addf %add3A_1910, %gather3A_1920 : vector<16xf32>
    %mul3A_1922 = arith.constant 16 : i32
    %mul3A_1923 = vector.broadcast %mul3A_1922 : i32 to vector<16xi32>
    %mul3A_1924 = arith.muli %iota3A, %mul3A_1923 : vector<16xi32>
    %add3A_1925 = arith.constant 1792 : i32
    %add3A_1926 = vector.broadcast %add3A_1925 : i32 to vector<16xi32>
    %add3A_1927 = arith.addi %add3A_1926, %mul3A_1924 : vector<16xi32>
    %add3A_1928 = arith.constant 10 : i32
    %add3A_1929 = vector.broadcast %add3A_1928 : i32 to vector<16xi32>
    %add3A_1930 = arith.addi %add3A_1927, %add3A_1929 : vector<16xi32>
    %gather3A_1931 = tpu.vector_load_idx %arg14[%add3A_1930] : memref<2048xf32, #tpu.memory_space<vmem>>[vector<16xi32>], vector<16xf32>,
    %add3A_1932 = arith.addf %add3A_1921, %gather3A_1931 : vector<16xf32>
    %mul3A_1933 = arith.constant 16 : i32
    %mul3A_1934 = vector.broadcast %mul3A_1933 : i32 to vector<16xi32>
    %mul3A_1935 = arith.muli %iota3A, %mul3A_1934 : vector<16xi32>
    %add3A_1936 = arith.constant 1792 : i32
    %add3A_1937 = vector.broadcast %add3A_1936 : i32 to vector<16xi32>
    %add3A_1938 = arith.addi %add3A_1937, %mul3A_1935 : vector<16xi32>
    %add3A_1939 = arith.constant 11 : i32
    %add3A_1940 = vector.broadcast %add3A_1939 : i32 to vector<16xi32>
    %add3A_1941 = arith.addi %add3A_1938, %add3A_1940 : vector<16xi32>
    %gather3A_1942 = tpu.vector_load_idx %arg14[%add3A_1941] : memref<2048xf32, #tpu.memory_space<vmem>>[vector<16xi32>], vector<16xf32>,
    %add3A_1943 = arith.addf %add3A_1932, %gather3A_1942 : vector<16xf32>
    %mul3A_1944 = arith.constant 16 : i32
    %mul3A_1945 = vector.broadcast %mul3A_1944 : i32 to vector<16xi32>
    %mul3A_1946 = arith.muli %iota3A, %mul3A_1945 : vector<16xi32>
    %add3A_1947 = arith.constant 1792 : i32
    %add3A_1948 = vector.broadcast %add3A_1947 : i32 to vector<16xi32>
    %add3A_1949 = arith.addi %add3A_1948, %mul3A_1946 : vector<16xi32>
    %add3A_1950 = arith.constant 12 : i32
    %add3A_1951 = vector.broadcast %add3A_1950 : i32 to vector<16xi32>
    %add3A_1952 = arith.addi %add3A_1949, %add3A_1951 : vector<16xi32>
    %gather3A_1953 = tpu.vector_load_idx %arg14[%add3A_1952] : memref<2048xf32, #tpu.memory_space<vmem>>[vector<16xi32>], vector<16xf32>,
    %add3A_1954 = arith.addf %add3A_1943, %gather3A_1953 : vector<16xf32>
    %mul3A_1955 = arith.constant 16 : i32
    %mul3A_1956 = vector.broadcast %mul3A_1955 : i32 to vector<16xi32>
    %mul3A_1957 = arith.muli %iota3A, %mul3A_1956 : vector<16xi32>
    %add3A_1958 = arith.constant 1792 : i32
    %add3A_1959 = vector.broadcast %add3A_1958 : i32 to vector<16xi32>
    %add3A_1960 = arith.addi %add3A_1959, %mul3A_1957 : vector<16xi32>
    %add3A_1961 = arith.constant 13 : i32
    %add3A_1962 = vector.broadcast %add3A_1961 : i32 to vector<16xi32>
    %add3A_1963 = arith.addi %add3A_1960, %add3A_1962 : vector<16xi32>
    %gather3A_1964 = tpu.vector_load_idx %arg14[%add3A_1963] : memref<2048xf32, #tpu.memory_space<vmem>>[vector<16xi32>], vector<16xf32>,
    %add3A_1965 = arith.addf %add3A_1954, %gather3A_1964 : vector<16xf32>
    %mul3A_1966 = arith.constant 16 : i32
    %mul3A_1967 = vector.broadcast %mul3A_1966 : i32 to vector<16xi32>
    %mul3A_1968 = arith.muli %iota3A, %mul3A_1967 : vector<16xi32>
    %add3A_1969 = arith.constant 1792 : i32
    %add3A_1970 = vector.broadcast %add3A_1969 : i32 to vector<16xi32>
    %add3A_1971 = arith.addi %add3A_1970, %mul3A_1968 : vector<16xi32>
    %add3A_1972 = arith.constant 14 : i32
    %add3A_1973 = vector.broadcast %add3A_1972 : i32 to vector<16xi32>
    %add3A_1974 = arith.addi %add3A_1971, %add3A_1973 : vector<16xi32>
    %gather3A_1975 = tpu.vector_load_idx %arg14[%add3A_1974] : memref<2048xf32, #tpu.memory_space<vmem>>[vector<16xi32>], vector<16xf32>,
    %add3A_1976 = arith.addf %add3A_1965, %gather3A_1975 : vector<16xf32>
    %mul3A_1977 = arith.constant 16 : i32
    %mul3A_1978 = vector.broadcast %mul3A_1977 : i32 to vector<16xi32>
    %mul3A_1979 = arith.muli %iota3A, %mul3A_1978 : vector<16xi32>
    %add3A_1980 = arith.constant 1792 : i32
    %add3A_1981 = vector.broadcast %add3A_1980 : i32 to vector<16xi32>
    %add3A_1982 = arith.addi %add3A_1981, %mul3A_1979 : vector<16xi32>
    %add3A_1983 = arith.constant 15 : i32
    %add3A_1984 = vector.broadcast %add3A_1983 : i32 to vector<16xi32>
    %add3A_1985 = arith.addi %add3A_1982, %add3A_1984 : vector<16xi32>
    %gather3A_1986 = tpu.vector_load_idx %arg14[%add3A_1985] : memref<2048xf32, #tpu.memory_space<vmem>>[vector<16xi32>], vector<16xf32>,
    %add3A_1987 = arith.addf %add3A_1976, %gather3A_1986 : vector<16xf32>
    %swap3A_1988 = arith.constant 112 : index
    %swap3A_1989 = tpu.vector_load %arg15[%swap3A_1988] {strides = array<i32>} : memref<128xf32, #tpu.memory_space<vmem>>, vector<16xf32>,
    tpu.vector_store %arg15[%swap3A_1988], %add3A_1987 {strides = array<i32>} : memref<128xf32, #tpu.memory_space<vmem>>, vector<16xf32>,
    "tpu.region"() ({
      %run_scoped3A = tpu.sem_alloc : memref<!tpu.dma_semaphore, #tpu.memory_space<semaphore_mem>>
      %dma_start3A_1990 = tpu.memref_slice %arg6[%mul3A_2] : memref<4096xf32, #tpu.memory_space<hbm>> -> memref<128xf32, #tpu.memory_space<hbm>>
      %dma_start3A_1991 = tpu.memref_slice %arg6[%mul3A_2] : memref<4096xf32, #tpu.memory_space<hbm>> -> memref<128xf32, #tpu.memory_space<hbm>>
      tpu.enqueue_dma source(%arg15 : memref<128xf32, #tpu.memory_space<vmem>>) target(%dma_start3A_1991 : memref<128xf32, #tpu.memory_space<hbm>>) target_semaphore(%run_scoped3A : memref<!tpu.dma_semaphore, #tpu.memory_space<semaphore_mem>>)
      %dma_wait3A_1992 = tpu.memref_slice %arg6[%mul3A_2] : memref<4096xf32, #tpu.memory_space<hbm>> -> memref<128xf32, #tpu.memory_space<hbm>>
      %dma_wait3A_1993 = tpu.memref_slice %arg6[%mul3A_2] : memref<4096xf32, #tpu.memory_space<hbm>> -> memref<128xf32, #tpu.memory_space<hbm>>
      tpu.wait_dma2 semaphore(%run_scoped3A : memref<!tpu.dma_semaphore, #tpu.memory_space<semaphore_mem>>) src(%arg15 : memref<128xf32, #tpu.memory_space<vmem>>) dst(%dma_wait3A_1993 : memref<128xf32, #tpu.memory_space<hbm>>)
      tpu.yield
    }) : () -> ()
    return
  }
}

</mosaic_0001>

<sc_bundles>
// kernel: kernel.3.cloned.1.call-start
scs
__scs_entry_jumppad:
0x0: {  	(pc) =	sbr.rel $0x88, $3  }
0x1: {  	(tag) =	ssettag $0x0;
	lr =	simm.s32 $0x1  }
0x2: {  	[smem:$0x3F9F] =	sst lr;
	_ =	strace $0xD0000000  }
0x3: {  	_ = 	snop  }
0x4: {  	_ = 	snop  }
0x5: {  	_ = 	snop  }
0x6: {  	_ = 	snop  }
0x7: {  	_ = 	snop  }
__scs_overlays_trampoline_lowered:
0x8: {  	[smem:$0x3FAE] =	sst s0  }
0x9: {  	[smem:$0x3FAF] =	sst s1  }
0xa: {  	[smem:$0x3FB0] =	sst s2  }
0xb: {  	[smem:$0x3FB1] =	sst s3  }
0xc: {  	[smem:$0x3FB2] =	sst s4  }
0xd: {  	[smem:$0x3FB3] =	sst s5  }
0xe: {  	[smem:$0x3FB4] =	sst s6  }
0xf: {  	[smem:$0x3FB5] =	sst s7  }
0x10: {  	[smem:$0x3FB6] =	sst s8  }
0x11: {  	[smem:$0x3FB7] =	sst s9;
	s0 =	simm.s32 @!p0 $0x0  }
0x12: {  	s1 =	sld [smem:$0x3F9D];
	s0 =	simm.s32 @p0 $0x1  }
0x13: {  	[smem:$0x3FB8] =	sst s0;
	s0 =	simm.s32 @!p1 $0x0  }
0x14: {  	s2 =	sld [smem:$0x3F9C];
	s0 =	simm.s32 @p1 $0x1  }
0x15: {  	[smem:$0x3FB9] =	sst s0;
	s0 =	simm.s32 @!p2 $0x0  }
0x16: {  	s3 =	sld [smem:$0x3FDB];
	s0 =	simm.s32 @p2 $0x1  }
0x17: {  	s4 =	simm.s32 $0x1BF5;
	[smem:$0x3FBB] =	sst s0  }
0x18: {  	s0 =	sld [smem:$0x3F9E];
	_ =	swait.ge [sflag:s4], $0x0  }
0x19: {  	s7 =	sld [smem:$0x3F9F]  }
0x1a: {  	s8 =	sadd.s32 $0xFFFFE003, lr  }
0x1b: {  	s9 =	sadd.s32 $0xFFFFFEF7, lr;
	s5 =	simm.s32 $0xFFFFFFFF;
	p2 =	slt.u32 s8, $0xFFFFF086  }
0x1c: {  	p1 =	slt.u32 s9, $0xF7A;
	s5 =	simm.s32 @!p2 $0x0  }
0x1d: {  	s5 =	simm.s32 @p1 $0x1;
	p0 =	seq.s32 s7, s2  }
0x1e: {  	s7 =	smul.u32 @!p0 $0xF7A, s2;
	p2 =	seq.s32 @!p0 s5, $0x0  }
0x1f: {  	s9 =	smul.u32 $0xF7A, s1;
	s8 =	simm.s32 @!p0 $0x1BF5;
	p2 =	por !p2, p0  }
0x20: {  	[sflag:s8] =	ssyncset.s32 @!p0 $0xFFFFF086;
	s6 =	sadd.s32 @!p0 s3, s7;
	s7 =	simm.s32 @!p0 $0x108  }
0x21: {  	s3 =	sadd.s32 s3, s9;
	s6 =	sadd.s32 @!p0 $0x88, s6;
	s7 =	simm.s32 @p2 $0x1082  }
0x22: {  	[simem:s7], [sflag:s8] =	dma.local @!p0 [hbm:s6], $0xF7A  }
0x23: {  	s9 =	sor.u32 $0xD0000000, s2;
	s6 =	simm.s32 $0x108;
	_ =	swait.ge @!p0 [sflag:s8], $0x0  }
0x24: {  	s3 =	sadd.s32 $0x88, s3;
	s6 =	simm.s32 @!p1 $0x1082;
	[sflag:s4] =	ssyncset.s32 $0xFFFFF086  }
0x25: {  	[simem:s6], [sflag:s4] =	dma.local [hbm:s3], $0xF7A  }
0x26: {  	[smem:$0x3F9F] =	sst s1;
	(tag) =	ssettag s2;
	_ =	strace s9  }
0x27: {  	s1 =	sld [smem:$0x3FAF]  }
0x28: {  	s2 =	sld [smem:$0x3FB0]  }
0x29: {  	s4 =	sld [smem:$0x3FB2]  }
0x2a: {  	p0 =	seq.s32 s5, $0x0;
	s5 =	sld [smem:$0x3FB3]  }
0x2b: {  	s6 =	sld [smem:$0x3FB4]  }
0x2c: {  	s7 =	sld [smem:$0x3FB5]  }
0x2d: {  	s3 =	simm.s32 $0x108;
	s8 =	sld [smem:$0x3FB6]  }
0x2e: {  	s3 =	simm.s32 @!p0 $0x1082;
	s9 =	sld [smem:$0x3FB7]  }
0x2f: {  	lr =	sadd.s32 s0, s3;
	s0 =	sld [smem:$0x3FAE]  }
0x30: {  	s3 =	sld [smem:$0x3FB1]  }
0x31: {  	[smem:$0x3FBA] =	sst s10  }
0x32: {  	s10 =	sld [smem:$0x3FB8];
	_ =	sdelay $0x3  }
0x33: {  	p0 =	seq.s32 s10, $0x1;
	s10 =	sld [smem:$0x3FBA];
	_ =	sdelay $0x3  }
0x34: {  	[smem:$0x3FBA] =	sst s10  }
0x35: {  	s10 =	sld [smem:$0x3FB9];
	_ =	sdelay $0x3  }
0x36: {  	p1 =	seq.s32 s10, $0x1;
	s10 =	sld [smem:$0x3FBA];
	_ =	sdelay $0x3  }
0x37: {  	[smem:$0x3FBA] =	sst s10  }
0x38: {  	s10 =	sld [smem:$0x3FBB]  }
0x39: {  	_ = 	snop;
	(pc) =	sbr.ind lr, $3  }
0x3a: {  	_ = 	snop  }
0x3b: {  	_ = 	snop  }
0x3c: {  	p2 =	seq.s32 s10, $0x1;
	s10 =	sld [smem:$0x3FBA]  }
0x3d: {  	_ =	shalt  }
0x3e: {  	_ =	shalt  }
0x3f: {  	_ =	shalt  }
0x40: {  	_ =	shalt  }
0x41: {  	_ =	shalt  }
0x42: {  	_ =	shalt  }
0x43: {  	_ =	shalt  }
0x44: {  	_ =	shalt  }
0x45: {  	_ =	shalt  }
0x46: {  	_ =	shalt  }
0x47: {  	_ =	shalt  }
0x48: {  	_ =	shalt  }
0x49: {  	_ =	shalt  }
0x4a: {  	_ =	shalt  }
0x4b: {  	_ =	shalt  }
0x4c: {  	_ =	shalt  }
0x4d: {  	_ =	shalt  }
0x4e: {  	_ =	shalt  }
0x4f: {  	_ =	shalt  }
0x50: {  	_ =	shalt  }
0x51: {  	_ =	shalt  }
0x52: {  	_ =	shalt  }
0x53: {  	_ =	shalt  }
0x54: {  	_ =	shalt  }
0x55: {  	_ =	shalt  }
0x56: {  	_ =	shalt  }
0x57: {  	_ =	shalt  }
0x58: {  	_ =	shalt  }
0x59: {  	_ =	shalt  }
0x5a: {  	_ =	shalt  }
0x5b: {  	_ =	shalt  }
0x5c: {  	_ =	shalt  }
0x5d: {  	_ =	shalt  }
0x5e: {  	_ =	shalt  }
0x5f: {  	_ =	shalt  }
0x60: {  	_ =	shalt  }
0x61: {  	_ =	shalt  }
0x62: {  	_ =	shalt  }
0x63: {  	_ =	shalt  }
0x64: {  	_ =	shalt  }
0x65: {  	_ =	shalt  }
0x66: {  	_ =	shalt  }
0x67: {  	_ =	shalt  }
0x68: {  	_ =	shalt  }
0x69: {  	_ =	shalt  }
0x6a: {  	_ =	shalt  }
0x6b: {  	_ =	shalt  }
0x6c: {  	_ =	shalt  }
0x6d: {  	_ =	shalt  }
0x6e: {  	_ =	shalt  }
0x6f: {  	_ =	shalt  }
0x70: {  	_ =	shalt  }
0x71: {  	_ =	shalt  }
0x72: {  	_ =	shalt  }
0x73: {  	_ =	shalt  }
0x74: {  	_ =	shalt  }
0x75: {  	_ =	shalt  }
0x76: {  	_ =	shalt  }
0x77: {  	_ =	shalt  }
0x78: {  	_ =	shalt  }
0x79: {  	_ =	shalt  }
0x7a: {  	_ =	shalt  }
0x7b: {  	_ =	shalt  }
0x7c: {  	_ =	shalt  }
0x7d: {  	_ =	shalt  }
0x7e: {  	_ =	shalt  }
0x7f: {  	_ =	shalt  }
0x80: {  	_ =	shalt  }
0x81: {  	_ =	shalt  }
0x82: {  	_ =	shalt  }
0x83: {  	_ =	shalt  }
0x84: {  	_ =	shalt  }
0x85: {  	_ =	shalt  }
0x86: {  	_ =	shalt  }
0x87: {  	_ =	shalt  }
.Lfunc_end0:
.L_simem_size_0:
called_computation_lowered:
.L_overlay_start_0:
0x88: {  	s2 =	sld [smem:$0x3FD9]  }
0x89: {  	s3 =	sld [smem:$0x3FFE];
	_ =	sdelay $0x1  }
0x8a: {  	s1 =	srdreg.scid  }
0x8b: {  	s0 =	sand.u32 $0x1, s1  }
0x8c: {  	s17 =	sshll.u32 s0, $0xA;
	s2 =	sadd.s32 s3, s2  }
0x8d: {  	s2 =	sadd.s32 s2, s17  }
0x8e: {  	[smem:$0x3FC6] =	sst s2  }
0x8f: {  	_ = 	snop  }
0x90: {  	s2 =	sld [smem:$0x3FD0];
	(tm) =	ssettm $0x1  }
0x91: {  	s18 =	sld [smem:$0x3FFB];
	_ =	sdelay $0x3  }
0x92: {  	_ =	strace s18  }
0x93: {  	s3 =	sld [smem:$0x3FFC];
	_ =	sdelay $0x3  }
0x94: {  	_ =	strace s3  }
0x95: {  	s3 =	sld [smem:$0x3FFD];
	_ =	sdelay $0x3  }
0x96: {  	_ =	strace s3  }
0x97: {  	_ =	strace $0x8FFFFFFF  }
0x98: {  	s19 =	sld [smem:$0x3FDB];
	_ =	sdelay $0x1  }
0x99: {  	s4 =	simm.s32 $_scs_section_size  }
0x9a: {  	s5 =	simm.s32 $_size__tile_overlayer_lowered;
	s6 =	simm.s32 $_tile_overlayer_lowered  }
0x9b: {  	s22 =	simm.s32 $0x1BFF;
	s21 =	sshll.u32 s6, $0x1;
	s3 =	sadd.s32 s4, s19  }
0x9c: {  	s7 =	simm.s32 $0x0;
	s20 =	sshll.u32 s5, $0x1;
	s5 =	sadd.s32 s21, s3  }
0x9d: {  	[timem:s7], [sflag:s22] =	dma.local [hbm:s5], s20  }
0x9e: {  	_ =	swait.ge [sflag:s22], s20  }
0x9f: {  	s4 =	ssub.s32 $0x0, s20;
	[sflag:s22] =	ssyncset.done $0x0  }
0xa0: {  	[sflag:s22] =	ssyncadd.s32 s4;
	_ =	sdelay $0x1  }
0xa1: {  	s23 =	simm.s32 $0x1B8B  }
0xa2: {  	_ =	swait.ge [sflag:s23], $0x1  }
0xa3: {  	[sflag:s23] =	ssyncset.done $0x0  }
0xa4: {  	s25 =	simm.s32 $0x1B8E;
	s24 =	sld [smem:$0x3FFE];
	[sflag:s23] =	ssyncadd.s32 $0xFFFFFFFF  }
0xa5: {  	s26 =	simm.s32 $execute0_lowered;
	[smem:$0x3FD2] =	sst s25  }
0xa6: {  	s5 =	sshll.u32 s26, $0x1;
	_ =	strace $0x80000046;
	[dreg:$0x1] =	wrdreg $0xFFFFFFFF  }
0xa7: {  	s28 =	simm.s32 $_size_execute0_lowered;
	s3 =	sadd.s32 s3, s5;
	[dreg:$0x0] =	wrdreg $0x0  }
0xa8: {  	s5 =	sshll.u32 s28, $0x1;
	[dreg:$0x2] =	wrdreg s3  }
0xa9: {  	[dreg:$0x3] =	wrdreg s5  }
0xaa: {  	[dreg:$0x4] =	wrdreg $0xC0  }
0xab: {  	_ =	task [dreg:s7], $0x5FFFF  }
0xac: {  	[dreg:$0x1] =	wrdreg $0xFFFFFFFF  }
0xad: {  	[dreg:$0x0] =	wrdreg $0x60  }
0xae: {  	[dreg:$0x2] =	wrdreg s24  }
0xaf: {  	[dreg:$0x3] =	wrdreg s2  }
0xb0: {  	[dreg:$0x4] =	wrdreg $0x9  }
0xb1: {  	_ =	task.clear_ibuf [dreg:s7], $0x5FFFF;
	_ =	strace $0x90000046  }
0xb2: {  	s29 =	simm.s32 $0x9;
	_ =	strace $0x80000048  }
0xb3: {  	_ =	swait.ge [sflag:s29], $0x1  }
0xb4: {  	[sflag:s29] =	ssyncadd.s32 $0xFFFFFFFF  }
0xb5: {  	_ =	strace $0x90000048  }
0xb6: {  	_ =	sfence  }
0xb7: {  	s30 =	sld [smem:$0x0];
	_ =	sdelay $0x2  }
0xb8: {  	s31 =	sshll.u32 s1, $0xD;
	s1 =	sshrl.u32 s1, $0x2  }
0xb9: {  	s3 =	sand.u32 $0x4000, s31;
	s1 =	sadd.s32 s1, s30  }
0xba: {  	s0 =	sor.u32 s3, s0;
	s1 =	sshll.u32 s1, $0x11  }
0xbb: {  	s0 =	sor.u32 s1, s0  }
0xbc: {  	s0 =	sadd.s32 $0x8F2B, s0  }
0xbd: {  	[sflag:s0] =	ssyncadd.remote.s32 $0x1  }
0xbe: {  	_ =	sfence.sel $0xFFFF  }
0xbf: {  	[dreg:$0x0] =	wrdreg $0xFFFFFFFF;
	(pc) =	sbr.abs _section_cstart, $3  }
0xc0: {  	[dreg:$0x1] =	wrdreg $0xFFFFFFFF  }
0xc1: {  	_ =	task.clear_ibuf [dreg:s7], $0x2FFFF;
	_ =	strace $0x9FFFFFFF  }
0xc2: {  	(tm) =	ssettm $0x7FFFFFFF  }
0xc3: {  	_ =	shalt  }
tec
execute0_lowered:
.L_overlay_start_1:
0x0: {  	(tag) =	ssettag $0x1  }
0x1: {  	v0 =	vlaneseq.u32  }
0x2: {  	v0 =	vmul.u32 $0x10, v0;
	_ =	sdelay $0x1  }
0x3: {  	v1 =	vor.u32 $0x1, v0  }
0x4: {  	[tilespmem:$0x1FD10] =	vst v1;
	v1 =	vor.u32 $0x2, v0  }
0x5: {  	[tilespmem:$0x1FD20] =	vst v1;
	v1 =	vor.u32 $0x3, v0  }
0x6: {  	s2 =	stileid.u32;
	[tilespmem:$0x1FD30] =	vst v1;
	v1 =	vor.u32 $0x4, v0  }
0x7: {  	s0 =	rddreg [dreg:$0x0];
	s3 =	sshll.u32 s2, $0x1;
	s2 =	simm.s32 $0x0;
	[tilespmem:$0x1FD40] =	vst v1;
	v1 =	vor.u32 $0x5, v0  }
0x8: {  	[smem:$0x7FF] =	sst s2;
	[tilespmem:$0x1FD50] =	vst v1;
	v1 =	vor.u32 $0x6, v0  }
0x9: {  	s4 =	rddreg [dreg:$0x1];
	_ =	strace $0x80000047;
	[tilespmem:$0x1FD60] =	vst v1;
	v1 =	vor.u32 $0x7, v0  }
0xa: {  	[tilespmem:$0x1FD70] =	vst v1;
	v1 =	vor.u32 $0x8, v0  }
0xb: {  	[tilespmem:$0x1FD80] =	vst v1;
	v1 =	vor.u32 $0x9, v0  }
0xc: {  	[tilespmem:$0x1FD90] =	vst v1;
	v1 =	vor.u32 $0xA, v0  }
0xd: {  	[tilespmem:$0x1FDA0] =	vst v1;
	v1 =	vor.u32 $0xB, v0  }
0xe: {  	[tilespmem:$0x1FDB0] =	vst v1;
	v1 =	vor.u32 $0xC, v0  }
0xf: {  	[tilespmem:$0x1FDC0] =	vst v1;
	v1 =	vor.u32 $0xD, v0  }
0x10: {  	[tilespmem:$0x1FDD0] =	vst v1;
	v1 =	vor.u32 $0xE, v0  }
0x11: {  	[tilespmem:$0x1FDE0] =	vst v1;
	v1 =	vor.u32 $0xF, v0  }
0x12: {  	[tilespmem:$0x1FDF0] =	vst v1;
	v1 =	vor.u32 $0x100, v0  }
0x13: {  	[tilespmem:$0x1FE00] =	vst v1;
	v1 =	vor.u32 $0x101, v0  }
0x14: {  	[tilespmem:$0x1FE10] =	vst v1;
	v1 =	vor.u32 $0x102, v0  }
0x15: {  	[tilespmem:$0x1FE20] =	vst v1;
	v1 =	vor.u32 $0x103, v0  }
0x16: {  	[tilespmem:$0x1FE30] =	vst v1;
	v1 =	vor.u32 $0x104, v0  }
0x17: {  	[tilespmem:$0x1FE40] =	vst v1;
	v1 =	vor.u32 $0x105, v0  }
0x18: {  	[tilespmem:$0x1FE50] =	vst v1;
	v1 =	vor.u32 $0x106, v0  }
0x19: {  	[tilespmem:$0x1FE60] =	vst v1;
	v1 =	vor.u32 $0x107, v0  }
0x1a: {  	[tilespmem:$0x1FE70] =	vst v1;
	v1 =	vor.u32 $0x108, v0  }
0x1b: {  	[tilespmem:$0x1FE80] =	vst v1;
	v1 =	vor.u32 $0x109, v0  }
0x1c: {  	[tilespmem:$0x1FE90] =	vst v1;
	v1 =	vor.u32 $0x10A, v0  }
0x1d: {  	[tilespmem:$0x1FEA0] =	vst v1;
	v1 =	vor.u32 $0x10B, v0  }
0x1e: {  	[tilespmem:$0x1FEB0] =	vst v1;
	v1 =	vor.u32 $0x10C, v0  }
0x1f: {  	[tilespmem:$0x1FEC0] =	vst v1;
	v1 =	vor.u32 $0x10D, v0  }
0x20: {  	[tilespmem:$0x1FED0] =	vst v1;
	v1 =	vor.u32 $0x10E, v0  }
0x21: {  	[tilespmem:$0x1FEE0] =	vst v1;
	v1 =	vor.u32 $0x10F, v0  }
0x22: {  	[tilespmem:$0x1FEF0] =	vst v1;
	v1 =	vor.u32 $0x200, v0  }
0x23: {  	s1 =	srdreg.scid;
	[tilespmem:$0x1FF00] =	vst v1;
	v1 =	vor.u32 $0x201, v0  }
0x24: {  	s28 =	simm.s32 $0x3;
	s12 =	simm.s32 $0x80;
	s13 =	simm.s32 $0x1220;
	[tilespmem:$0x1FF10] =	vst v1;
	v1 =	vor.u32 $0x202, v0  }
0x25: {  	s14 =	simm.s32 $0x1740;
	s15 =	simm.s32 $0x12A0;
	s16 =	simm.s32 $0x3740;
	[tilespmem:$0x1FF20] =	vst v1;
	v1 =	vor.u32 $0x203, v0  }
0x26: {  	s17 =	simm.s32 $0x48;
	s18 =	simm.s32 $0x1320;
	s19 =	simm.s32 $0x5740;
	[tilespmem:$0x1FF30] =	vst v1;
	v1 =	vor.u32 $0x204, v0  }
0x27: {  	s20 =	simm.s32 $0x1368;
	s21 =	simm.s32 $0x6940;
	s22 =	simm.s32 $0x13E8;
	[tilespmem:$0x1FF40] =	vst v1;
	v1 =	vor.u32 $0x205, v0  }
0x28: {  	s23 =	simm.s32 $0x8940;
	s24 =	simm.s32 $0x1468;
	s25 =	simm.s32 $0xA940;
	[tilespmem:$0x1FF50] =	vst v1;
	v1 =	vor.u32 $0x206, v0  }
0x29: {  	s10 =	simm.s32 $0x10D40;
	s11 =	simm.s32 $0x1678;
	s1 =	sand.u32 $0x1, s1;
	[tilespmem:$0x1FF60] =	vst v1;
	v1 =	vor.u32 $0x207, v0  }
0x2a: {  	s8 =	simm.s32 $0x2;
	s9 =	simm.s32 $0x15F40;
	s5 =	sor.u32 s1, s3;
	[tilespmem:$0x1FF70] =	vst v1;
	v1 =	vor.u32 $0x208, v0  }
0x2b: {  	s29 =	simm.s32 $0x0;
	s1 =	ssub.s32 $0x2, s1;
	s3 =	smul.u32 $0x1A0, s5;
	[tilespmem:$0x1FF80] =	vst v1;
	v1 =	vor.u32 $0x209, v0  }
0x2c: {  	s7 =	sadd.s32 $0x4000, s0;
	s26 =	sshrl.u32 s1, $0x1;
	s31 =	sshll.u32 s5, $0x4;
	[tilespmem:$0x1FF90] =	vst v1;
	v1 =	vor.u32 $0x20A, v0  }
0x2d: {  	s5 =	simm.s32 $0x16F8;
	s6 =	sadd.s32 s3, s0;
	s3 =	sadd.s32 $0xA51400, s0;
	[tilespmem:$0x1FFA0] =	vst v1;
	v1 =	vor.u32 $0x20B, v0  }
0x2e: {  	s0 =	sadd.s32 $0x3E00, s0;
	s30 =	sadd.s32 $0xA00, s6;
	[dreg:$0x3] =	wrdreg s7;
	[tilespmem:$0x1FFB0] =	vst v1;
	v1 =	vor.u32 $0x20C, v0  }
0x2f: {  	s6 =	simm.s32 $0x14D40;
	[dreg:$0x4] =	wrdreg s0;
	s0 =	ssub.s32 s1, s26;
	[tilespmem:$0x1FFC0] =	vst v1;
	v1 =	vor.u32 $0x20D, v0  }
0x30: {  	v48 =	vor.u32 $0x300, v0;
	[dreg:$0x5] =	wrdreg s30;
	s1 =	sadd.s32 s4, s31;
	s4 =	simm.s32 $0x12D40;
	[tilespmem:$0x1FFD0] =	vst v1;
	v1 =	vor.u32 $0x20E, v0  }
0x31: {  	v49 =	vor.u32 $0x301, v0;
	v50 =	vor.u32 $0x302, v0;
	s7 =	simm.s32 $0x1;
	[dreg:$0x6] =	wrdreg s1;
	s0 =	smax.u32 s0, $0x1;
	[tilespmem:$0x1FFE0] =	vst v1;
	v1 =	vor.u32 $0x20F, v0  }
0x32: {  	v51 =	vor.u32 $0x303, v0;
	v52 =	vor.u32 $0x304, v0;
	v53 =	vor.u32 $0x305, v0;
	s1 =	simm.s32 $0xFB40;
	[dreg:$0x7] =	wrdreg s0;
	s0 =	simm.s32 $0x15F8;
	[tilespmem:$0x1FFF0] =	vst v1  }
.LBB2_1:
0x33: {  	[dreg:$0x8] =	wrdreg s29  }
0x34: {  	s26 =	rddreg [dreg:$0x5]  }
0x35: {  	[tilespmem:s2], [sflag:$0x3] =	stream.linear.gather [hbm4b:s26+s2], $0xD00, $0x38;
	[tilespmem:$0x167C0] =	vst v63  }
0x36: {  	_ =	swait.ge [sflag:s28], $0xD00  }
0x37: {  	[sflag:s28] =	ssyncset.done $0x0  }
0x38: {  	s31 =	simm.s32 $0xD00;
	s30 =	rddreg [dreg:$0x3];
	[sflag:s28] =	ssyncadd.s32 $0xFFFFF300  }
0x39: {  	[tilespmem:s31], [sflag:$0x3] =	stream.linear.gather [hbm4b:s30+s2], $0x290, $0x38;
	[tilespmem:$0x167C0] =	vst v63  }
0x3a: {  	_ =	swait.ge [sflag:s28], $0x290  }
0x3b: {  	[sflag:s28] =	ssyncset.done $0x0  }
0x3c: {  	s31 =	simm.s32 $0xF90;
	s30 =	rddreg [dreg:$0x4];
	[sflag:s28] =	ssyncadd.s32 $0xFFFFFD70  }
0x3d: {  	[tilespmem:s31], [sflag:$0x3] =	stream.linear.gather [hbm4b:s30+s2], $0x290, $0x38;
	[tilespmem:$0x167C0] =	vst v63  }
0x3e: {  	_ =	swait.ge [sflag:s28], $0x290  }
0x3f: {  	[sflag:s28] =	ssyncset.done $0x0  }
0x40: {  	[sflag:s28] =	ssyncadd.s32 $0xFFFFFD70  }
0x41: {  	v1 =	vld [tilespmem:$0xF90];
	_ =	sdelay $0x5  }
0x42: {  	v2 =	vld [tilespmem:$0xFA0]  }
0x43: {  	v3 =	vld [tilespmem:$0xD00]  }
0x44: {  	v1 =	vld.idx.msk [tilespmem:v1+s2+$0x0], $0xffff;
	_ =	sdelay $0x4  }
0x45: {  	v1 =	vadd.s32 v1, v3  }
0x46: {  	[tilespmem:$0x1220] =	vst v1  }
0x47: {  	v1 =	vld.idx.msk [tilespmem:v2+s2+$0x0], $0xffff  }
0x48: {  	v2 =	vld [tilespmem:$0xFB0]  }
0x49: {  	v3 =	vld [tilespmem:$0xD10];
	_ =	sdelay $0x4  }
0x4a: {  	v1 =	vadd.s32 v1, v3  }
0x4b: {  	[tilespmem:$0x1230] =	vst v1  }
0x4c: {  	v1 =	vld.idx.msk [tilespmem:v2+s2+$0x0], $0xffff  }
0x4d: {  	v2 =	vld [tilespmem:$0xFC0]  }
0x4e: {  	v3 =	vld [tilespmem:$0xD20];
	_ =	sdelay $0x4  }
0x4f: {  	v1 =	vadd.s32 v1, v3  }
0x50: {  	[tilespmem:$0x1240] =	vst v1  }
0x51: {  	v1 =	vld.idx.msk [tilespmem:v2+s2+$0x0], $0xffff  }
0x52: {  	v2 =	vld [tilespmem:$0xFD0]  }
0x53: {  	v3 =	vld [tilespmem:$0xD30];
	_ =	sdelay $0x4  }
0x54: {  	v1 =	vadd.s32 v1, v3  }
0x55: {  	[tilespmem:$0x1250] =	vst v1  }
0x56: {  	v1 =	vld.idx.msk [tilespmem:v2+s2+$0x0], $0xffff  }
0x57: {  	v2 =	vld [tilespmem:$0xFE0]  }
0x58: {  	v3 =	vld [tilespmem:$0xD40];
	_ =	sdelay $0x4  }
0x59: {  	v1 =	vadd.s32 v1, v3  }
0x5a: {  	[tilespmem:$0x1260] =	vst v1  }
0x5b: {  	v1 =	vld.idx.msk [tilespmem:v2+s2+$0x0], $0xffff  }
0x5c: {  	v2 =	vld [tilespmem:$0xFF0]  }
0x5d: {  	v3 =	vld [tilespmem:$0xD50];
	_ =	sdelay $0x4  }
0x5e: {  	v1 =	vadd.s32 v1, v3  }
0x5f: {  	[tilespmem:$0x1270] =	vst v1  }
0x60: {  	v1 =	vld.idx.msk [tilespmem:v2+s2+$0x0], $0xffff  }
0x61: {  	v2 =	vld [tilespmem:$0x1000]  }
0x62: {  	v3 =	vld [tilespmem:$0xD60];
	_ =	sdelay $0x4  }
0x63: {  	v1 =	vadd.s32 v1, v3  }
0x64: {  	[tilespmem:$0x1280] =	vst v1  }
0x65: {  	v1 =	vld.idx.msk [tilespmem:v2+s2+$0x0], $0xffff  }
0x66: {  	v2 =	vld [tilespmem:$0x1010]  }
0x67: {  	v3 =	vld [tilespmem:$0xD70];
	_ =	sdelay $0x4  }
0x68: {  	v1 =	vadd.s32 v1, v3  }
0x69: {  	[tilespmem:$0x1290] =	vst v1  }
0x6a: {  	v1 =	vld.idx.msk [tilespmem:v2+s2+$0x0], $0xffff  }
0x6b: {  	v2 =	vld [tilespmem:$0x1020]  }
0x6c: {  	v3 =	vld [tilespmem:$0xD80];
	_ =	sdelay $0x4  }
0x6d: {  	v1 =	vadd.s32 v1, v3  }
0x6e: {  	[tilespmem:$0x12A0] =	vst v1  }
0x6f: {  	v1 =	vld.idx.msk [tilespmem:v2+s2+$0x0], $0xffff  }
0x70: {  	v2 =	vld [tilespmem:$0x1030]  }
0x71: {  	v3 =	vld [tilespmem:$0xD90];
	_ =	sdelay $0x4  }
0x72: {  	v1 =	vadd.s32 v1, v3  }
0x73: {  	[tilespmem:$0x12B0] =	vst v1  }
0x74: {  	v1 =	vld.idx.msk [tilespmem:v2+s2+$0x0], $0xffff  }
0x75: {  	v2 =	vld [tilespmem:$0x1040]  }
0x76: {  	v3 =	vld [tilespmem:$0xDA0];
	_ =	sdelay $0x4  }
0x77: {  	v1 =	vadd.s32 v1, v3  }
0x78: {  	[tilespmem:$0x12C0] =	vst v1  }
0x79: {  	v1 =	vld.idx.msk [tilespmem:v2+s2+$0x0], $0xffff  }
0x7a: {  	v2 =	vld [tilespmem:$0x1050]  }
0x7b: {  	v3 =	vld [tilespmem:$0xDB0];
	_ =	sdelay $0x4  }
0x7c: {  	v1 =	vadd.s32 v1, v3  }
0x7d: {  	[tilespmem:$0x12D0] =	vst v1  }
0x7e: {  	v1 =	vld.idx.msk [tilespmem:v2+s2+$0x0], $0xffff  }
0x7f: {  	v2 =	vld [tilespmem:$0x1060]  }
0x80: {  	v3 =	vld [tilespmem:$0xDC0];
	_ =	sdelay $0x4  }
0x81: {  	v1 =	vadd.s32 v1, v3  }
0x82: {  	[tilespmem:$0x12E0] =	vst v1  }
0x83: {  	v1 =	vld.idx.msk [tilespmem:v2+s2+$0x0], $0xffff  }
0x84: {  	v2 =	vld [tilespmem:$0x1070]  }
0x85: {  	v3 =	vld [tilespmem:$0xDD0];
	_ =	sdelay $0x4  }
0x86: {  	v1 =	vadd.s32 v1, v3  }
0x87: {  	[tilespmem:$0x12F0] =	vst v1  }
0x88: {  	v1 =	vld.idx.msk [tilespmem:v2+s2+$0x0], $0xffff  }
0x89: {  	v2 =	vld [tilespmem:$0x1080]  }
0x8a: {  	v3 =	vld [tilespmem:$0xDE0];
	_ =	sdelay $0x4  }
0x8b: {  	v1 =	vadd.s32 v1, v3  }
0x8c: {  	[tilespmem:$0x1300] =	vst v1  }
0x8d: {  	v1 =	vld.idx.msk [tilespmem:v2+s2+$0x0], $0xffff  }
0x8e: {  	v2 =	vld [tilespmem:$0x1090]  }
0x8f: {  	v3 =	vld [tilespmem:$0xDF0];
	_ =	sdelay $0x4  }
0x90: {  	v1 =	vadd.s32 v1, v3  }
0x91: {  	[tilespmem:$0x1310] =	vst v1  }
0x92: {  	v1 =	vld.idx.msk [tilespmem:v2+s2+$0x0], $0xffff  }
0x93: {  	v2 =	vld [tilespmem:$0x10A0]  }
0x94: {  	v3 =	vld [tilespmem:$0xE00];
	_ =	sdelay $0x4  }
0x95: {  	v1 =	vadd.s32 v1, v3  }
0x96: {  	[tilespmem:$0x1320] =	vst v1  }
0x97: {  	v1 =	vld.idx.msk [tilespmem:v2+s2+$0x0], $0xffff  }
0x98: {  	v2 =	vld [tilespmem:$0x10B0]  }
0x99: {  	v3 =	vld [tilespmem:$0xE10];
	_ =	sdelay $0x4  }
0x9a: {  	v1 =	vadd.s32 v1, v3  }
0x9b: {  	[tilespmem:$0x1330] =	vst v1  }
0x9c: {  	v1 =	vld.idx.msk [tilespmem:v2+s2+$0x0], $0xffff  }
0x9d: {  	v2 =	vld [tilespmem:$0x10C0]  }
0x9e: {  	v3 =	vld [tilespmem:$0xE20];
	_ =	sdelay $0x4  }
0x9f: {  	v1 =	vadd.s32 v1, v3  }
0xa0: {  	[tilespmem:$0x1340] =	vst v1  }
0xa1: {  	v1 =	vld.idx.msk [tilespmem:v2+s2+$0x0], $0xffff  }
0xa2: {  	v2 =	vld [tilespmem:$0x10D0]  }
0xa3: {  	v3 =	vld [tilespmem:$0xE30];
	_ =	sdelay $0x4  }
0xa4: {  	v1 =	vadd.s32 v1, v3  }
0xa5: {  	[tilespmem:$0x1350] =	vst v1  }
0xa6: {  	v1 =	vld.idx.msk [tilespmem:v2+s2+$0x0], $0xffff  }
0xa7: {  	v2 =	vld [tilespmem:$0x10E0]  }
0xa8: {  	v3 =	vld [tilespmem:$0xE40];
	_ =	sdelay $0x4  }
0xa9: {  	v1 =	vadd.s32 v1, v3  }
0xaa: {  	[tilespmem:$0x1360] =	vst v1  }
0xab: {  	v1 =	vld.idx.msk [tilespmem:v2+s2+$0x0], $0xffff  }
0xac: {  	v2 =	vld [tilespmem:$0x10F0]  }
0xad: {  	v3 =	vld [tilespmem:$0xE50];
	_ =	sdelay $0x4  }
0xae: {  	v1 =	vadd.s32 v1, v3  }
0xaf: {  	[tilespmem:$0x1370] =	vst v1  }
0xb0: {  	v1 =	vld.idx.msk [tilespmem:v2+s2+$0x0], $0xffff  }
0xb1: {  	v2 =	vld [tilespmem:$0x1100]  }
0xb2: {  	v3 =	vld [tilespmem:$0xE60];
	_ =	sdelay $0x4  }
0xb3: {  	v1 =	vadd.s32 v1, v3  }
0xb4: {  	[tilespmem:$0x1380] =	vst v1  }
0xb5: {  	v1 =	vld.idx.msk [tilespmem:v2+s2+$0x0], $0xffff  }
0xb6: {  	v2 =	vld [tilespmem:$0x1110]  }
0xb7: {  	v3 =	vld [tilespmem:$0xE70];
	_ =	sdelay $0x4  }
0xb8: {  	v1 =	vadd.s32 v1, v3  }
0xb9: {  	[tilespmem:$0x1390] =	vst v1  }
0xba: {  	v1 =	vld.idx.msk [tilespmem:v2+s2+$0x0], $0xffff  }
0xbb: {  	v2 =	vld [tilespmem:$0x1120]  }
0xbc: {  	v3 =	vld [tilespmem:$0xE80];
	_ =	sdelay $0x4  }
0xbd: {  	v1 =	vadd.s32 v1, v3  }
0xbe: {  	[tilespmem:$0x13A0] =	vst v1  }
0xbf: {  	v1 =	vld.idx.msk [tilespmem:v2+s2+$0x0], $0xffff  }
0xc0: {  	v2 =	vld [tilespmem:$0x1130]  }
0xc1: {  	v3 =	vld [tilespmem:$0xE90];
	_ =	sdelay $0x4  }
0xc2: {  	v1 =	vadd.s32 v1, v3  }
0xc3: {  	[tilespmem:$0x13B0] =	vst v1  }
0xc4: {  	v1 =	vld.idx.msk [tilespmem:v2+s2+$0x0], $0xffff  }
0xc5: {  	v2 =	vld [tilespmem:$0x1140]  }
0xc6: {  	v3 =	vld [tilespmem:$0xEA0];
	_ =	sdelay $0x4  }
0xc7: {  	v1 =	vadd.s32 v1, v3  }
0xc8: {  	[tilespmem:$0x13C0] =	vst v1  }
0xc9: {  	v1 =	vld.idx.msk [tilespmem:v2+s2+$0x0], $0xffff  }
0xca: {  	v2 =	vld [tilespmem:$0x1150]  }
0xcb: {  	v3 =	vld [tilespmem:$0xEB0];
	_ =	sdelay $0x4  }
0xcc: {  	v1 =	vadd.s32 v1, v3  }
0xcd: {  	[tilespmem:$0x13D0] =	vst v1  }
0xce: {  	v1 =	vld.idx.msk [tilespmem:v2+s2+$0x0], $0xffff  }
0xcf: {  	v2 =	vld [tilespmem:$0x1160]  }
0xd0: {  	v3 =	vld [tilespmem:$0xEC0];
	_ =	sdelay $0x4  }
0xd1: {  	v1 =	vadd.s32 v1, v3  }
0xd2: {  	[tilespmem:$0x13E0] =	vst v1  }
0xd3: {  	v1 =	vld.idx.msk [tilespmem:v2+s2+$0x0], $0xffff  }
0xd4: {  	v2 =	vld [tilespmem:$0x1170]  }
0xd5: {  	v3 =	vld [tilespmem:$0xED0];
	_ =	sdelay $0x4  }
0xd6: {  	v1 =	vadd.s32 v1, v3  }
0xd7: {  	[tilespmem:$0x13F0] =	vst v1  }
0xd8: {  	v1 =	vld.idx.msk [tilespmem:v2+s2+$0x0], $0xffff  }
0xd9: {  	v2 =	vld [tilespmem:$0x1180]  }
0xda: {  	v3 =	vld [tilespmem:$0xEE0];
	_ =	sdelay $0x4  }
0xdb: {  	v1 =	vadd.s32 v1, v3  }
0xdc: {  	[tilespmem:$0x1400] =	vst v1  }
0xdd: {  	v1 =	vld.idx.msk [tilespmem:v2+s2+$0x0], $0xffff  }
0xde: {  	v2 =	vld [tilespmem:$0x1190]  }
0xdf: {  	v3 =	vld [tilespmem:$0xEF0];
	_ =	sdelay $0x4  }
0xe0: {  	v1 =	vadd.s32 v1, v3  }
0xe1: {  	[tilespmem:$0x1410] =	vst v1  }
0xe2: {  	v1 =	vld.idx.msk [tilespmem:v2+s2+$0x0], $0xffff  }
0xe3: {  	v2 =	vld [tilespmem:$0x11A0]  }
0xe4: {  	v3 =	vld [tilespmem:$0xF00];
	_ =	sdelay $0x4  }
0xe5: {  	v1 =	vadd.s32 v1, v3  }
0xe6: {  	[tilespmem:$0x1420] =	vst v1  }
0xe7: {  	v1 =	vld.idx.msk [tilespmem:v2+s2+$0x0], $0xffff  }
0xe8: {  	v2 =	vld [tilespmem:$0x11B0]  }
0xe9: {  	v3 =	vld [tilespmem:$0xF10];
	_ =	sdelay $0x4  }
0xea: {  	v1 =	vadd.s32 v1, v3  }
0xeb: {  	[tilespmem:$0x1430] =	vst v1  }
0xec: {  	v1 =	vld.idx.msk [tilespmem:v2+s2+$0x0], $0xffff  }
0xed: {  	v2 =	vld [tilespmem:$0x11C0]  }
0xee: {  	v3 =	vld [tilespmem:$0xF20];
	_ =	sdelay $0x4  }
0xef: {  	v1 =	vadd.s32 v1, v3  }
0xf0: {  	[tilespmem:$0x1440] =	vst v1  }
0xf1: {  	v1 =	vld.idx.msk [tilespmem:v2+s2+$0x0], $0xffff  }
0xf2: {  	v2 =	vld [tilespmem:$0x11D0]  }
0xf3: {  	v3 =	vld [tilespmem:$0xF30];
	_ =	sdelay $0x4  }
0xf4: {  	v1 =	vadd.s32 v1, v3  }
0xf5: {  	[tilespmem:$0x1450] =	vst v1  }
0xf6: {  	v1 =	vld.idx.msk [tilespmem:v2+s2+$0x0], $0xffff  }
0xf7: {  	v2 =	vld [tilespmem:$0x11E0]  }
0xf8: {  	v3 =	vld [tilespmem:$0xF40];
	_ =	sdelay $0x4  }
0xf9: {  	v1 =	vadd.s32 v1, v3  }
0xfa: {  	[tilespmem:$0x1460] =	vst v1  }
0xfb: {  	v1 =	vld.idx.msk [tilespmem:v2+s2+$0x0], $0xffff  }
0xfc: {  	v2 =	vld [tilespmem:$0x11F0]  }
0xfd: {  	v3 =	vld [tilespmem:$0xF50];
	_ =	sdelay $0x4  }
0xfe: {  	v1 =	vadd.s32 v1, v3  }
0xff: {  	[tilespmem:$0x1470] =	vst v1  }
0x100: {  	v1 =	vld.idx.msk [tilespmem:v2+s2+$0x0], $0xffff  }
0x101: {  	v2 =	vld [tilespmem:$0x1200]  }
0x102: {  	v3 =	vld [tilespmem:$0xF60];
	_ =	sdelay $0x4  }
0x103: {  	v1 =	vadd.s32 v1, v3  }
0x104: {  	[tilespmem:$0x1480] =	vst v1  }
0x105: {  	v1 =	vld.idx.msk [tilespmem:v2+s2+$0x0], $0xffff  }
0x106: {  	v2 =	vld [tilespmem:$0x1210]  }
0x107: {  	v3 =	vld [tilespmem:$0xF70];
	_ =	sdelay $0x4  }
0x108: {  	v1 =	vadd.s32 v1, v3  }
0x109: {  	[tilespmem:$0x1490] =	vst v1  }
0x10a: {  	v1 =	vld.idx.msk [tilespmem:v2+s2+$0x0], $0xffff  }
0x10b: {  	v2 =	vld [tilespmem:$0xF80];
	_ =	sdelay $0x4  }
0x10c: {  	v1 =	vadd.s32 v1, v2  }
0x10d: {  	[tilespmem:$0x14A0] =	vst v1  }
0x10e: {  	[tilespmem:s14], [sflag:$0x1] =	stream.indirect.gather [hbm4b:s3+s12], $0x40, s13, s12, $0xb8;
	[tilespmem:$0x167C0] =	vst v63  }
0x10f: {  	_ = 	snop  }
0x110: {  	[tilespmem:s16], [sflag:$0x1] =	stream.indirect.gather [hbm4b:s3+s12], $0x40, s15, s12, $0xb8;
	[tilespmem:$0x167C0] =	vst v63  }
0x111: {  	_ = 	snop  }
0x112: {  	[tilespmem:s19], [sflag:$0x1] =	stream.indirect.gather [hbm4b:s3+s17], $0x40, s18, s17, $0xb8;
	[tilespmem:$0x167C0] =	vst v63  }
0x113: {  	_ = 	snop  }
0x114: {  	[tilespmem:s21], [sflag:$0x1] =	stream.indirect.gather [hbm4b:s3+s12], $0x40, s20, s12, $0xb8;
	[tilespmem:$0x167C0] =	vst v63  }
0x115: {  	_ = 	snop  }
0x116: {  	[tilespmem:s23], [sflag:$0x1] =	stream.indirect.gather [hbm4b:s3+s12], $0x40, s22, s12, $0xb8;
	[tilespmem:$0x167C0] =	vst v63  }
0x117: {  	s26 =	simm.s32 $0x0  }
0x118: {  	[tilespmem:s25], [sflag:$0x1] =	stream.indirect.gather [hbm4b:s3+s17], $0x40, s24, s17, $0xb8;
	[tilespmem:$0x167C0] =	vst v63  }
.LBB2_2:
0x119: {  	v1 =	vld [tilespmem:$0xF90];
	_ =	sdelay $0x1  }
0x11a: {  	s28 =	sshllo.u32 s26, $0x1  }
0x11b: {  	s29 =	smul.u32 $0x1A, s28;
	_ =	sdelay $0x1  }
0x11c: {  	v1 =	vadd.s32 s29, v1;
	_ =	sdelay $0x1  }
0x11d: {  	v2 =	vld [tilespmem:$0xFA0];
	_ =	sdelay $0x1  }
0x11e: {  	v3 =	vld [tilespmem:$0xD00]  }
0x11f: {  	v1 =	vld.idx.msk [tilespmem:v1+s2+$0x0], $0xffff;
	_ =	sdelay $0x1  }
0x120: {  	v2 =	vadd.s32 s29, v2;
	_ =	sdelay $0x2  }
0x121: {  	v1 =	vadd.s32 v1, v3;
	v3 =	vld [tilespmem:$0xFB0]  }
0x122: {  	[tilespmem:$0x14B0] =	vst v1  }
0x123: {  	v1 =	vld.idx.msk [tilespmem:v2+s2+$0x0], $0xffff  }
0x124: {  	v2 =	vld [tilespmem:$0xD10];
	_ =	sdelay $0x1  }
0x125: {  	v3 =	vadd.s32 s29, v3;
	_ =	sdelay $0x2  }
0x126: {  	v1 =	vadd.s32 v1, v2;
	v2 =	vld [tilespmem:$0xFC0]  }
0x127: {  	[tilespmem:$0x14C0] =	vst v1  }
0x128: {  	v1 =	vld.idx.msk [tilespmem:v3+s2+$0x0], $0xffff  }
0x129: {  	v3 =	vld [tilespmem:$0xD20];
	_ =	sdelay $0x1  }
0x12a: {  	v2 =	vadd.s32 s29, v2;
	_ =	sdelay $0x2  }
0x12b: {  	v1 =	vadd.s32 v1, v3;
	v3 =	vld [tilespmem:$0xFD0]  }
0x12c: {  	[tilespmem:$0x14D0] =	vst v1  }
0x12d: {  	v1 =	vld.idx.msk [tilespmem:v2+s2+$0x0], $0xffff  }
0x12e: {  	v2 =	vld [tilespmem:$0xD30];
	_ =	sdelay $0x1  }
0x12f: {  	v3 =	vadd.s32 s29, v3;
	_ =	sdelay $0x2  }
0x130: {  	v1 =	vadd.s32 v1, v2;
	v2 =	vld [tilespmem:$0xFE0]  }
0x131: {  	[tilespmem:$0x14E0] =	vst v1  }
0x132: {  	v1 =	vld.idx.msk [tilespmem:v3+s2+$0x0], $0xffff  }
0x133: {  	v3 =	vld [tilespmem:$0xD40];
	_ =	sdelay $0x1  }
0x134: {  	v2 =	vadd.s32 s29, v2;
	_ =	sdelay $0x2  }
0x135: {  	v1 =	vadd.s32 v1, v3;
	v3 =	vld [tilespmem:$0xFF0]  }
0x136: {  	[tilespmem:$0x14F0] =	vst v1  }
0x137: {  	v1 =	vld.idx.msk [tilespmem:v2+s2+$0x0], $0xffff  }
0x138: {  	v2 =	vld [tilespmem:$0xD50];
	_ =	sdelay $0x1  }
0x139: {  	v3 =	vadd.s32 s29, v3;
	_ =	sdelay $0x2  }
0x13a: {  	v1 =	vadd.s32 v1, v2;
	v2 =	vld [tilespmem:$0x1000]  }
0x13b: {  	[tilespmem:$0x1500] =	vst v1  }
0x13c: {  	v1 =	vld.idx.msk [tilespmem:v3+s2+$0x0], $0xffff  }
0x13d: {  	v3 =	vld [tilespmem:$0xD60];
	_ =	sdelay $0x1  }
0x13e: {  	v2 =	vadd.s32 s29, v2;
	_ =	sdelay $0x2  }
0x13f: {  	v1 =	vadd.s32 v1, v3;
	v3 =	vld [tilespmem:$0x1010]  }
0x140: {  	[tilespmem:$0x1510] =	vst v1  }
0x141: {  	v1 =	vld.idx.msk [tilespmem:v2+s2+$0x0], $0xffff  }
0x142: {  	v2 =	vld [tilespmem:$0xD70];
	_ =	sdelay $0x1  }
0x143: {  	v3 =	vadd.s32 s29, v3;
	_ =	sdelay $0x2  }
0x144: {  	v1 =	vadd.s32 v1, v2;
	v2 =	vld [tilespmem:$0x1020]  }
0x145: {  	[tilespmem:$0x1520] =	vst v1  }
0x146: {  	v1 =	vld.idx.msk [tilespmem:v3+s2+$0x0], $0xffff  }
0x147: {  	v3 =	vld [tilespmem:$0xD80];
	_ =	sdelay $0x1  }
0x148: {  	v2 =	vadd.s32 s29, v2;
	_ =	sdelay $0x2  }
0x149: {  	v1 =	vadd.s32 v1, v3;
	v3 =	vld [tilespmem:$0x1030]  }
0x14a: {  	[tilespmem:$0x1530] =	vst v1  }
0x14b: {  	v1 =	vld.idx.msk [tilespmem:v2+s2+$0x0], $0xffff  }
0x14c: {  	v2 =	vld [tilespmem:$0xD90];
	_ =	sdelay $0x1  }
0x14d: {  	v3 =	vadd.s32 s29, v3;
	_ =	sdelay $0x2  }
0x14e: {  	v1 =	vadd.s32 v1, v2;
	v2 =	vld [tilespmem:$0x1040]  }
0x14f: {  	[tilespmem:$0x1540] =	vst v1  }
0x150: {  	v1 =	vld.idx.msk [tilespmem:v3+s2+$0x0], $0xffff  }
0x151: {  	v3 =	vld [tilespmem:$0xDA0];
	_ =	sdelay $0x1  }
0x152: {  	v2 =	vadd.s32 s29, v2;
	_ =	sdelay $0x2  }
0x153: {  	v1 =	vadd.s32 v1, v3;
	v3 =	vld [tilespmem:$0x1050]  }
0x154: {  	[tilespmem:$0x1550] =	vst v1  }
0x155: {  	v1 =	vld.idx.msk [tilespmem:v2+s2+$0x0], $0xffff  }
0x156: {  	v2 =	vld [tilespmem:$0xDB0];
	_ =	sdelay $0x1  }
0x157: {  	v3 =	vadd.s32 s29, v3;
	_ =	sdelay $0x2  }
0x158: {  	v1 =	vadd.s32 v1, v2;
	v2 =	vld [tilespmem:$0x1060]  }
0x159: {  	[tilespmem:$0x1560] =	vst v1  }
0x15a: {  	v1 =	vld.idx.msk [tilespmem:v3+s2+$0x0], $0xffff  }
0x15b: {  	v3 =	vld [tilespmem:$0xDC0];
	_ =	sdelay $0x1  }
0x15c: {  	v2 =	vadd.s32 s29, v2;
	_ =	sdelay $0x2  }
0x15d: {  	v1 =	vadd.s32 v1, v3;
	v3 =	vld [tilespmem:$0x1070]  }
0x15e: {  	[tilespmem:$0x1570] =	vst v1  }
0x15f: {  	v1 =	vld.idx.msk [tilespmem:v2+s2+$0x0], $0xffff  }
0x160: {  	v2 =	vld [tilespmem:$0xDD0];
	_ =	sdelay $0x1  }
0x161: {  	v3 =	vadd.s32 s29, v3;
	_ =	sdelay $0x2  }
0x162: {  	v1 =	vadd.s32 v1, v2;
	v2 =	vld [tilespmem:$0x1080]  }
0x163: {  	[tilespmem:$0x1580] =	vst v1  }
0x164: {  	v1 =	vld.idx.msk [tilespmem:v3+s2+$0x0], $0xffff  }
0x165: {  	v3 =	vld [tilespmem:$0xDE0];
	_ =	sdelay $0x1  }
0x166: {  	v2 =	vadd.s32 s29, v2;
	_ =	sdelay $0x2  }
0x167: {  	v1 =	vadd.s32 v1, v3;
	v3 =	vld [tilespmem:$0x1090]  }
0x168: {  	[tilespmem:$0x1590] =	vst v1  }
0x169: {  	v1 =	vld.idx.msk [tilespmem:v2+s2+$0x0], $0xffff  }
0x16a: {  	v2 =	vld [tilespmem:$0xDF0];
	_ =	sdelay $0x1  }
0x16b: {  	v3 =	vadd.s32 s29, v3;
	_ =	sdelay $0x2  }
0x16c: {  	v1 =	vadd.s32 v1, v2;
	v2 =	vld [tilespmem:$0x10A0]  }
0x16d: {  	[tilespmem:$0x15A0] =	vst v1  }
0x16e: {  	v1 =	vld.idx.msk [tilespmem:v3+s2+$0x0], $0xffff  }
0x16f: {  	v3 =	vld [tilespmem:$0xE00];
	_ =	sdelay $0x1  }
0x170: {  	v2 =	vadd.s32 s29, v2;
	_ =	sdelay $0x2  }
0x171: {  	v1 =	vadd.s32 v1, v3;
	v3 =	vld [tilespmem:$0x10B0]  }
0x172: {  	[tilespmem:$0x15B0] =	vst v1  }
0x173: {  	v1 =	vld.idx.msk [tilespmem:v2+s2+$0x0], $0xffff  }
0x174: {  	v2 =	vld [tilespmem:$0xE10];
	_ =	sdelay $0x1  }
0x175: {  	v3 =	vadd.s32 s29, v3;
	_ =	sdelay $0x2  }
0x176: {  	v1 =	vadd.s32 v1, v2;
	v2 =	vld [tilespmem:$0x10C0]  }
0x177: {  	[tilespmem:$0x15C0] =	vst v1  }
0x178: {  	v1 =	vld.idx.msk [tilespmem:v3+s2+$0x0], $0xffff  }
0x179: {  	v3 =	vld [tilespmem:$0xE20];
	_ =	sdelay $0x1  }
0x17a: {  	v2 =	vadd.s32 s29, v2;
	_ =	sdelay $0x2  }
0x17b: {  	v1 =	vadd.s32 v1, v3;
	v3 =	vld [tilespmem:$0x10D0]  }
0x17c: {  	[tilespmem:$0x15D0] =	vst v1  }
0x17d: {  	v1 =	vld.idx.msk [tilespmem:v2+s2+$0x0], $0xffff  }
0x17e: {  	v2 =	vld [tilespmem:$0xE30];
	_ =	sdelay $0x1  }
0x17f: {  	v3 =	vadd.s32 s29, v3;
	_ =	sdelay $0x2  }
0x180: {  	v1 =	vadd.s32 v1, v2;
	v2 =	vld [tilespmem:$0x10E0]  }
0x181: {  	[tilespmem:$0x15E0] =	vst v1  }
0x182: {  	v1 =	vld.idx.msk [tilespmem:v3+s2+$0x0], $0xffff  }
0x183: {  	v3 =	vld [tilespmem:$0xE40];
	_ =	sdelay $0x1  }
0x184: {  	v2 =	vadd.s32 s29, v2;
	_ =	sdelay $0x2  }
0x185: {  	v1 =	vadd.s32 v1, v3;
	v3 =	vld [tilespmem:$0x10F0]  }
0x186: {  	[tilespmem:$0x15F0] =	vst v1  }
0x187: {  	v1 =	vld.idx.msk [tilespmem:v2+s2+$0x0], $0xffff  }
0x188: {  	v2 =	vld [tilespmem:$0xE50];
	_ =	sdelay $0x1  }
0x189: {  	v3 =	vadd.s32 s29, v3;
	_ =	sdelay $0x2  }
0x18a: {  	v1 =	vadd.s32 v1, v2;
	v2 =	vld [tilespmem:$0x1100]  }
0x18b: {  	[tilespmem:$0x1600] =	vst v1  }
0x18c: {  	v1 =	vld.idx.msk [tilespmem:v3+s2+$0x0], $0xffff  }
0x18d: {  	v3 =	vld [tilespmem:$0xE60];
	_ =	sdelay $0x1  }
0x18e: {  	v2 =	vadd.s32 s29, v2;
	_ =	sdelay $0x2  }
0x18f: {  	v1 =	vadd.s32 v1, v3;
	v3 =	vld [tilespmem:$0x1110]  }
0x190: {  	[tilespmem:$0x1610] =	vst v1  }
0x191: {  	v1 =	vld.idx.msk [tilespmem:v2+s2+$0x0], $0xffff  }
0x192: {  	v2 =	vld [tilespmem:$0xE70];
	_ =	sdelay $0x1  }
0x193: {  	v3 =	vadd.s32 s29, v3;
	_ =	sdelay $0x2  }
0x194: {  	v1 =	vadd.s32 v1, v2;
	v2 =	vld [tilespmem:$0x1120]  }
0x195: {  	[tilespmem:$0x1620] =	vst v1  }
0x196: {  	v1 =	vld.idx.msk [tilespmem:v3+s2+$0x0], $0xffff  }
0x197: {  	v3 =	vld [tilespmem:$0xE80];
	_ =	sdelay $0x1  }
0x198: {  	v2 =	vadd.s32 s29, v2;
	_ =	sdelay $0x2  }
0x199: {  	v1 =	vadd.s32 v1, v3;
	v3 =	vld [tilespmem:$0x1130]  }
0x19a: {  	[tilespmem:$0x1630] =	vst v1  }
0x19b: {  	v1 =	vld.idx.msk [tilespmem:v2+s2+$0x0], $0xffff  }
0x19c: {  	v2 =	vld [tilespmem:$0xE90];
	_ =	sdelay $0x1  }
0x19d: {  	v3 =	vadd.s32 s29, v3;
	_ =	sdelay $0x2  }
0x19e: {  	v1 =	vadd.s32 v1, v2;
	v2 =	vld [tilespmem:$0x1140]  }
0x19f: {  	[tilespmem:$0x1640] =	vst v1  }
0x1a0: {  	v1 =	vld.idx.msk [tilespmem:v3+s2+$0x0], $0xffff  }
0x1a1: {  	v3 =	vld [tilespmem:$0xEA0];
	_ =	sdelay $0x1  }
0x1a2: {  	v2 =	vadd.s32 s29, v2;
	_ =	sdelay $0x2  }
0x1a3: {  	v1 =	vadd.s32 v1, v3;
	v3 =	vld [tilespmem:$0x1150]  }
0x1a4: {  	[tilespmem:$0x1650] =	vst v1  }
0x1a5: {  	v1 =	vld.idx.msk [tilespmem:v2+s2+$0x0], $0xffff  }
0x1a6: {  	v2 =	vld [tilespmem:$0xEB0];
	_ =	sdelay $0x1  }
0x1a7: {  	v3 =	vadd.s32 s29, v3;
	_ =	sdelay $0x2  }
0x1a8: {  	v1 =	vadd.s32 v1, v2;
	v2 =	vld [tilespmem:$0x1160]  }
0x1a9: {  	[tilespmem:$0x1660] =	vst v1  }
0x1aa: {  	v1 =	vld.idx.msk [tilespmem:v3+s2+$0x0], $0xffff  }
0x1ab: {  	v3 =	vld [tilespmem:$0xEC0];
	_ =	sdelay $0x1  }
0x1ac: {  	v2 =	vadd.s32 s29, v2;
	_ =	sdelay $0x2  }
0x1ad: {  	v1 =	vadd.s32 v1, v3;
	v3 =	vld [tilespmem:$0x1170]  }
0x1ae: {  	[tilespmem:$0x1670] =	vst v1  }
0x1af: {  	v1 =	vld.idx.msk [tilespmem:v2+s2+$0x0], $0xffff  }
0x1b0: {  	v2 =	vld [tilespmem:$0xED0];
	_ =	sdelay $0x1  }
0x1b1: {  	v3 =	vadd.s32 s29, v3;
	_ =	sdelay $0x2  }
0x1b2: {  	v1 =	vadd.s32 v1, v2;
	v2 =	vld [tilespmem:$0x1180]  }
0x1b3: {  	[tilespmem:$0x1680] =	vst v1  }
0x1b4: {  	v1 =	vld.idx.msk [tilespmem:v3+s2+$0x0], $0xffff  }
0x1b5: {  	v3 =	vld [tilespmem:$0xEE0];
	_ =	sdelay $0x1  }
0x1b6: {  	v2 =	vadd.s32 s29, v2;
	_ =	sdelay $0x2  }
0x1b7: {  	v1 =	vadd.s32 v1, v3;
	v3 =	vld [tilespmem:$0x1190]  }
0x1b8: {  	[tilespmem:$0x1690] =	vst v1  }
0x1b9: {  	v1 =	vld.idx.msk [tilespmem:v2+s2+$0x0], $0xffff  }
0x1ba: {  	v2 =	vld [tilespmem:$0xEF0];
	_ =	sdelay $0x1  }
0x1bb: {  	v3 =	vadd.s32 s29, v3;
	_ =	sdelay $0x2  }
0x1bc: {  	v1 =	vadd.s32 v1, v2;
	v2 =	vld [tilespmem:$0x11A0]  }
0x1bd: {  	[tilespmem:$0x16A0] =	vst v1  }
0x1be: {  	v1 =	vld.idx.msk [tilespmem:v3+s2+$0x0], $0xffff  }
0x1bf: {  	v3 =	vld [tilespmem:$0xF00];
	_ =	sdelay $0x1  }
0x1c0: {  	v2 =	vadd.s32 s29, v2;
	_ =	sdelay $0x2  }
0x1c1: {  	v1 =	vadd.s32 v1, v3;
	v3 =	vld [tilespmem:$0x11B0]  }
0x1c2: {  	[tilespmem:$0x16B0] =	vst v1  }
0x1c3: {  	v1 =	vld.idx.msk [tilespmem:v2+s2+$0x0], $0xffff  }
0x1c4: {  	v2 =	vld [tilespmem:$0xF10];
	_ =	sdelay $0x1  }
0x1c5: {  	v3 =	vadd.s32 s29, v3;
	_ =	sdelay $0x2  }
0x1c6: {  	v1 =	vadd.s32 v1, v2;
	v2 =	vld [tilespmem:$0x11C0]  }
0x1c7: {  	[tilespmem:$0x16C0] =	vst v1  }
0x1c8: {  	v1 =	vld.idx.msk [tilespmem:v3+s2+$0x0], $0xffff  }
0x1c9: {  	v3 =	vld [tilespmem:$0xF20];
	_ =	sdelay $0x1  }
0x1ca: {  	v2 =	vadd.s32 s29, v2;
	_ =	sdelay $0x2  }
0x1cb: {  	v1 =	vadd.s32 v1, v3;
	v3 =	vld [tilespmem:$0x11D0]  }
0x1cc: {  	[tilespmem:$0x16D0] =	vst v1  }
0x1cd: {  	v1 =	vld.idx.msk [tilespmem:v2+s2+$0x0], $0xffff  }
0x1ce: {  	v2 =	vld [tilespmem:$0xF30];
	_ =	sdelay $0x1  }
0x1cf: {  	v3 =	vadd.s32 s29, v3;
	_ =	sdelay $0x2  }
0x1d0: {  	v1 =	vadd.s32 v1, v2;
	v2 =	vld [tilespmem:$0x11E0]  }
0x1d1: {  	[tilespmem:$0x16E0] =	vst v1  }
0x1d2: {  	v1 =	vld.idx.msk [tilespmem:v3+s2+$0x0], $0xffff  }
0x1d3: {  	v3 =	vld [tilespmem:$0xF40];
	_ =	sdelay $0x1  }
0x1d4: {  	v2 =	vadd.s32 s29, v2;
	_ =	sdelay $0x2  }
0x1d5: {  	v1 =	vadd.s32 v1, v3;
	v3 =	vld [tilespmem:$0x11F0]  }
0x1d6: {  	[tilespmem:$0x16F0] =	vst v1  }
0x1d7: {  	v1 =	vld.idx.msk [tilespmem:v2+s2+$0x0], $0xffff  }
0x1d8: {  	v2 =	vld [tilespmem:$0xF50];
	_ =	sdelay $0x1  }
0x1d9: {  	v3 =	vadd.s32 s29, v3;
	_ =	sdelay $0x2  }
0x1da: {  	v1 =	vadd.s32 v1, v2;
	v2 =	vld [tilespmem:$0x1200]  }
0x1db: {  	[tilespmem:$0x1700] =	vst v1  }
0x1dc: {  	v1 =	vld.idx.msk [tilespmem:v3+s2+$0x0], $0xffff  }
0x1dd: {  	v3 =	vld [tilespmem:$0xF60];
	_ =	sdelay $0x1  }
0x1de: {  	v2 =	vadd.s32 s29, v2;
	_ =	sdelay $0x2  }
0x1df: {  	v1 =	vadd.s32 v1, v3;
	v3 =	vld [tilespmem:$0x1210]  }
0x1e0: {  	[tilespmem:$0x1710] =	vst v1  }
0x1e1: {  	v1 =	vld.idx.msk [tilespmem:v2+s2+$0x0], $0xffff  }
0x1e2: {  	v2 =	vld [tilespmem:$0xF70];
	_ =	sdelay $0x1  }
0x1e3: {  	v3 =	vadd.s32 s29, v3;
	_ =	sdelay $0x2  }
0x1e4: {  	v1 =	vadd.s32 v1, v2  }
0x1e5: {  	v2 =	vld [tilespmem:$0xF80];
	[tilespmem:$0x1720] =	vst v1  }
0x1e6: {  	v1 =	vld.idx.msk [tilespmem:v3+s2+$0x0], $0xffff;
	_ =	sdelay $0x4  }
0x1e7: {  	v1 =	vadd.s32 v1, v2  }
0x1e8: {  	s30 =	simm.s32 $0xBB40;
	s29 =	simm.s32 $0x14B0;
	[tilespmem:$0x1730] =	vst v1  }
0x1e9: {  	[tilespmem:s30], [sflag:$0x2] =	stream.indirect.gather [hbm4b:s3+s12], $0x40, s29, s12, $0xb8;
	[tilespmem:$0x167C0] =	vst v63  }
0x1ea: {  	s29 =	simm.s32 $0x1530;
	s30 =	simm.s32 $0xDB40  }
0x1eb: {  	[tilespmem:s30], [sflag:$0x2] =	stream.indirect.gather [hbm4b:s3+s12], $0x40, s29, s12, $0xb8;
	[tilespmem:$0x167C0] =	vst v63  }
0x1ec: {  	s29 =	simm.s32 $0x15B0  }
0x1ed: {  	[tilespmem:s1], [sflag:$0x2] =	stream.indirect.gather [hbm4b:s3+s17], $0x40, s29, s17, $0xb8;
	[tilespmem:$0x167C0] =	vst v63  }
0x1ee: {  	_ = 	snop  }
0x1ef: {  	[tilespmem:s10], [sflag:$0x2] =	stream.indirect.gather [hbm4b:s3+s12], $0x40, s0, s12, $0xb8;
	[tilespmem:$0x167C0] =	vst v63  }
0x1f0: {  	_ = 	snop  }
0x1f1: {  	[tilespmem:s4], [sflag:$0x2] =	stream.indirect.gather [hbm4b:s3+s12], $0x40, s11, s12, $0xb8;
	[tilespmem:$0x167C0] =	vst v63  }
0x1f2: {  	_ = 	snop  }
0x1f3: {  	[tilespmem:s6], [sflag:$0x2] =	stream.indirect.gather [hbm4b:s3+s17], $0x40, s5, s17, $0xb8;
	[tilespmem:$0x167C0] =	vst v63  }
0x1f4: {  	_ =	swait.ge [sflag:s7], $0x2000  }
0x1f5: {  	[sflag:s7] =	ssyncset.done $0x0  }
0x1f6: {  	[sflag:s7] =	ssyncadd.s32 $0xFFFFE000  }
0x1f7: {  	_ =	swait.ge [sflag:s7], $0x2000  }
0x1f8: {  	[sflag:s7] =	ssyncset.done $0x0  }
0x1f9: {  	[sflag:s7] =	ssyncadd.s32 $0xFFFFE000  }
0x1fa: {  	_ =	swait.ge [sflag:s7], $0x1200  }
0x1fb: {  	[sflag:s7] =	ssyncset.done $0x0  }
0x1fc: {  	[sflag:s7] =	ssyncadd.s32 $0xFFFFEE00  }
0x1fd: {  	_ =	swait.ge [sflag:s7], $0x2000  }
0x1fe: {  	[sflag:s7] =	ssyncset.done $0x0  }
0x1ff: {  	[sflag:s7] =	ssyncadd.s32 $0xFFFFE000  }
0x200: {  	_ =	swait.ge [sflag:s7], $0x2000  }
0x201: {  	[sflag:s7] =	ssyncset.done $0x0  }
0x202: {  	[sflag:s7] =	ssyncadd.s32 $0xFFFFE000  }
0x203: {  	_ =	swait.ge [sflag:s7], $0x1200  }
0x204: {  	[sflag:s7] =	ssyncset.done $0x0  }
0x205: {  	s31 =	simm.s32 $0x1740;
	[sflag:s7] =	ssyncadd.s32 $0xFFFFEE00  }
0x206: {  	v1 =	vld [tilespmem:s31+$0x1C0]  }
0x207: {  	v2 =	vld [tilespmem:s31+$0x53C0]  }
0x208: {  	v3 =	vld [tilespmem:s31+$0x1D0]  }
0x209: {  	v4 =	vld [tilespmem:s31+$0x53D0]  }
0x20a: {  	v54 =	vld [tilespmem:s31+$0x1E0]  }
0x20b: {  	v55 =	vld [tilespmem:s31+$0x53E0]  }
0x20c: {  	v5 =	vld [tilespmem:s31+$0x180]  }
0x20d: {  	v6 =	vld [tilespmem:s31+$0x5380]  }
0x20e: {  	v7 =	vld [tilespmem:s31+$0x190]  }
0x20f: {  	v8 =	vld [tilespmem:s31+$0x5390]  }
0x210: {  	v56 =	vld [tilespmem:s31+$0x1A0]  }
0x211: {  	v57 =	vld [tilespmem:s31+$0x53A0]  }
0x212: {  	v9 =	vld [tilespmem:s31+$0x140]  }
0x213: {  	v10 =	vld [tilespmem:s31+$0x5340]  }
0x214: {  	v11 =	vld [tilespmem:s31+$0x150]  }
0x215: {  	v12 =	vld [tilespmem:s31+$0x5350]  }
0x216: {  	v14 =	vld [tilespmem:s31+$0x160]  }
0x217: {  	v15 =	vld [tilespmem:s31+$0x5360]  }
0x218: {  	v13 =	vld [tilespmem:s31+$0x100]  }
0x219: {  	v16 =	vld [tilespmem:s31+$0x5300]  }
0x21a: {  	v17 =	vld [tilespmem:s31+$0x110]  }
0x21b: {  	v18 =	vld [tilespmem:s31+$0x5310]  }
0x21c: {  	v19 =	vld [tilespmem:s31+$0x120]  }
0x21d: {  	v20 =	vld [tilespmem:s31+$0x5320]  }
0x21e: {  	v21 =	vld [tilespmem:s31+$0xC0]  }
0x21f: {  	v22 =	vld [tilespmem:s31+$0x52C0]  }
0x220: {  	v23 =	vld [tilespmem:s31+$0xD0]  }
0x221: {  	v24 =	vld [tilespmem:s31+$0x52D0]  }
0x222: {  	v25 =	vld [tilespmem:s31+$0xE0]  }
0x223: {  	v26 =	vld [tilespmem:s31+$0x52E0]  }
0x224: {  	v27 =	vld [tilespmem:s31+$0x80]  }
0x225: {  	v28 =	vld [tilespmem:s31+$0x5280]  }
0x226: {  	v29 =	vld [tilespmem:s31+$0x90]  }
0x227: {  	v30 =	vld [tilespmem:s31+$0x5290]  }
0x228: {  	v31 =	vld [tilespmem:s31+$0xA0]  }
0x229: {  	v32 =	vld [tilespmem:s31+$0x52A0]  }
0x22a: {  	v33 =	vld [tilespmem:s31+$0x40]  }
0x22b: {  	v34 =	vld [tilespmem:s31+$0x5240]  }
0x22c: {  	v35 =	vld [tilespmem:s31+$0x50]  }
0x22d: {  	v36 =	vld [tilespmem:s31+$0x5250]  }
0x22e: {  	v37 =	vld [tilespmem:s31+$0x60]  }
0x22f: {  	v38 =	vld [tilespmem:s31+$0x5260]  }
0x230: {  	v39 =	vld [tilespmem:s31+$0x0]  }
0x231: {  	v40 =	vld [tilespmem:s31+$0x5200]  }
0x232: {  	v41 =	vld [tilespmem:s31+$0x10]  }
0x233: {  	v42 =	vld [tilespmem:s31+$0x5210]  }
0x234: {  	v43 =	vld [tilespmem:s31+$0x20];
	v59 =	vmul.f32 v2, v1;
	v58 =	vmul.f32 v4, v3  }
0x235: {  	v1 =	vld [tilespmem:s31+$0x5220];
	v61 =	vmul.f32 v6, v5;
	v60 =	vmul.f32 v8, v7  }
0x236: {  	v2 =	vld [tilespmem:s31+$0x30];
	v63 =	vmul.f32 v10, v9;
	v62 =	vmul.f32 v12, v11  }
0x237: {  	v3 =	vld [tilespmem:s31+$0x5230];
	v12 =	vmul.f32 v16, v13;
	v16 =	vmul.f32 v18, v17  }
0x238: {  	v4 =	vld [tilespmem:s31+$0x70];
	v5 =	vmul.f32 v22, v21;
	v7 =	vmul.f32 v24, v23  }
0x239: {  	v6 =	vld [tilespmem:s31+$0x5270];
	v8 =	vmul.f32 v28, v27;
	v9 =	vmul.f32 v30, v29  }
0x23a: {  	v10 =	vmul.f32 v34, v33;
	v11 =	vmul.f32 v36, v35;
	v13 =	vld [tilespmem:s31+$0xB0]  }
0x23b: {  	v35 =	vmul.f32 v40, v39;
	v36 =	vmul.f32 v42, v41;
	v39 =	vld [tilespmem:s31+$0x52B0]  }
0x23c: {  	v44 =	vld [tilespmem:s31+$0x52F0];
	v40 =	vimm.f32 $0.0e+00;
	v1 =	vmul.f32 v1, v43;
	v2 =	vmul.f32 v3, v2  }
0x23d: {  	v41 =	vld [tilespmem:s31+$0xF0];
	v42 =	vadd.f32 v36, v40;
	v3 =	vadd.f32 v35, v40;
	v43 =	vmul.f32 v38, v37  }
0x23e: {  	v45 =	vld [tilespmem:s31+$0x130];
	v4 =	vmul.f32 v6, v4;
	v1 =	vadd.f32 v1, v40;
	v2 =	vadd.f32 v2, v40  }
0x23f: {  	v46 =	vld [tilespmem:s31+$0x5330];
	v6 =	vadd.f32 v10, v3;
	v10 =	vadd.f32 v11, v42;
	v11 =	vmul.f32 v32, v31  }
0x240: {  	v3 =	vld [tilespmem:s31+$0x170];
	v1 =	vadd.f32 v43, v1;
	v2 =	vadd.f32 v4, v2;
	v4 =	vmul.f32 v39, v13  }
0x241: {  	v8 =	vadd.f32 v8, v6;
	v9 =	vadd.f32 v9, v10;
	v10 =	vmul.f32 v26, v25;
	v6 =	vld [tilespmem:s31+$0x5370]  }
0x242: {  	v1 =	vadd.f32 v11, v1;
	v2 =	vadd.f32 v4, v2;
	v11 =	vmul.f32 v44, v41;
	v4 =	vld [tilespmem:s31+$0x1B0]  }
0x243: {  	v13 =	vadd.f32 v5, v8;
	v47 =	vadd.f32 v7, v9;
	v8 =	vmul.f32 v20, v19;
	v7 =	vld [tilespmem:s31+$0x53B0]  }
0x244: {  	v5 =	vld [tilespmem:s31+$0x1F0];
	v10 =	vadd.f32 v10, v1;
	v9 =	vadd.f32 v11, v2;
	v11 =	vmul.f32 v46, v45  }
0x245: {  	s30 =	simm.s32 $0x0;
	s29 =	sshll.u32 s26, $0x1;
	v13 =	vadd.f32 v12, v13;
	v12 =	vadd.f32 v16, v47;
	v2 =	vmul.f32 v15, v14;
	v1 =	vld [tilespmem:s31+$0x53F0];
	s31 =	simm.s32 $0x1940  }
.LBB2_3:
0x246: {  	v14 =	vld [tilespmem:s31+$0x1C0];
	v8 =	vadd.f32 v8, v10;
	v9 =	vadd.f32 v11, v9;
	v3 =	vmul.f32 v6, v3  }
0x247: {  	v6 =	vld [tilespmem:s31+$0x53C0];
	v10 =	vadd.f32 v63, v13;
	v11 =	vadd.f32 v62, v12;
	v12 =	vmul.f32 v57, v56  }
0x248: {  	v13 =	vld [tilespmem:s31+$0x1D0];
	v2 =	vadd.f32 v2, v8;
	v3 =	vadd.f32 v3, v9;
	v4 =	vmul.f32 v7, v4  }
0x249: {  	v7 =	vld [tilespmem:s31+$0x53D0];
	v8 =	vadd.f32 v61, v10;
	v9 =	vadd.f32 v60, v11;
	v10 =	vmul.f32 v55, v54  }
0x24a: {  	v54 =	vld [tilespmem:s31+$0x1E0];
	v2 =	vadd.f32 v12, v2;
	v3 =	vadd.f32 v4, v3;
	v1 =	vmul.f32 v1, v5  }
0x24b: {  	v55 =	vld [tilespmem:s31+$0x53E0];
	v4 =	vadd.f32 v59, v8;
	v5 =	vadd.f32 v58, v9  }
0x24c: {  	v8 =	vld [tilespmem:s31+$0x180];
	v9 =	vadd.f32 v10, v2;
	v3 =	vadd.f32 v1, v3  }
0x24d: {  	v10 =	vld [tilespmem:s31+$0x5380]  }
0x24e: {  	v11 =	vld [tilespmem:s31+$0x190]  }
0x24f: {  	v12 =	vld [tilespmem:s31+$0x5390]  }
0x250: {  	v56 =	vld [tilespmem:s31+$0x1A0]  }
0x251: {  	v57 =	vld [tilespmem:s31+$0x53A0]  }
0x252: {  	v15 =	vld [tilespmem:s31+$0x140]  }
0x253: {  	v16 =	vld [tilespmem:s31+$0x5340]  }
0x254: {  	v17 =	vld [tilespmem:s31+$0x150]  }
0x255: {  	v18 =	vld [tilespmem:s31+$0x5350]  }
0x256: {  	v1 =	vld [tilespmem:s31+$0x160]  }
0x257: {  	v2 =	vld [tilespmem:s31+$0x5360]  }
0x258: {  	v19 =	vld [tilespmem:s31+$0x100]  }
0x259: {  	v20 =	vld [tilespmem:s31+$0x5300]  }
0x25a: {  	v21 =	vld [tilespmem:s31+$0x110]  }
0x25b: {  	v22 =	vld [tilespmem:s31+$0x5310]  }
0x25c: {  	v23 =	vld [tilespmem:s31+$0x120]  }
0x25d: {  	v24 =	vld [tilespmem:s31+$0x5320]  }
0x25e: {  	v25 =	vld [tilespmem:s31+$0xC0]  }
0x25f: {  	v26 =	vld [tilespmem:s31+$0x52C0]  }
0x260: {  	v27 =	vld [tilespmem:s31+$0xD0]  }
0x261: {  	v28 =	vld [tilespmem:s31+$0x52D0]  }
0x262: {  	v29 =	vld [tilespmem:s31+$0xE0]  }
0x263: {  	v30 =	vld [tilespmem:s31+$0x52E0]  }
0x264: {  	v31 =	vld [tilespmem:s31+$0x80]  }
0x265: {  	v32 =	vld [tilespmem:s31+$0x5280]  }
0x266: {  	v33 =	vld [tilespmem:s31+$0x90]  }
0x267: {  	v34 =	vld [tilespmem:s31+$0x5290]  }
0x268: {  	v35 =	vld [tilespmem:s31+$0xA0]  }
0x269: {  	v36 =	vld [tilespmem:s31+$0x52A0]  }
0x26a: {  	v37 =	vld [tilespmem:s31+$0x40]  }
0x26b: {  	v38 =	vld [tilespmem:s31+$0x5240]  }
0x26c: {  	v39 =	vld [tilespmem:s31+$0x50]  }
0x26d: {  	v40 =	vld [tilespmem:s31+$0x5250]  }
0x26e: {  	v41 =	vld [tilespmem:s31+$0x60]  }
0x26f: {  	v42 =	vld [tilespmem:s31+$0x5260]  }
0x270: {  	v43 =	vld [tilespmem:s31+$0x0]  }
0x271: {  	v44 =	vld [tilespmem:s31+$0x5200]  }
0x272: {  	v45 =	vld [tilespmem:s31+$0x10]  }
0x273: {  	v46 =	vld [tilespmem:s31+$0x5210]  }
0x274: {  	v59 =	vmul.f32 v6, v14;
	v58 =	vmul.f32 v7, v13;
	v47 =	vld [tilespmem:s31+$0x20]  }
0x275: {  	v61 =	vmul.f32 v10, v8;
	v60 =	vmul.f32 v12, v11;
	v6 =	vld [tilespmem:s31+$0x5220]  }
0x276: {  	v63 =	vmul.f32 v16, v15;
	v62 =	vmul.f32 v18, v17;
	v7 =	vld [tilespmem:s31+$0x30]  }
0x277: {  	s30 =	sadd.s32 $0x8, s30;
	v12 =	vmul.f32 v20, v19;
	v14 =	vmul.f32 v22, v21;
	v8 =	vld [tilespmem:s31+$0x5230]  }
0x278: {  	p0 =	slt.u32 s30, $0x138;
	v11 =	vmul.f32 v26, v25;
	v13 =	vmul.f32 v28, v27;
	v10 =	vld [tilespmem:s31+$0x70]  }
0x279: {  	v16 =	vmul.f32 v32, v31;
	v17 =	vmul.f32 v34, v33;
	v15 =	vld [tilespmem:s31+$0x5270]  }
0x27a: {  	v18 =	vmul.f32 v38, v37;
	v19 =	vmul.f32 v40, v39;
	v20 =	vld [tilespmem:s31+$0xB0]  }
0x27b: {  	v21 =	vmul.f32 v44, v43;
	v22 =	vmul.f32 v46, v45;
	v25 =	vld [tilespmem:s31+$0x52B0]  }
0x27c: {  	v6 =	vmul.f32 v6, v47;
	v7 =	vmul.f32 v8, v7;
	v8 =	vld [tilespmem:s31+$0xF0]  }
0x27d: {  	v4 =	vadd.f32 v21, v4;
	v21 =	vmul.f32 v42, v41;
	v5 =	vadd.f32 v22, v5;
	v22 =	vld [tilespmem:s31+$0x52F0]  }
0x27e: {  	v6 =	vadd.f32 v6, v9;
	v3 =	vadd.f32 v7, v3;
	v7 =	vmul.f32 v15, v10;
	v15 =	vld [tilespmem:s31+$0x130]  }
0x27f: {  	v4 =	vadd.f32 v18, v4;
	v5 =	vadd.f32 v19, v5;
	v9 =	vmul.f32 v36, v35;
	v18 =	vld [tilespmem:s31+$0x5330]  }
0x280: {  	v10 =	vadd.f32 v21, v6;
	v7 =	vadd.f32 v7, v3;
	v19 =	vmul.f32 v25, v20;
	v3 =	vld [tilespmem:s31+$0x170]  }
.Ltmp0:
0x281: {  	v16 =	vadd.f32 v16, v4;
	v5 =	vadd.f32 v17, v5;
	v17 =	vmul.f32 v30, v29;
	v6 =	vld [tilespmem:s31+$0x5370];
	(pc) =	sbr.rel @p0 .LBB2_3-.Ltmp0, $4  }
0x282: {  	v9 =	vadd.f32 v9, v10;
	v19 =	vadd.f32 v19, v7;
	v20 =	vmul.f32 v22, v8;
	v4 =	vld [tilespmem:s31+$0x1B0]  }
0x283: {  	v16 =	vadd.f32 v11, v16;
	v21 =	vadd.f32 v13, v5;
	v8 =	vmul.f32 v24, v23;
	v7 =	vld [tilespmem:s31+$0x53B0]  }
0x284: {  	v10 =	vadd.f32 v17, v9;
	v9 =	vadd.f32 v20, v19;
	v11 =	vmul.f32 v18, v15;
	v5 =	vld [tilespmem:s31+$0x1F0]  }
0x285: {  	v2 =	vmul.f32 v2, v1;
	v13 =	vadd.f32 v12, v16;
	v12 =	vadd.f32 v14, v21;
	v1 =	vld [tilespmem:s31+$0x53F0];
	s31 =	sadd.s32 $0x200, s31  }
0x286: {  	v14 =	vld [tilespmem:$0x6740]  }
0x287: {  	v15 =	vld [tilespmem:$0xB940]  }
0x288: {  	v16 =	vld [tilespmem:$0x6750]  }
0x289: {  	v17 =	vld [tilespmem:$0xB950]  }
0x28a: {  	v18 =	vld [tilespmem:$0x6760]  }
0x28b: {  	v19 =	vld [tilespmem:$0xB960]  }
0x28c: {  	v20 =	vld [tilespmem:$0x6770]  }
0x28d: {  	v21 =	vld [tilespmem:$0xB970]  }
0x28e: {  	v22 =	vld [tilespmem:$0x6780]  }
0x28f: {  	v23 =	vld [tilespmem:$0xB980]  }
0x290: {  	v24 =	vld [tilespmem:$0x6790]  }
0x291: {  	v25 =	vld [tilespmem:$0xB990]  }
0x292: {  	v26 =	vld [tilespmem:$0x67A0]  }
0x293: {  	v27 =	vld [tilespmem:$0xB9A0]  }
0x294: {  	v28 =	vld [tilespmem:$0x67B0]  }
0x295: {  	v29 =	vld [tilespmem:$0xB9B0]  }
0x296: {  	v30 =	vld [tilespmem:$0x67C0]  }
0x297: {  	v31 =	vld [tilespmem:$0xB9C0]  }
0x298: {  	v32 =	vld [tilespmem:$0x67D0]  }
0x299: {  	v33 =	vld [tilespmem:$0xB9D0]  }
0x29a: {  	v34 =	vld [tilespmem:$0x67E0]  }
0x29b: {  	v35 =	vld [tilespmem:$0xB9E0]  }
0x29c: {  	v36 =	vld [tilespmem:$0x67F0]  }
0x29d: {  	v37 =	vld [tilespmem:$0xB9F0]  }
0x29e: {  	v8 =	vadd.f32 v8, v10;
	v10 =	vld [tilespmem:$0x6800]  }
0x29f: {  	v9 =	vadd.f32 v11, v9;
	v3 =	vmul.f32 v6, v3;
	v11 =	vld [tilespmem:$0xBA00];
	v6 =	vadd.f32 v63, v13  }
0x2a0: {  	v39 =	vld [tilespmem:$0x6840];
	v12 =	vadd.f32 v62, v12;
	v13 =	vmul.f32 v57, v56;
	v2 =	vadd.f32 v2, v8  }
0x2a1: {  	v40 =	vld [tilespmem:$0x6850];
	v3 =	vadd.f32 v3, v9;
	v4 =	vmul.f32 v7, v4;
	v6 =	vadd.f32 v61, v6  }
0x2a2: {  	v42 =	vld [tilespmem:$0xBA50];
	v9 =	vadd.f32 v60, v12;
	v12 =	vmul.f32 v55, v54;
	v2 =	vadd.f32 v13, v2  }
0x2a3: {  	v44 =	vld [tilespmem:$0x6860];
	v3 =	vadd.f32 v4, v3;
	v1 =	vmul.f32 v1, v5;
	v4 =	vadd.f32 v59, v6  }
0x2a4: {  	v8 =	vld [tilespmem:$0x6810];
	v6 =	vadd.f32 v58, v9;
	v9 =	vmul.f32 v15, v14;
	v14 =	vmul.f32 v19, v18  }
0x2a5: {  	v7 =	vld [tilespmem:$0xBA10];
	v38 =	vmul.f32 v23, v22;
	v1 =	vadd.f32 v1, v3;
	v3 =	vmul.f32 v17, v16  }
0x2a6: {  	v13 =	vld [tilespmem:$0x6820];
	v2 =	vadd.f32 v12, v2;
	v4 =	vadd.f32 v9, v4;
	v9 =	vmul.f32 v21, v20  }
0x2a7: {  	v5 =	vld [tilespmem:$0xBA20];
	v41 =	vmul.f32 v31, v30;
	v3 =	vadd.f32 v3, v6;
	v6 =	vmul.f32 v25, v24  }
0x2a8: {  	v15 =	vld [tilespmem:$0xBA30];
	v2 =	vadd.f32 v14, v2;
	v1 =	vadd.f32 v9, v1;
	v9 =	vmul.f32 v27, v26  }
0x2a9: {  	v14 =	vld [tilespmem:$0xBA40];
	v4 =	vadd.f32 v38, v4;
	v3 =	vadd.f32 v6, v3;
	v6 =	vmul.f32 v29, v28  }
0x2aa: {  	v43 =	vmul.f32 v35, v34;
	v12 =	vld [tilespmem:$0x6830];
	v2 =	vadd.f32 v9, v2;
	v9 =	vmul.f32 v33, v32  }
0x2ab: {  	v4 =	vadd.f32 v41, v4;
	v1 =	vadd.f32 v6, v1;
	v6 =	vmul.f32 v11, v10;
	v10 =	vld [tilespmem:$0xBA60]  }
0x2ac: {  	v7 =	vmul.f32 v7, v8;
	v8 =	vld [tilespmem:$0x6870];
	v5 =	vmul.f32 v5, v13;
	v3 =	vadd.f32 v9, v3  }
0x2ad: {  	v2 =	vadd.f32 v43, v2;
	v9 =	vmul.f32 v37, v36;
	v4 =	vadd.f32 v6, v4;
	v6 =	vld [tilespmem:$0xBA70]  }
0x2ae: {  	v11 =	vmul.f32 v42, v40;
	v3 =	vadd.f32 v7, v3;
	v7 =	vmul.f32 v14, v39  }
0x2af: {  	v1 =	vadd.f32 v9, v1;
	v2 =	vadd.f32 v5, v2;
	v5 =	vmul.f32 v15, v12  }
0x2b0: {  	v4 =	vadd.f32 v7, v4;
	v3 =	vadd.f32 v11, v3;
	v7 =	vmul.f32 v10, v44  }
0x2b1: {  	v1 =	vadd.f32 v5, v1  }
0x2b2: {  	v2 =	vadd.f32 v7, v2;
	v5 =	vmul.f32 v6, v8;
	v3 =	vadd.f32 v3, v4;
	_ =	sdelay $0x1  }
0x2b3: {  	v1 =	vadd.f32 v5, v1;
	v2 =	vadd.f32 v2, v3;
	_ =	sdelay $0x1  }
0x2b4: {  	s30 =	sshll.u32 s26, $0x5;
	v1 =	vadd.f32 v1, v2  }
0x2b5: {  	s30 =	sand.u32 $0x3FFFFFE0, s30  }
0x2b6: {  	[tilespmem:s30+$0x15F40] =	vst v1  }
0x2b7: {  	v1 =	vld [tilespmem:$0xF90]  }
0x2b8: {  	s29 =	smin.u32 s29, $0x7D  }
0x2b9: {  	s29 =	smul.u32 $0x1A, s29;
	_ =	sdelay $0x1  }
0x2ba: {  	s29 =	sadd.s32 $0x34, s29  }
0x2bb: {  	v1 =	vadd.s32 s29, v1;
	_ =	sdelay $0x1  }
0x2bc: {  	v2 =	vld [tilespmem:$0xFA0];
	_ =	sdelay $0x1  }
0x2bd: {  	v3 =	vld [tilespmem:$0xD00]  }
0x2be: {  	v1 =	vld.idx.msk [tilespmem:v1+s2+$0x0], $0xffff;
	_ =	sdelay $0x1  }
0x2bf: {  	v2 =	vadd.s32 s29, v2;
	_ =	sdelay $0x2  }
0x2c0: {  	v1 =	vadd.s32 v1, v3;
	v3 =	vld [tilespmem:$0xFB0]  }
0x2c1: {  	[tilespmem:$0x1220] =	vst v1  }
0x2c2: {  	v1 =	vld.idx.msk [tilespmem:v2+s2+$0x0], $0xffff  }
0x2c3: {  	v2 =	vld [tilespmem:$0xD10];
	_ =	sdelay $0x1  }
0x2c4: {  	v3 =	vadd.s32 s29, v3;
	_ =	sdelay $0x2  }
0x2c5: {  	v1 =	vadd.s32 v1, v2;
	v2 =	vld [tilespmem:$0xFC0]  }
0x2c6: {  	[tilespmem:$0x1230] =	vst v1  }
0x2c7: {  	v1 =	vld.idx.msk [tilespmem:v3+s2+$0x0], $0xffff  }
0x2c8: {  	v3 =	vld [tilespmem:$0xD20];
	_ =	sdelay $0x1  }
0x2c9: {  	v2 =	vadd.s32 s29, v2;
	_ =	sdelay $0x2  }
0x2ca: {  	v1 =	vadd.s32 v1, v3;
	v3 =	vld [tilespmem:$0xFD0]  }
0x2cb: {  	[tilespmem:$0x1240] =	vst v1  }
0x2cc: {  	v1 =	vld.idx.msk [tilespmem:v2+s2+$0x0], $0xffff  }
0x2cd: {  	v2 =	vld [tilespmem:$0xD30];
	_ =	sdelay $0x1  }
0x2ce: {  	v3 =	vadd.s32 s29, v3;
	_ =	sdelay $0x2  }
0x2cf: {  	v1 =	vadd.s32 v1, v2;
	v2 =	vld [tilespmem:$0xFE0]  }
0x2d0: {  	[tilespmem:$0x1250] =	vst v1  }
0x2d1: {  	v1 =	vld.idx.msk [tilespmem:v3+s2+$0x0], $0xffff  }
0x2d2: {  	v3 =	vld [tilespmem:$0xD40];
	_ =	sdelay $0x1  }
0x2d3: {  	v2 =	vadd.s32 s29, v2;
	_ =	sdelay $0x2  }
0x2d4: {  	v1 =	vadd.s32 v1, v3;
	v3 =	vld [tilespmem:$0xFF0]  }
0x2d5: {  	[tilespmem:$0x1260] =	vst v1  }
0x2d6: {  	v1 =	vld.idx.msk [tilespmem:v2+s2+$0x0], $0xffff  }
0x2d7: {  	v2 =	vld [tilespmem:$0xD50];
	_ =	sdelay $0x1  }
0x2d8: {  	v3 =	vadd.s32 s29, v3;
	_ =	sdelay $0x2  }
0x2d9: {  	v1 =	vadd.s32 v1, v2;
	v2 =	vld [tilespmem:$0x1000]  }
0x2da: {  	[tilespmem:$0x1270] =	vst v1  }
0x2db: {  	v1 =	vld.idx.msk [tilespmem:v3+s2+$0x0], $0xffff  }
0x2dc: {  	v3 =	vld [tilespmem:$0xD60];
	_ =	sdelay $0x1  }
0x2dd: {  	v2 =	vadd.s32 s29, v2;
	_ =	sdelay $0x2  }
0x2de: {  	v1 =	vadd.s32 v1, v3;
	v3 =	vld [tilespmem:$0x1010]  }
0x2df: {  	[tilespmem:$0x1280] =	vst v1  }
0x2e0: {  	v1 =	vld.idx.msk [tilespmem:v2+s2+$0x0], $0xffff  }
0x2e1: {  	v2 =	vld [tilespmem:$0xD70];
	_ =	sdelay $0x1  }
0x2e2: {  	v3 =	vadd.s32 s29, v3;
	_ =	sdelay $0x2  }
0x2e3: {  	v1 =	vadd.s32 v1, v2;
	v2 =	vld [tilespmem:$0x1020]  }
0x2e4: {  	[tilespmem:$0x1290] =	vst v1  }
0x2e5: {  	v1 =	vld.idx.msk [tilespmem:v3+s2+$0x0], $0xffff  }
0x2e6: {  	v3 =	vld [tilespmem:$0xD80];
	_ =	sdelay $0x1  }
0x2e7: {  	v2 =	vadd.s32 s29, v2;
	_ =	sdelay $0x2  }
0x2e8: {  	v1 =	vadd.s32 v1, v3;
	v3 =	vld [tilespmem:$0x1030]  }
0x2e9: {  	[tilespmem:$0x12A0] =	vst v1  }
0x2ea: {  	v1 =	vld.idx.msk [tilespmem:v2+s2+$0x0], $0xffff  }
0x2eb: {  	v2 =	vld [tilespmem:$0xD90];
	_ =	sdelay $0x1  }
0x2ec: {  	v3 =	vadd.s32 s29, v3;
	_ =	sdelay $0x2  }
0x2ed: {  	v1 =	vadd.s32 v1, v2;
	v2 =	vld [tilespmem:$0x1040]  }
0x2ee: {  	[tilespmem:$0x12B0] =	vst v1  }
0x2ef: {  	v1 =	vld.idx.msk [tilespmem:v3+s2+$0x0], $0xffff  }
0x2f0: {  	v3 =	vld [tilespmem:$0xDA0];
	_ =	sdelay $0x1  }
0x2f1: {  	v2 =	vadd.s32 s29, v2;
	_ =	sdelay $0x2  }
0x2f2: {  	v1 =	vadd.s32 v1, v3;
	v3 =	vld [tilespmem:$0x1050]  }
0x2f3: {  	[tilespmem:$0x12C0] =	vst v1  }
0x2f4: {  	v1 =	vld.idx.msk [tilespmem:v2+s2+$0x0], $0xffff  }
0x2f5: {  	v2 =	vld [tilespmem:$0xDB0];
	_ =	sdelay $0x1  }
0x2f6: {  	v3 =	vadd.s32 s29, v3;
	_ =	sdelay $0x2  }
0x2f7: {  	v1 =	vadd.s32 v1, v2;
	v2 =	vld [tilespmem:$0x1060]  }
0x2f8: {  	[tilespmem:$0x12D0] =	vst v1  }
0x2f9: {  	v1 =	vld.idx.msk [tilespmem:v3+s2+$0x0], $0xffff  }
0x2fa: {  	v3 =	vld [tilespmem:$0xDC0];
	_ =	sdelay $0x1  }
0x2fb: {  	v2 =	vadd.s32 s29, v2;
	_ =	sdelay $0x2  }
0x2fc: {  	v1 =	vadd.s32 v1, v3;
	v3 =	vld [tilespmem:$0x1070]  }
0x2fd: {  	[tilespmem:$0x12E0] =	vst v1  }
0x2fe: {  	v1 =	vld.idx.msk [tilespmem:v2+s2+$0x0], $0xffff  }
0x2ff: {  	v2 =	vld [tilespmem:$0xDD0];
	_ =	sdelay $0x1  }
0x300: {  	v3 =	vadd.s32 s29, v3;
	_ =	sdelay $0x2  }
0x301: {  	v1 =	vadd.s32 v1, v2;
	v2 =	vld [tilespmem:$0x1080]  }
0x302: {  	[tilespmem:$0x12F0] =	vst v1  }
0x303: {  	v1 =	vld.idx.msk [tilespmem:v3+s2+$0x0], $0xffff  }
0x304: {  	v3 =	vld [tilespmem:$0xDE0];
	_ =	sdelay $0x1  }
0x305: {  	v2 =	vadd.s32 s29, v2;
	_ =	sdelay $0x2  }
0x306: {  	v1 =	vadd.s32 v1, v3;
	v3 =	vld [tilespmem:$0x1090]  }
0x307: {  	[tilespmem:$0x1300] =	vst v1  }
0x308: {  	v1 =	vld.idx.msk [tilespmem:v2+s2+$0x0], $0xffff  }
0x309: {  	v2 =	vld [tilespmem:$0xDF0];
	_ =	sdelay $0x1  }
0x30a: {  	v3 =	vadd.s32 s29, v3;
	_ =	sdelay $0x2  }
0x30b: {  	v1 =	vadd.s32 v1, v2;
	v2 =	vld [tilespmem:$0x10A0]  }
0x30c: {  	[tilespmem:$0x1310] =	vst v1  }
0x30d: {  	v1 =	vld.idx.msk [tilespmem:v3+s2+$0x0], $0xffff  }
0x30e: {  	v3 =	vld [tilespmem:$0xE00];
	_ =	sdelay $0x1  }
0x30f: {  	v2 =	vadd.s32 s29, v2;
	_ =	sdelay $0x2  }
0x310: {  	v1 =	vadd.s32 v1, v3;
	v3 =	vld [tilespmem:$0x10B0]  }
0x311: {  	[tilespmem:$0x1320] =	vst v1  }
0x312: {  	v1 =	vld.idx.msk [tilespmem:v2+s2+$0x0], $0xffff  }
0x313: {  	v2 =	vld [tilespmem:$0xE10];
	_ =	sdelay $0x1  }
0x314: {  	v3 =	vadd.s32 s29, v3;
	_ =	sdelay $0x2  }
0x315: {  	v1 =	vadd.s32 v1, v2;
	v2 =	vld [tilespmem:$0x10C0]  }
0x316: {  	[tilespmem:$0x1330] =	vst v1  }
0x317: {  	v1 =	vld.idx.msk [tilespmem:v3+s2+$0x0], $0xffff  }
0x318: {  	v3 =	vld [tilespmem:$0xE20];
	_ =	sdelay $0x1  }
0x319: {  	v2 =	vadd.s32 s29, v2;
	_ =	sdelay $0x2  }
0x31a: {  	v1 =	vadd.s32 v1, v3;
	v3 =	vld [tilespmem:$0x10D0]  }
0x31b: {  	[tilespmem:$0x1340] =	vst v1  }
0x31c: {  	v1 =	vld.idx.msk [tilespmem:v2+s2+$0x0], $0xffff  }
0x31d: {  	v2 =	vld [tilespmem:$0xE30];
	_ =	sdelay $0x1  }
0x31e: {  	v3 =	vadd.s32 s29, v3;
	_ =	sdelay $0x2  }
0x31f: {  	v1 =	vadd.s32 v1, v2;
	v2 =	vld [tilespmem:$0x10E0]  }
0x320: {  	[tilespmem:$0x1350] =	vst v1  }
0x321: {  	v1 =	vld.idx.msk [tilespmem:v3+s2+$0x0], $0xffff  }
0x322: {  	v3 =	vld [tilespmem:$0xE40];
	_ =	sdelay $0x1  }
0x323: {  	v2 =	vadd.s32 s29, v2;
	_ =	sdelay $0x2  }
0x324: {  	v1 =	vadd.s32 v1, v3;
	v3 =	vld [tilespmem:$0x10F0]  }
0x325: {  	[tilespmem:$0x1360] =	vst v1  }
0x326: {  	v1 =	vld.idx.msk [tilespmem:v2+s2+$0x0], $0xffff  }
0x327: {  	v2 =	vld [tilespmem:$0xE50];
	_ =	sdelay $0x1  }
0x328: {  	v3 =	vadd.s32 s29, v3;
	_ =	sdelay $0x2  }
0x329: {  	v1 =	vadd.s32 v1, v2;
	v2 =	vld [tilespmem:$0x1100]  }
0x32a: {  	[tilespmem:$0x1370] =	vst v1  }
0x32b: {  	v1 =	vld.idx.msk [tilespmem:v3+s2+$0x0], $0xffff  }
0x32c: {  	v3 =	vld [tilespmem:$0xE60];
	_ =	sdelay $0x1  }
0x32d: {  	v2 =	vadd.s32 s29, v2;
	_ =	sdelay $0x2  }
0x32e: {  	v1 =	vadd.s32 v1, v3;
	v3 =	vld [tilespmem:$0x1110]  }
0x32f: {  	[tilespmem:$0x1380] =	vst v1  }
0x330: {  	v1 =	vld.idx.msk [tilespmem:v2+s2+$0x0], $0xffff  }
0x331: {  	v2 =	vld [tilespmem:$0xE70];
	_ =	sdelay $0x1  }
0x332: {  	v3 =	vadd.s32 s29, v3;
	_ =	sdelay $0x2  }
0x333: {  	v1 =	vadd.s32 v1, v2;
	v2 =	vld [tilespmem:$0x1120]  }
0x334: {  	[tilespmem:$0x1390] =	vst v1  }
0x335: {  	v1 =	vld.idx.msk [tilespmem:v3+s2+$0x0], $0xffff  }
0x336: {  	v3 =	vld [tilespmem:$0xE80];
	_ =	sdelay $0x1  }
0x337: {  	v2 =	vadd.s32 s29, v2;
	_ =	sdelay $0x2  }
0x338: {  	v1 =	vadd.s32 v1, v3;
	v3 =	vld [tilespmem:$0x1130]  }
0x339: {  	[tilespmem:$0x13A0] =	vst v1  }
0x33a: {  	v1 =	vld.idx.msk [tilespmem:v2+s2+$0x0], $0xffff  }
0x33b: {  	v2 =	vld [tilespmem:$0xE90];
	_ =	sdelay $0x1  }
0x33c: {  	v3 =	vadd.s32 s29, v3;
	_ =	sdelay $0x2  }
0x33d: {  	v1 =	vadd.s32 v1, v2;
	v2 =	vld [tilespmem:$0x1140]  }
0x33e: {  	[tilespmem:$0x13B0] =	vst v1  }
0x33f: {  	v1 =	vld.idx.msk [tilespmem:v3+s2+$0x0], $0xffff  }
0x340: {  	v3 =	vld [tilespmem:$0xEA0];
	_ =	sdelay $0x1  }
0x341: {  	v2 =	vadd.s32 s29, v2;
	_ =	sdelay $0x2  }
0x342: {  	v1 =	vadd.s32 v1, v3;
	v3 =	vld [tilespmem:$0x1150]  }
0x343: {  	[tilespmem:$0x13C0] =	vst v1  }
0x344: {  	v1 =	vld.idx.msk [tilespmem:v2+s2+$0x0], $0xffff  }
0x345: {  	v2 =	vld [tilespmem:$0xEB0];
	_ =	sdelay $0x1  }
0x346: {  	v3 =	vadd.s32 s29, v3;
	_ =	sdelay $0x2  }
0x347: {  	v1 =	vadd.s32 v1, v2;
	v2 =	vld [tilespmem:$0x1160]  }
0x348: {  	[tilespmem:$0x13D0] =	vst v1  }
0x349: {  	v1 =	vld.idx.msk [tilespmem:v3+s2+$0x0], $0xffff  }
0x34a: {  	v3 =	vld [tilespmem:$0xEC0];
	_ =	sdelay $0x1  }
0x34b: {  	v2 =	vadd.s32 s29, v2;
	_ =	sdelay $0x2  }
0x34c: {  	v1 =	vadd.s32 v1, v3;
	v3 =	vld [tilespmem:$0x1170]  }
0x34d: {  	[tilespmem:$0x13E0] =	vst v1  }
0x34e: {  	v1 =	vld.idx.msk [tilespmem:v2+s2+$0x0], $0xffff  }
0x34f: {  	v2 =	vld [tilespmem:$0xED0];
	_ =	sdelay $0x1  }
0x350: {  	v3 =	vadd.s32 s29, v3;
	_ =	sdelay $0x2  }
0x351: {  	v1 =	vadd.s32 v1, v2;
	v2 =	vld [tilespmem:$0x1180]  }
0x352: {  	[tilespmem:$0x13F0] =	vst v1  }
0x353: {  	v1 =	vld.idx.msk [tilespmem:v3+s2+$0x0], $0xffff  }
0x354: {  	v3 =	vld [tilespmem:$0xEE0];
	_ =	sdelay $0x1  }
0x355: {  	v2 =	vadd.s32 s29, v2;
	_ =	sdelay $0x2  }
0x356: {  	v1 =	vadd.s32 v1, v3;
	v3 =	vld [tilespmem:$0x1190]  }
0x357: {  	[tilespmem:$0x1400] =	vst v1  }
0x358: {  	v1 =	vld.idx.msk [tilespmem:v2+s2+$0x0], $0xffff  }
0x359: {  	v2 =	vld [tilespmem:$0xEF0];
	_ =	sdelay $0x1  }
0x35a: {  	v3 =	vadd.s32 s29, v3;
	_ =	sdelay $0x2  }
0x35b: {  	v1 =	vadd.s32 v1, v2;
	v2 =	vld [tilespmem:$0x11A0]  }
0x35c: {  	[tilespmem:$0x1410] =	vst v1  }
0x35d: {  	v1 =	vld.idx.msk [tilespmem:v3+s2+$0x0], $0xffff  }
0x35e: {  	v3 =	vld [tilespmem:$0xF00];
	_ =	sdelay $0x1  }
0x35f: {  	v2 =	vadd.s32 s29, v2;
	_ =	sdelay $0x2  }
0x360: {  	v1 =	vadd.s32 v1, v3;
	v3 =	vld [tilespmem:$0x11B0]  }
0x361: {  	[tilespmem:$0x1420] =	vst v1  }
0x362: {  	v1 =	vld.idx.msk [tilespmem:v2+s2+$0x0], $0xffff  }
0x363: {  	v2 =	vld [tilespmem:$0xF10];
	_ =	sdelay $0x1  }
0x364: {  	v3 =	vadd.s32 s29, v3;
	_ =	sdelay $0x2  }
0x365: {  	v1 =	vadd.s32 v1, v2;
	v2 =	vld [tilespmem:$0x11C0]  }
0x366: {  	[tilespmem:$0x1430] =	vst v1  }
0x367: {  	v1 =	vld.idx.msk [tilespmem:v3+s2+$0x0], $0xffff  }
0x368: {  	v3 =	vld [tilespmem:$0xF20];
	_ =	sdelay $0x1  }
0x369: {  	v2 =	vadd.s32 s29, v2;
	_ =	sdelay $0x2  }
0x36a: {  	v1 =	vadd.s32 v1, v3;
	v3 =	vld [tilespmem:$0x11D0]  }
0x36b: {  	[tilespmem:$0x1440] =	vst v1  }
0x36c: {  	v1 =	vld.idx.msk [tilespmem:v2+s2+$0x0], $0xffff  }
0x36d: {  	v2 =	vld [tilespmem:$0xF30];
	_ =	sdelay $0x1  }
0x36e: {  	v3 =	vadd.s32 s29, v3;
	_ =	sdelay $0x2  }
0x36f: {  	v1 =	vadd.s32 v1, v2;
	v2 =	vld [tilespmem:$0x11E0]  }
0x370: {  	[tilespmem:$0x1450] =	vst v1  }
0x371: {  	v1 =	vld.idx.msk [tilespmem:v3+s2+$0x0], $0xffff  }
0x372: {  	v3 =	vld [tilespmem:$0xF40];
	_ =	sdelay $0x1  }
0x373: {  	v2 =	vadd.s32 s29, v2;
	_ =	sdelay $0x2  }
0x374: {  	v1 =	vadd.s32 v1, v3;
	v3 =	vld [tilespmem:$0x11F0]  }
0x375: {  	[tilespmem:$0x1460] =	vst v1  }
0x376: {  	v1 =	vld.idx.msk [tilespmem:v2+s2+$0x0], $0xffff  }
0x377: {  	v2 =	vld [tilespmem:$0xF50];
	_ =	sdelay $0x1  }
0x378: {  	v3 =	vadd.s32 s29, v3;
	_ =	sdelay $0x2  }
0x379: {  	v1 =	vadd.s32 v1, v2;
	v2 =	vld [tilespmem:$0x1200]  }
0x37a: {  	[tilespmem:$0x1470] =	vst v1  }
0x37b: {  	v1 =	vld.idx.msk [tilespmem:v3+s2+$0x0], $0xffff  }
0x37c: {  	v3 =	vld [tilespmem:$0xF60];
	_ =	sdelay $0x1  }
0x37d: {  	v2 =	vadd.s32 s29, v2;
	_ =	sdelay $0x2  }
0x37e: {  	v1 =	vadd.s32 v1, v3;
	v3 =	vld [tilespmem:$0x1210]  }
0x37f: {  	[tilespmem:$0x1480] =	vst v1  }
0x380: {  	v1 =	vld.idx.msk [tilespmem:v2+s2+$0x0], $0xffff  }
0x381: {  	v2 =	vld [tilespmem:$0xF70];
	_ =	sdelay $0x1  }
0x382: {  	v3 =	vadd.s32 s29, v3;
	_ =	sdelay $0x2  }
0x383: {  	v1 =	vadd.s32 v1, v2  }
0x384: {  	v2 =	vld [tilespmem:$0xF80];
	[tilespmem:$0x1490] =	vst v1  }
0x385: {  	v1 =	vld.idx.msk [tilespmem:v3+s2+$0x0], $0xffff;
	_ =	sdelay $0x4  }
0x386: {  	v1 =	vadd.s32 v1, v2  }
0x387: {  	[tilespmem:$0x14A0] =	vst v1  }
0x388: {  	[tilespmem:s14], [sflag:$0x1] =	stream.indirect.gather [hbm4b:s3+s12], $0x40, s13, s12, $0xb8;
	[tilespmem:$0x167C0] =	vst v63  }
0x389: {  	_ = 	snop  }
0x38a: {  	[tilespmem:s16], [sflag:$0x1] =	stream.indirect.gather [hbm4b:s3+s12], $0x40, s15, s12, $0xb8;
	[tilespmem:$0x167C0] =	vst v63  }
0x38b: {  	_ = 	snop  }
0x38c: {  	[tilespmem:s19], [sflag:$0x1] =	stream.indirect.gather [hbm4b:s3+s17], $0x40, s18, s17, $0xb8;
	[tilespmem:$0x167C0] =	vst v63  }
0x38d: {  	_ = 	snop  }
0x38e: {  	[tilespmem:s21], [sflag:$0x1] =	stream.indirect.gather [hbm4b:s3+s12], $0x40, s20, s12, $0xb8;
	[tilespmem:$0x167C0] =	vst v63  }
0x38f: {  	_ = 	snop  }
0x390: {  	[tilespmem:s23], [sflag:$0x1] =	stream.indirect.gather [hbm4b:s3+s12], $0x40, s22, s12, $0xb8;
	[tilespmem:$0x167C0] =	vst v63  }
0x391: {  	_ = 	snop  }
0x392: {  	[tilespmem:s25], [sflag:$0x1] =	stream.indirect.gather [hbm4b:s3+s17], $0x40, s24, s17, $0xb8;
	[tilespmem:$0x167C0] =	vst v63  }
0x393: {  	_ =	swait.ge [sflag:s8], $0x2000  }
0x394: {  	[sflag:s8] =	ssyncset.done $0x0  }
0x395: {  	[sflag:s8] =	ssyncadd.s32 $0xFFFFE000  }
0x396: {  	_ =	swait.ge [sflag:s8], $0x2000  }
0x397: {  	[sflag:s8] =	ssyncset.done $0x0  }
0x398: {  	[sflag:s8] =	ssyncadd.s32 $0xFFFFE000  }
0x399: {  	_ =	swait.ge [sflag:s8], $0x1200  }
0x39a: {  	[sflag:s8] =	ssyncset.done $0x0  }
0x39b: {  	[sflag:s8] =	ssyncadd.s32 $0xFFFFEE00  }
0x39c: {  	_ =	swait.ge [sflag:s8], $0x2000  }
0x39d: {  	[sflag:s8] =	ssyncset.done $0x0  }
0x39e: {  	[sflag:s8] =	ssyncadd.s32 $0xFFFFE000  }
0x39f: {  	_ =	swait.ge [sflag:s8], $0x2000  }
0x3a0: {  	[sflag:s8] =	ssyncset.done $0x0  }
0x3a1: {  	[sflag:s8] =	ssyncadd.s32 $0xFFFFE000  }
0x3a2: {  	_ =	swait.ge [sflag:s8], $0x1200  }
0x3a3: {  	[sflag:s8] =	ssyncset.done $0x0  }
0x3a4: {  	s30 =	simm.s32 $0xBB40;
	[sflag:s8] =	ssyncadd.s32 $0xFFFFEE00  }
0x3a5: {  	v1 =	vld [tilespmem:s30+$0x1C0]  }
0x3a6: {  	v2 =	vld [tilespmem:s30+$0x53C0]  }
0x3a7: {  	v3 =	vld [tilespmem:s30+$0x1D0]  }
0x3a8: {  	v4 =	vld [tilespmem:s30+$0x53D0]  }
0x3a9: {  	v54 =	vld [tilespmem:s30+$0x1E0]  }
0x3aa: {  	v55 =	vld [tilespmem:s30+$0x53E0]  }
0x3ab: {  	v5 =	vld [tilespmem:s30+$0x180]  }
0x3ac: {  	v6 =	vld [tilespmem:s30+$0x5380]  }
0x3ad: {  	v7 =	vld [tilespmem:s30+$0x190]  }
0x3ae: {  	v8 =	vld [tilespmem:s30+$0x5390]  }
0x3af: {  	v56 =	vld [tilespmem:s30+$0x1A0]  }
0x3b0: {  	v57 =	vld [tilespmem:s30+$0x53A0]  }
0x3b1: {  	v9 =	vld [tilespmem:s30+$0x140]  }
0x3b2: {  	v10 =	vld [tilespmem:s30+$0x5340]  }
0x3b3: {  	v11 =	vld [tilespmem:s30+$0x150]  }
0x3b4: {  	v12 =	vld [tilespmem:s30+$0x5350]  }
0x3b5: {  	v14 =	vld [tilespmem:s30+$0x160]  }
0x3b6: {  	v15 =	vld [tilespmem:s30+$0x5360]  }
0x3b7: {  	v13 =	vld [tilespmem:s30+$0x100]  }
0x3b8: {  	v16 =	vld [tilespmem:s30+$0x5300]  }
0x3b9: {  	v17 =	vld [tilespmem:s30+$0x110]  }
0x3ba: {  	v18 =	vld [tilespmem:s30+$0x5310]  }
0x3bb: {  	v19 =	vld [tilespmem:s30+$0x120]  }
0x3bc: {  	v20 =	vld [tilespmem:s30+$0x5320]  }
0x3bd: {  	v21 =	vld [tilespmem:s30+$0xC0]  }
0x3be: {  	v22 =	vld [tilespmem:s30+$0x52C0]  }
0x3bf: {  	v23 =	vld [tilespmem:s30+$0xD0]  }
0x3c0: {  	v24 =	vld [tilespmem:s30+$0x52D0]  }
0x3c1: {  	v25 =	vld [tilespmem:s30+$0xE0]  }
0x3c2: {  	v26 =	vld [tilespmem:s30+$0x52E0]  }
0x3c3: {  	v27 =	vld [tilespmem:s30+$0x80]  }
0x3c4: {  	v28 =	vld [tilespmem:s30+$0x5280]  }
0x3c5: {  	v29 =	vld [tilespmem:s30+$0x90]  }
0x3c6: {  	v30 =	vld [tilespmem:s30+$0x5290]  }
0x3c7: {  	v31 =	vld [tilespmem:s30+$0xA0]  }
0x3c8: {  	v32 =	vld [tilespmem:s30+$0x52A0]  }
0x3c9: {  	v33 =	vld [tilespmem:s30+$0x40]  }
0x3ca: {  	v34 =	vld [tilespmem:s30+$0x5240]  }
0x3cb: {  	v45 =	vld [tilespmem:s30+$0x50]  }
0x3cc: {  	v46 =	vld [tilespmem:s30+$0x5250]  }
0x3cd: {  	v47 =	vld [tilespmem:s30+$0x60]  }
0x3ce: {  	v38 =	vld [tilespmem:s30+$0x5260]  }
0x3cf: {  	v39 =	vld [tilespmem:s30+$0x0]  }
0x3d0: {  	v40 =	vld [tilespmem:s30+$0x5200]  }
0x3d1: {  	v41 =	vld [tilespmem:s30+$0x10]  }
0x3d2: {  	v42 =	vld [tilespmem:s30+$0x5210]  }
0x3d3: {  	v43 =	vld [tilespmem:s30+$0x20];
	v59 =	vmul.f32 v2, v1;
	v58 =	vmul.f32 v4, v3  }
0x3d4: {  	v1 =	vld [tilespmem:s30+$0x5220];
	v61 =	vmul.f32 v6, v5;
	v60 =	vmul.f32 v8, v7  }
0x3d5: {  	v2 =	vld [tilespmem:s30+$0x30];
	v63 =	vmul.f32 v10, v9;
	v62 =	vmul.f32 v12, v11  }
0x3d6: {  	v3 =	vld [tilespmem:s30+$0x5230];
	v11 =	vmul.f32 v16, v13;
	v16 =	vmul.f32 v18, v17  }
0x3d7: {  	v4 =	vld [tilespmem:s30+$0x70];
	v5 =	vmul.f32 v22, v21;
	v7 =	vmul.f32 v24, v23  }
0x3d8: {  	v6 =	vld [tilespmem:s30+$0x5270];
	v8 =	vmul.f32 v28, v27;
	v9 =	vmul.f32 v30, v29  }
0x3d9: {  	v10 =	vmul.f32 v34, v33;
	v12 =	vmul.f32 v46, v45;
	v13 =	vld [tilespmem:s30+$0xB0]  }
0x3da: {  	v35 =	vmul.f32 v40, v39;
	v36 =	vmul.f32 v42, v41;
	v39 =	vld [tilespmem:s30+$0x52B0]  }
0x3db: {  	v44 =	vld [tilespmem:s30+$0x52F0];
	v40 =	vimm.f32 $0.0e+00;
	v1 =	vmul.f32 v1, v43;
	v2 =	vmul.f32 v3, v2  }
0x3dc: {  	v41 =	vld [tilespmem:s30+$0xF0];
	v42 =	vadd.f32 v36, v40;
	v3 =	vadd.f32 v35, v40;
	v43 =	vmul.f32 v38, v47  }
0x3dd: {  	v45 =	vld [tilespmem:s30+$0x130];
	v4 =	vmul.f32 v6, v4;
	v1 =	vadd.f32 v1, v40;
	v2 =	vadd.f32 v2, v40  }
0x3de: {  	v46 =	vld [tilespmem:s30+$0x5330];
	v6 =	vadd.f32 v10, v3;
	v10 =	vadd.f32 v12, v42;
	v12 =	vmul.f32 v32, v31  }
0x3df: {  	v3 =	vld [tilespmem:s30+$0x170];
	v1 =	vadd.f32 v43, v1;
	v2 =	vadd.f32 v4, v2;
	v4 =	vmul.f32 v39, v13  }
0x3e0: {  	v8 =	vadd.f32 v8, v6;
	v9 =	vadd.f32 v9, v10;
	v10 =	vmul.f32 v26, v25;
	v6 =	vld [tilespmem:s30+$0x5370]  }
0x3e1: {  	v1 =	vadd.f32 v12, v1;
	v2 =	vadd.f32 v4, v2;
	v12 =	vmul.f32 v44, v41;
	v4 =	vld [tilespmem:s30+$0x1B0]  }
0x3e2: {  	v13 =	vadd.f32 v5, v8;
	v47 =	vadd.f32 v7, v9;
	v8 =	vmul.f32 v20, v19;
	v7 =	vld [tilespmem:s30+$0x53B0]  }
0x3e3: {  	v5 =	vld [tilespmem:s30+$0x1F0];
	v10 =	vadd.f32 v10, v1;
	v9 =	vadd.f32 v12, v2;
	v12 =	vmul.f32 v46, v45  }
0x3e4: {  	s29 =	simm.s32 $0x0;
	v13 =	vadd.f32 v11, v13;
	v11 =	vadd.f32 v16, v47;
	v2 =	vmul.f32 v15, v14;
	v1 =	vld [tilespmem:s30+$0x53F0];
	s30 =	simm.s32 $0xBD40  }
.LBB2_5:
0x3e5: {  	v14 =	vld [tilespmem:s30+$0x1C0];
	v8 =	vadd.f32 v8, v10;
	v9 =	vadd.f32 v12, v9;
	v3 =	vmul.f32 v6, v3  }
0x3e6: {  	v12 =	vmul.f32 v57, v56;
	v6 =	vld [tilespmem:s30+$0x53C0];
	v10 =	vadd.f32 v63, v13;
	v11 =	vadd.f32 v62, v11  }
0x3e7: {  	v13 =	vld [tilespmem:s30+$0x1D0];
	v2 =	vadd.f32 v2, v8;
	v3 =	vadd.f32 v3, v9;
	v4 =	vmul.f32 v7, v4  }
0x3e8: {  	v7 =	vld [tilespmem:s30+$0x53D0];
	v8 =	vadd.f32 v61, v10;
	v9 =	vadd.f32 v60, v11;
	v10 =	vmul.f32 v55, v54  }
0x3e9: {  	v54 =	vld [tilespmem:s30+$0x1E0];
	v2 =	vadd.f32 v12, v2;
	v3 =	vadd.f32 v4, v3;
	v1 =	vmul.f32 v1, v5  }
0x3ea: {  	v55 =	vld [tilespmem:s30+$0x53E0];
	v4 =	vadd.f32 v59, v8;
	v5 =	vadd.f32 v58, v9  }
0x3eb: {  	v8 =	vld [tilespmem:s30+$0x180];
	v9 =	vadd.f32 v10, v2;
	v3 =	vadd.f32 v1, v3  }
0x3ec: {  	v10 =	vld [tilespmem:s30+$0x5380]  }
0x3ed: {  	v11 =	vld [tilespmem:s30+$0x190]  }
0x3ee: {  	v12 =	vld [tilespmem:s30+$0x5390]  }
0x3ef: {  	v56 =	vld [tilespmem:s30+$0x1A0]  }
0x3f0: {  	v57 =	vld [tilespmem:s30+$0x53A0]  }
0x3f1: {  	v15 =	vld [tilespmem:s30+$0x140]  }
0x3f2: {  	v16 =	vld [tilespmem:s30+$0x5340]  }
0x3f3: {  	v17 =	vld [tilespmem:s30+$0x150]  }
0x3f4: {  	v18 =	vld [tilespmem:s30+$0x5350]  }
0x3f5: {  	v1 =	vld [tilespmem:s30+$0x160]  }
0x3f6: {  	v2 =	vld [tilespmem:s30+$0x5360]  }
0x3f7: {  	v19 =	vld [tilespmem:s30+$0x100]  }
0x3f8: {  	v20 =	vld [tilespmem:s30+$0x5300]  }
0x3f9: {  	v21 =	vld [tilespmem:s30+$0x110]  }
0x3fa: {  	v22 =	vld [tilespmem:s30+$0x5310]  }
0x3fb: {  	v23 =	vld [tilespmem:s30+$0x120]  }
0x3fc: {  	v24 =	vld [tilespmem:s30+$0x5320]  }
0x3fd: {  	v25 =	vld [tilespmem:s30+$0xC0]  }
0x3fe: {  	v26 =	vld [tilespmem:s30+$0x52C0]  }
0x3ff: {  	v27 =	vld [tilespmem:s30+$0xD0]  }
0x400: {  	v28 =	vld [tilespmem:s30+$0x52D0]  }
0x401: {  	v29 =	vld [tilespmem:s30+$0xE0]  }
0x402: {  	v30 =	vld [tilespmem:s30+$0x52E0]  }
0x403: {  	v31 =	vld [tilespmem:s30+$0x80]  }
0x404: {  	v32 =	vld [tilespmem:s30+$0x5280]  }
0x405: {  	v33 =	vld [tilespmem:s30+$0x90]  }
0x406: {  	v34 =	vld [tilespmem:s30+$0x5290]  }
0x407: {  	v35 =	vld [tilespmem:s30+$0xA0]  }
0x408: {  	v36 =	vld [tilespmem:s30+$0x52A0]  }
0x409: {  	v37 =	vld [tilespmem:s30+$0x40]  }
0x40a: {  	v38 =	vld [tilespmem:s30+$0x5240]  }
0x40b: {  	v39 =	vld [tilespmem:s30+$0x50]  }
0x40c: {  	v40 =	vld [tilespmem:s30+$0x5250]  }
0x40d: {  	v41 =	vld [tilespmem:s30+$0x60]  }
0x40e: {  	v42 =	vld [tilespmem:s30+$0x5260]  }
0x40f: {  	v43 =	vld [tilespmem:s30+$0x0]  }
0x410: {  	v44 =	vld [tilespmem:s30+$0x5200]  }
0x411: {  	v45 =	vld [tilespmem:s30+$0x10]  }
0x412: {  	v46 =	vld [tilespmem:s30+$0x5210]  }
0x413: {  	v59 =	vmul.f32 v6, v14;
	v58 =	vmul.f32 v7, v13;
	v47 =	vld [tilespmem:s30+$0x20]  }
0x414: {  	v61 =	vmul.f32 v10, v8;
	v60 =	vmul.f32 v12, v11;
	v6 =	vld [tilespmem:s30+$0x5220]  }
0x415: {  	v63 =	vmul.f32 v16, v15;
	v62 =	vmul.f32 v18, v17;
	v7 =	vld [tilespmem:s30+$0x30]  }
0x416: {  	s29 =	sadd.s32 $0x8, s29;
	v11 =	vmul.f32 v20, v19;
	v14 =	vmul.f32 v22, v21;
	v8 =	vld [tilespmem:s30+$0x5230]  }
0x417: {  	p0 =	slt.u32 s29, $0x138;
	v12 =	vmul.f32 v26, v25;
	v13 =	vmul.f32 v28, v27;
	v10 =	vld [tilespmem:s30+$0x70]  }
0x418: {  	v16 =	vmul.f32 v32, v31;
	v17 =	vmul.f32 v34, v33;
	v15 =	vld [tilespmem:s30+$0x5270]  }
0x419: {  	v18 =	vmul.f32 v38, v37;
	v19 =	vmul.f32 v40, v39;
	v20 =	vld [tilespmem:s30+$0xB0]  }
0x41a: {  	v21 =	vmul.f32 v44, v43;
	v22 =	vmul.f32 v46, v45;
	v25 =	vld [tilespmem:s30+$0x52B0]  }
0x41b: {  	v6 =	vmul.f32 v6, v47;
	v7 =	vmul.f32 v8, v7;
	v8 =	vld [tilespmem:s30+$0xF0]  }
0x41c: {  	v4 =	vadd.f32 v21, v4;
	v21 =	vmul.f32 v42, v41;
	v5 =	vadd.f32 v22, v5;
	v22 =	vld [tilespmem:s30+$0x52F0]  }
0x41d: {  	v6 =	vadd.f32 v6, v9;
	v3 =	vadd.f32 v7, v3;
	v7 =	vmul.f32 v15, v10;
	v15 =	vld [tilespmem:s30+$0x130]  }
0x41e: {  	v4 =	vadd.f32 v18, v4;
	v5 =	vadd.f32 v19, v5;
	v9 =	vmul.f32 v36, v35;
	v18 =	vld [tilespmem:s30+$0x5330]  }
0x41f: {  	v10 =	vadd.f32 v21, v6;
	v7 =	vadd.f32 v7, v3;
	v19 =	vmul.f32 v25, v20;
	v3 =	vld [tilespmem:s30+$0x170]  }
.Ltmp1:
0x420: {  	v16 =	vadd.f32 v16, v4;
	v5 =	vadd.f32 v17, v5;
	v17 =	vmul.f32 v30, v29;
	v6 =	vld [tilespmem:s30+$0x5370];
	(pc) =	sbr.rel @p0 .LBB2_5-.Ltmp1, $4  }
0x421: {  	v9 =	vadd.f32 v9, v10;
	v19 =	vadd.f32 v19, v7;
	v20 =	vmul.f32 v22, v8;
	v4 =	vld [tilespmem:s30+$0x1B0]  }
0x422: {  	v16 =	vadd.f32 v12, v16;
	v21 =	vadd.f32 v13, v5;
	v8 =	vmul.f32 v24, v23;
	v7 =	vld [tilespmem:s30+$0x53B0]  }
0x423: {  	v10 =	vadd.f32 v17, v9;
	v9 =	vadd.f32 v20, v19;
	v12 =	vmul.f32 v18, v15;
	v5 =	vld [tilespmem:s30+$0x1F0]  }
0x424: {  	v2 =	vmul.f32 v2, v1;
	v13 =	vadd.f32 v11, v16;
	v11 =	vadd.f32 v14, v21;
	v1 =	vld [tilespmem:s30+$0x53F0];
	s30 =	sadd.s32 $0x200, s30  }
0x425: {  	v14 =	vld [tilespmem:$0x10B40]  }
0x426: {  	v15 =	vld [tilespmem:$0x15D40]  }
0x427: {  	v16 =	vld [tilespmem:$0x10B50]  }
0x428: {  	v17 =	vld [tilespmem:$0x15D50]  }
0x429: {  	v18 =	vld [tilespmem:$0x10B60]  }
0x42a: {  	v19 =	vld [tilespmem:$0x15D60]  }
0x42b: {  	v20 =	vld [tilespmem:$0x10B70]  }
0x42c: {  	v21 =	vld [tilespmem:$0x15D70]  }
0x42d: {  	v22 =	vld [tilespmem:$0x10B80]  }
0x42e: {  	v23 =	vld [tilespmem:$0x15D80]  }
0x42f: {  	v24 =	vld [tilespmem:$0x10B90]  }
0x430: {  	v25 =	vld [tilespmem:$0x15D90]  }
0x431: {  	v26 =	vld [tilespmem:$0x10BA0]  }
0x432: {  	v27 =	vld [tilespmem:$0x15DA0]  }
0x433: {  	v28 =	vld [tilespmem:$0x10BB0]  }
0x434: {  	v29 =	vld [tilespmem:$0x15DB0]  }
0x435: {  	v30 =	vld [tilespmem:$0x10BC0]  }
0x436: {  	v31 =	vld [tilespmem:$0x15DC0]  }
0x437: {  	v32 =	vld [tilespmem:$0x10BD0]  }
0x438: {  	v33 =	vld [tilespmem:$0x15DD0]  }
0x439: {  	v34 =	vld [tilespmem:$0x10BE0]  }
0x43a: {  	v35 =	vld [tilespmem:$0x15DE0]  }
0x43b: {  	v36 =	vld [tilespmem:$0x10BF0]  }
0x43c: {  	v37 =	vld [tilespmem:$0x15DF0]  }
0x43d: {  	v8 =	vadd.f32 v8, v10;
	v10 =	vld [tilespmem:$0x10C00]  }
0x43e: {  	v9 =	vadd.f32 v12, v9;
	v3 =	vmul.f32 v6, v3;
	v12 =	vld [tilespmem:$0x15E00];
	v45 =	vadd.f32 v63, v13  }
0x43f: {  	v46 =	vmul.f32 v57, v56;
	v39 =	vld [tilespmem:$0x15E40];
	v11 =	vadd.f32 v62, v11;
	v2 =	vadd.f32 v2, v8  }
0x440: {  	v56 =	vmul.f32 v55, v54;
	v41 =	vld [tilespmem:$0x10C50];
	v3 =	vadd.f32 v3, v9;
	v6 =	vadd.f32 v61, v45  }
0x441: {  	v44 =	vld [tilespmem:$0x15E50];
	v4 =	vmul.f32 v7, v4;
	v47 =	vadd.f32 v60, v11;
	v2 =	vadd.f32 v46, v2  }
0x442: {  	v55 =	vld [tilespmem:$0x15E60];
	v1 =	vmul.f32 v1, v5;
	v57 =	vadd.f32 v59, v6;
	v59 =	vmul.f32 v15, v14  }
0x443: {  	v8 =	vld [tilespmem:$0x10C10];
	v3 =	vadd.f32 v4, v3;
	v60 =	vmul.f32 v19, v18;
	v61 =	vmul.f32 v21, v20  }
0x444: {  	v7 =	vld [tilespmem:$0x15E10];
	v58 =	vadd.f32 v58, v47;
	v62 =	vmul.f32 v23, v22;
	v38 =	vmul.f32 v25, v24  }
0x445: {  	v13 =	vld [tilespmem:$0x10C20];
	v40 =	vmul.f32 v27, v26;
	v1 =	vadd.f32 v1, v3;
	v3 =	vmul.f32 v17, v16  }
0x446: {  	v63 =	vld [tilespmem:$0x10C40];
	v42 =	vmul.f32 v29, v28;
	v43 =	vmul.f32 v31, v30;
	v2 =	vadd.f32 v56, v2  }
0x447: {  	v5 =	vld [tilespmem:$0x15E20];
	v45 =	vmul.f32 v33, v32;
	v4 =	vadd.f32 v59, v57;
	v3 =	vadd.f32 v3, v58  }
0x448: {  	v11 =	vld [tilespmem:$0x10C30];
	v46 =	vmul.f32 v35, v34;
	v54 =	vmul.f32 v12, v10;
	v2 =	vadd.f32 v60, v2  }
0x449: {  	v15 =	vld [tilespmem:$0x15E30];
	v7 =	vmul.f32 v7, v8;
	v4 =	vadd.f32 v62, v4;
	v3 =	vadd.f32 v38, v3  }
0x44a: {  	v47 =	vld [tilespmem:$0x10C60];
	v57 =	vmul.f32 v37, v36;
	v1 =	vadd.f32 v61, v1;
	v2 =	vadd.f32 v40, v2  }
0x44b: {  	v56 =	vld [tilespmem:$0x10C70];
	v59 =	vmul.f32 v39, v63;
	v4 =	vadd.f32 v43, v4;
	v3 =	vadd.f32 v45, v3  }
0x44c: {  	v58 =	vld [tilespmem:$0x15E70];
	v5 =	vmul.f32 v5, v13;
	v1 =	vadd.f32 v42, v1;
	v2 =	vadd.f32 v46, v2  }
0x44d: {  	v60 =	vmul.f32 v44, v41;
	v4 =	vadd.f32 v54, v4;
	v3 =	vadd.f32 v7, v3  }
0x44e: {  	v61 =	vmul.f32 v15, v11;
	v1 =	vadd.f32 v57, v1;
	v2 =	vadd.f32 v5, v2  }
0x44f: {  	v62 =	vmul.f32 v55, v47;
	v4 =	vadd.f32 v59, v4;
	v3 =	vadd.f32 v60, v3  }
0x450: {  	v1 =	vadd.f32 v61, v1  }
0x451: {  	s26 =	sadd.s32 $0x1, s26;
	v63 =	vmul.f32 v58, v56;
	v2 =	vadd.f32 v62, v2;
	v3 =	vadd.f32 v3, v4  }
0x452: {  	p0 =	sne.s32 s26, $0x40  }
.Ltmp2:
0x453: {  	v1 =	vadd.f32 v63, v1;
	v2 =	vadd.f32 v2, v3;
	(pc) =	sbr.rel @p0 .LBB2_2-.Ltmp2, $4  }
0x454: {  	_ = 	snop  }
0x455: {  	s28 =	sshll.u32 s28, $0x4;
	v1 =	vadd.f32 v1, v2  }
0x456: {  	s28 =	sand.u32 $0x3FFFFFF0, s28  }
0x457: {  	[tilespmem:s28+$0x15F40] =	vst v1  }
0x458: {  	_ =	swait.ge [sflag:s7], $0x2000  }
0x459: {  	[sflag:s7] =	ssyncset.done $0x0  }
0x45a: {  	[sflag:s7] =	ssyncadd.s32 $0xFFFFE000  }
0x45b: {  	_ =	swait.ge [sflag:s7], $0x2000  }
0x45c: {  	[sflag:s7] =	ssyncset.done $0x0  }
0x45d: {  	[sflag:s7] =	ssyncadd.s32 $0xFFFFE000  }
0x45e: {  	_ =	swait.ge [sflag:s7], $0x1200  }
0x45f: {  	[sflag:s7] =	ssyncset.done $0x0  }
0x460: {  	[sflag:s7] =	ssyncadd.s32 $0xFFFFEE00  }
0x461: {  	_ =	swait.ge [sflag:s7], $0x2000  }
0x462: {  	[sflag:s7] =	ssyncset.done $0x0  }
0x463: {  	[sflag:s7] =	ssyncadd.s32 $0xFFFFE000  }
0x464: {  	_ =	swait.ge [sflag:s7], $0x2000  }
0x465: {  	[sflag:s7] =	ssyncset.done $0x0  }
0x466: {  	[sflag:s7] =	ssyncadd.s32 $0xFFFFE000  }
0x467: {  	_ =	swait.ge [sflag:s7], $0x1200  }
0x468: {  	v2 =	vld [tilespmem:$0x1FD10];
	_ =	sdelay $0x1  }
0x469: {  	v3 =	vld [tilespmem:$0x1FD20];
	_ =	sdelay $0x1  }
0x46a: {  	[sflag:s7] =	ssyncset.done $0x0  }
0x46b: {  	[sflag:s7] =	ssyncadd.s32 $0xFFFFEE00  }
0x46c: {  	v1 =	vld.idx.msk [tilespmem:v0+s9+$0x0], $0xffff;
	_ =	sdelay $0x1  }
0x46d: {  	v2 =	vld.idx.msk [tilespmem:v2+s9+$0x0], $0xffff;
	_ =	sdelay $0x1  }
0x46e: {  	v3 =	vld.idx.msk [tilespmem:v3+s9+$0x0], $0xffff  }
0x46f: {  	v4 =	vld [tilespmem:$0x1FD30];
	v1 =	vadd.f32 $0.0e+00, v1;
	_ =	sdelay $0x1  }
0x470: {  	v1 =	vadd.f32 v2, v1;
	v2 =	vld [tilespmem:$0x1FD40];
	_ =	sdelay $0x1  }
0x471: {  	v1 =	vadd.f32 v3, v1;
	v3 =	vld [tilespmem:$0x1FD50];
	_ =	sdelay $0x3  }
0x472: {  	v4 =	vld.idx.msk [tilespmem:v4+s9+$0x0], $0xffff;
	_ =	sdelay $0x1  }
0x473: {  	v2 =	vld.idx.msk [tilespmem:v2+s9+$0x0], $0xffff;
	_ =	sdelay $0x1  }
0x474: {  	v3 =	vld.idx.msk [tilespmem:v3+s9+$0x0], $0xffff  }
0x475: {  	v57 =	vld [tilespmem:$0x1FD60];
	v1 =	vadd.f32 v4, v1;
	_ =	sdelay $0x1  }
0x476: {  	v1 =	vadd.f32 v2, v1;
	v2 =	vld [tilespmem:$0x1FD70];
	_ =	sdelay $0x1  }
0x477: {  	v1 =	vadd.f32 v3, v1;
	v3 =	vld [tilespmem:$0x1FD80];
	_ =	sdelay $0x3  }
0x478: {  	v4 =	vld.idx.msk [tilespmem:v57+s9+$0x0], $0xffff;
	_ =	sdelay $0x1  }
0x479: {  	v2 =	vld.idx.msk [tilespmem:v2+s9+$0x0], $0xffff;
	_ =	sdelay $0x1  }
0x47a: {  	v3 =	vld.idx.msk [tilespmem:v3+s9+$0x0], $0xffff  }
0x47b: {  	v58 =	vld [tilespmem:$0x1FD90];
	v1 =	vadd.f32 v4, v1;
	_ =	sdelay $0x1  }
0x47c: {  	v1 =	vadd.f32 v2, v1;
	v2 =	vld [tilespmem:$0x1FDA0];
	_ =	sdelay $0x1  }
0x47d: {  	v1 =	vadd.f32 v3, v1;
	v3 =	vld [tilespmem:$0x1FDB0];
	_ =	sdelay $0x3  }
0x47e: {  	v4 =	vld.idx.msk [tilespmem:v58+s9+$0x0], $0xffff;
	_ =	sdelay $0x1  }
0x47f: {  	v2 =	vld.idx.msk [tilespmem:v2+s9+$0x0], $0xffff;
	_ =	sdelay $0x1  }
0x480: {  	v3 =	vld.idx.msk [tilespmem:v3+s9+$0x0], $0xffff  }
0x481: {  	v59 =	vld [tilespmem:$0x1FDC0];
	v1 =	vadd.f32 v4, v1;
	_ =	sdelay $0x1  }
0x482: {  	v1 =	vadd.f32 v2, v1;
	v2 =	vld [tilespmem:$0x1FDD0];
	_ =	sdelay $0x1  }
0x483: {  	v1 =	vadd.f32 v3, v1;
	v3 =	vld [tilespmem:$0x1FDE0];
	_ =	sdelay $0x1  }
0x484: {  	v60 =	vld [tilespmem:$0x1FDF0];
	_ =	sdelay $0x1  }
0x485: {  	v4 =	vld.idx.msk [tilespmem:v59+s9+$0x0], $0xffff;
	_ =	sdelay $0x1  }
0x486: {  	v2 =	vld.idx.msk [tilespmem:v2+s9+$0x0], $0xffff;
	_ =	sdelay $0x1  }
0x487: {  	v3 =	vld.idx.msk [tilespmem:v3+s9+$0x0], $0xffff  }
0x488: {  	v1 =	vadd.f32 v4, v1  }
0x489: {  	v4 =	vld.idx.msk [tilespmem:v60+s9+$0x0], $0xffff  }
0x48a: {  	v1 =	vadd.f32 v2, v1;
	_ =	sdelay $0x1  }
0x48b: {  	v1 =	vadd.f32 v3, v1;
	_ =	sdelay $0x1  }
0x48c: {  	v1 =	vadd.f32 v4, v1;
	_ =	sdelay $0x1  }
0x48d: {  	[tilespmem:$0x16740] =	vst v1;
	v1 =	vld [tilespmem:$0x1FE00];
	_ =	sdelay $0x1  }
0x48e: {  	v2 =	vld [tilespmem:$0x1FE10];
	_ =	sdelay $0x1  }
0x48f: {  	v3 =	vld [tilespmem:$0x1FE20];
	_ =	sdelay $0x3  }
0x490: {  	v1 =	vld.idx.msk [tilespmem:v1+s9+$0x0], $0xffff;
	_ =	sdelay $0x1  }
0x491: {  	v2 =	vld.idx.msk [tilespmem:v2+s9+$0x0], $0xffff;
	_ =	sdelay $0x1  }
0x492: {  	v3 =	vld.idx.msk [tilespmem:v3+s9+$0x0], $0xffff  }
0x493: {  	v61 =	vld [tilespmem:$0x1FE30];
	v1 =	vadd.f32 $0.0e+00, v1;
	_ =	sdelay $0x1  }
0x494: {  	v1 =	vadd.f32 v2, v1;
	v2 =	vld [tilespmem:$0x1FE40];
	_ =	sdelay $0x1  }
0x495: {  	v1 =	vadd.f32 v3, v1;
	v3 =	vld [tilespmem:$0x1FE50];
	_ =	sdelay $0x3  }
0x496: {  	v4 =	vld.idx.msk [tilespmem:v61+s9+$0x0], $0xffff;
	_ =	sdelay $0x1  }
0x497: {  	v2 =	vld.idx.msk [tilespmem:v2+s9+$0x0], $0xffff;
	_ =	sdelay $0x1  }
0x498: {  	v3 =	vld.idx.msk [tilespmem:v3+s9+$0x0], $0xffff  }
0x499: {  	v62 =	vld [tilespmem:$0x1FE60];
	v1 =	vadd.f32 v4, v1;
	_ =	sdelay $0x1  }
0x49a: {  	v1 =	vadd.f32 v2, v1;
	v2 =	vld [tilespmem:$0x1FE70];
	_ =	sdelay $0x1  }
0x49b: {  	v1 =	vadd.f32 v3, v1;
	v3 =	vld [tilespmem:$0x1FE80];
	_ =	sdelay $0x3  }
0x49c: {  	v4 =	vld.idx.msk [tilespmem:v62+s9+$0x0], $0xffff;
	_ =	sdelay $0x1  }
0x49d: {  	v2 =	vld.idx.msk [tilespmem:v2+s9+$0x0], $0xffff;
	_ =	sdelay $0x1  }
0x49e: {  	v3 =	vld.idx.msk [tilespmem:v3+s9+$0x0], $0xffff  }
0x49f: {  	v63 =	vld [tilespmem:$0x1FE90];
	v1 =	vadd.f32 v4, v1;
	_ =	sdelay $0x1  }
0x4a0: {  	v1 =	vadd.f32 v2, v1;
	v2 =	vld [tilespmem:$0x1FEA0];
	_ =	sdelay $0x1  }
0x4a1: {  	v1 =	vadd.f32 v3, v1;
	v3 =	vld [tilespmem:$0x1FEB0];
	_ =	sdelay $0x3  }
0x4a2: {  	v4 =	vld.idx.msk [tilespmem:v63+s9+$0x0], $0xffff;
	_ =	sdelay $0x1  }
0x4a3: {  	v2 =	vld.idx.msk [tilespmem:v2+s9+$0x0], $0xffff;
	_ =	sdelay $0x1  }
0x4a4: {  	v3 =	vld.idx.msk [tilespmem:v3+s9+$0x0], $0xffff  }
0x4a5: {  	v8 =	vld [tilespmem:$0x1FEC0];
	v1 =	vadd.f32 v4, v1;
	_ =	sdelay $0x1  }
0x4a6: {  	v1 =	vadd.f32 v2, v1;
	v2 =	vld [tilespmem:$0x1FED0];
	_ =	sdelay $0x1  }
0x4a7: {  	v1 =	vadd.f32 v3, v1;
	v3 =	vld [tilespmem:$0x1FEE0];
	_ =	sdelay $0x1  }
0x4a8: {  	v9 =	vld [tilespmem:$0x1FEF0];
	_ =	sdelay $0x1  }
0x4a9: {  	v4 =	vld.idx.msk [tilespmem:v8+s9+$0x0], $0xffff;
	_ =	sdelay $0x1  }
0x4aa: {  	v2 =	vld.idx.msk [tilespmem:v2+s9+$0x0], $0xffff;
	_ =	sdelay $0x1  }
0x4ab: {  	v3 =	vld.idx.msk [tilespmem:v3+s9+$0x0], $0xffff  }
0x4ac: {  	v1 =	vadd.f32 v4, v1  }
0x4ad: {  	v4 =	vld.idx.msk [tilespmem:v9+s9+$0x0], $0xffff  }
0x4ae: {  	v1 =	vadd.f32 v2, v1;
	_ =	sdelay $0x1  }
0x4af: {  	v1 =	vadd.f32 v3, v1;
	_ =	sdelay $0x1  }
0x4b0: {  	v1 =	vadd.f32 v4, v1;
	_ =	sdelay $0x1  }
0x4b1: {  	[tilespmem:$0x16750] =	vst v1;
	v1 =	vld [tilespmem:$0x1FF00];
	_ =	sdelay $0x1  }
0x4b2: {  	v2 =	vld [tilespmem:$0x1FF10];
	_ =	sdelay $0x1  }
0x4b3: {  	v3 =	vld [tilespmem:$0x1FF20];
	_ =	sdelay $0x3  }
0x4b4: {  	v1 =	vld.idx.msk [tilespmem:v1+s9+$0x0], $0xffff;
	_ =	sdelay $0x1  }
0x4b5: {  	v2 =	vld.idx.msk [tilespmem:v2+s9+$0x0], $0xffff;
	_ =	sdelay $0x1  }
0x4b6: {  	v3 =	vld.idx.msk [tilespmem:v3+s9+$0x0], $0xffff  }
0x4b7: {  	v10 =	vld [tilespmem:$0x1FF30];
	v1 =	vadd.f32 $0.0e+00, v1;
	_ =	sdelay $0x1  }
0x4b8: {  	v1 =	vadd.f32 v2, v1;
	v2 =	vld [tilespmem:$0x1FF40];
	_ =	sdelay $0x1  }
0x4b9: {  	v1 =	vadd.f32 v3, v1;
	v3 =	vld [tilespmem:$0x1FF50];
	_ =	sdelay $0x3  }
0x4ba: {  	v4 =	vld.idx.msk [tilespmem:v10+s9+$0x0], $0xffff;
	_ =	sdelay $0x1  }
0x4bb: {  	v2 =	vld.idx.msk [tilespmem:v2+s9+$0x0], $0xffff;
	_ =	sdelay $0x1  }
0x4bc: {  	v3 =	vld.idx.msk [tilespmem:v3+s9+$0x0], $0xffff  }
0x4bd: {  	v11 =	vld [tilespmem:$0x1FF60];
	v1 =	vadd.f32 v4, v1;
	_ =	sdelay $0x1  }
0x4be: {  	v1 =	vadd.f32 v2, v1;
	v2 =	vld [tilespmem:$0x1FF70];
	_ =	sdelay $0x1  }
0x4bf: {  	v1 =	vadd.f32 v3, v1;
	v3 =	vld [tilespmem:$0x1FF80];
	_ =	sdelay $0x3  }
0x4c0: {  	v4 =	vld.idx.msk [tilespmem:v11+s9+$0x0], $0xffff;
	_ =	sdelay $0x1  }
0x4c1: {  	v2 =	vld.idx.msk [tilespmem:v2+s9+$0x0], $0xffff;
	_ =	sdelay $0x1  }
0x4c2: {  	v3 =	vld.idx.msk [tilespmem:v3+s9+$0x0], $0xffff  }
0x4c3: {  	v12 =	vld [tilespmem:$0x1FF90];
	v1 =	vadd.f32 v4, v1;
	_ =	sdelay $0x1  }
0x4c4: {  	v1 =	vadd.f32 v2, v1;
	v2 =	vld [tilespmem:$0x1FFA0];
	_ =	sdelay $0x1  }
0x4c5: {  	v1 =	vadd.f32 v3, v1;
	v3 =	vld [tilespmem:$0x1FFB0];
	_ =	sdelay $0x3  }
0x4c6: {  	v4 =	vld.idx.msk [tilespmem:v12+s9+$0x0], $0xffff;
	_ =	sdelay $0x1  }
0x4c7: {  	v2 =	vld.idx.msk [tilespmem:v2+s9+$0x0], $0xffff;
	_ =	sdelay $0x1  }
0x4c8: {  	v3 =	vld.idx.msk [tilespmem:v3+s9+$0x0], $0xffff  }
0x4c9: {  	v13 =	vld [tilespmem:$0x1FFC0];
	v1 =	vadd.f32 v4, v1;
	_ =	sdelay $0x1  }
0x4ca: {  	v1 =	vadd.f32 v2, v1;
	v2 =	vld [tilespmem:$0x1FFD0];
	_ =	sdelay $0x1  }
0x4cb: {  	v1 =	vadd.f32 v3, v1;
	v3 =	vld [tilespmem:$0x1FFE0];
	_ =	sdelay $0x1  }
0x4cc: {  	v14 =	vld [tilespmem:$0x1FFF0];
	_ =	sdelay $0x1  }
0x4cd: {  	v4 =	vld.idx.msk [tilespmem:v13+s9+$0x0], $0xffff;
	_ =	sdelay $0x1  }
0x4ce: {  	v2 =	vld.idx.msk [tilespmem:v2+s9+$0x0], $0xffff;
	_ =	sdelay $0x1  }
0x4cf: {  	v3 =	vld.idx.msk [tilespmem:v3+s9+$0x0], $0xffff  }
0x4d0: {  	v1 =	vadd.f32 v4, v1  }
0x4d1: {  	v4 =	vld.idx.msk [tilespmem:v14+s9+$0x0], $0xffff  }
0x4d2: {  	v1 =	vadd.f32 v2, v1;
	_ =	sdelay $0x1  }
0x4d3: {  	v1 =	vadd.f32 v3, v1;
	_ =	sdelay $0x1  }
0x4d4: {  	v1 =	vadd.f32 v4, v1;
	_ =	sdelay $0x1  }
0x4d5: {  	[tilespmem:$0x16760] =	vst v1  }
0x4d6: {  	v1 =	vld.idx.msk [tilespmem:v48+s9+$0x0], $0xffff;
	_ =	sdelay $0x1  }
0x4d7: {  	v2 =	vld.idx.msk [tilespmem:v49+s9+$0x0], $0xffff;
	_ =	sdelay $0x1  }
0x4d8: {  	v3 =	vld.idx.msk [tilespmem:v50+s9+$0x0], $0xffff  }
0x4d9: {  	v1 =	vadd.f32 $0.0e+00, v1  }
0x4da: {  	v15 =	vld.idx.msk [tilespmem:v51+s9+$0x0], $0xffff  }
0x4db: {  	v1 =	vadd.f32 v2, v1;
	v2 =	vor.u32 $0x306, v0  }
0x4dc: {  	v5 =	vld.idx.msk [tilespmem:v52+s9+$0x0], $0xffff  }
0x4dd: {  	v1 =	vadd.f32 v3, v1;
	v3 =	vor.u32 $0x307, v0  }
0x4de: {  	v6 =	vld.idx.msk [tilespmem:v53+s9+$0x0], $0xffff  }
0x4df: {  	v16 =	vor.u32 $0x308, v0;
	v1 =	vadd.f32 v15, v1  }
0x4e0: {  	v2 =	vld.idx.msk [tilespmem:v2+s9+$0x0], $0xffff  }
0x4e1: {  	v17 =	vor.u32 $0x309, v0;
	v1 =	vadd.f32 v5, v1  }
0x4e2: {  	v3 =	vld.idx.msk [tilespmem:v3+s9+$0x0], $0xffff  }
0x4e3: {  	v18 =	vor.u32 $0x30A, v0;
	v1 =	vadd.f32 v6, v1  }
0x4e4: {  	v4 =	vld.idx.msk [tilespmem:v16+s9+$0x0], $0xffff  }
0x4e5: {  	v1 =	vadd.f32 v2, v1;
	v2 =	vor.u32 $0x30B, v0  }
0x4e6: {  	v5 =	vld.idx.msk [tilespmem:v17+s9+$0x0], $0xffff  }
0x4e7: {  	v1 =	vadd.f32 v3, v1;
	v3 =	vor.u32 $0x30C, v0  }
0x4e8: {  	v6 =	vld.idx.msk [tilespmem:v18+s9+$0x0], $0xffff  }
0x4e9: {  	v19 =	vor.u32 $0x30D, v0;
	v1 =	vadd.f32 v4, v1  }
0x4ea: {  	v2 =	vld.idx.msk [tilespmem:v2+s9+$0x0], $0xffff  }
0x4eb: {  	v20 =	vor.u32 $0x30E, v0;
	v1 =	vadd.f32 v5, v1  }
0x4ec: {  	v3 =	vld.idx.msk [tilespmem:v3+s9+$0x0], $0xffff  }
0x4ed: {  	v21 =	vor.u32 $0x30F, v0;
	v1 =	vadd.f32 v6, v1  }
0x4ee: {  	v4 =	vld.idx.msk [tilespmem:v19+s9+$0x0], $0xffff  }
0x4ef: {  	v1 =	vadd.f32 v2, v1  }
0x4f0: {  	v2 =	vld.idx.msk [tilespmem:v20+s9+$0x0], $0xffff  }
0x4f1: {  	v1 =	vadd.f32 v3, v1  }
0x4f2: {  	v3 =	vld.idx.msk [tilespmem:v21+s9+$0x0], $0xffff  }
0x4f3: {  	v1 =	vadd.f32 v4, v1;
	_ =	sdelay $0x1  }
0x4f4: {  	v1 =	vadd.f32 v2, v1;
	v2 =	vor.u32 $0x400, v0;
	_ =	sdelay $0x1  }
0x4f5: {  	v1 =	vadd.f32 v3, v1;
	v3 =	vor.u32 $0x401, v0;
	_ =	sdelay $0x1  }
0x4f6: {  	[tilespmem:$0x16770] =	vst v1;
	v1 =	vor.u32 $0x402, v0  }
0x4f7: {  	v2 =	vld.idx.msk [tilespmem:v2+s9+$0x0], $0xffff  }
0x4f8: {  	v22 =	vor.u32 $0x403, v0  }
0x4f9: {  	v3 =	vld.idx.msk [tilespmem:v3+s9+$0x0], $0xffff  }
0x4fa: {  	v23 =	vor.u32 $0x404, v0  }
0x4fb: {  	v1 =	vld.idx.msk [tilespmem:v1+s9+$0x0], $0xffff  }
0x4fc: {  	v24 =	vor.u32 $0x405, v0;
	v2 =	vadd.f32 $0.0e+00, v2  }
0x4fd: {  	v4 =	vld.idx.msk [tilespmem:v22+s9+$0x0], $0xffff  }
0x4fe: {  	v2 =	vadd.f32 v3, v2;
	v3 =	vor.u32 $0x406, v0  }
0x4ff: {  	v5 =	vld.idx.msk [tilespmem:v23+s9+$0x0], $0xffff  }
0x500: {  	v1 =	vadd.f32 v1, v2;
	v2 =	vor.u32 $0x407, v0  }
0x501: {  	v6 =	vld.idx.msk [tilespmem:v24+s9+$0x0], $0xffff  }
0x502: {  	v25 =	vor.u32 $0x408, v0;
	v1 =	vadd.f32 v4, v1  }
0x503: {  	v3 =	vld.idx.msk [tilespmem:v3+s9+$0x0], $0xffff  }
0x504: {  	v26 =	vor.u32 $0x409, v0;
	v1 =	vadd.f32 v5, v1  }
0x505: {  	v2 =	vld.idx.msk [tilespmem:v2+s9+$0x0], $0xffff  }
0x506: {  	v27 =	vor.u32 $0x40A, v0;
	v1 =	vadd.f32 v6, v1  }
0x507: {  	v4 =	vld.idx.msk [tilespmem:v25+s9+$0x0], $0xffff  }
0x508: {  	v1 =	vadd.f32 v3, v1;
	v3 =	vor.u32 $0x40B, v0  }
0x509: {  	v5 =	vld.idx.msk [tilespmem:v26+s9+$0x0], $0xffff  }
0x50a: {  	v1 =	vadd.f32 v2, v1;
	v2 =	vor.u32 $0x40C, v0  }
0x50b: {  	v6 =	vld.idx.msk [tilespmem:v27+s9+$0x0], $0xffff  }
0x50c: {  	v28 =	vor.u32 $0x40D, v0;
	v1 =	vadd.f32 v4, v1  }
0x50d: {  	v3 =	vld.idx.msk [tilespmem:v3+s9+$0x0], $0xffff  }
0x50e: {  	v29 =	vor.u32 $0x40E, v0;
	v1 =	vadd.f32 v5, v1  }
0x50f: {  	v2 =	vld.idx.msk [tilespmem:v2+s9+$0x0], $0xffff  }
0x510: {  	v30 =	vor.u32 $0x40F, v0;
	v1 =	vadd.f32 v6, v1  }
0x511: {  	v4 =	vld.idx.msk [tilespmem:v28+s9+$0x0], $0xffff  }
0x512: {  	v1 =	vadd.f32 v3, v1  }
0x513: {  	v3 =	vld.idx.msk [tilespmem:v29+s9+$0x0], $0xffff  }
0x514: {  	v1 =	vadd.f32 v2, v1  }
0x515: {  	v2 =	vld.idx.msk [tilespmem:v30+s9+$0x0], $0xffff  }
0x516: {  	v1 =	vadd.f32 v4, v1;
	_ =	sdelay $0x1  }
0x517: {  	v1 =	vadd.f32 v3, v1;
	v3 =	vor.u32 $0x500, v0;
	_ =	sdelay $0x1  }
0x518: {  	v1 =	vadd.f32 v2, v1;
	v2 =	vor.u32 $0x501, v0;
	_ =	sdelay $0x1  }
0x519: {  	[tilespmem:$0x16780] =	vst v1;
	v1 =	vor.u32 $0x502, v0  }
0x51a: {  	v3 =	vld.idx.msk [tilespmem:v3+s9+$0x0], $0xffff  }
0x51b: {  	v31 =	vor.u32 $0x503, v0  }
0x51c: {  	v2 =	vld.idx.msk [tilespmem:v2+s9+$0x0], $0xffff  }
0x51d: {  	v32 =	vor.u32 $0x504, v0  }
0x51e: {  	v1 =	vld.idx.msk [tilespmem:v1+s9+$0x0], $0xffff  }
0x51f: {  	v33 =	vor.u32 $0x505, v0;
	v3 =	vadd.f32 $0.0e+00, v3  }
0x520: {  	v4 =	vld.idx.msk [tilespmem:v31+s9+$0x0], $0xffff  }
0x521: {  	v2 =	vadd.f32 v2, v3;
	v3 =	vor.u32 $0x506, v0  }
0x522: {  	v5 =	vld.idx.msk [tilespmem:v32+s9+$0x0], $0xffff  }
0x523: {  	v1 =	vadd.f32 v1, v2;
	v2 =	vor.u32 $0x507, v0  }
0x524: {  	v6 =	vld.idx.msk [tilespmem:v33+s9+$0x0], $0xffff  }
0x525: {  	v34 =	vor.u32 $0x508, v0;
	v1 =	vadd.f32 v4, v1  }
0x526: {  	v3 =	vld.idx.msk [tilespmem:v3+s9+$0x0], $0xffff  }
0x527: {  	v35 =	vor.u32 $0x509, v0;
	v1 =	vadd.f32 v5, v1  }
0x528: {  	v2 =	vld.idx.msk [tilespmem:v2+s9+$0x0], $0xffff  }
0x529: {  	v36 =	vor.u32 $0x50A, v0;
	v1 =	vadd.f32 v6, v1  }
0x52a: {  	v4 =	vld.idx.msk [tilespmem:v34+s9+$0x0], $0xffff  }
0x52b: {  	v1 =	vadd.f32 v3, v1;
	v3 =	vor.u32 $0x50B, v0  }
0x52c: {  	v5 =	vld.idx.msk [tilespmem:v35+s9+$0x0], $0xffff  }
0x52d: {  	v1 =	vadd.f32 v2, v1;
	v2 =	vor.u32 $0x50C, v0  }
0x52e: {  	v6 =	vld.idx.msk [tilespmem:v36+s9+$0x0], $0xffff  }
0x52f: {  	v37 =	vor.u32 $0x50D, v0;
	v1 =	vadd.f32 v4, v1  }
0x530: {  	v3 =	vld.idx.msk [tilespmem:v3+s9+$0x0], $0xffff  }
0x531: {  	v38 =	vor.u32 $0x50E, v0;
	v1 =	vadd.f32 v5, v1  }
0x532: {  	v2 =	vld.idx.msk [tilespmem:v2+s9+$0x0], $0xffff  }
0x533: {  	v39 =	vor.u32 $0x50F, v0;
	v1 =	vadd.f32 v6, v1  }
0x534: {  	v4 =	vld.idx.msk [tilespmem:v37+s9+$0x0], $0xffff  }
0x535: {  	v1 =	vadd.f32 v3, v1  }
0x536: {  	v3 =	vld.idx.msk [tilespmem:v38+s9+$0x0], $0xffff  }
0x537: {  	v1 =	vadd.f32 v2, v1  }
0x538: {  	v2 =	vld.idx.msk [tilespmem:v39+s9+$0x0], $0xffff  }
0x539: {  	v1 =	vadd.f32 v4, v1;
	_ =	sdelay $0x1  }
0x53a: {  	v1 =	vadd.f32 v3, v1;
	v3 =	vor.u32 $0x600, v0;
	_ =	sdelay $0x1  }
0x53b: {  	v1 =	vadd.f32 v2, v1;
	v2 =	vor.u32 $0x601, v0;
	_ =	sdelay $0x1  }
0x53c: {  	[tilespmem:$0x16790] =	vst v1;
	v1 =	vor.u32 $0x602, v0  }
0x53d: {  	v3 =	vld.idx.msk [tilespmem:v3+s9+$0x0], $0xffff  }
0x53e: {  	v40 =	vor.u32 $0x603, v0  }
0x53f: {  	v2 =	vld.idx.msk [tilespmem:v2+s9+$0x0], $0xffff  }
0x540: {  	v41 =	vor.u32 $0x604, v0  }
0x541: {  	v1 =	vld.idx.msk [tilespmem:v1+s9+$0x0], $0xffff  }
0x542: {  	v42 =	vor.u32 $0x605, v0;
	v3 =	vadd.f32 $0.0e+00, v3  }
0x543: {  	v4 =	vld.idx.msk [tilespmem:v40+s9+$0x0], $0xffff  }
0x544: {  	v2 =	vadd.f32 v2, v3;
	v3 =	vor.u32 $0x606, v0  }
0x545: {  	v5 =	vld.idx.msk [tilespmem:v41+s9+$0x0], $0xffff  }
0x546: {  	v1 =	vadd.f32 v1, v2;
	v2 =	vor.u32 $0x607, v0  }
0x547: {  	v6 =	vld.idx.msk [tilespmem:v42+s9+$0x0], $0xffff  }
0x548: {  	v43 =	vor.u32 $0x608, v0;
	v1 =	vadd.f32 v4, v1  }
0x549: {  	v3 =	vld.idx.msk [tilespmem:v3+s9+$0x0], $0xffff  }
0x54a: {  	v44 =	vor.u32 $0x609, v0;
	v1 =	vadd.f32 v5, v1  }
0x54b: {  	v2 =	vld.idx.msk [tilespmem:v2+s9+$0x0], $0xffff  }
0x54c: {  	v45 =	vor.u32 $0x60A, v0;
	v1 =	vadd.f32 v6, v1  }
0x54d: {  	v4 =	vld.idx.msk [tilespmem:v43+s9+$0x0], $0xffff  }
0x54e: {  	v1 =	vadd.f32 v3, v1;
	v3 =	vor.u32 $0x60B, v0  }
0x54f: {  	v5 =	vld.idx.msk [tilespmem:v44+s9+$0x0], $0xffff  }
0x550: {  	v1 =	vadd.f32 v2, v1;
	v2 =	vor.u32 $0x60C, v0  }
0x551: {  	v6 =	vld.idx.msk [tilespmem:v45+s9+$0x0], $0xffff  }
0x552: {  	v46 =	vor.u32 $0x60D, v0;
	v1 =	vadd.f32 v4, v1  }
0x553: {  	v3 =	vld.idx.msk [tilespmem:v3+s9+$0x0], $0xffff  }
0x554: {  	v47 =	vor.u32 $0x60E, v0;
	v1 =	vadd.f32 v5, v1  }
0x555: {  	v2 =	vld.idx.msk [tilespmem:v2+s9+$0x0], $0xffff  }
0x556: {  	v54 =	vor.u32 $0x60F, v0;
	v1 =	vadd.f32 v6, v1  }
0x557: {  	v4 =	vld.idx.msk [tilespmem:v46+s9+$0x0], $0xffff  }
0x558: {  	v1 =	vadd.f32 v3, v1  }
0x559: {  	v3 =	vld.idx.msk [tilespmem:v47+s9+$0x0], $0xffff  }
0x55a: {  	v1 =	vadd.f32 v2, v1  }
0x55b: {  	v2 =	vld.idx.msk [tilespmem:v54+s9+$0x0], $0xffff  }
0x55c: {  	v1 =	vadd.f32 v4, v1;
	_ =	sdelay $0x1  }
0x55d: {  	v1 =	vadd.f32 v3, v1;
	v3 =	vor.u32 $0x700, v0;
	_ =	sdelay $0x1  }
0x55e: {  	v1 =	vadd.f32 v2, v1;
	v2 =	vor.u32 $0x701, v0;
	_ =	sdelay $0x1  }
0x55f: {  	[tilespmem:$0x167A0] =	vst v1;
	v1 =	vor.u32 $0x702, v0  }
0x560: {  	v3 =	vld.idx.msk [tilespmem:v3+s9+$0x0], $0xffff  }
0x561: {  	v55 =	vor.u32 $0x703, v0  }
0x562: {  	v2 =	vld.idx.msk [tilespmem:v2+s9+$0x0], $0xffff  }
0x563: {  	v56 =	vor.u32 $0x704, v0  }
0x564: {  	v1 =	vld.idx.msk [tilespmem:v1+s9+$0x0], $0xffff  }
0x565: {  	v57 =	vor.u32 $0x705, v0;
	v3 =	vadd.f32 $0.0e+00, v3  }
0x566: {  	v4 =	vld.idx.msk [tilespmem:v55+s9+$0x0], $0xffff  }
0x567: {  	v2 =	vadd.f32 v2, v3;
	v3 =	vor.u32 $0x706, v0  }
0x568: {  	v5 =	vld.idx.msk [tilespmem:v56+s9+$0x0], $0xffff  }
0x569: {  	v1 =	vadd.f32 v1, v2;
	v2 =	vor.u32 $0x707, v0  }
0x56a: {  	v6 =	vld.idx.msk [tilespmem:v57+s9+$0x0], $0xffff  }
0x56b: {  	v58 =	vor.u32 $0x708, v0;
	v1 =	vadd.f32 v4, v1  }
0x56c: {  	v3 =	vld.idx.msk [tilespmem:v3+s9+$0x0], $0xffff  }
0x56d: {  	v59 =	vor.u32 $0x709, v0;
	v1 =	vadd.f32 v5, v1  }
0x56e: {  	v2 =	vld.idx.msk [tilespmem:v2+s9+$0x0], $0xffff  }
0x56f: {  	v60 =	vor.u32 $0x70A, v0;
	v1 =	vadd.f32 v6, v1  }
0x570: {  	v4 =	vld.idx.msk [tilespmem:v58+s9+$0x0], $0xffff  }
0x571: {  	v1 =	vadd.f32 v3, v1;
	v3 =	vor.u32 $0x70B, v0  }
0x572: {  	v5 =	vld.idx.msk [tilespmem:v59+s9+$0x0], $0xffff  }
0x573: {  	v1 =	vadd.f32 v2, v1;
	v2 =	vor.u32 $0x70C, v0  }
0x574: {  	v6 =	vld.idx.msk [tilespmem:v60+s9+$0x0], $0xffff  }
0x575: {  	v61 =	vor.u32 $0x70D, v0;
	v1 =	vadd.f32 v4, v1  }
0x576: {  	v3 =	vld.idx.msk [tilespmem:v3+s9+$0x0], $0xffff  }
0x577: {  	v62 =	vor.u32 $0x70E, v0;
	v1 =	vadd.f32 v5, v1  }
0x578: {  	v2 =	vld.idx.msk [tilespmem:v2+s9+$0x0], $0xffff  }
0x579: {  	v63 =	vor.u32 $0x70F, v0;
	v1 =	vadd.f32 v6, v1  }
0x57a: {  	v4 =	vld.idx.msk [tilespmem:v61+s9+$0x0], $0xffff  }
0x57b: {  	v1 =	vadd.f32 v3, v1  }
0x57c: {  	v3 =	vld.idx.msk [tilespmem:v62+s9+$0x0], $0xffff  }
0x57d: {  	v1 =	vadd.f32 v2, v1  }
0x57e: {  	v2 =	vld.idx.msk [tilespmem:v63+s9+$0x0], $0xffff  }
0x57f: {  	v1 =	vadd.f32 v4, v1;
	_ =	sdelay $0x1  }
0x580: {  	v1 =	vadd.f32 v3, v1;
	_ =	sdelay $0x1  }
0x581: {  	v1 =	vadd.f32 v2, v1;
	_ =	sdelay $0x1  }
0x582: {  	s28 =	simm.s32 $0x16740;
	s26 =	rddreg [dreg:$0x6];
	[tilespmem:$0x167B0] =	vst v1  }
0x583: {  	[hbm4b:s26+s2] =	stream.linear.scatter [tilespmem:s28], [sflag:$0x3], $0x80, $0x38;
	[tilespmem:$0x167C0] =	vst v63  }
0x584: {  	s28 =	simm.s32 $0x3  }
0x585: {  	_ =	swait.ge [sflag:s28], $0x80  }
0x586: {  	s29 =	rddreg [dreg:$0x8]  }
0x587: {  	s31 =	rddreg [dreg:$0x7];
	s29 =	sadd.s32 $0x1, s29  }
0x588: {  	p0 =	sne.s32 s29, s31  }
.Ltmp3:
0x589: {  	_ = 	snop;
	(pc) =	sbr.rel @p0 .LBB2_1-.Ltmp3, $3  }
0x58a: {  	_ =	sdelay $0x1  }
0x58b: {  	[sflag:s28] =	ssyncset.done $0x0  }
0x58c: {  	[sflag:s28] =	ssyncadd.s32 $0xFFFFFF80  }
0x58d: {  	_ =	sfence.sel $0x180000  }
0x58e: {  	[bflag:$0x0] =	sbarrier.arrive $0xFFFF  }
0x58f: {  	_ =	strace $0x90000047  }
0x590: {  	s0 =	stileid.u32;
	[bflag:$0x2] =	sbarrier.arrive $0xFFFF  }
0x591: {  	p0 =	sne.s32 s0, $0x0;
	s0 =	rddreg [dreg:$0x2]  }
0x592: {  	s0 =	sadd.s32 @!p0 $0x100000, s0  }
0x593: {  	[sflag:s0] =	ssyncadd.tile.s32 @!p0 $0x1;
	_ =	shalt  }
.Lfunc_end2:
_tile_overlayer_lowered:
.L_overlay_start_2:
0x594: {  	(tag) =	ssettag $0x2  }
0x595: {  	s0 =	rddreg [dreg:$0x0];
	s2 =	stileid.u32  }
0x596: {  	s1 =	rddreg [dreg:$0x1];
	p0 =	sne.s32 s2, $0x0  }
0x597: {  	s3 =	rddreg [dreg:$0x2];
	[bflag:$0x3] =	sbarrier.arrive $0xFFFF;
	s2 =	simm.s32 @!p0 $0x1C03  }
0x598: {  	[timem:s3], [sflag:s2] =	dma.local @!p0 [hbm:s0], s1  }
0x599: {  	s0 =	simm.s32 @!p0 $0x3  }
0x59a: {  	_ =	swait.ge @!p0 [sflag:s0], s1  }
0x59b: {  	s1 =	ssub.s32 @!p0 $0x0, s1;
	[sflag:s0] =	ssyncset.done @!p0 $0x0  }
0x59c: {  	[sflag:s0] =	ssyncadd.s32 @!p0 s1  }
0x59d: {  	[bflag:$0x3] =	sbarrier.arrive $0xFFFF  }
0x59e: {  	_ =	shalt  }

</sc_bundles>
